<compile_context>
chip_gen: v7x
topology: tpu7x:2x2x1
jax: 0.10.2.dev20260603
libtpu: 0.0.44.dev20260713+nightly
codegen_flags: <defaults>
</compile_context>

<pallas_src>
import functools

import jax
import jax.numpy as jnp
from jax import lax
from jax.experimental import pallas as pl
from jax.experimental.pallas import tpu as pltpu
from jax.experimental.pallas import tpu_sc as plsc

N_NODES = 10000
N_EDGES = 320000
DIM = 128
NUM_FEATURES = 128
NUM_CLASSES = 10
TEMPERATURE = 0.6

NC = 2
NS = 16
NW = NC * NS
EDGES_PER_TILE = N_EDGES // NW
CHUNK = 128
NITER = EDGES_PER_TILE // CHUNK
TAIL = EDGES_PER_TILE - NITER * CHUNK

NP_PAD = 10240
DEG_ZROWS = NP_PAD // NS
ACC_ROWS = NP_PAD // NS
ZB_ROWS = 32
WB_ROWS = 128

_MESH = plsc.VectorSubcoreMesh(core_axis_name="c", subcore_axis_name="s")


@functools.partial(
    pl.kernel,
    mesh=_MESH,
    out_type=jax.ShapeDtypeStruct((NC, NP_PAD), jnp.float32),
    scratch_types=[
        pltpu.VMEM((4, CHUNK), jnp.int32),
        pltpu.VMEM((CHUNK,), jnp.float32),
        pltpu.VMEM((TAIL,), jnp.int32),
        pltpu.VMEM((TAIL,), jnp.float32),
        pltpu.VMEM((DEG_ZROWS,), jnp.float32),
        pltpu.VMEM_SHARED((NP_PAD,), jnp.float32),
        pltpu.SemaphoreType.DMA,
        pltpu.SemaphoreType.DMA,
    ],
)
def _deg_kernel(dst_hbm, out_hbm, dst_v, ones_v, dst_t, ones_t, zb_v, acc_sp,
                sem_d, sem_sc):
    c = lax.axis_index("c")
    s = lax.axis_index("s")
    wid = s * NC + c

    def fill_zeros(i, carry):
        zb_v[pl.ds(i * 16, 16)] = jnp.zeros((16,), jnp.float32)
        return carry

    lax.fori_loop(0, DEG_ZROWS // 16, fill_zeros, 0)

    def fill_ones(i, carry):
        ones_v[pl.ds(i * 16, 16)] = jnp.ones((16,), jnp.float32)
        return carry

    lax.fori_loop(0, CHUNK // 16, fill_ones, 0)
    ones_t[...] = jnp.ones((TAIL,), jnp.float32)

    pltpu.sync_copy(zb_v, acc_sp.at[pl.ds(s * DEG_ZROWS, DEG_ZROWS)])
    plsc.subcore_barrier()

    def ebase(i):
        return pl.multiple_of(wid * EDGES_PER_TILE + i * CHUNK, 8)

    def issue_idx(i, p):
        pltpu.async_copy(dst_hbm.at[pl.ds(ebase(i), CHUNK)], dst_v.at[p],
                         sem_d)

    def wait_idx(i, p):
        pltpu.make_async_copy(dst_hbm.at[pl.ds(ebase(i), CHUNK)],
                              dst_v.at[p], sem_d).wait()

    def wait_sc(p):
        pltpu.make_async_copy(ones_v, acc_sp.at[dst_v.at[p]], sem_sc).wait()

    issue_idx(0, 0)
    issue_idx(1, 1)

    def body(i, carry):
        p = lax.rem(i, 4)
        wait_idx(i, p)

        @pl.when(i >= 2)
        def _():
            wait_sc(lax.rem(i - 2, 4))

        pltpu.async_copy(ones_v, acc_sp.at[dst_v.at[p]], sem_sc, add=True)

        @pl.when(i + 2 < NITER)
        def _():
            issue_idx(i + 2, lax.rem(i + 2, 4))

        return carry

    lax.fori_loop(0, NITER, body, 0)
    wait_sc(lax.rem(NITER - 2, 4))
    wait_sc(lax.rem(NITER - 1, 4))
    tbase = pl.multiple_of(wid * EDGES_PER_TILE + NITER * CHUNK, 8)
    pltpu.sync_copy(dst_hbm.at[pl.ds(tbase, TAIL)], dst_t)
    pltpu.sync_copy(ones_t, acc_sp.at[dst_t], add=True)
    plsc.subcore_barrier()
    pltpu.sync_copy(
        acc_sp.at[pl.ds(s * DEG_ZROWS, DEG_ZROWS)],
        out_hbm.at[c, pl.ds(s * DEG_ZROWS, DEG_ZROWS)],
    )


@functools.partial(
    pl.kernel,
    mesh=_MESH,
    out_type=jax.ShapeDtypeStruct((NC, NP_PAD, DIM), jnp.float32),
    scratch_types=[
        pltpu.VMEM((2, CHUNK), jnp.int32),
        pltpu.VMEM((4, CHUNK), jnp.int32),
        pltpu.VMEM((2, CHUNK, DIM), jnp.float32),
        pltpu.VMEM((TAIL,), jnp.int32),
        pltpu.VMEM((TAIL,), jnp.int32),
        pltpu.VMEM((TAIL, DIM), jnp.float32),
        pltpu.VMEM((ZB_ROWS, DIM), jnp.float32),
        pltpu.VMEM_SHARED((NP_PAD, DIM), jnp.float32),
        pltpu.SemaphoreType.DMA,
        pltpu.SemaphoreType.DMA,
        pltpu.SemaphoreType.DMA,
        pltpu.SemaphoreType.DMA,
        pltpu.SemaphoreType.DMA,
    ],
)
def _scatter_kernel(hp_hbm, src_hbm, dst_hbm, out_hbm, src_v, dst_v, rows_v,
                    src_t, dst_t, rows_t, zb_v, acc_sp, sem_s, sem_d, sem_g,
                    sem_sc, sem_z):
    c = lax.axis_index("c")
    s = lax.axis_index("s")
    wid = s * NC + c

    def fill_zeros(i, carry):
        for j in range(DIM // 16):
            zb_v[i, pl.ds(j * 16, 16)] = jnp.zeros((16,), jnp.float32)
        return carry

    def init_copies(do_issue):
        for j in range(ACC_ROWS // ZB_ROWS):
            dst_ref = acc_sp.at[pl.ds(s * ACC_ROWS + j * ZB_ROWS,
                                      ZB_ROWS), :]
            if do_issue:
                pltpu.async_copy(zb_v, dst_ref, sem_z)
            else:
                pltpu.make_async_copy(zb_v, dst_ref, sem_z).wait()

    lax.fori_loop(0, ZB_ROWS, fill_zeros, 0)
    init_copies(True)

    def ebase(i):
        return pl.multiple_of(wid * EDGES_PER_TILE + i * CHUNK, 8)

    def issue_idx(i, p2, p4):
        pltpu.async_copy(src_hbm.at[pl.ds(ebase(i), CHUNK)], src_v.at[p2],
                         sem_s)
        pltpu.async_copy(dst_hbm.at[pl.ds(ebase(i), CHUNK)], dst_v.at[p4],
                         sem_d)

    def wait_src(i, p2):
        pltpu.make_async_copy(src_hbm.at[pl.ds(ebase(i), CHUNK)],
                              src_v.at[p2], sem_s).wait()

    def wait_dst(i, p4):
        pltpu.make_async_copy(dst_hbm.at[pl.ds(ebase(i), CHUNK)],
                              dst_v.at[p4], sem_d).wait()

    def wait_sc(p2, p4):
        pltpu.make_async_copy(rows_v.at[p2], acc_sp.at[dst_v.at[p4]],
                              sem_sc).wait()

    issue_idx(0, 0, 0)
    issue_idx(1, 1, 1)
    wait_src(0, 0)
    pltpu.async_copy(hp_hbm.at[src_v.at[0]], rows_v.at[0], sem_g)
    init_copies(False)
    plsc.subcore_barrier()

    def body(i, carry):
        p2 = lax.rem(i, 2)
        q2 = 1 - p2
        p4 = lax.rem(i, 4)
        pltpu.make_async_copy(hp_hbm.at[src_v.at[p2]], rows_v.at[p2],
                              sem_g).wait()

        @pl.when(i >= 1)
        def _():
            wait_sc(q2, lax.rem(i - 1, 4))

        @pl.when(i + 1 < NITER)
        def _():
            wait_src(i + 1, q2)
            pltpu.async_copy(hp_hbm.at[src_v.at[q2]], rows_v.at[q2], sem_g)

        wait_dst(i, p4)
        pltpu.async_copy(rows_v.at[p2], acc_sp.at[dst_v.at[p4]], sem_sc,
                         add=True)

        @pl.when(i + 2 < NITER)
        def _():
            issue_idx(i + 2, p2, lax.rem(i + 2, 4))

        return carry

    lax.fori_loop(0, NITER, body, 0)
    wait_sc(lax.rem(NITER - 1, 2), lax.rem(NITER - 1, 4))
    tbase = pl.multiple_of(wid * EDGES_PER_TILE + NITER * CHUNK, 8)
    pltpu.sync_copy(src_hbm.at[pl.ds(tbase, TAIL)], src_t)
    pltpu.sync_copy(dst_hbm.at[pl.ds(tbase, TAIL)], dst_t)
    pltpu.async_copy(hp_hbm.at[src_t], rows_t, sem_g).wait()
    pltpu.sync_copy(rows_t, acc_sp.at[dst_t], add=True)
    plsc.subcore_barrier()
    for j in range(ACC_ROWS // WB_ROWS):
        rbase = s * ACC_ROWS + j * WB_ROWS
        pltpu.sync_copy(
            acc_sp.at[pl.ds(rbase, WB_ROWS), :],
            out_hbm.at[c, pl.ds(rbase, WB_ROWS), :],
        )


def _mm0s_body(deg_ref, x_ref, w_ref, hp_ref, dinv_ref):
    deg = deg_ref[0, :N_NODES] + deg_ref[1, :N_NODES] + 1.0
    dinv = jnp.where(deg > 0, lax.rsqrt(deg), 0.0).reshape(N_NODES, 1)
    dinv_ref[...] = dinv
    hp_ref[...] = jnp.dot(
        x_ref[...], w_ref[...], preferred_element_type=jnp.float32) * dinv


def _mids_body(a_ref, hp_ref, dinv_ref, b_ref, w_ref, out_ref):
    dinv = dinv_ref[...]
    a = a_ref[0, :N_NODES] + a_ref[1, :N_NODES]
    z = (a + hp_ref[...]) * dinv + b_ref[...]
    u = jnp.where(z > 0, z, 0.01 * z)
    out_ref[...] = jnp.dot(
        u, w_ref[...], preferred_element_type=jnp.float32) * dinv


def _final_body(a_ref, hp_ref, dinv_ref, b_ref, lw_ref, lb_ref,
                conc_ref, lp_ref):
    a = a_ref[0, :N_NODES] + a_ref[1, :N_NODES]
    z = (a + hp_ref[...]) * dinv_ref[...] + b_ref[...]
    u = jnp.where(z > 0, z, 0.01 * z)
    sm = jnp.exp(u - jnp.max(u, axis=-1, keepdims=True))
    conc_ref[...] = sm
    w0 = lw_ref[...]
    gamma = jnp.abs(w0) / TEMPERATURE
    ex = jnp.exp(gamma - jnp.max(gamma, axis=1, keepdims=True))
    alpha = ex / jnp.sum(ex, axis=1, keepdims=True)
    alpha_norm = alpha / jnp.max(alpha, axis=1, keepdims=True)
    veff = (alpha_norm * w0).T
    y = jnp.dot(sm, veff, preferred_element_type=jnp.float32) + lb_ref[...]
    m = jnp.max(y, axis=0, keepdims=True)
    lse = m + jnp.log(jnp.sum(jnp.exp(y - m), axis=0, keepdims=True))
    lp_ref[...] = y - lse


def _tc(body, out_shape, *args):
    return pl.pallas_call(body, out_shape=out_shape)(*args)


def kernel(x, edge_index, W0, b0, W1, b1, W2, b2, W3, b3, lens_w, lens_b):
    f32 = jnp.float32
    src = edge_index[0]
    dst = edge_index[1]
    deg2 = _deg_kernel(dst)
    hp, dinv = _tc(
        _mm0s_body,
        (jax.ShapeDtypeStruct((N_NODES, DIM), f32),
         jax.ShapeDtypeStruct((N_NODES, 1), f32)),
        deg2, x, W0)
    mid_shape = jax.ShapeDtypeStruct((N_NODES, DIM), f32)
    for b, w in ((b0, W1), (b1, W2), (b2, W3)):
        a = _scatter_kernel(hp, src, dst)
        hp = _tc(_mids_body, mid_shape, a, hp, dinv, b.reshape(1, DIM), w)
    a = _scatter_kernel(hp, src, dst)
    concepts, log_probs = _tc(
        _final_body,
        (jax.ShapeDtypeStruct((N_NODES, DIM), f32),
         jax.ShapeDtypeStruct((N_NODES, NUM_CLASSES), f32)),
        a, hp, dinv, b3.reshape(1, DIM),
        lens_w.reshape(NUM_CLASSES, DIM),
        lens_b.reshape(1, NUM_CLASSES))
    return (concepts, log_probs)

# --- scband reference (transcript-rebuilt; emitter-appended) ---
"""Pipeline reference for scband-gcn-10299331576451 (READ-ONLY COPY).

The authoritative reference and input builder live on the scoring server;
editing this copy changes nothing except your own understanding.
"""

import jax, jax.numpy as jnp
import numpy as np

N_NODES = 10000
N_EDGES = 320000
NUM_FEATURES = 128
DIM = 128
NUM_CLASSES = 10
TEMPERATURE = 0.6


def setup_inputs(seed: int = 0) -> dict:
    key = jax.random.key(seed)
    ks = jax.random.split(key, 10)
    inp = {}
    inp["x"] = jax.random.normal(ks[0], (N_NODES, NUM_FEATURES), dtype=jnp.float32)
    inp["edge_index"] = jax.random.randint(ks[1], (2, N_EDGES), 0, N_NODES, dtype=jnp.int32)
    inp["W0"] = jax.random.normal(ks[2], (NUM_FEATURES, DIM), dtype=jnp.float32) / np.sqrt(NUM_FEATURES)
    inp["b0"] = jnp.zeros((DIM,), dtype=jnp.float32)
    inp["W1"] = jax.random.normal(ks[3], (DIM, DIM), dtype=jnp.float32) / np.sqrt(DIM)
    inp["b1"] = jnp.zeros((DIM,), dtype=jnp.float32)
    inp["W2"] = jax.random.normal(ks[4], (DIM, DIM), dtype=jnp.float32) / np.sqrt(DIM)
    inp["b2"] = jnp.zeros((DIM,), dtype=jnp.float32)
    inp["W3"] = jax.random.normal(ks[5], (DIM, DIM), dtype=jnp.float32) / np.sqrt(DIM)
    inp["b3"] = jnp.zeros((DIM,), dtype=jnp.float32)
    inp["lens_w"] = jax.random.normal(ks[6], (NUM_CLASSES, 1, DIM), dtype=jnp.float32) / np.sqrt(DIM)
    inp["lens_b"] = jnp.zeros((NUM_CLASSES, 1, 1), dtype=jnp.float32)
    return inp


def gcn_conv(x, edge_index, W, b):
    # Faithful PyG GCNConv: add self loops, symmetric deg normalization,
    # linear transform (no bias), gather/scatter-add message passing, add bias.
    n = x.shape[0]
    loop = jnp.arange(n, dtype=edge_index.dtype)
    src = jnp.concatenate([edge_index[0], loop])
    dst = jnp.concatenate([edge_index[1], loop])
    deg = jnp.zeros((n,), dtype=x.dtype).at[dst].add(1.0)
    dinv = jnp.where(deg > 0, deg ** -0.5, 0.0)
    norm = dinv[src] * dinv[dst]
    h = x @ W
    msgs = h[src] * norm[:, None]
    out = jax.ops.segment_sum(msgs, dst, num_segments=n)
    return out + b


def entropy_linear(x, weight, bias, temperature=TEMPERATURE):
    # torch_explain EntropyLinear. weight: [n_classes, out_features, in_features]
    # bias: [n_classes, 1, out_features]
    gamma = jnp.abs(weight).sum(axis=1)  # L1 norm over out_features -> [C, in]
    alpha = jax.nn.softmax(gamma / temperature, axis=1)
    alpha_norm = alpha / jnp.max(alpha, axis=1, keepdims=True)
    xw = x[None, :, :] * alpha_norm[:, None, :]  # [C, N, in]
    out = jnp.einsum('cni,coi->cno', xw, weight) + bias  # [C, N, out]
    return jnp.transpose(out, (1, 0, 2))  # [N, C, out]


def reference(x, edge_index, W0, b0, W1, b1, W2, b2, W3, b3, lens_w, lens_b):
    h = gcn_conv(x, edge_index, W0, b0)
    h = jax.nn.leaky_relu(h, negative_slope=0.01)
    h = gcn_conv(h, edge_index, W1, b1)
    h = jax.nn.leaky_relu(h, negative_slope=0.01)
    h = gcn_conv(h, edge_index, W2, b2)
    h = jax.nn.leaky_relu(h, negative_slope=0.01)
    h = gcn_conv(h, edge_index, W3, b3)
    h = jax.nn.leaky_relu(h, negative_slope=0.01)
    s = jax.nn.softmax(h, axis=-1)
    s = s / jnp.max(s, axis=-1, keepdims=True)
    concepts = s
    y = entropy_linear(s, lens_w, lens_b)  # [N, C, 1]
    probs = jax.nn.softmax(y, axis=0)
    log_probs = jnp.log(probs).squeeze(-1)  # [N, C]
    return (concepts, log_probs)

if __name__ == "__main__":
    import jax
    _d = setup_inputs()
    print(jax.jit(kernel)(*tuple(_d.values())))

</pallas_src>

<mosaic_0001>
#map = affine_map<(d0, d1) -> (0, 0)>
#map1 = affine_map<(d0, d1) -> (0)>
#map2 = affine_map<(d0, d1) -> (0, 0, 0)>
module attributes {stable_mosaic.version = 14 : i64} {
  func.func @_scatter_kernel(%arg0: i32, %arg1: i32, %arg2: memref<10000x128xf32, #tpu.memory_space<hbm>>, %arg3: memref<320000xi32, #tpu.memory_space<hbm>>, %arg4: memref<320000xi32, #tpu.memory_space<hbm>>, %arg5: memref<2x10240x128xf32, #tpu.memory_space<hbm>>, %arg6: memref<2x128xi32, #tpu.memory_space<vmem>>, %arg7: memref<4x128xi32, #tpu.memory_space<vmem>>, %arg8: memref<2x128x128xf32, #tpu.memory_space<vmem>>, %arg9: memref<16xi32, #tpu.memory_space<vmem>>, %arg10: memref<16xi32, #tpu.memory_space<vmem>>, %arg11: memref<16x128xf32, #tpu.memory_space<vmem>>, %arg12: memref<32x128xf32, #tpu.memory_space<vmem>>, %arg13: memref<10240x128xf32, #tpu.memory_space<vmem_shared>>, %arg14: memref<!tpu.dma_semaphore, #tpu.memory_space<semaphore_mem>>, %arg15: memref<!tpu.dma_semaphore, #tpu.memory_space<semaphore_mem>>, %arg16: memref<!tpu.dma_semaphore, #tpu.memory_space<semaphore_mem>>, %arg17: memref<!tpu.dma_semaphore, #tpu.memory_space<semaphore_mem>>, %arg18: memref<!tpu.dma_semaphore, #tpu.memory_space<semaphore_mem>>) attributes {dimension_semantics = [#tpu.dimension_semantics<core_parallel>, #tpu.dimension_semantics<subcore_parallel>], iteration_bounds = array<i64: 2, 16>, scalar_prefetch = 0 : i64, scratch_operands = 13 : i64, tpu.core_type = #tpu.core_type<sc_vector_subcore>, window_params = [{transform_indices = #map}, {transform_indices = #map1}, {transform_indices = #map1}, {transform_indices = #map2}]} {
    %mul3A = arith.constant 2 : i32
    %mul3A_0 = arith.muli %arg1, %mul3A : i32
    %add3A = arith.addi %mul3A_0, %arg0 : i32
    %scan3A = arith.constant 0 : i32
    %scan3A_1 = arith.constant 0 : i32
    %scan3A_2 = arith.constant 32 : i32
    %scan3A_3 = arith.addi %scan3A_1, %scan3A_2 : i32
    %scan3A_4 = arith.constant 1 : i32
    scf.for %scan3A_458 = %scan3A_1 to %scan3A_3 step %scan3A_4  : i32 {
      %broadcast_in_dim3A = arith.constant 0.000000e+00 : f32
      %broadcast_in_dim3A_459 = vector.broadcast %broadcast_in_dim3A : f32 to vector<16xf32>
      %swap3A = arith.index_cast %scan3A_458 : i32 to index
      %swap3A_460 = arith.constant 0 : index
      %swap3A_461 = tpu.vector_load %arg12[%swap3A, %swap3A_460] {strides = array<i32>} : memref<32x128xf32, #tpu.memory_space<vmem>>, vector<1x16xf32>,
      %swap3A_462 = vector.shape_cast %swap3A_461 : vector<1x16xf32> to vector<16xf32>
      %swap3A_463 = vector.shape_cast %broadcast_in_dim3A_459 : vector<16xf32> to vector<1x16xf32>
      tpu.vector_store %arg12[%swap3A, %swap3A_460], %swap3A_463 {strides = array<i32>} : memref<32x128xf32, #tpu.memory_space<vmem>>, vector<1x16xf32>,
      %broadcast_in_dim3A_464 = arith.constant 0.000000e+00 : f32
      %broadcast_in_dim3A_465 = vector.broadcast %broadcast_in_dim3A_464 : f32 to vector<16xf32>
      %swap3A_466 = arith.index_cast %scan3A_458 : i32 to index
      %swap3A_467 = arith.constant 16 : index
      %swap3A_468 = tpu.vector_load %arg12[%swap3A_466, %swap3A_467] {strides = array<i32>} : memref<32x128xf32, #tpu.memory_space<vmem>>, vector<1x16xf32>,
      %swap3A_469 = vector.shape_cast %swap3A_468 : vector<1x16xf32> to vector<16xf32>
      %swap3A_470 = vector.shape_cast %broadcast_in_dim3A_465 : vector<16xf32> to vector<1x16xf32>
      tpu.vector_store %arg12[%swap3A_466, %swap3A_467], %swap3A_470 {strides = array<i32>} : memref<32x128xf32, #tpu.memory_space<vmem>>, vector<1x16xf32>,
      %broadcast_in_dim3A_471 = arith.constant 0.000000e+00 : f32
      %broadcast_in_dim3A_472 = vector.broadcast %broadcast_in_dim3A_471 : f32 to vector<16xf32>
      %swap3A_473 = arith.index_cast %scan3A_458 : i32 to index
      %swap3A_474 = arith.constant 32 : index
      %swap3A_475 = tpu.vector_load %arg12[%swap3A_473, %swap3A_474] {strides = array<i32>} : memref<32x128xf32, #tpu.memory_space<vmem>>, vector<1x16xf32>,
      %swap3A_476 = vector.shape_cast %swap3A_475 : vector<1x16xf32> to vector<16xf32>
      %swap3A_477 = vector.shape_cast %broadcast_in_dim3A_472 : vector<16xf32> to vector<1x16xf32>
      tpu.vector_store %arg12[%swap3A_473, %swap3A_474], %swap3A_477 {strides = array<i32>} : memref<32x128xf32, #tpu.memory_space<vmem>>, vector<1x16xf32>,
      %broadcast_in_dim3A_478 = arith.constant 0.000000e+00 : f32
      %broadcast_in_dim3A_479 = vector.broadcast %broadcast_in_dim3A_478 : f32 to vector<16xf32>
      %swap3A_480 = arith.index_cast %scan3A_458 : i32 to index
      %swap3A_481 = arith.constant 48 : index
      %swap3A_482 = tpu.vector_load %arg12[%swap3A_480, %swap3A_481] {strides = array<i32>} : memref<32x128xf32, #tpu.memory_space<vmem>>, vector<1x16xf32>,
      %swap3A_483 = vector.shape_cast %swap3A_482 : vector<1x16xf32> to vector<16xf32>
      %swap3A_484 = vector.shape_cast %broadcast_in_dim3A_479 : vector<16xf32> to vector<1x16xf32>
      tpu.vector_store %arg12[%swap3A_480, %swap3A_481], %swap3A_484 {strides = array<i32>} : memref<32x128xf32, #tpu.memory_space<vmem>>, vector<1x16xf32>,
      %broadcast_in_dim3A_485 = arith.constant 0.000000e+00 : f32
      %broadcast_in_dim3A_486 = vector.broadcast %broadcast_in_dim3A_485 : f32 to vector<16xf32>
      %swap3A_487 = arith.index_cast %scan3A_458 : i32 to index
      %swap3A_488 = arith.constant 64 : index
      %swap3A_489 = tpu.vector_load %arg12[%swap3A_487, %swap3A_488] {strides = array<i32>} : memref<32x128xf32, #tpu.memory_space<vmem>>, vector<1x16xf32>,
      %swap3A_490 = vector.shape_cast %swap3A_489 : vector<1x16xf32> to vector<16xf32>
      %swap3A_491 = vector.shape_cast %broadcast_in_dim3A_486 : vector<16xf32> to vector<1x16xf32>
      tpu.vector_store %arg12[%swap3A_487, %swap3A_488], %swap3A_491 {strides = array<i32>} : memref<32x128xf32, #tpu.memory_space<vmem>>, vector<1x16xf32>,
      %broadcast_in_dim3A_492 = arith.constant 0.000000e+00 : f32
      %broadcast_in_dim3A_493 = vector.broadcast %broadcast_in_dim3A_492 : f32 to vector<16xf32>
      %swap3A_494 = arith.index_cast %scan3A_458 : i32 to index
      %swap3A_495 = arith.constant 80 : index
      %swap3A_496 = tpu.vector_load %arg12[%swap3A_494, %swap3A_495] {strides = array<i32>} : memref<32x128xf32, #tpu.memory_space<vmem>>, vector<1x16xf32>,
      %swap3A_497 = vector.shape_cast %swap3A_496 : vector<1x16xf32> to vector<16xf32>
      %swap3A_498 = vector.shape_cast %broadcast_in_dim3A_493 : vector<16xf32> to vector<1x16xf32>
      tpu.vector_store %arg12[%swap3A_494, %swap3A_495], %swap3A_498 {strides = array<i32>} : memref<32x128xf32, #tpu.memory_space<vmem>>, vector<1x16xf32>,
      %broadcast_in_dim3A_499 = arith.constant 0.000000e+00 : f32
      %broadcast_in_dim3A_500 = vector.broadcast %broadcast_in_dim3A_499 : f32 to vector<16xf32>
      %swap3A_501 = arith.index_cast %scan3A_458 : i32 to index
      %swap3A_502 = arith.constant 96 : index
      %swap3A_503 = tpu.vector_load %arg12[%swap3A_501, %swap3A_502] {strides = array<i32>} : memref<32x128xf32, #tpu.memory_space<vmem>>, vector<1x16xf32>,
      %swap3A_504 = vector.shape_cast %swap3A_503 : vector<1x16xf32> to vector<16xf32>
      %swap3A_505 = vector.shape_cast %broadcast_in_dim3A_500 : vector<16xf32> to vector<1x16xf32>
      tpu.vector_store %arg12[%swap3A_501, %swap3A_502], %swap3A_505 {strides = array<i32>} : memref<32x128xf32, #tpu.memory_space<vmem>>, vector<1x16xf32>,
      %broadcast_in_dim3A_506 = arith.constant 0.000000e+00 : f32
      %broadcast_in_dim3A_507 = vector.broadcast %broadcast_in_dim3A_506 : f32 to vector<16xf32>
      %swap3A_508 = arith.index_cast %scan3A_458 : i32 to index
      %swap3A_509 = arith.constant 112 : index
      %swap3A_510 = tpu.vector_load %arg12[%swap3A_508, %swap3A_509] {strides = array<i32>} : memref<32x128xf32, #tpu.memory_space<vmem>>, vector<1x16xf32>,
      %swap3A_511 = vector.shape_cast %swap3A_510 : vector<1x16xf32> to vector<16xf32>
      %swap3A_512 = vector.shape_cast %broadcast_in_dim3A_507 : vector<16xf32> to vector<1x16xf32>
      tpu.vector_store %arg12[%swap3A_508, %swap3A_509], %swap3A_512 {strides = array<i32>} : memref<32x128xf32, #tpu.memory_space<vmem>>, vector<1x16xf32>,
    }
    %scan3A_5 = arith.constant 32 : i32
    %mul3A_6 = arith.constant 640 : i32
    %mul3A_7 = arith.muli %arg1, %mul3A_6 : i32
    %add3A_8 = arith.constant 0 : i32
    %add3A_9 = arith.addi %mul3A_7, %add3A_8 : i32
    %dma_start3A = arith.constant 0 : i32
    %dma_start3A_10 = tpu.memref_slice %arg13[%add3A_9, %dma_start3A] : memref<10240x128xf32, #tpu.memory_space<vmem_shared>> -> memref<32x128xf32, #tpu.memory_space<vmem_shared>>
    %dma_start3A_11 = arith.constant 0 : i32
    %dma_start3A_12 = tpu.memref_slice %arg13[%add3A_9, %dma_start3A_11] : memref<10240x128xf32, #tpu.memory_space<vmem_shared>> -> memref<32x128xf32, #tpu.memory_space<vmem_shared>>
    tpu.enqueue_dma source(%arg12 : memref<32x128xf32, #tpu.memory_space<vmem>>) target(%dma_start3A_12 : memref<32x128xf32, #tpu.memory_space<vmem_shared>>) target_semaphore(%arg18 : memref<!tpu.dma_semaphore, #tpu.memory_space<semaphore_mem>>)
    %mul3A_13 = arith.constant 640 : i32
    %mul3A_14 = arith.muli %arg1, %mul3A_13 : i32
    %add3A_15 = arith.constant 32 : i32
    %add3A_16 = arith.addi %mul3A_14, %add3A_15 : i32
    %dma_start3A_17 = arith.constant 0 : i32
    %dma_start3A_18 = tpu.memref_slice %arg13[%add3A_16, %dma_start3A_17] : memref<10240x128xf32, #tpu.memory_space<vmem_shared>> -> memref<32x128xf32, #tpu.memory_space<vmem_shared>>
    %dma_start3A_19 = arith.constant 0 : i32
    %dma_start3A_20 = tpu.memref_slice %arg13[%add3A_16, %dma_start3A_19] : memref<10240x128xf32, #tpu.memory_space<vmem_shared>> -> memref<32x128xf32, #tpu.memory_space<vmem_shared>>
    tpu.enqueue_dma source(%arg12 : memref<32x128xf32, #tpu.memory_space<vmem>>) target(%dma_start3A_20 : memref<32x128xf32, #tpu.memory_space<vmem_shared>>) target_semaphore(%arg18 : memref<!tpu.dma_semaphore, #tpu.memory_space<semaphore_mem>>)
    %mul3A_21 = arith.constant 640 : i32
    %mul3A_22 = arith.muli %arg1, %mul3A_21 : i32
    %add3A_23 = arith.constant 64 : i32
    %add3A_24 = arith.addi %mul3A_22, %add3A_23 : i32
    %dma_start3A_25 = arith.constant 0 : i32
    %dma_start3A_26 = tpu.memref_slice %arg13[%add3A_24, %dma_start3A_25] : memref<10240x128xf32, #tpu.memory_space<vmem_shared>> -> memref<32x128xf32, #tpu.memory_space<vmem_shared>>
    %dma_start3A_27 = arith.constant 0 : i32
    %dma_start3A_28 = tpu.memref_slice %arg13[%add3A_24, %dma_start3A_27] : memref<10240x128xf32, #tpu.memory_space<vmem_shared>> -> memref<32x128xf32, #tpu.memory_space<vmem_shared>>
    tpu.enqueue_dma source(%arg12 : memref<32x128xf32, #tpu.memory_space<vmem>>) target(%dma_start3A_28 : memref<32x128xf32, #tpu.memory_space<vmem_shared>>) target_semaphore(%arg18 : memref<!tpu.dma_semaphore, #tpu.memory_space<semaphore_mem>>)
    %mul3A_29 = arith.constant 640 : i32
    %mul3A_30 = arith.muli %arg1, %mul3A_29 : i32
    %add3A_31 = arith.constant 96 : i32
    %add3A_32 = arith.addi %mul3A_30, %add3A_31 : i32
    %dma_start3A_33 = arith.constant 0 : i32
    %dma_start3A_34 = tpu.memref_slice %arg13[%add3A_32, %dma_start3A_33] : memref<10240x128xf32, #tpu.memory_space<vmem_shared>> -> memref<32x128xf32, #tpu.memory_space<vmem_shared>>
    %dma_start3A_35 = arith.constant 0 : i32
    %dma_start3A_36 = tpu.memref_slice %arg13[%add3A_32, %dma_start3A_35] : memref<10240x128xf32, #tpu.memory_space<vmem_shared>> -> memref<32x128xf32, #tpu.memory_space<vmem_shared>>
    tpu.enqueue_dma source(%arg12 : memref<32x128xf32, #tpu.memory_space<vmem>>) target(%dma_start3A_36 : memref<32x128xf32, #tpu.memory_space<vmem_shared>>) target_semaphore(%arg18 : memref<!tpu.dma_semaphore, #tpu.memory_space<semaphore_mem>>)
    %mul3A_37 = arith.constant 640 : i32
    %mul3A_38 = arith.muli %arg1, %mul3A_37 : i32
    %add3A_39 = arith.constant 128 : i32
    %add3A_40 = arith.addi %mul3A_38, %add3A_39 : i32
    %dma_start3A_41 = arith.constant 0 : i32
    %dma_start3A_42 = tpu.memref_slice %arg13[%add3A_40, %dma_start3A_41] : memref<10240x128xf32, #tpu.memory_space<vmem_shared>> -> memref<32x128xf32, #tpu.memory_space<vmem_shared>>
    %dma_start3A_43 = arith.constant 0 : i32
    %dma_start3A_44 = tpu.memref_slice %arg13[%add3A_40, %dma_start3A_43] : memref<10240x128xf32, #tpu.memory_space<vmem_shared>> -> memref<32x128xf32, #tpu.memory_space<vmem_shared>>
    tpu.enqueue_dma source(%arg12 : memref<32x128xf32, #tpu.memory_space<vmem>>) target(%dma_start3A_44 : memref<32x128xf32, #tpu.memory_space<vmem_shared>>) target_semaphore(%arg18 : memref<!tpu.dma_semaphore, #tpu.memory_space<semaphore_mem>>)
    %mul3A_45 = arith.constant 640 : i32
    %mul3A_46 = arith.muli %arg1, %mul3A_45 : i32
    %add3A_47 = arith.constant 160 : i32
    %add3A_48 = arith.addi %mul3A_46, %add3A_47 : i32
    %dma_start3A_49 = arith.constant 0 : i32
    %dma_start3A_50 = tpu.memref_slice %arg13[%add3A_48, %dma_start3A_49] : memref<10240x128xf32, #tpu.memory_space<vmem_shared>> -> memref<32x128xf32, #tpu.memory_space<vmem_shared>>
    %dma_start3A_51 = arith.constant 0 : i32
    %dma_start3A_52 = tpu.memref_slice %arg13[%add3A_48, %dma_start3A_51] : memref<10240x128xf32, #tpu.memory_space<vmem_shared>> -> memref<32x128xf32, #tpu.memory_space<vmem_shared>>
    tpu.enqueue_dma source(%arg12 : memref<32x128xf32, #tpu.memory_space<vmem>>) target(%dma_start3A_52 : memref<32x128xf32, #tpu.memory_space<vmem_shared>>) target_semaphore(%arg18 : memref<!tpu.dma_semaphore, #tpu.memory_space<semaphore_mem>>)
    %mul3A_53 = arith.constant 640 : i32
    %mul3A_54 = arith.muli %arg1, %mul3A_53 : i32
    %add3A_55 = arith.constant 192 : i32
    %add3A_56 = arith.addi %mul3A_54, %add3A_55 : i32
    %dma_start3A_57 = arith.constant 0 : i32
    %dma_start3A_58 = tpu.memref_slice %arg13[%add3A_56, %dma_start3A_57] : memref<10240x128xf32, #tpu.memory_space<vmem_shared>> -> memref<32x128xf32, #tpu.memory_space<vmem_shared>>
    %dma_start3A_59 = arith.constant 0 : i32
    %dma_start3A_60 = tpu.memref_slice %arg13[%add3A_56, %dma_start3A_59] : memref<10240x128xf32, #tpu.memory_space<vmem_shared>> -> memref<32x128xf32, #tpu.memory_space<vmem_shared>>
    tpu.enqueue_dma source(%arg12 : memref<32x128xf32, #tpu.memory_space<vmem>>) target(%dma_start3A_60 : memref<32x128xf32, #tpu.memory_space<vmem_shared>>) target_semaphore(%arg18 : memref<!tpu.dma_semaphore, #tpu.memory_space<semaphore_mem>>)
    %mul3A_61 = arith.constant 640 : i32
    %mul3A_62 = arith.muli %arg1, %mul3A_61 : i32
    %add3A_63 = arith.constant 224 : i32
    %add3A_64 = arith.addi %mul3A_62, %add3A_63 : i32
    %dma_start3A_65 = arith.constant 0 : i32
    %dma_start3A_66 = tpu.memref_slice %arg13[%add3A_64, %dma_start3A_65] : memref<10240x128xf32, #tpu.memory_space<vmem_shared>> -> memref<32x128xf32, #tpu.memory_space<vmem_shared>>
    %dma_start3A_67 = arith.constant 0 : i32
    %dma_start3A_68 = tpu.memref_slice %arg13[%add3A_64, %dma_start3A_67] : memref<10240x128xf32, #tpu.memory_space<vmem_shared>> -> memref<32x128xf32, #tpu.memory_space<vmem_shared>>
    tpu.enqueue_dma source(%arg12 : memref<32x128xf32, #tpu.memory_space<vmem>>) target(%dma_start3A_68 : memref<32x128xf32, #tpu.memory_space<vmem_shared>>) target_semaphore(%arg18 : memref<!tpu.dma_semaphore, #tpu.memory_space<semaphore_mem>>)
    %mul3A_69 = arith.constant 640 : i32
    %mul3A_70 = arith.muli %arg1, %mul3A_69 : i32
    %add3A_71 = arith.constant 256 : i32
    %add3A_72 = arith.addi %mul3A_70, %add3A_71 : i32
    %dma_start3A_73 = arith.constant 0 : i32
    %dma_start3A_74 = tpu.memref_slice %arg13[%add3A_72, %dma_start3A_73] : memref<10240x128xf32, #tpu.memory_space<vmem_shared>> -> memref<32x128xf32, #tpu.memory_space<vmem_shared>>
    %dma_start3A_75 = arith.constant 0 : i32
    %dma_start3A_76 = tpu.memref_slice %arg13[%add3A_72, %dma_start3A_75] : memref<10240x128xf32, #tpu.memory_space<vmem_shared>> -> memref<32x128xf32, #tpu.memory_space<vmem_shared>>
    tpu.enqueue_dma source(%arg12 : memref<32x128xf32, #tpu.memory_space<vmem>>) target(%dma_start3A_76 : memref<32x128xf32, #tpu.memory_space<vmem_shared>>) target_semaphore(%arg18 : memref<!tpu.dma_semaphore, #tpu.memory_space<semaphore_mem>>)
    %mul3A_77 = arith.constant 640 : i32
    %mul3A_78 = arith.muli %arg1, %mul3A_77 : i32
    %add3A_79 = arith.constant 288 : i32
    %add3A_80 = arith.addi %mul3A_78, %add3A_79 : i32
    %dma_start3A_81 = arith.constant 0 : i32
    %dma_start3A_82 = tpu.memref_slice %arg13[%add3A_80, %dma_start3A_81] : memref<10240x128xf32, #tpu.memory_space<vmem_shared>> -> memref<32x128xf32, #tpu.memory_space<vmem_shared>>
    %dma_start3A_83 = arith.constant 0 : i32
    %dma_start3A_84 = tpu.memref_slice %arg13[%add3A_80, %dma_start3A_83] : memref<10240x128xf32, #tpu.memory_space<vmem_shared>> -> memref<32x128xf32, #tpu.memory_space<vmem_shared>>
    tpu.enqueue_dma source(%arg12 : memref<32x128xf32, #tpu.memory_space<vmem>>) target(%dma_start3A_84 : memref<32x128xf32, #tpu.memory_space<vmem_shared>>) target_semaphore(%arg18 : memref<!tpu.dma_semaphore, #tpu.memory_space<semaphore_mem>>)
    %mul3A_85 = arith.constant 640 : i32
    %mul3A_86 = arith.muli %arg1, %mul3A_85 : i32
    %add3A_87 = arith.constant 320 : i32
    %add3A_88 = arith.addi %mul3A_86, %add3A_87 : i32
    %dma_start3A_89 = arith.constant 0 : i32
    %dma_start3A_90 = tpu.memref_slice %arg13[%add3A_88, %dma_start3A_89] : memref<10240x128xf32, #tpu.memory_space<vmem_shared>> -> memref<32x128xf32, #tpu.memory_space<vmem_shared>>
    %dma_start3A_91 = arith.constant 0 : i32
    %dma_start3A_92 = tpu.memref_slice %arg13[%add3A_88, %dma_start3A_91] : memref<10240x128xf32, #tpu.memory_space<vmem_shared>> -> memref<32x128xf32, #tpu.memory_space<vmem_shared>>
    tpu.enqueue_dma source(%arg12 : memref<32x128xf32, #tpu.memory_space<vmem>>) target(%dma_start3A_92 : memref<32x128xf32, #tpu.memory_space<vmem_shared>>) target_semaphore(%arg18 : memref<!tpu.dma_semaphore, #tpu.memory_space<semaphore_mem>>)
    %mul3A_93 = arith.constant 640 : i32
    %mul3A_94 = arith.muli %arg1, %mul3A_93 : i32
    %add3A_95 = arith.constant 352 : i32
    %add3A_96 = arith.addi %mul3A_94, %add3A_95 : i32
    %dma_start3A_97 = arith.constant 0 : i32
    %dma_start3A_98 = tpu.memref_slice %arg13[%add3A_96, %dma_start3A_97] : memref<10240x128xf32, #tpu.memory_space<vmem_shared>> -> memref<32x128xf32, #tpu.memory_space<vmem_shared>>
    %dma_start3A_99 = arith.constant 0 : i32
    %dma_start3A_100 = tpu.memref_slice %arg13[%add3A_96, %dma_start3A_99] : memref<10240x128xf32, #tpu.memory_space<vmem_shared>> -> memref<32x128xf32, #tpu.memory_space<vmem_shared>>
    tpu.enqueue_dma source(%arg12 : memref<32x128xf32, #tpu.memory_space<vmem>>) target(%dma_start3A_100 : memref<32x128xf32, #tpu.memory_space<vmem_shared>>) target_semaphore(%arg18 : memref<!tpu.dma_semaphore, #tpu.memory_space<semaphore_mem>>)
    %mul3A_101 = arith.constant 640 : i32
    %mul3A_102 = arith.muli %arg1, %mul3A_101 : i32
    %add3A_103 = arith.constant 384 : i32
    %add3A_104 = arith.addi %mul3A_102, %add3A_103 : i32
    %dma_start3A_105 = arith.constant 0 : i32
    %dma_start3A_106 = tpu.memref_slice %arg13[%add3A_104, %dma_start3A_105] : memref<10240x128xf32, #tpu.memory_space<vmem_shared>> -> memref<32x128xf32, #tpu.memory_space<vmem_shared>>
    %dma_start3A_107 = arith.constant 0 : i32
    %dma_start3A_108 = tpu.memref_slice %arg13[%add3A_104, %dma_start3A_107] : memref<10240x128xf32, #tpu.memory_space<vmem_shared>> -> memref<32x128xf32, #tpu.memory_space<vmem_shared>>
    tpu.enqueue_dma source(%arg12 : memref<32x128xf32, #tpu.memory_space<vmem>>) target(%dma_start3A_108 : memref<32x128xf32, #tpu.memory_space<vmem_shared>>) target_semaphore(%arg18 : memref<!tpu.dma_semaphore, #tpu.memory_space<semaphore_mem>>)
    %mul3A_109 = arith.constant 640 : i32
    %mul3A_110 = arith.muli %arg1, %mul3A_109 : i32
    %add3A_111 = arith.constant 416 : i32
    %add3A_112 = arith.addi %mul3A_110, %add3A_111 : i32
    %dma_start3A_113 = arith.constant 0 : i32
    %dma_start3A_114 = tpu.memref_slice %arg13[%add3A_112, %dma_start3A_113] : memref<10240x128xf32, #tpu.memory_space<vmem_shared>> -> memref<32x128xf32, #tpu.memory_space<vmem_shared>>
    %dma_start3A_115 = arith.constant 0 : i32
    %dma_start3A_116 = tpu.memref_slice %arg13[%add3A_112, %dma_start3A_115] : memref<10240x128xf32, #tpu.memory_space<vmem_shared>> -> memref<32x128xf32, #tpu.memory_space<vmem_shared>>
    tpu.enqueue_dma source(%arg12 : memref<32x128xf32, #tpu.memory_space<vmem>>) target(%dma_start3A_116 : memref<32x128xf32, #tpu.memory_space<vmem_shared>>) target_semaphore(%arg18 : memref<!tpu.dma_semaphore, #tpu.memory_space<semaphore_mem>>)
    %mul3A_117 = arith.constant 640 : i32
    %mul3A_118 = arith.muli %arg1, %mul3A_117 : i32
    %add3A_119 = arith.constant 448 : i32
    %add3A_120 = arith.addi %mul3A_118, %add3A_119 : i32
    %dma_start3A_121 = arith.constant 0 : i32
    %dma_start3A_122 = tpu.memref_slice %arg13[%add3A_120, %dma_start3A_121] : memref<10240x128xf32, #tpu.memory_space<vmem_shared>> -> memref<32x128xf32, #tpu.memory_space<vmem_shared>>
    %dma_start3A_123 = arith.constant 0 : i32
    %dma_start3A_124 = tpu.memref_slice %arg13[%add3A_120, %dma_start3A_123] : memref<10240x128xf32, #tpu.memory_space<vmem_shared>> -> memref<32x128xf32, #tpu.memory_space<vmem_shared>>
    tpu.enqueue_dma source(%arg12 : memref<32x128xf32, #tpu.memory_space<vmem>>) target(%dma_start3A_124 : memref<32x128xf32, #tpu.memory_space<vmem_shared>>) target_semaphore(%arg18 : memref<!tpu.dma_semaphore, #tpu.memory_space<semaphore_mem>>)
    %mul3A_125 = arith.constant 640 : i32
    %mul3A_126 = arith.muli %arg1, %mul3A_125 : i32
    %add3A_127 = arith.constant 480 : i32
    %add3A_128 = arith.addi %mul3A_126, %add3A_127 : i32
    %dma_start3A_129 = arith.constant 0 : i32
    %dma_start3A_130 = tpu.memref_slice %arg13[%add3A_128, %dma_start3A_129] : memref<10240x128xf32, #tpu.memory_space<vmem_shared>> -> memref<32x128xf32, #tpu.memory_space<vmem_shared>>
    %dma_start3A_131 = arith.constant 0 : i32
    %dma_start3A_132 = tpu.memref_slice %arg13[%add3A_128, %dma_start3A_131] : memref<10240x128xf32, #tpu.memory_space<vmem_shared>> -> memref<32x128xf32, #tpu.memory_space<vmem_shared>>
    tpu.enqueue_dma source(%arg12 : memref<32x128xf32, #tpu.memory_space<vmem>>) target(%dma_start3A_132 : memref<32x128xf32, #tpu.memory_space<vmem_shared>>) target_semaphore(%arg18 : memref<!tpu.dma_semaphore, #tpu.memory_space<semaphore_mem>>)
    %mul3A_133 = arith.constant 640 : i32
    %mul3A_134 = arith.muli %arg1, %mul3A_133 : i32
    %add3A_135 = arith.constant 512 : i32
    %add3A_136 = arith.addi %mul3A_134, %add3A_135 : i32
    %dma_start3A_137 = arith.constant 0 : i32
    %dma_start3A_138 = tpu.memref_slice %arg13[%add3A_136, %dma_start3A_137] : memref<10240x128xf32, #tpu.memory_space<vmem_shared>> -> memref<32x128xf32, #tpu.memory_space<vmem_shared>>
    %dma_start3A_139 = arith.constant 0 : i32
    %dma_start3A_140 = tpu.memref_slice %arg13[%add3A_136, %dma_start3A_139] : memref<10240x128xf32, #tpu.memory_space<vmem_shared>> -> memref<32x128xf32, #tpu.memory_space<vmem_shared>>
    tpu.enqueue_dma source(%arg12 : memref<32x128xf32, #tpu.memory_space<vmem>>) target(%dma_start3A_140 : memref<32x128xf32, #tpu.memory_space<vmem_shared>>) target_semaphore(%arg18 : memref<!tpu.dma_semaphore, #tpu.memory_space<semaphore_mem>>)
    %mul3A_141 = arith.constant 640 : i32
    %mul3A_142 = arith.muli %arg1, %mul3A_141 : i32
    %add3A_143 = arith.constant 544 : i32
    %add3A_144 = arith.addi %mul3A_142, %add3A_143 : i32
    %dma_start3A_145 = arith.constant 0 : i32
    %dma_start3A_146 = tpu.memref_slice %arg13[%add3A_144, %dma_start3A_145] : memref<10240x128xf32, #tpu.memory_space<vmem_shared>> -> memref<32x128xf32, #tpu.memory_space<vmem_shared>>
    %dma_start3A_147 = arith.constant 0 : i32
    %dma_start3A_148 = tpu.memref_slice %arg13[%add3A_144, %dma_start3A_147] : memref<10240x128xf32, #tpu.memory_space<vmem_shared>> -> memref<32x128xf32, #tpu.memory_space<vmem_shared>>
    tpu.enqueue_dma source(%arg12 : memref<32x128xf32, #tpu.memory_space<vmem>>) target(%dma_start3A_148 : memref<32x128xf32, #tpu.memory_space<vmem_shared>>) target_semaphore(%arg18 : memref<!tpu.dma_semaphore, #tpu.memory_space<semaphore_mem>>)
    %mul3A_149 = arith.constant 640 : i32
    %mul3A_150 = arith.muli %arg1, %mul3A_149 : i32
    %add3A_151 = arith.constant 576 : i32
    %add3A_152 = arith.addi %mul3A_150, %add3A_151 : i32
    %dma_start3A_153 = arith.constant 0 : i32
    %dma_start3A_154 = tpu.memref_slice %arg13[%add3A_152, %dma_start3A_153] : memref<10240x128xf32, #tpu.memory_space<vmem_shared>> -> memref<32x128xf32, #tpu.memory_space<vmem_shared>>
    %dma_start3A_155 = arith.constant 0 : i32
    %dma_start3A_156 = tpu.memref_slice %arg13[%add3A_152, %dma_start3A_155] : memref<10240x128xf32, #tpu.memory_space<vmem_shared>> -> memref<32x128xf32, #tpu.memory_space<vmem_shared>>
    tpu.enqueue_dma source(%arg12 : memref<32x128xf32, #tpu.memory_space<vmem>>) target(%dma_start3A_156 : memref<32x128xf32, #tpu.memory_space<vmem_shared>>) target_semaphore(%arg18 : memref<!tpu.dma_semaphore, #tpu.memory_space<semaphore_mem>>)
    %mul3A_157 = arith.constant 640 : i32
    %mul3A_158 = arith.muli %arg1, %mul3A_157 : i32
    %add3A_159 = arith.constant 608 : i32
    %add3A_160 = arith.addi %mul3A_158, %add3A_159 : i32
    %dma_start3A_161 = arith.constant 0 : i32
    %dma_start3A_162 = tpu.memref_slice %arg13[%add3A_160, %dma_start3A_161] : memref<10240x128xf32, #tpu.memory_space<vmem_shared>> -> memref<32x128xf32, #tpu.memory_space<vmem_shared>>
    %dma_start3A_163 = arith.constant 0 : i32
    %dma_start3A_164 = tpu.memref_slice %arg13[%add3A_160, %dma_start3A_163] : memref<10240x128xf32, #tpu.memory_space<vmem_shared>> -> memref<32x128xf32, #tpu.memory_space<vmem_shared>>
    tpu.enqueue_dma source(%arg12 : memref<32x128xf32, #tpu.memory_space<vmem>>) target(%dma_start3A_164 : memref<32x128xf32, #tpu.memory_space<vmem_shared>>) target_semaphore(%arg18 : memref<!tpu.dma_semaphore, #tpu.memory_space<semaphore_mem>>)
    %mul3A_165 = arith.constant 10000 : i32
    %mul3A_166 = arith.muli %add3A, %mul3A_165 : i32
    %add3A_167 = arith.constant 0 : i32
    %add3A_168 = arith.addi %mul3A_166, %add3A_167 : i32
    %multiple_of3A = tpu.assume_multiple %add3A_168, 8 : i32
    %dma_start3A_169 = arith.constant 0 : i32
    %dma_start3A_170 = arith.constant 0 : i32
    %dma_start3A_171 = tpu.memref_slice %arg6[%dma_start3A_169, %dma_start3A_170] : memref<2x128xi32, #tpu.memory_space<vmem>> -> memref<1x128xi32, #tpu.memory_space<vmem>>
    %dma_start3A_172 = tpu.memref_squeeze %dma_start3A_171 : memref<1x128xi32, #tpu.memory_space<vmem>> -> memref<128xi32, #tpu.memory_space<vmem>>
    %dma_start3A_173 = tpu.memref_slice %arg3[%multiple_of3A] : memref<320000xi32, #tpu.memory_space<hbm>> -> memref<128xi32, #tpu.memory_space<hbm>>
    %dma_start3A_174 = arith.constant 0 : i32
    %dma_start3A_175 = tpu.memref_slice %arg6[%dma_start3A_169, %dma_start3A_174] : memref<2x128xi32, #tpu.memory_space<vmem>> -> memref<1x128xi32, #tpu.memory_space<vmem>>
    %dma_start3A_176 = tpu.memref_squeeze %dma_start3A_175 : memref<1x128xi32, #tpu.memory_space<vmem>> -> memref<128xi32, #tpu.memory_space<vmem>>
    %dma_start3A_177 = tpu.memref_slice %arg3[%multiple_of3A] : memref<320000xi32, #tpu.memory_space<hbm>> -> memref<128xi32, #tpu.memory_space<hbm>>
    tpu.enqueue_dma source(%dma_start3A_177 : memref<128xi32, #tpu.memory_space<hbm>>) target(%dma_start3A_176 : memref<128xi32, #tpu.memory_space<vmem>>) target_semaphore(%arg14 : memref<!tpu.dma_semaphore, #tpu.memory_space<semaphore_mem>>)
    %mul3A_178 = arith.constant 10000 : i32
    %mul3A_179 = arith.muli %add3A, %mul3A_178 : i32
    %add3A_180 = arith.constant 0 : i32
    %add3A_181 = arith.addi %mul3A_179, %add3A_180 : i32
    %multiple_of3A_182 = tpu.assume_multiple %add3A_181, 8 : i32
    %dma_start3A_183 = arith.constant 0 : i32
    %dma_start3A_184 = arith.constant 0 : i32
    %dma_start3A_185 = tpu.memref_slice %arg7[%dma_start3A_183, %dma_start3A_184] : memref<4x128xi32, #tpu.memory_space<vmem>> -> memref<1x128xi32, #tpu.memory_space<vmem>>
    %dma_start3A_186 = tpu.memref_squeeze %dma_start3A_185 : memref<1x128xi32, #tpu.memory_space<vmem>> -> memref<128xi32, #tpu.memory_space<vmem>>
    %dma_start3A_187 = tpu.memref_slice %arg4[%multiple_of3A_182] : memref<320000xi32, #tpu.memory_space<hbm>> -> memref<128xi32, #tpu.memory_space<hbm>>
    %dma_start3A_188 = arith.constant 0 : i32
    %dma_start3A_189 = tpu.memref_slice %arg7[%dma_start3A_183, %dma_start3A_188] : memref<4x128xi32, #tpu.memory_space<vmem>> -> memref<1x128xi32, #tpu.memory_space<vmem>>
    %dma_start3A_190 = tpu.memref_squeeze %dma_start3A_189 : memref<1x128xi32, #tpu.memory_space<vmem>> -> memref<128xi32, #tpu.memory_space<vmem>>
    %dma_start3A_191 = tpu.memref_slice %arg4[%multiple_of3A_182] : memref<320000xi32, #tpu.memory_space<hbm>> -> memref<128xi32, #tpu.memory_space<hbm>>
    tpu.enqueue_dma source(%dma_start3A_191 : memref<128xi32, #tpu.memory_space<hbm>>) target(%dma_start3A_190 : memref<128xi32, #tpu.memory_space<vmem>>) target_semaphore(%arg15 : memref<!tpu.dma_semaphore, #tpu.memory_space<semaphore_mem>>)
    %mul3A_192 = arith.constant 10000 : i32
    %mul3A_193 = arith.muli %add3A, %mul3A_192 : i32
    %add3A_194 = arith.constant 128 : i32
    %add3A_195 = arith.addi %mul3A_193, %add3A_194 : i32
    %multiple_of3A_196 = tpu.assume_multiple %add3A_195, 8 : i32
    %dma_start3A_197 = arith.constant 1 : i32
    %dma_start3A_198 = arith.constant 0 : i32
    %dma_start3A_199 = tpu.memref_slice %arg6[%dma_start3A_197, %dma_start3A_198] : memref<2x128xi32, #tpu.memory_space<vmem>> -> memref<1x128xi32, #tpu.memory_space<vmem>>
    %dma_start3A_200 = tpu.memref_squeeze %dma_start3A_199 : memref<1x128xi32, #tpu.memory_space<vmem>> -> memref<128xi32, #tpu.memory_space<vmem>>
    %dma_start3A_201 = tpu.memref_slice %arg3[%multiple_of3A_196] : memref<320000xi32, #tpu.memory_space<hbm>> -> memref<128xi32, #tpu.memory_space<hbm>>
    %dma_start3A_202 = arith.constant 0 : i32
    %dma_start3A_203 = tpu.memref_slice %arg6[%dma_start3A_197, %dma_start3A_202] : memref<2x128xi32, #tpu.memory_space<vmem>> -> memref<1x128xi32, #tpu.memory_space<vmem>>
    %dma_start3A_204 = tpu.memref_squeeze %dma_start3A_203 : memref<1x128xi32, #tpu.memory_space<vmem>> -> memref<128xi32, #tpu.memory_space<vmem>>
    %dma_start3A_205 = tpu.memref_slice %arg3[%multiple_of3A_196] : memref<320000xi32, #tpu.memory_space<hbm>> -> memref<128xi32, #tpu.memory_space<hbm>>
    tpu.enqueue_dma source(%dma_start3A_205 : memref<128xi32, #tpu.memory_space<hbm>>) target(%dma_start3A_204 : memref<128xi32, #tpu.memory_space<vmem>>) target_semaphore(%arg14 : memref<!tpu.dma_semaphore, #tpu.memory_space<semaphore_mem>>)
    %mul3A_206 = arith.constant 10000 : i32
    %mul3A_207 = arith.muli %add3A, %mul3A_206 : i32
    %add3A_208 = arith.constant 128 : i32
    %add3A_209 = arith.addi %mul3A_207, %add3A_208 : i32
    %multiple_of3A_210 = tpu.assume_multiple %add3A_209, 8 : i32
    %dma_start3A_211 = arith.constant 1 : i32
    %dma_start3A_212 = arith.constant 0 : i32
    %dma_start3A_213 = tpu.memref_slice %arg7[%dma_start3A_211, %dma_start3A_212] : memref<4x128xi32, #tpu.memory_space<vmem>> -> memref<1x128xi32, #tpu.memory_space<vmem>>
    %dma_start3A_214 = tpu.memref_squeeze %dma_start3A_213 : memref<1x128xi32, #tpu.memory_space<vmem>> -> memref<128xi32, #tpu.memory_space<vmem>>
    %dma_start3A_215 = tpu.memref_slice %arg4[%multiple_of3A_210] : memref<320000xi32, #tpu.memory_space<hbm>> -> memref<128xi32, #tpu.memory_space<hbm>>
    %dma_start3A_216 = arith.constant 0 : i32
    %dma_start3A_217 = tpu.memref_slice %arg7[%dma_start3A_211, %dma_start3A_216] : memref<4x128xi32, #tpu.memory_space<vmem>> -> memref<1x128xi32, #tpu.memory_space<vmem>>
    %dma_start3A_218 = tpu.memref_squeeze %dma_start3A_217 : memref<1x128xi32, #tpu.memory_space<vmem>> -> memref<128xi32, #tpu.memory_space<vmem>>
    %dma_start3A_219 = tpu.memref_slice %arg4[%multiple_of3A_210] : memref<320000xi32, #tpu.memory_space<hbm>> -> memref<128xi32, #tpu.memory_space<hbm>>
    tpu.enqueue_dma source(%dma_start3A_219 : memref<128xi32, #tpu.memory_space<hbm>>) target(%dma_start3A_218 : memref<128xi32, #tpu.memory_space<vmem>>) target_semaphore(%arg15 : memref<!tpu.dma_semaphore, #tpu.memory_space<semaphore_mem>>)
    %mul3A_220 = arith.constant 10000 : i32
    %mul3A_221 = arith.muli %add3A, %mul3A_220 : i32
    %add3A_222 = arith.constant 0 : i32
    %add3A_223 = arith.addi %mul3A_221, %add3A_222 : i32
    %multiple_of3A_224 = tpu.assume_multiple %add3A_223, 8 : i32
    %dma_wait3A = arith.constant 0 : i32
    %dma_wait3A_225 = arith.constant 0 : i32
    %dma_wait3A_226 = tpu.memref_slice %arg6[%dma_wait3A, %dma_wait3A_225] : memref<2x128xi32, #tpu.memory_space<vmem>> -> memref<1x128xi32, #tpu.memory_space<vmem>>
    %dma_wait3A_227 = tpu.memref_squeeze %dma_wait3A_226 : memref<1x128xi32, #tpu.memory_space<vmem>> -> memref<128xi32, #tpu.memory_space<vmem>>
    %dma_wait3A_228 = tpu.memref_slice %arg3[%multiple_of3A_224] : memref<320000xi32, #tpu.memory_space<hbm>> -> memref<128xi32, #tpu.memory_space<hbm>>
    %dma_wait3A_229 = arith.constant 0 : i32
    %dma_wait3A_230 = tpu.memref_slice %arg6[%dma_wait3A, %dma_wait3A_229] : memref<2x128xi32, #tpu.memory_space<vmem>> -> memref<1x128xi32, #tpu.memory_space<vmem>>
    %dma_wait3A_231 = tpu.memref_squeeze %dma_wait3A_230 : memref<1x128xi32, #tpu.memory_space<vmem>> -> memref<128xi32, #tpu.memory_space<vmem>>
    %dma_wait3A_232 = tpu.memref_slice %arg3[%multiple_of3A_224] : memref<320000xi32, #tpu.memory_space<hbm>> -> memref<128xi32, #tpu.memory_space<hbm>>
    tpu.wait_dma2 semaphore(%arg14 : memref<!tpu.dma_semaphore, #tpu.memory_space<semaphore_mem>>) src(%dma_wait3A_232 : memref<128xi32, #tpu.memory_space<hbm>>) dst(%dma_wait3A_231 : memref<128xi32, #tpu.memory_space<vmem>>)
    %dma_start3A_233 = arith.constant 0 : i32
    %dma_start3A_234 = arith.constant 0 : i32
    %dma_start3A_235 = arith.constant 0 : i32
    %dma_start3A_236 = arith.constant 0 : i32
    %dma_start3A_237 = tpu.memref_slice %arg8[%dma_start3A_234, %dma_start3A_235, %dma_start3A_236] : memref<2x128x128xf32, #tpu.memory_space<vmem>> -> memref<1x128x128xf32, #tpu.memory_space<vmem>>
    %dma_start3A_238 = tpu.memref_squeeze %dma_start3A_237 : memref<1x128x128xf32, #tpu.memory_space<vmem>> -> memref<128x128xf32, #tpu.memory_space<vmem>>
    %dma_start3A_239 = arith.constant 0 : i32
    %dma_start3A_240 = tpu.memref_slice %arg6[%dma_start3A_233, %dma_start3A_239] : memref<2x128xi32, #tpu.memory_space<vmem>> -> memref<1x128xi32, #tpu.memory_space<vmem>>
    %dma_start3A_241 = tpu.memref_squeeze %dma_start3A_240 : memref<1x128xi32, #tpu.memory_space<vmem>> -> memref<128xi32, #tpu.memory_space<vmem>>
    %dma_start3A_242 = arith.constant 0 : i32
    %dma_start3A_243 = arith.constant 0 : i32
    %dma_start3A_244 = tpu.memref_slice %arg2[%dma_start3A_242, %dma_start3A_243] : memref<10000x128xf32, #tpu.memory_space<hbm>> -> memref<10000x128xf32, #tpu.memory_space<hbm>>
    tpu.enqueue_indirect_dma source(%dma_start3A_244 : memref<10000x128xf32, #tpu.memory_space<hbm>>) target(%dma_start3A_238 : memref<128x128xf32, #tpu.memory_space<vmem>>) offsets(%dma_start3A_241 : memref<128xi32, #tpu.memory_space<vmem>>) semaphore(%arg16 : memref<!tpu.dma_semaphore, #tpu.memory_space<semaphore_mem>>)
    %mul3A_245 = arith.constant 640 : i32
    %mul3A_246 = arith.muli %arg1, %mul3A_245 : i32
    %add3A_247 = arith.constant 0 : i32
    %add3A_248 = arith.addi %mul3A_246, %add3A_247 : i32
    %dma_wait3A_249 = arith.constant 0 : i32
    %dma_wait3A_250 = tpu.memref_slice %arg13[%add3A_248, %dma_wait3A_249] : memref<10240x128xf32, #tpu.memory_space<vmem_shared>> -> memref<32x128xf32, #tpu.memory_space<vmem_shared>>
    %dma_wait3A_251 = arith.constant 0 : i32
    %dma_wait3A_252 = tpu.memref_slice %arg13[%add3A_248, %dma_wait3A_251] : memref<10240x128xf32, #tpu.memory_space<vmem_shared>> -> memref<32x128xf32, #tpu.memory_space<vmem_shared>>
    tpu.wait_dma2 semaphore(%arg18 : memref<!tpu.dma_semaphore, #tpu.memory_space<semaphore_mem>>) src(%arg12 : memref<32x128xf32, #tpu.memory_space<vmem>>) dst(%dma_wait3A_252 : memref<32x128xf32, #tpu.memory_space<vmem_shared>>)
    %mul3A_253 = arith.constant 640 : i32
    %mul3A_254 = arith.muli %arg1, %mul3A_253 : i32
    %add3A_255 = arith.constant 32 : i32
    %add3A_256 = arith.addi %mul3A_254, %add3A_255 : i32
    %dma_wait3A_257 = arith.constant 0 : i32
    %dma_wait3A_258 = tpu.memref_slice %arg13[%add3A_256, %dma_wait3A_257] : memref<10240x128xf32, #tpu.memory_space<vmem_shared>> -> memref<32x128xf32, #tpu.memory_space<vmem_shared>>
    %dma_wait3A_259 = arith.constant 0 : i32
    %dma_wait3A_260 = tpu.memref_slice %arg13[%add3A_256, %dma_wait3A_259] : memref<10240x128xf32, #tpu.memory_space<vmem_shared>> -> memref<32x128xf32, #tpu.memory_space<vmem_shared>>
    tpu.wait_dma2 semaphore(%arg18 : memref<!tpu.dma_semaphore, #tpu.memory_space<semaphore_mem>>) src(%arg12 : memref<32x128xf32, #tpu.memory_space<vmem>>) dst(%dma_wait3A_260 : memref<32x128xf32, #tpu.memory_space<vmem_shared>>)
    %mul3A_261 = arith.constant 640 : i32
    %mul3A_262 = arith.muli %arg1, %mul3A_261 : i32
    %add3A_263 = arith.constant 64 : i32
    %add3A_264 = arith.addi %mul3A_262, %add3A_263 : i32
    %dma_wait3A_265 = arith.constant 0 : i32
    %dma_wait3A_266 = tpu.memref_slice %arg13[%add3A_264, %dma_wait3A_265] : memref<10240x128xf32, #tpu.memory_space<vmem_shared>> -> memref<32x128xf32, #tpu.memory_space<vmem_shared>>
    %dma_wait3A_267 = arith.constant 0 : i32
    %dma_wait3A_268 = tpu.memref_slice %arg13[%add3A_264, %dma_wait3A_267] : memref<10240x128xf32, #tpu.memory_space<vmem_shared>> -> memref<32x128xf32, #tpu.memory_space<vmem_shared>>
    tpu.wait_dma2 semaphore(%arg18 : memref<!tpu.dma_semaphore, #tpu.memory_space<semaphore_mem>>) src(%arg12 : memref<32x128xf32, #tpu.memory_space<vmem>>) dst(%dma_wait3A_268 : memref<32x128xf32, #tpu.memory_space<vmem_shared>>)
    %mul3A_269 = arith.constant 640 : i32
    %mul3A_270 = arith.muli %arg1, %mul3A_269 : i32
    %add3A_271 = arith.constant 96 : i32
    %add3A_272 = arith.addi %mul3A_270, %add3A_271 : i32
    %dma_wait3A_273 = arith.constant 0 : i32
    %dma_wait3A_274 = tpu.memref_slice %arg13[%add3A_272, %dma_wait3A_273] : memref<10240x128xf32, #tpu.memory_space<vmem_shared>> -> memref<32x128xf32, #tpu.memory_space<vmem_shared>>
    %dma_wait3A_275 = arith.constant 0 : i32
    %dma_wait3A_276 = tpu.memref_slice %arg13[%add3A_272, %dma_wait3A_275] : memref<10240x128xf32, #tpu.memory_space<vmem_shared>> -> memref<32x128xf32, #tpu.memory_space<vmem_shared>>
    tpu.wait_dma2 semaphore(%arg18 : memref<!tpu.dma_semaphore, #tpu.memory_space<semaphore_mem>>) src(%arg12 : memref<32x128xf32, #tpu.memory_space<vmem>>) dst(%dma_wait3A_276 : memref<32x128xf32, #tpu.memory_space<vmem_shared>>)
    %mul3A_277 = arith.constant 640 : i32
    %mul3A_278 = arith.muli %arg1, %mul3A_277 : i32
    %add3A_279 = arith.constant 128 : i32
    %add3A_280 = arith.addi %mul3A_278, %add3A_279 : i32
    %dma_wait3A_281 = arith.constant 0 : i32
    %dma_wait3A_282 = tpu.memref_slice %arg13[%add3A_280, %dma_wait3A_281] : memref<10240x128xf32, #tpu.memory_space<vmem_shared>> -> memref<32x128xf32, #tpu.memory_space<vmem_shared>>
    %dma_wait3A_283 = arith.constant 0 : i32
    %dma_wait3A_284 = tpu.memref_slice %arg13[%add3A_280, %dma_wait3A_283] : memref<10240x128xf32, #tpu.memory_space<vmem_shared>> -> memref<32x128xf32, #tpu.memory_space<vmem_shared>>
    tpu.wait_dma2 semaphore(%arg18 : memref<!tpu.dma_semaphore, #tpu.memory_space<semaphore_mem>>) src(%arg12 : memref<32x128xf32, #tpu.memory_space<vmem>>) dst(%dma_wait3A_284 : memref<32x128xf32, #tpu.memory_space<vmem_shared>>)
    %mul3A_285 = arith.constant 640 : i32
    %mul3A_286 = arith.muli %arg1, %mul3A_285 : i32
    %add3A_287 = arith.constant 160 : i32
    %add3A_288 = arith.addi %mul3A_286, %add3A_287 : i32
    %dma_wait3A_289 = arith.constant 0 : i32
    %dma_wait3A_290 = tpu.memref_slice %arg13[%add3A_288, %dma_wait3A_289] : memref<10240x128xf32, #tpu.memory_space<vmem_shared>> -> memref<32x128xf32, #tpu.memory_space<vmem_shared>>
    %dma_wait3A_291 = arith.constant 0 : i32
    %dma_wait3A_292 = tpu.memref_slice %arg13[%add3A_288, %dma_wait3A_291] : memref<10240x128xf32, #tpu.memory_space<vmem_shared>> -> memref<32x128xf32, #tpu.memory_space<vmem_shared>>
    tpu.wait_dma2 semaphore(%arg18 : memref<!tpu.dma_semaphore, #tpu.memory_space<semaphore_mem>>) src(%arg12 : memref<32x128xf32, #tpu.memory_space<vmem>>) dst(%dma_wait3A_292 : memref<32x128xf32, #tpu.memory_space<vmem_shared>>)
    %mul3A_293 = arith.constant 640 : i32
    %mul3A_294 = arith.muli %arg1, %mul3A_293 : i32
    %add3A_295 = arith.constant 192 : i32
    %add3A_296 = arith.addi %mul3A_294, %add3A_295 : i32
    %dma_wait3A_297 = arith.constant 0 : i32
    %dma_wait3A_298 = tpu.memref_slice %arg13[%add3A_296, %dma_wait3A_297] : memref<10240x128xf32, #tpu.memory_space<vmem_shared>> -> memref<32x128xf32, #tpu.memory_space<vmem_shared>>
    %dma_wait3A_299 = arith.constant 0 : i32
    %dma_wait3A_300 = tpu.memref_slice %arg13[%add3A_296, %dma_wait3A_299] : memref<10240x128xf32, #tpu.memory_space<vmem_shared>> -> memref<32x128xf32, #tpu.memory_space<vmem_shared>>
    tpu.wait_dma2 semaphore(%arg18 : memref<!tpu.dma_semaphore, #tpu.memory_space<semaphore_mem>>) src(%arg12 : memref<32x128xf32, #tpu.memory_space<vmem>>) dst(%dma_wait3A_300 : memref<32x128xf32, #tpu.memory_space<vmem_shared>>)
    %mul3A_301 = arith.constant 640 : i32
    %mul3A_302 = arith.muli %arg1, %mul3A_301 : i32
    %add3A_303 = arith.constant 224 : i32
    %add3A_304 = arith.addi %mul3A_302, %add3A_303 : i32
    %dma_wait3A_305 = arith.constant 0 : i32
    %dma_wait3A_306 = tpu.memref_slice %arg13[%add3A_304, %dma_wait3A_305] : memref<10240x128xf32, #tpu.memory_space<vmem_shared>> -> memref<32x128xf32, #tpu.memory_space<vmem_shared>>
    %dma_wait3A_307 = arith.constant 0 : i32
    %dma_wait3A_308 = tpu.memref_slice %arg13[%add3A_304, %dma_wait3A_307] : memref<10240x128xf32, #tpu.memory_space<vmem_shared>> -> memref<32x128xf32, #tpu.memory_space<vmem_shared>>
    tpu.wait_dma2 semaphore(%arg18 : memref<!tpu.dma_semaphore, #tpu.memory_space<semaphore_mem>>) src(%arg12 : memref<32x128xf32, #tpu.memory_space<vmem>>) dst(%dma_wait3A_308 : memref<32x128xf32, #tpu.memory_space<vmem_shared>>)
    %mul3A_309 = arith.constant 640 : i32
    %mul3A_310 = arith.muli %arg1, %mul3A_309 : i32
    %add3A_311 = arith.constant 256 : i32
    %add3A_312 = arith.addi %mul3A_310, %add3A_311 : i32
    %dma_wait3A_313 = arith.constant 0 : i32
    %dma_wait3A_314 = tpu.memref_slice %arg13[%add3A_312, %dma_wait3A_313] : memref<10240x128xf32, #tpu.memory_space<vmem_shared>> -> memref<32x128xf32, #tpu.memory_space<vmem_shared>>
    %dma_wait3A_315 = arith.constant 0 : i32
    %dma_wait3A_316 = tpu.memref_slice %arg13[%add3A_312, %dma_wait3A_315] : memref<10240x128xf32, #tpu.memory_space<vmem_shared>> -> memref<32x128xf32, #tpu.memory_space<vmem_shared>>
    tpu.wait_dma2 semaphore(%arg18 : memref<!tpu.dma_semaphore, #tpu.memory_space<semaphore_mem>>) src(%arg12 : memref<32x128xf32, #tpu.memory_space<vmem>>) dst(%dma_wait3A_316 : memref<32x128xf32, #tpu.memory_space<vmem_shared>>)
    %mul3A_317 = arith.constant 640 : i32
    %mul3A_318 = arith.muli %arg1, %mul3A_317 : i32
    %add3A_319 = arith.constant 288 : i32
    %add3A_320 = arith.addi %mul3A_318, %add3A_319 : i32
    %dma_wait3A_321 = arith.constant 0 : i32
    %dma_wait3A_322 = tpu.memref_slice %arg13[%add3A_320, %dma_wait3A_321] : memref<10240x128xf32, #tpu.memory_space<vmem_shared>> -> memref<32x128xf32, #tpu.memory_space<vmem_shared>>
    %dma_wait3A_323 = arith.constant 0 : i32
    %dma_wait3A_324 = tpu.memref_slice %arg13[%add3A_320, %dma_wait3A_323] : memref<10240x128xf32, #tpu.memory_space<vmem_shared>> -> memref<32x128xf32, #tpu.memory_space<vmem_shared>>
    tpu.wait_dma2 semaphore(%arg18 : memref<!tpu.dma_semaphore, #tpu.memory_space<semaphore_mem>>) src(%arg12 : memref<32x128xf32, #tpu.memory_space<vmem>>) dst(%dma_wait3A_324 : memref<32x128xf32, #tpu.memory_space<vmem_shared>>)
    %mul3A_325 = arith.constant 640 : i32
    %mul3A_326 = arith.muli %arg1, %mul3A_325 : i32
    %add3A_327 = arith.constant 320 : i32
    %add3A_328 = arith.addi %mul3A_326, %add3A_327 : i32
    %dma_wait3A_329 = arith.constant 0 : i32
    %dma_wait3A_330 = tpu.memref_slice %arg13[%add3A_328, %dma_wait3A_329] : memref<10240x128xf32, #tpu.memory_space<vmem_shared>> -> memref<32x128xf32, #tpu.memory_space<vmem_shared>>
    %dma_wait3A_331 = arith.constant 0 : i32
    %dma_wait3A_332 = tpu.memref_slice %arg13[%add3A_328, %dma_wait3A_331] : memref<10240x128xf32, #tpu.memory_space<vmem_shared>> -> memref<32x128xf32, #tpu.memory_space<vmem_shared>>
    tpu.wait_dma2 semaphore(%arg18 : memref<!tpu.dma_semaphore, #tpu.memory_space<semaphore_mem>>) src(%arg12 : memref<32x128xf32, #tpu.memory_space<vmem>>) dst(%dma_wait3A_332 : memref<32x128xf32, #tpu.memory_space<vmem_shared>>)
    %mul3A_333 = arith.constant 640 : i32
    %mul3A_334 = arith.muli %arg1, %mul3A_333 : i32
    %add3A_335 = arith.constant 352 : i32
    %add3A_336 = arith.addi %mul3A_334, %add3A_335 : i32
    %dma_wait3A_337 = arith.constant 0 : i32
    %dma_wait3A_338 = tpu.memref_slice %arg13[%add3A_336, %dma_wait3A_337] : memref<10240x128xf32, #tpu.memory_space<vmem_shared>> -> memref<32x128xf32, #tpu.memory_space<vmem_shared>>
    %dma_wait3A_339 = arith.constant 0 : i32
    %dma_wait3A_340 = tpu.memref_slice %arg13[%add3A_336, %dma_wait3A_339] : memref<10240x128xf32, #tpu.memory_space<vmem_shared>> -> memref<32x128xf32, #tpu.memory_space<vmem_shared>>
    tpu.wait_dma2 semaphore(%arg18 : memref<!tpu.dma_semaphore, #tpu.memory_space<semaphore_mem>>) src(%arg12 : memref<32x128xf32, #tpu.memory_space<vmem>>) dst(%dma_wait3A_340 : memref<32x128xf32, #tpu.memory_space<vmem_shared>>)
    %mul3A_341 = arith.constant 640 : i32
    %mul3A_342 = arith.muli %arg1, %mul3A_341 : i32
    %add3A_343 = arith.constant 384 : i32
    %add3A_344 = arith.addi %mul3A_342, %add3A_343 : i32
    %dma_wait3A_345 = arith.constant 0 : i32
    %dma_wait3A_346 = tpu.memref_slice %arg13[%add3A_344, %dma_wait3A_345] : memref<10240x128xf32, #tpu.memory_space<vmem_shared>> -> memref<32x128xf32, #tpu.memory_space<vmem_shared>>
    %dma_wait3A_347 = arith.constant 0 : i32
    %dma_wait3A_348 = tpu.memref_slice %arg13[%add3A_344, %dma_wait3A_347] : memref<10240x128xf32, #tpu.memory_space<vmem_shared>> -> memref<32x128xf32, #tpu.memory_space<vmem_shared>>
    tpu.wait_dma2 semaphore(%arg18 : memref<!tpu.dma_semaphore, #tpu.memory_space<semaphore_mem>>) src(%arg12 : memref<32x128xf32, #tpu.memory_space<vmem>>) dst(%dma_wait3A_348 : memref<32x128xf32, #tpu.memory_space<vmem_shared>>)
    %mul3A_349 = arith.constant 640 : i32
    %mul3A_350 = arith.muli %arg1, %mul3A_349 : i32
    %add3A_351 = arith.constant 416 : i32
    %add3A_352 = arith.addi %mul3A_350, %add3A_351 : i32
    %dma_wait3A_353 = arith.constant 0 : i32
    %dma_wait3A_354 = tpu.memref_slice %arg13[%add3A_352, %dma_wait3A_353] : memref<10240x128xf32, #tpu.memory_space<vmem_shared>> -> memref<32x128xf32, #tpu.memory_space<vmem_shared>>
    %dma_wait3A_355 = arith.constant 0 : i32
    %dma_wait3A_356 = tpu.memref_slice %arg13[%add3A_352, %dma_wait3A_355] : memref<10240x128xf32, #tpu.memory_space<vmem_shared>> -> memref<32x128xf32, #tpu.memory_space<vmem_shared>>
    tpu.wait_dma2 semaphore(%arg18 : memref<!tpu.dma_semaphore, #tpu.memory_space<semaphore_mem>>) src(%arg12 : memref<32x128xf32, #tpu.memory_space<vmem>>) dst(%dma_wait3A_356 : memref<32x128xf32, #tpu.memory_space<vmem_shared>>)
    %mul3A_357 = arith.constant 640 : i32
    %mul3A_358 = arith.muli %arg1, %mul3A_357 : i32
    %add3A_359 = arith.constant 448 : i32
    %add3A_360 = arith.addi %mul3A_358, %add3A_359 : i32
    %dma_wait3A_361 = arith.constant 0 : i32
    %dma_wait3A_362 = tpu.memref_slice %arg13[%add3A_360, %dma_wait3A_361] : memref<10240x128xf32, #tpu.memory_space<vmem_shared>> -> memref<32x128xf32, #tpu.memory_space<vmem_shared>>
    %dma_wait3A_363 = arith.constant 0 : i32
    %dma_wait3A_364 = tpu.memref_slice %arg13[%add3A_360, %dma_wait3A_363] : memref<10240x128xf32, #tpu.memory_space<vmem_shared>> -> memref<32x128xf32, #tpu.memory_space<vmem_shared>>
    tpu.wait_dma2 semaphore(%arg18 : memref<!tpu.dma_semaphore, #tpu.memory_space<semaphore_mem>>) src(%arg12 : memref<32x128xf32, #tpu.memory_space<vmem>>) dst(%dma_wait3A_364 : memref<32x128xf32, #tpu.memory_space<vmem_shared>>)
    %mul3A_365 = arith.constant 640 : i32
    %mul3A_366 = arith.muli %arg1, %mul3A_365 : i32
    %add3A_367 = arith.constant 480 : i32
    %add3A_368 = arith.addi %mul3A_366, %add3A_367 : i32
    %dma_wait3A_369 = arith.constant 0 : i32
    %dma_wait3A_370 = tpu.memref_slice %arg13[%add3A_368, %dma_wait3A_369] : memref<10240x128xf32, #tpu.memory_space<vmem_shared>> -> memref<32x128xf32, #tpu.memory_space<vmem_shared>>
    %dma_wait3A_371 = arith.constant 0 : i32
    %dma_wait3A_372 = tpu.memref_slice %arg13[%add3A_368, %dma_wait3A_371] : memref<10240x128xf32, #tpu.memory_space<vmem_shared>> -> memref<32x128xf32, #tpu.memory_space<vmem_shared>>
    tpu.wait_dma2 semaphore(%arg18 : memref<!tpu.dma_semaphore, #tpu.memory_space<semaphore_mem>>) src(%arg12 : memref<32x128xf32, #tpu.memory_space<vmem>>) dst(%dma_wait3A_372 : memref<32x128xf32, #tpu.memory_space<vmem_shared>>)
    %mul3A_373 = arith.constant 640 : i32
    %mul3A_374 = arith.muli %arg1, %mul3A_373 : i32
    %add3A_375 = arith.constant 512 : i32
    %add3A_376 = arith.addi %mul3A_374, %add3A_375 : i32
    %dma_wait3A_377 = arith.constant 0 : i32
    %dma_wait3A_378 = tpu.memref_slice %arg13[%add3A_376, %dma_wait3A_377] : memref<10240x128xf32, #tpu.memory_space<vmem_shared>> -> memref<32x128xf32, #tpu.memory_space<vmem_shared>>
    %dma_wait3A_379 = arith.constant 0 : i32
    %dma_wait3A_380 = tpu.memref_slice %arg13[%add3A_376, %dma_wait3A_379] : memref<10240x128xf32, #tpu.memory_space<vmem_shared>> -> memref<32x128xf32, #tpu.memory_space<vmem_shared>>
    tpu.wait_dma2 semaphore(%arg18 : memref<!tpu.dma_semaphore, #tpu.memory_space<semaphore_mem>>) src(%arg12 : memref<32x128xf32, #tpu.memory_space<vmem>>) dst(%dma_wait3A_380 : memref<32x128xf32, #tpu.memory_space<vmem_shared>>)
    %mul3A_381 = arith.constant 640 : i32
    %mul3A_382 = arith.muli %arg1, %mul3A_381 : i32
    %add3A_383 = arith.constant 544 : i32
    %add3A_384 = arith.addi %mul3A_382, %add3A_383 : i32
    %dma_wait3A_385 = arith.constant 0 : i32
    %dma_wait3A_386 = tpu.memref_slice %arg13[%add3A_384, %dma_wait3A_385] : memref<10240x128xf32, #tpu.memory_space<vmem_shared>> -> memref<32x128xf32, #tpu.memory_space<vmem_shared>>
    %dma_wait3A_387 = arith.constant 0 : i32
    %dma_wait3A_388 = tpu.memref_slice %arg13[%add3A_384, %dma_wait3A_387] : memref<10240x128xf32, #tpu.memory_space<vmem_shared>> -> memref<32x128xf32, #tpu.memory_space<vmem_shared>>
    tpu.wait_dma2 semaphore(%arg18 : memref<!tpu.dma_semaphore, #tpu.memory_space<semaphore_mem>>) src(%arg12 : memref<32x128xf32, #tpu.memory_space<vmem>>) dst(%dma_wait3A_388 : memref<32x128xf32, #tpu.memory_space<vmem_shared>>)
    %mul3A_389 = arith.constant 640 : i32
    %mul3A_390 = arith.muli %arg1, %mul3A_389 : i32
    %add3A_391 = arith.constant 576 : i32
    %add3A_392 = arith.addi %mul3A_390, %add3A_391 : i32
    %dma_wait3A_393 = arith.constant 0 : i32
    %dma_wait3A_394 = tpu.memref_slice %arg13[%add3A_392, %dma_wait3A_393] : memref<10240x128xf32, #tpu.memory_space<vmem_shared>> -> memref<32x128xf32, #tpu.memory_space<vmem_shared>>
    %dma_wait3A_395 = arith.constant 0 : i32
    %dma_wait3A_396 = tpu.memref_slice %arg13[%add3A_392, %dma_wait3A_395] : memref<10240x128xf32, #tpu.memory_space<vmem_shared>> -> memref<32x128xf32, #tpu.memory_space<vmem_shared>>
    tpu.wait_dma2 semaphore(%arg18 : memref<!tpu.dma_semaphore, #tpu.memory_space<semaphore_mem>>) src(%arg12 : memref<32x128xf32, #tpu.memory_space<vmem>>) dst(%dma_wait3A_396 : memref<32x128xf32, #tpu.memory_space<vmem_shared>>)
    %mul3A_397 = arith.constant 640 : i32
    %mul3A_398 = arith.muli %arg1, %mul3A_397 : i32
    %add3A_399 = arith.constant 608 : i32
    %add3A_400 = arith.addi %mul3A_398, %add3A_399 : i32
    %dma_wait3A_401 = arith.constant 0 : i32
    %dma_wait3A_402 = tpu.memref_slice %arg13[%add3A_400, %dma_wait3A_401] : memref<10240x128xf32, #tpu.memory_space<vmem_shared>> -> memref<32x128xf32, #tpu.memory_space<vmem_shared>>
    %dma_wait3A_403 = arith.constant 0 : i32
    %dma_wait3A_404 = tpu.memref_slice %arg13[%add3A_400, %dma_wait3A_403] : memref<10240x128xf32, #tpu.memory_space<vmem_shared>> -> memref<32x128xf32, #tpu.memory_space<vmem_shared>>
    tpu.wait_dma2 semaphore(%arg18 : memref<!tpu.dma_semaphore, #tpu.memory_space<semaphore_mem>>) src(%arg12 : memref<32x128xf32, #tpu.memory_space<vmem>>) dst(%dma_wait3A_404 : memref<32x128xf32, #tpu.memory_space<vmem_shared>>)
    %barrier3A = arith.constant 0 : index
    tpu.barrier barrier_id(%barrier3A)
    %scan3A_405 = arith.constant 0 : i32
    %scan3A_406 = arith.constant 0 : i32
    %scan3A_407 = arith.constant 78 : i32
    %scan3A_408 = arith.addi %scan3A_406, %scan3A_407 : i32
    %scan3A_409 = arith.constant 1 : i32
    scf.for %scan3A_458 = %scan3A_406 to %scan3A_408 step %scan3A_409  : i32 {
      %rem3A_459 = arith.constant 2 : i32
      %rem3A_460 = arith.remsi %scan3A_458, %rem3A_459 : i32
      %sub3A = arith.constant 1 : i32
      %sub3A_461 = arith.subi %sub3A, %rem3A_460 : i32
      %rem3A_462 = arith.constant 4 : i32
      %rem3A_463 = arith.remsi %scan3A_458, %rem3A_462 : i32
      %dma_wait3A_464 = arith.constant 0 : i32
      %dma_wait3A_465 = arith.constant 0 : i32
      %dma_wait3A_466 = tpu.memref_slice %arg8[%rem3A_460, %dma_wait3A_464, %dma_wait3A_465] : memref<2x128x128xf32, #tpu.memory_space<vmem>> -> memref<1x128x128xf32, #tpu.memory_space<vmem>>
      %dma_wait3A_467 = tpu.memref_squeeze %dma_wait3A_466 : memref<1x128x128xf32, #tpu.memory_space<vmem>> -> memref<128x128xf32, #tpu.memory_space<vmem>>
      %dma_wait3A_468 = arith.constant 0 : i32
      %dma_wait3A_469 = tpu.memref_slice %arg6[%rem3A_460, %dma_wait3A_468] : memref<2x128xi32, #tpu.memory_space<vmem>> -> memref<1x128xi32, #tpu.memory_space<vmem>>
      %dma_wait3A_470 = tpu.memref_squeeze %dma_wait3A_469 : memref<1x128xi32, #tpu.memory_space<vmem>> -> memref<128xi32, #tpu.memory_space<vmem>>
      %dma_wait3A_471 = arith.constant 0 : i32
      %dma_wait3A_472 = arith.constant 0 : i32
      %dma_wait3A_473 = tpu.memref_slice %arg2[%dma_wait3A_471, %dma_wait3A_472] : memref<10000x128xf32, #tpu.memory_space<hbm>> -> memref<10000x128xf32, #tpu.memory_space<hbm>>
      tpu.wait_indirect_dma semaphore(%arg16 : memref<!tpu.dma_semaphore, #tpu.memory_space<semaphore_mem>>) src(%dma_wait3A_473 : memref<10000x128xf32, #tpu.memory_space<hbm>>) dst(%dma_wait3A_467 : memref<128x128xf32, #tpu.memory_space<vmem>>)
      %ge3A = arith.constant 1 : i32
      %ge3A_474 = arith.cmpi sge, %scan3A_458, %ge3A : i32
      %convert_element_type3A = arith.extui %ge3A_474 : i1 to i32
      %cond3A = arith.constant 0 : i32
      %cond3A_475 = arith.cmpi ne, %convert_element_type3A, %cond3A : i32
      scf.if %cond3A_475 {
        %sub3A_513 = arith.constant 1 : i32
        %sub3A_514 = arith.subi %scan3A_458, %sub3A_513 : i32
        %rem3A_515 = arith.constant 4 : i32
        %rem3A_516 = arith.remsi %sub3A_514, %rem3A_515 : i32
        %dma_wait3A_517 = arith.constant 0 : i32
        %dma_wait3A_518 = arith.constant 0 : i32
        %dma_wait3A_519 = tpu.memref_slice %arg8[%sub3A_461, %dma_wait3A_517, %dma_wait3A_518] : memref<2x128x128xf32, #tpu.memory_space<vmem>> -> memref<1x128x128xf32, #tpu.memory_space<vmem>>
        %dma_wait3A_520 = tpu.memref_squeeze %dma_wait3A_519 : memref<1x128x128xf32, #tpu.memory_space<vmem>> -> memref<128x128xf32, #tpu.memory_space<vmem>>
        %dma_wait3A_521 = arith.constant 0 : i32
        %dma_wait3A_522 = tpu.memref_slice %arg7[%rem3A_516, %dma_wait3A_521] : memref<4x128xi32, #tpu.memory_space<vmem>> -> memref<1x128xi32, #tpu.memory_space<vmem>>
        %dma_wait3A_523 = tpu.memref_squeeze %dma_wait3A_522 : memref<1x128xi32, #tpu.memory_space<vmem>> -> memref<128xi32, #tpu.memory_space<vmem>>
        %dma_wait3A_524 = arith.constant 0 : i32
        %dma_wait3A_525 = arith.constant 0 : i32
        %dma_wait3A_526 = tpu.memref_slice %arg13[%dma_wait3A_524, %dma_wait3A_525] : memref<10240x128xf32, #tpu.memory_space<vmem_shared>> -> memref<10240x128xf32, #tpu.memory_space<vmem_shared>>
        tpu.wait_indirect_dma semaphore(%arg17 : memref<!tpu.dma_semaphore, #tpu.memory_space<semaphore_mem>>) src(%dma_wait3A_520 : memref<128x128xf32, #tpu.memory_space<vmem>>) dst(%dma_wait3A_526 : memref<10240x128xf32, #tpu.memory_space<vmem_shared>>)
      } else {
      }
      %add3A_476 = arith.constant 1 : i32
      %add3A_477 = arith.addi %scan3A_458, %add3A_476 : i32
      %lt3A = arith.constant 78 : i32
      %lt3A_478 = arith.cmpi slt, %add3A_477, %lt3A : i32
      %convert_element_type3A_479 = arith.extui %lt3A_478 : i1 to i32
      %cond3A_480 = arith.constant 0 : i32
      %cond3A_481 = arith.cmpi ne, %convert_element_type3A_479, %cond3A_480 : i32
      scf.if %cond3A_481 {
        %add3A_513 = arith.constant 1 : i32
        %add3A_514 = arith.addi %scan3A_458, %add3A_513 : i32
        %mul3A_515 = arith.constant 10000 : i32
        %mul3A_516 = arith.muli %add3A, %mul3A_515 : i32
        %mul3A_517 = arith.constant 128 : i32
        %mul3A_518 = arith.muli %add3A_514, %mul3A_517 : i32
        %add3A_519 = arith.addi %mul3A_516, %mul3A_518 : i32
        %multiple_of3A_520 = tpu.assume_multiple %add3A_519, 8 : i32
        %dma_wait3A_521 = arith.constant 0 : i32
        %dma_wait3A_522 = tpu.memref_slice %arg6[%sub3A_461, %dma_wait3A_521] : memref<2x128xi32, #tpu.memory_space<vmem>> -> memref<1x128xi32, #tpu.memory_space<vmem>>
        %dma_wait3A_523 = tpu.memref_squeeze %dma_wait3A_522 : memref<1x128xi32, #tpu.memory_space<vmem>> -> memref<128xi32, #tpu.memory_space<vmem>>
        %dma_wait3A_524 = tpu.memref_slice %arg3[%multiple_of3A_520] : memref<320000xi32, #tpu.memory_space<hbm>> -> memref<128xi32, #tpu.memory_space<hbm>>
        %dma_wait3A_525 = arith.constant 0 : i32
        %dma_wait3A_526 = tpu.memref_slice %arg6[%sub3A_461, %dma_wait3A_525] : memref<2x128xi32, #tpu.memory_space<vmem>> -> memref<1x128xi32, #tpu.memory_space<vmem>>
        %dma_wait3A_527 = tpu.memref_squeeze %dma_wait3A_526 : memref<1x128xi32, #tpu.memory_space<vmem>> -> memref<128xi32, #tpu.memory_space<vmem>>
        %dma_wait3A_528 = tpu.memref_slice %arg3[%multiple_of3A_520] : memref<320000xi32, #tpu.memory_space<hbm>> -> memref<128xi32, #tpu.memory_space<hbm>>
        tpu.wait_dma2 semaphore(%arg14 : memref<!tpu.dma_semaphore, #tpu.memory_space<semaphore_mem>>) src(%dma_wait3A_528 : memref<128xi32, #tpu.memory_space<hbm>>) dst(%dma_wait3A_527 : memref<128xi32, #tpu.memory_space<vmem>>)
        %dma_start3A_529 = arith.constant 0 : i32
        %dma_start3A_530 = arith.constant 0 : i32
        %dma_start3A_531 = tpu.memref_slice %arg8[%sub3A_461, %dma_start3A_529, %dma_start3A_530] : memref<2x128x128xf32, #tpu.memory_space<vmem>> -> memref<1x128x128xf32, #tpu.memory_space<vmem>>
        %dma_start3A_532 = tpu.memref_squeeze %dma_start3A_531 : memref<1x128x128xf32, #tpu.memory_space<vmem>> -> memref<128x128xf32, #tpu.memory_space<vmem>>
        %dma_start3A_533 = arith.constant 0 : i32
        %dma_start3A_534 = tpu.memref_slice %arg6[%sub3A_461, %dma_start3A_533] : memref<2x128xi32, #tpu.memory_space<vmem>> -> memref<1x128xi32, #tpu.memory_space<vmem>>
        %dma_start3A_535 = tpu.memref_squeeze %dma_start3A_534 : memref<1x128xi32, #tpu.memory_space<vmem>> -> memref<128xi32, #tpu.memory_space<vmem>>
        %dma_start3A_536 = arith.constant 0 : i32
        %dma_start3A_537 = arith.constant 0 : i32
        %dma_start3A_538 = tpu.memref_slice %arg2[%dma_start3A_536, %dma_start3A_537] : memref<10000x128xf32, #tpu.memory_space<hbm>> -> memref<10000x128xf32, #tpu.memory_space<hbm>>
        tpu.enqueue_indirect_dma source(%dma_start3A_538 : memref<10000x128xf32, #tpu.memory_space<hbm>>) target(%dma_start3A_532 : memref<128x128xf32, #tpu.memory_space<vmem>>) offsets(%dma_start3A_535 : memref<128xi32, #tpu.memory_space<vmem>>) semaphore(%arg16 : memref<!tpu.dma_semaphore, #tpu.memory_space<semaphore_mem>>)
      } else {
      }
      %mul3A_482 = arith.constant 10000 : i32
      %mul3A_483 = arith.muli %add3A, %mul3A_482 : i32
      %mul3A_484 = arith.constant 128 : i32
      %mul3A_485 = arith.muli %scan3A_458, %mul3A_484 : i32
      %add3A_486 = arith.addi %mul3A_483, %mul3A_485 : i32
      %multiple_of3A_487 = tpu.assume_multiple %add3A_486, 8 : i32
      %dma_wait3A_488 = arith.constant 0 : i32
      %dma_wait3A_489 = tpu.memref_slice %arg7[%rem3A_463, %dma_wait3A_488] : memref<4x128xi32, #tpu.memory_space<vmem>> -> memref<1x128xi32, #tpu.memory_space<vmem>>
      %dma_wait3A_490 = tpu.memref_squeeze %dma_wait3A_489 : memref<1x128xi32, #tpu.memory_space<vmem>> -> memref<128xi32, #tpu.memory_space<vmem>>
      %dma_wait3A_491 = tpu.memref_slice %arg4[%multiple_of3A_487] : memref<320000xi32, #tpu.memory_space<hbm>> -> memref<128xi32, #tpu.memory_space<hbm>>
      %dma_wait3A_492 = arith.constant 0 : i32
      %dma_wait3A_493 = tpu.memref_slice %arg7[%rem3A_463, %dma_wait3A_492] : memref<4x128xi32, #tpu.memory_space<vmem>> -> memref<1x128xi32, #tpu.memory_space<vmem>>
      %dma_wait3A_494 = tpu.memref_squeeze %dma_wait3A_493 : memref<1x128xi32, #tpu.memory_space<vmem>> -> memref<128xi32, #tpu.memory_space<vmem>>
      %dma_wait3A_495 = tpu.memref_slice %arg4[%multiple_of3A_487] : memref<320000xi32, #tpu.memory_space<hbm>> -> memref<128xi32, #tpu.memory_space<hbm>>
      tpu.wait_dma2 semaphore(%arg15 : memref<!tpu.dma_semaphore, #tpu.memory_space<semaphore_mem>>) src(%dma_wait3A_495 : memref<128xi32, #tpu.memory_space<hbm>>) dst(%dma_wait3A_494 : memref<128xi32, #tpu.memory_space<vmem>>)
      %dma_start3A_496 = arith.constant 0 : i32
      %dma_start3A_497 = arith.constant 0 : i32
      %dma_start3A_498 = tpu.memref_slice %arg8[%rem3A_460, %dma_start3A_496, %dma_start3A_497] : memref<2x128x128xf32, #tpu.memory_space<vmem>> -> memref<1x128x128xf32, #tpu.memory_space<vmem>>
      %dma_start3A_499 = tpu.memref_squeeze %dma_start3A_498 : memref<1x128x128xf32, #tpu.memory_space<vmem>> -> memref<128x128xf32, #tpu.memory_space<vmem>>
      %dma_start3A_500 = arith.constant 0 : i32
      %dma_start3A_501 = tpu.memref_slice %arg7[%rem3A_463, %dma_start3A_500] : memref<4x128xi32, #tpu.memory_space<vmem>> -> memref<1x128xi32, #tpu.memory_space<vmem>>
      %dma_start3A_502 = tpu.memref_squeeze %dma_start3A_501 : memref<1x128xi32, #tpu.memory_space<vmem>> -> memref<128xi32, #tpu.memory_space<vmem>>
      %dma_start3A_503 = arith.constant 0 : i32
      %dma_start3A_504 = arith.constant 0 : i32
      %dma_start3A_505 = tpu.memref_slice %arg13[%dma_start3A_503, %dma_start3A_504] : memref<10240x128xf32, #tpu.memory_space<vmem_shared>> -> memref<10240x128xf32, #tpu.memory_space<vmem_shared>>
      tpu.enqueue_indirect_dma source(%dma_start3A_499 : memref<128x128xf32, #tpu.memory_space<vmem>>) target(%dma_start3A_505 : memref<10240x128xf32, #tpu.memory_space<vmem_shared>>) offsets(%dma_start3A_502 : memref<128xi32, #tpu.memory_space<vmem>>) semaphore(%arg17 : memref<!tpu.dma_semaphore, #tpu.memory_space<semaphore_mem>>) {add = true}
      %add3A_506 = arith.constant 2 : i32
      %add3A_507 = arith.addi %scan3A_458, %add3A_506 : i32
      %lt3A_508 = arith.constant 78 : i32
      %lt3A_509 = arith.cmpi slt, %add3A_507, %lt3A_508 : i32
      %convert_element_type3A_510 = arith.extui %lt3A_509 : i1 to i32
      %cond3A_511 = arith.constant 0 : i32
      %cond3A_512 = arith.cmpi ne, %convert_element_type3A_510, %cond3A_511 : i32
      scf.if %cond3A_512 {
        %add3A_513 = arith.constant 2 : i32
        %add3A_514 = arith.addi %scan3A_458, %add3A_513 : i32
        %add3A_515 = arith.constant 2 : i32
        %add3A_516 = arith.addi %scan3A_458, %add3A_515 : i32
        %rem3A_517 = arith.constant 4 : i32
        %rem3A_518 = arith.remsi %add3A_516, %rem3A_517 : i32
        %mul3A_519 = arith.constant 10000 : i32
        %mul3A_520 = arith.muli %add3A, %mul3A_519 : i32
        %mul3A_521 = arith.constant 128 : i32
        %mul3A_522 = arith.muli %add3A_514, %mul3A_521 : i32
        %add3A_523 = arith.addi %mul3A_520, %mul3A_522 : i32
        %multiple_of3A_524 = tpu.assume_multiple %add3A_523, 8 : i32
        %dma_start3A_525 = arith.constant 0 : i32
        %dma_start3A_526 = tpu.memref_slice %arg6[%rem3A_460, %dma_start3A_525] : memref<2x128xi32, #tpu.memory_space<vmem>> -> memref<1x128xi32, #tpu.memory_space<vmem>>
        %dma_start3A_527 = tpu.memref_squeeze %dma_start3A_526 : memref<1x128xi32, #tpu.memory_space<vmem>> -> memref<128xi32, #tpu.memory_space<vmem>>
        %dma_start3A_528 = tpu.memref_slice %arg3[%multiple_of3A_524] : memref<320000xi32, #tpu.memory_space<hbm>> -> memref<128xi32, #tpu.memory_space<hbm>>
        %dma_start3A_529 = arith.constant 0 : i32
        %dma_start3A_530 = tpu.memref_slice %arg6[%rem3A_460, %dma_start3A_529] : memref<2x128xi32, #tpu.memory_space<vmem>> -> memref<1x128xi32, #tpu.memory_space<vmem>>
        %dma_start3A_531 = tpu.memref_squeeze %dma_start3A_530 : memref<1x128xi32, #tpu.memory_space<vmem>> -> memref<128xi32, #tpu.memory_space<vmem>>
        %dma_start3A_532 = tpu.memref_slice %arg3[%multiple_of3A_524] : memref<320000xi32, #tpu.memory_space<hbm>> -> memref<128xi32, #tpu.memory_space<hbm>>
        tpu.enqueue_dma source(%dma_start3A_532 : memref<128xi32, #tpu.memory_space<hbm>>) target(%dma_start3A_531 : memref<128xi32, #tpu.memory_space<vmem>>) target_semaphore(%arg14 : memref<!tpu.dma_semaphore, #tpu.memory_space<semaphore_mem>>)
        %mul3A_533 = arith.constant 10000 : i32
        %mul3A_534 = arith.muli %add3A, %mul3A_533 : i32
        %mul3A_535 = arith.constant 128 : i32
        %mul3A_536 = arith.muli %add3A_514, %mul3A_535 : i32
        %add3A_537 = arith.addi %mul3A_534, %mul3A_536 : i32
        %multiple_of3A_538 = tpu.assume_multiple %add3A_537, 8 : i32
        %dma_start3A_539 = arith.constant 0 : i32
        %dma_start3A_540 = tpu.memref_slice %arg7[%rem3A_518, %dma_start3A_539] : memref<4x128xi32, #tpu.memory_space<vmem>> -> memref<1x128xi32, #tpu.memory_space<vmem>>
        %dma_start3A_541 = tpu.memref_squeeze %dma_start3A_540 : memref<1x128xi32, #tpu.memory_space<vmem>> -> memref<128xi32, #tpu.memory_space<vmem>>
        %dma_start3A_542 = tpu.memref_slice %arg4[%multiple_of3A_538] : memref<320000xi32, #tpu.memory_space<hbm>> -> memref<128xi32, #tpu.memory_space<hbm>>
        %dma_start3A_543 = arith.constant 0 : i32
        %dma_start3A_544 = tpu.memref_slice %arg7[%rem3A_518, %dma_start3A_543] : memref<4x128xi32, #tpu.memory_space<vmem>> -> memref<1x128xi32, #tpu.memory_space<vmem>>
        %dma_start3A_545 = tpu.memref_squeeze %dma_start3A_544 : memref<1x128xi32, #tpu.memory_space<vmem>> -> memref<128xi32, #tpu.memory_space<vmem>>
        %dma_start3A_546 = tpu.memref_slice %arg4[%multiple_of3A_538] : memref<320000xi32, #tpu.memory_space<hbm>> -> memref<128xi32, #tpu.memory_space<hbm>>
        tpu.enqueue_dma source(%dma_start3A_546 : memref<128xi32, #tpu.memory_space<hbm>>) target(%dma_start3A_545 : memref<128xi32, #tpu.memory_space<vmem>>) target_semaphore(%arg15 : memref<!tpu.dma_semaphore, #tpu.memory_space<semaphore_mem>>)
      } else {
      }
    }
    %scan3A_410 = arith.constant 78 : i32
    %rem3A = arith.constant 77 : i32
    %rem3A_411 = arith.constant 2 : i32
    %rem3A_412 = arith.remsi %rem3A, %rem3A_411 : i32
    %rem3A_413 = arith.constant 77 : i32
    %rem3A_414 = arith.constant 4 : i32
    %rem3A_415 = arith.remsi %rem3A_413, %rem3A_414 : i32
    %dma_wait3A_416 = arith.constant 0 : i32
    %dma_wait3A_417 = arith.constant 0 : i32
    %dma_wait3A_418 = tpu.memref_slice %arg8[%rem3A_412, %dma_wait3A_416, %dma_wait3A_417] : memref<2x128x128xf32, #tpu.memory_space<vmem>> -> memref<1x128x128xf32, #tpu.memory_space<vmem>>
    %dma_wait3A_419 = tpu.memref_squeeze %dma_wait3A_418 : memref<1x128x128xf32, #tpu.memory_space<vmem>> -> memref<128x128xf32, #tpu.memory_space<vmem>>
    %dma_wait3A_420 = arith.constant 0 : i32
    %dma_wait3A_421 = tpu.memref_slice %arg7[%rem3A_415, %dma_wait3A_420] : memref<4x128xi32, #tpu.memory_space<vmem>> -> memref<1x128xi32, #tpu.memory_space<vmem>>
    %dma_wait3A_422 = tpu.memref_squeeze %dma_wait3A_421 : memref<1x128xi32, #tpu.memory_space<vmem>> -> memref<128xi32, #tpu.memory_space<vmem>>
    %dma_wait3A_423 = arith.constant 0 : i32
    %dma_wait3A_424 = arith.constant 0 : i32
    %dma_wait3A_425 = tpu.memref_slice %arg13[%dma_wait3A_423, %dma_wait3A_424] : memref<10240x128xf32, #tpu.memory_space<vmem_shared>> -> memref<10240x128xf32, #tpu.memory_space<vmem_shared>>
    tpu.wait_indirect_dma semaphore(%arg17 : memref<!tpu.dma_semaphore, #tpu.memory_space<semaphore_mem>>) src(%dma_wait3A_419 : memref<128x128xf32, #tpu.memory_space<vmem>>) dst(%dma_wait3A_425 : memref<10240x128xf32, #tpu.memory_space<vmem_shared>>)
    %mul3A_426 = arith.constant 10000 : i32
    %mul3A_427 = arith.muli %add3A, %mul3A_426 : i32
    %add3A_428 = arith.constant 9984 : i32
    %add3A_429 = arith.addi %mul3A_427, %add3A_428 : i32
    %multiple_of3A_430 = tpu.assume_multiple %add3A_429, 8 : i32
    "tpu.region"() ({
      %run_scoped3A = tpu.sem_alloc : memref<!tpu.dma_semaphore, #tpu.memory_space<semaphore_mem>>
      %dma_start3A_458 = tpu.memref_slice %arg3[%multiple_of3A_430] : memref<320000xi32, #tpu.memory_space<hbm>> -> memref<16xi32, #tpu.memory_space<hbm>>
      %dma_start3A_459 = tpu.memref_slice %arg3[%multiple_of3A_430] : memref<320000xi32, #tpu.memory_space<hbm>> -> memref<16xi32, #tpu.memory_space<hbm>>
      tpu.enqueue_dma source(%dma_start3A_459 : memref<16xi32, #tpu.memory_space<hbm>>) target(%arg9 : memref<16xi32, #tpu.memory_space<vmem>>) target_semaphore(%run_scoped3A : memref<!tpu.dma_semaphore, #tpu.memory_space<semaphore_mem>>)
      %dma_wait3A_460 = tpu.memref_slice %arg3[%multiple_of3A_430] : memref<320000xi32, #tpu.memory_space<hbm>> -> memref<16xi32, #tpu.memory_space<hbm>>
      %dma_wait3A_461 = tpu.memref_slice %arg3[%multiple_of3A_430] : memref<320000xi32, #tpu.memory_space<hbm>> -> memref<16xi32, #tpu.memory_space<hbm>>
      tpu.wait_dma2 semaphore(%run_scoped3A : memref<!tpu.dma_semaphore, #tpu.memory_space<semaphore_mem>>) src(%dma_wait3A_461 : memref<16xi32, #tpu.memory_space<hbm>>) dst(%arg9 : memref<16xi32, #tpu.memory_space<vmem>>)
      tpu.yield
    }) : () -> ()
    "tpu.region"() ({
      %run_scoped3A = tpu.sem_alloc : memref<!tpu.dma_semaphore, #tpu.memory_space<semaphore_mem>>
      %dma_start3A_458 = tpu.memref_slice %arg4[%multiple_of3A_430] : memref<320000xi32, #tpu.memory_space<hbm>> -> memref<16xi32, #tpu.memory_space<hbm>>
      %dma_start3A_459 = tpu.memref_slice %arg4[%multiple_of3A_430] : memref<320000xi32, #tpu.memory_space<hbm>> -> memref<16xi32, #tpu.memory_space<hbm>>
      tpu.enqueue_dma source(%dma_start3A_459 : memref<16xi32, #tpu.memory_space<hbm>>) target(%arg10 : memref<16xi32, #tpu.memory_space<vmem>>) target_semaphore(%run_scoped3A : memref<!tpu.dma_semaphore, #tpu.memory_space<semaphore_mem>>)
      %dma_wait3A_460 = tpu.memref_slice %arg4[%multiple_of3A_430] : memref<320000xi32, #tpu.memory_space<hbm>> -> memref<16xi32, #tpu.memory_space<hbm>>
      %dma_wait3A_461 = tpu.memref_slice %arg4[%multiple_of3A_430] : memref<320000xi32, #tpu.memory_space<hbm>> -> memref<16xi32, #tpu.memory_space<hbm>>
      tpu.wait_dma2 semaphore(%run_scoped3A : memref<!tpu.dma_semaphore, #tpu.memory_space<semaphore_mem>>) src(%dma_wait3A_461 : memref<16xi32, #tpu.memory_space<hbm>>) dst(%arg10 : memref<16xi32, #tpu.memory_space<vmem>>)
      tpu.yield
    }) : () -> ()
    %dma_start3A_431 = arith.constant 0 : i32
    %dma_start3A_432 = arith.constant 0 : i32
    %dma_start3A_433 = tpu.memref_slice %arg2[%dma_start3A_431, %dma_start3A_432] : memref<10000x128xf32, #tpu.memory_space<hbm>> -> memref<10000x128xf32, #tpu.memory_space<hbm>>
    tpu.enqueue_indirect_dma source(%dma_start3A_433 : memref<10000x128xf32, #tpu.memory_space<hbm>>) target(%arg11 : memref<16x128xf32, #tpu.memory_space<vmem>>) offsets(%arg9 : memref<16xi32, #tpu.memory_space<vmem>>) semaphore(%arg16 : memref<!tpu.dma_semaphore, #tpu.memory_space<semaphore_mem>>)
    %dma_wait3A_434 = arith.constant 0 : i32
    %dma_wait3A_435 = arith.constant 0 : i32
    %dma_wait3A_436 = tpu.memref_slice %arg2[%dma_wait3A_434, %dma_wait3A_435] : memref<10000x128xf32, #tpu.memory_space<hbm>> -> memref<10000x128xf32, #tpu.memory_space<hbm>>
    tpu.wait_indirect_dma semaphore(%arg16 : memref<!tpu.dma_semaphore, #tpu.memory_space<semaphore_mem>>) src(%dma_wait3A_436 : memref<10000x128xf32, #tpu.memory_space<hbm>>) dst(%arg11 : memref<16x128xf32, #tpu.memory_space<vmem>>)
    "tpu.region"() ({
      %run_scoped3A = tpu.sem_alloc : memref<!tpu.dma_semaphore, #tpu.memory_space<semaphore_mem>>
      %dma_start3A_458 = arith.constant 0 : i32
      %dma_start3A_459 = arith.constant 0 : i32
      %dma_start3A_460 = tpu.memref_slice %arg13[%dma_start3A_458, %dma_start3A_459] : memref<10240x128xf32, #tpu.memory_space<vmem_shared>> -> memref<10240x128xf32, #tpu.memory_space<vmem_shared>>
      tpu.enqueue_indirect_dma source(%arg11 : memref<16x128xf32, #tpu.memory_space<vmem>>) target(%dma_start3A_460 : memref<10240x128xf32, #tpu.memory_space<vmem_shared>>) offsets(%arg10 : memref<16xi32, #tpu.memory_space<vmem>>) semaphore(%run_scoped3A : memref<!tpu.dma_semaphore, #tpu.memory_space<semaphore_mem>>) {add = true}
      %dma_wait3A_461 = arith.constant 0 : i32
      %dma_wait3A_462 = arith.constant 0 : i32
      %dma_wait3A_463 = tpu.memref_slice %arg13[%dma_wait3A_461, %dma_wait3A_462] : memref<10240x128xf32, #tpu.memory_space<vmem_shared>> -> memref<10240x128xf32, #tpu.memory_space<vmem_shared>>
      tpu.wait_indirect_dma semaphore(%run_scoped3A : memref<!tpu.dma_semaphore, #tpu.memory_space<semaphore_mem>>) src(%arg11 : memref<16x128xf32, #tpu.memory_space<vmem>>) dst(%dma_wait3A_463 : memref<10240x128xf32, #tpu.memory_space<vmem_shared>>)
      tpu.yield
    }) : () -> ()
    %barrier3A_437 = arith.constant 0 : index
    tpu.barrier barrier_id(%barrier3A_437)
    %mul3A_438 = arith.constant 640 : i32
    %mul3A_439 = arith.muli %arg1, %mul3A_438 : i32
    %add3A_440 = arith.constant 0 : i32
    %add3A_441 = arith.addi %mul3A_439, %add3A_440 : i32
    "tpu.region"() ({
      %run_scoped3A = tpu.sem_alloc : memref<!tpu.dma_semaphore, #tpu.memory_space<semaphore_mem>>
      %dma_start3A_458 = arith.constant 0 : i32
      %dma_start3A_459 = tpu.memref_slice %arg5[%arg0, %add3A_441, %dma_start3A_458] : memref<2x10240x128xf32, #tpu.memory_space<hbm>> -> memref<1x128x128xf32, #tpu.memory_space<hbm>>
      %dma_start3A_460 = tpu.memref_squeeze %dma_start3A_459 : memref<1x128x128xf32, #tpu.memory_space<hbm>> -> memref<128x128xf32, #tpu.memory_space<hbm>>
      %dma_start3A_461 = arith.constant 0 : i32
      %dma_start3A_462 = tpu.memref_slice %arg13[%add3A_441, %dma_start3A_461] : memref<10240x128xf32, #tpu.memory_space<vmem_shared>> -> memref<128x128xf32, #tpu.memory_space<vmem_shared>>
      tpu.enqueue_dma source(%dma_start3A_462 : memref<128x128xf32, #tpu.memory_space<vmem_shared>>) target(%dma_start3A_460 : memref<128x128xf32, #tpu.memory_space<hbm>>) target_semaphore(%run_scoped3A : memref<!tpu.dma_semaphore, #tpu.memory_space<semaphore_mem>>)
      %dma_wait3A_463 = arith.constant 0 : i32
      %dma_wait3A_464 = tpu.memref_slice %arg5[%arg0, %add3A_441, %dma_wait3A_463] : memref<2x10240x128xf32, #tpu.memory_space<hbm>> -> memref<1x128x128xf32, #tpu.memory_space<hbm>>
      %dma_wait3A_465 = tpu.memref_squeeze %dma_wait3A_464 : memref<1x128x128xf32, #tpu.memory_space<hbm>> -> memref<128x128xf32, #tpu.memory_space<hbm>>
      %dma_wait3A_466 = arith.constant 0 : i32
      %dma_wait3A_467 = tpu.memref_slice %arg13[%add3A_441, %dma_wait3A_466] : memref<10240x128xf32, #tpu.memory_space<vmem_shared>> -> memref<128x128xf32, #tpu.memory_space<vmem_shared>>
      tpu.wait_dma2 semaphore(%run_scoped3A : memref<!tpu.dma_semaphore, #tpu.memory_space<semaphore_mem>>) src(%dma_wait3A_467 : memref<128x128xf32, #tpu.memory_space<vmem_shared>>) dst(%dma_wait3A_465 : memref<128x128xf32, #tpu.memory_space<hbm>>)
      tpu.yield
    }) : () -> ()
    %mul3A_442 = arith.constant 640 : i32
    %mul3A_443 = arith.muli %arg1, %mul3A_442 : i32
    %add3A_444 = arith.constant 128 : i32
    %add3A_445 = arith.addi %mul3A_443, %add3A_444 : i32
    "tpu.region"() ({
      %run_scoped3A = tpu.sem_alloc : memref<!tpu.dma_semaphore, #tpu.memory_space<semaphore_mem>>
      %dma_start3A_458 = arith.constant 0 : i32
      %dma_start3A_459 = tpu.memref_slice %arg5[%arg0, %add3A_445, %dma_start3A_458] : memref<2x10240x128xf32, #tpu.memory_space<hbm>> -> memref<1x128x128xf32, #tpu.memory_space<hbm>>
      %dma_start3A_460 = tpu.memref_squeeze %dma_start3A_459 : memref<1x128x128xf32, #tpu.memory_space<hbm>> -> memref<128x128xf32, #tpu.memory_space<hbm>>
      %dma_start3A_461 = arith.constant 0 : i32
      %dma_start3A_462 = tpu.memref_slice %arg13[%add3A_445, %dma_start3A_461] : memref<10240x128xf32, #tpu.memory_space<vmem_shared>> -> memref<128x128xf32, #tpu.memory_space<vmem_shared>>
      tpu.enqueue_dma source(%dma_start3A_462 : memref<128x128xf32, #tpu.memory_space<vmem_shared>>) target(%dma_start3A_460 : memref<128x128xf32, #tpu.memory_space<hbm>>) target_semaphore(%run_scoped3A : memref<!tpu.dma_semaphore, #tpu.memory_space<semaphore_mem>>)
      %dma_wait3A_463 = arith.constant 0 : i32
      %dma_wait3A_464 = tpu.memref_slice %arg5[%arg0, %add3A_445, %dma_wait3A_463] : memref<2x10240x128xf32, #tpu.memory_space<hbm>> -> memref<1x128x128xf32, #tpu.memory_space<hbm>>
      %dma_wait3A_465 = tpu.memref_squeeze %dma_wait3A_464 : memref<1x128x128xf32, #tpu.memory_space<hbm>> -> memref<128x128xf32, #tpu.memory_space<hbm>>
      %dma_wait3A_466 = arith.constant 0 : i32
      %dma_wait3A_467 = tpu.memref_slice %arg13[%add3A_445, %dma_wait3A_466] : memref<10240x128xf32, #tpu.memory_space<vmem_shared>> -> memref<128x128xf32, #tpu.memory_space<vmem_shared>>
      tpu.wait_dma2 semaphore(%run_scoped3A : memref<!tpu.dma_semaphore, #tpu.memory_space<semaphore_mem>>) src(%dma_wait3A_467 : memref<128x128xf32, #tpu.memory_space<vmem_shared>>) dst(%dma_wait3A_465 : memref<128x128xf32, #tpu.memory_space<hbm>>)
      tpu.yield
    }) : () -> ()
    %mul3A_446 = arith.constant 640 : i32
    %mul3A_447 = arith.muli %arg1, %mul3A_446 : i32
    %add3A_448 = arith.constant 256 : i32
    %add3A_449 = arith.addi %mul3A_447, %add3A_448 : i32
    "tpu.region"() ({
      %run_scoped3A = tpu.sem_alloc : memref<!tpu.dma_semaphore, #tpu.memory_space<semaphore_mem>>
      %dma_start3A_458 = arith.constant 0 : i32
      %dma_start3A_459 = tpu.memref_slice %arg5[%arg0, %add3A_449, %dma_start3A_458] : memref<2x10240x128xf32, #tpu.memory_space<hbm>> -> memref<1x128x128xf32, #tpu.memory_space<hbm>>
      %dma_start3A_460 = tpu.memref_squeeze %dma_start3A_459 : memref<1x128x128xf32, #tpu.memory_space<hbm>> -> memref<128x128xf32, #tpu.memory_space<hbm>>
      %dma_start3A_461 = arith.constant 0 : i32
      %dma_start3A_462 = tpu.memref_slice %arg13[%add3A_449, %dma_start3A_461] : memref<10240x128xf32, #tpu.memory_space<vmem_shared>> -> memref<128x128xf32, #tpu.memory_space<vmem_shared>>
      tpu.enqueue_dma source(%dma_start3A_462 : memref<128x128xf32, #tpu.memory_space<vmem_shared>>) target(%dma_start3A_460 : memref<128x128xf32, #tpu.memory_space<hbm>>) target_semaphore(%run_scoped3A : memref<!tpu.dma_semaphore, #tpu.memory_space<semaphore_mem>>)
      %dma_wait3A_463 = arith.constant 0 : i32
      %dma_wait3A_464 = tpu.memref_slice %arg5[%arg0, %add3A_449, %dma_wait3A_463] : memref<2x10240x128xf32, #tpu.memory_space<hbm>> -> memref<1x128x128xf32, #tpu.memory_space<hbm>>
      %dma_wait3A_465 = tpu.memref_squeeze %dma_wait3A_464 : memref<1x128x128xf32, #tpu.memory_space<hbm>> -> memref<128x128xf32, #tpu.memory_space<hbm>>
      %dma_wait3A_466 = arith.constant 0 : i32
      %dma_wait3A_467 = tpu.memref_slice %arg13[%add3A_449, %dma_wait3A_466] : memref<10240x128xf32, #tpu.memory_space<vmem_shared>> -> memref<128x128xf32, #tpu.memory_space<vmem_shared>>
      tpu.wait_dma2 semaphore(%run_scoped3A : memref<!tpu.dma_semaphore, #tpu.memory_space<semaphore_mem>>) src(%dma_wait3A_467 : memref<128x128xf32, #tpu.memory_space<vmem_shared>>) dst(%dma_wait3A_465 : memref<128x128xf32, #tpu.memory_space<hbm>>)
      tpu.yield
    }) : () -> ()
    %mul3A_450 = arith.constant 640 : i32
    %mul3A_451 = arith.muli %arg1, %mul3A_450 : i32
    %add3A_452 = arith.constant 384 : i32
    %add3A_453 = arith.addi %mul3A_451, %add3A_452 : i32
    "tpu.region"() ({
      %run_scoped3A = tpu.sem_alloc : memref<!tpu.dma_semaphore, #tpu.memory_space<semaphore_mem>>
      %dma_start3A_458 = arith.constant 0 : i32
      %dma_start3A_459 = tpu.memref_slice %arg5[%arg0, %add3A_453, %dma_start3A_458] : memref<2x10240x128xf32, #tpu.memory_space<hbm>> -> memref<1x128x128xf32, #tpu.memory_space<hbm>>
      %dma_start3A_460 = tpu.memref_squeeze %dma_start3A_459 : memref<1x128x128xf32, #tpu.memory_space<hbm>> -> memref<128x128xf32, #tpu.memory_space<hbm>>
      %dma_start3A_461 = arith.constant 0 : i32
      %dma_start3A_462 = tpu.memref_slice %arg13[%add3A_453, %dma_start3A_461] : memref<10240x128xf32, #tpu.memory_space<vmem_shared>> -> memref<128x128xf32, #tpu.memory_space<vmem_shared>>
      tpu.enqueue_dma source(%dma_start3A_462 : memref<128x128xf32, #tpu.memory_space<vmem_shared>>) target(%dma_start3A_460 : memref<128x128xf32, #tpu.memory_space<hbm>>) target_semaphore(%run_scoped3A : memref<!tpu.dma_semaphore, #tpu.memory_space<semaphore_mem>>)
      %dma_wait3A_463 = arith.constant 0 : i32
      %dma_wait3A_464 = tpu.memref_slice %arg5[%arg0, %add3A_453, %dma_wait3A_463] : memref<2x10240x128xf32, #tpu.memory_space<hbm>> -> memref<1x128x128xf32, #tpu.memory_space<hbm>>
      %dma_wait3A_465 = tpu.memref_squeeze %dma_wait3A_464 : memref<1x128x128xf32, #tpu.memory_space<hbm>> -> memref<128x128xf32, #tpu.memory_space<hbm>>
      %dma_wait3A_466 = arith.constant 0 : i32
      %dma_wait3A_467 = tpu.memref_slice %arg13[%add3A_453, %dma_wait3A_466] : memref<10240x128xf32, #tpu.memory_space<vmem_shared>> -> memref<128x128xf32, #tpu.memory_space<vmem_shared>>
      tpu.wait_dma2 semaphore(%run_scoped3A : memref<!tpu.dma_semaphore, #tpu.memory_space<semaphore_mem>>) src(%dma_wait3A_467 : memref<128x128xf32, #tpu.memory_space<vmem_shared>>) dst(%dma_wait3A_465 : memref<128x128xf32, #tpu.memory_space<hbm>>)
      tpu.yield
    }) : () -> ()
    %mul3A_454 = arith.constant 640 : i32
    %mul3A_455 = arith.muli %arg1, %mul3A_454 : i32
    %add3A_456 = arith.constant 512 : i32
    %add3A_457 = arith.addi %mul3A_455, %add3A_456 : i32
    "tpu.region"() ({
      %run_scoped3A = tpu.sem_alloc : memref<!tpu.dma_semaphore, #tpu.memory_space<semaphore_mem>>
      %dma_start3A_458 = arith.constant 0 : i32
      %dma_start3A_459 = tpu.memref_slice %arg5[%arg0, %add3A_457, %dma_start3A_458] : memref<2x10240x128xf32, #tpu.memory_space<hbm>> -> memref<1x128x128xf32, #tpu.memory_space<hbm>>
      %dma_start3A_460 = tpu.memref_squeeze %dma_start3A_459 : memref<1x128x128xf32, #tpu.memory_space<hbm>> -> memref<128x128xf32, #tpu.memory_space<hbm>>
      %dma_start3A_461 = arith.constant 0 : i32
      %dma_start3A_462 = tpu.memref_slice %arg13[%add3A_457, %dma_start3A_461] : memref<10240x128xf32, #tpu.memory_space<vmem_shared>> -> memref<128x128xf32, #tpu.memory_space<vmem_shared>>
      tpu.enqueue_dma source(%dma_start3A_462 : memref<128x128xf32, #tpu.memory_space<vmem_shared>>) target(%dma_start3A_460 : memref<128x128xf32, #tpu.memory_space<hbm>>) target_semaphore(%run_scoped3A : memref<!tpu.dma_semaphore, #tpu.memory_space<semaphore_mem>>)
      %dma_wait3A_463 = arith.constant 0 : i32
      %dma_wait3A_464 = tpu.memref_slice %arg5[%arg0, %add3A_457, %dma_wait3A_463] : memref<2x10240x128xf32, #tpu.memory_space<hbm>> -> memref<1x128x128xf32, #tpu.memory_space<hbm>>
      %dma_wait3A_465 = tpu.memref_squeeze %dma_wait3A_464 : memref<1x128x128xf32, #tpu.memory_space<hbm>> -> memref<128x128xf32, #tpu.memory_space<hbm>>
      %dma_wait3A_466 = arith.constant 0 : i32
      %dma_wait3A_467 = tpu.memref_slice %arg13[%add3A_457, %dma_wait3A_466] : memref<10240x128xf32, #tpu.memory_space<vmem_shared>> -> memref<128x128xf32, #tpu.memory_space<vmem_shared>>
      tpu.wait_dma2 semaphore(%run_scoped3A : memref<!tpu.dma_semaphore, #tpu.memory_space<semaphore_mem>>) src(%dma_wait3A_467 : memref<128x128xf32, #tpu.memory_space<vmem_shared>>) dst(%dma_wait3A_465 : memref<128x128xf32, #tpu.memory_space<hbm>>)
      tpu.yield
    }) : () -> ()
    return
  }
}

#map = affine_map<(d0, d1) -> (0)>
#map1 = affine_map<(d0, d1) -> (0, 0)>
module attributes {stable_mosaic.version = 14 : i64} {
  func.func @_deg_kernel(%arg0: i32, %arg1: i32, %arg2: memref<320000xi32, #tpu.memory_space<hbm>>, %arg3: memref<2x10240xf32, #tpu.memory_space<hbm>>, %arg4: memref<4x128xi32, #tpu.memory_space<vmem>>, %arg5: memref<128xf32, #tpu.memory_space<vmem>>, %arg6: memref<16xi32, #tpu.memory_space<vmem>>, %arg7: memref<16xf32, #tpu.memory_space<vmem>>, %arg8: memref<640xf32, #tpu.memory_space<vmem>>, %arg9: memref<10240xf32, #tpu.memory_space<vmem_shared>>, %arg10: memref<!tpu.dma_semaphore, #tpu.memory_space<semaphore_mem>>, %arg11: memref<!tpu.dma_semaphore, #tpu.memory_space<semaphore_mem>>) attributes {dimension_semantics = [#tpu.dimension_semantics<core_parallel>, #tpu.dimension_semantics<subcore_parallel>], iteration_bounds = array<i64: 2, 16>, scalar_prefetch = 0 : i64, scratch_operands = 8 : i64, tpu.core_type = #tpu.core_type<sc_vector_subcore>, window_params = [{transform_indices = #map}, {transform_indices = #map1}]} {
    %mul3A = arith.constant 2 : i32
    %mul3A_0 = arith.muli %arg1, %mul3A : i32
    %add3A = arith.addi %mul3A_0, %arg0 : i32
    %scan3A = arith.constant 0 : i32
    %scan3A_1 = arith.constant 0 : i32
    %scan3A_2 = arith.constant 40 : i32
    %scan3A_3 = arith.addi %scan3A_1, %scan3A_2 : i32
    %scan3A_4 = arith.constant 1 : i32
    scf.for %scan3A_74 = %scan3A_1 to %scan3A_3 step %scan3A_4  : i32 {
      %broadcast_in_dim3A_75 = arith.constant 0.000000e+00 : f32
      %broadcast_in_dim3A_76 = vector.broadcast %broadcast_in_dim3A_75 : f32 to vector<16xf32>
      %mul3A_77 = arith.constant 16 : i32
      %mul3A_78 = arith.muli %scan3A_74, %mul3A_77 : i32
      %swap3A_79 = arith.index_cast %mul3A_78 : i32 to index
      %swap3A_80 = tpu.vector_load %arg8[%swap3A_79] {strides = array<i32>} : memref<640xf32, #tpu.memory_space<vmem>>, vector<16xf32>,
      %swap3A_81 = vector.shape_cast %swap3A_80 : vector<16xf32> to vector<16xf32>
      %swap3A_82 = vector.shape_cast %broadcast_in_dim3A_76 : vector<16xf32> to vector<16xf32>
      tpu.vector_store %arg8[%swap3A_79], %swap3A_82 {strides = array<i32>} : memref<640xf32, #tpu.memory_space<vmem>>, vector<16xf32>,
    }
    %scan3A_5 = arith.constant 40 : i32
    %scan3A_6 = arith.constant 0 : i32
    %scan3A_7 = arith.constant 0 : i32
    %scan3A_8 = arith.constant 8 : i32
    %scan3A_9 = arith.addi %scan3A_7, %scan3A_8 : i32
    %scan3A_10 = arith.constant 1 : i32
    scf.for %scan3A_74 = %scan3A_7 to %scan3A_9 step %scan3A_10  : i32 {
      %broadcast_in_dim3A_75 = arith.constant 1.000000e+00 : f32
      %broadcast_in_dim3A_76 = vector.broadcast %broadcast_in_dim3A_75 : f32 to vector<16xf32>
      %mul3A_77 = arith.constant 16 : i32
      %mul3A_78 = arith.muli %scan3A_74, %mul3A_77 : i32
      %swap3A_79 = arith.index_cast %mul3A_78 : i32 to index
      %swap3A_80 = tpu.vector_load %arg5[%swap3A_79] {strides = array<i32>} : memref<128xf32, #tpu.memory_space<vmem>>, vector<16xf32>,
      %swap3A_81 = vector.shape_cast %swap3A_80 : vector<16xf32> to vector<16xf32>
      %swap3A_82 = vector.shape_cast %broadcast_in_dim3A_76 : vector<16xf32> to vector<16xf32>
      tpu.vector_store %arg5[%swap3A_79], %swap3A_82 {strides = array<i32>} : memref<128xf32, #tpu.memory_space<vmem>>, vector<16xf32>,
    }
    %scan3A_11 = arith.constant 8 : i32
    %broadcast_in_dim3A = arith.constant 1.000000e+00 : f32
    %broadcast_in_dim3A_12 = vector.broadcast %broadcast_in_dim3A : f32 to vector<16xf32>
    %swap3A = arith.constant 0 : index
    %swap3A_13 = tpu.vector_load %arg7[%swap3A] {strides = array<i32>} : memref<16xf32, #tpu.memory_space<vmem>>, vector<16xf32>,
    %swap3A_14 = vector.shape_cast %swap3A_13 : vector<16xf32> to vector<16xf32>
    %swap3A_15 = vector.shape_cast %broadcast_in_dim3A_12 : vector<16xf32> to vector<16xf32>
    tpu.vector_store %arg7[%swap3A], %swap3A_15 {strides = array<i32>} : memref<16xf32, #tpu.memory_space<vmem>>, vector<16xf32>,
    %mul3A_16 = arith.constant 640 : i32
    %mul3A_17 = arith.muli %arg1, %mul3A_16 : i32
    "tpu.region"() ({
      %run_scoped3A = tpu.sem_alloc : memref<!tpu.dma_semaphore, #tpu.memory_space<semaphore_mem>>
      %dma_start3A_74 = tpu.memref_slice %arg9[%mul3A_17] : memref<10240xf32, #tpu.memory_space<vmem_shared>> -> memref<640xf32, #tpu.memory_space<vmem_shared>>
      %dma_start3A_75 = tpu.memref_slice %arg9[%mul3A_17] : memref<10240xf32, #tpu.memory_space<vmem_shared>> -> memref<640xf32, #tpu.memory_space<vmem_shared>>
      tpu.enqueue_dma source(%arg8 : memref<640xf32, #tpu.memory_space<vmem>>) target(%dma_start3A_75 : memref<640xf32, #tpu.memory_space<vmem_shared>>) target_semaphore(%run_scoped3A : memref<!tpu.dma_semaphore, #tpu.memory_space<semaphore_mem>>)
      %dma_wait3A_76 = tpu.memref_slice %arg9[%mul3A_17] : memref<10240xf32, #tpu.memory_space<vmem_shared>> -> memref<640xf32, #tpu.memory_space<vmem_shared>>
      %dma_wait3A_77 = tpu.memref_slice %arg9[%mul3A_17] : memref<10240xf32, #tpu.memory_space<vmem_shared>> -> memref<640xf32, #tpu.memory_space<vmem_shared>>
      tpu.wait_dma2 semaphore(%run_scoped3A : memref<!tpu.dma_semaphore, #tpu.memory_space<semaphore_mem>>) src(%arg8 : memref<640xf32, #tpu.memory_space<vmem>>) dst(%dma_wait3A_77 : memref<640xf32, #tpu.memory_space<vmem_shared>>)
      tpu.yield
    }) : () -> ()
    %barrier3A = arith.constant 0 : index
    tpu.barrier barrier_id(%barrier3A)
    %mul3A_18 = arith.constant 10000 : i32
    %mul3A_19 = arith.muli %add3A, %mul3A_18 : i32
    %add3A_20 = arith.constant 0 : i32
    %add3A_21 = arith.addi %mul3A_19, %add3A_20 : i32
    %multiple_of3A = tpu.assume_multiple %add3A_21, 8 : i32
    %dma_start3A = arith.constant 0 : i32
    %dma_start3A_22 = arith.constant 0 : i32
    %dma_start3A_23 = tpu.memref_slice %arg4[%dma_start3A, %dma_start3A_22] : memref<4x128xi32, #tpu.memory_space<vmem>> -> memref<1x128xi32, #tpu.memory_space<vmem>>
    %dma_start3A_24 = tpu.memref_squeeze %dma_start3A_23 : memref<1x128xi32, #tpu.memory_space<vmem>> -> memref<128xi32, #tpu.memory_space<vmem>>
    %dma_start3A_25 = tpu.memref_slice %arg2[%multiple_of3A] : memref<320000xi32, #tpu.memory_space<hbm>> -> memref<128xi32, #tpu.memory_space<hbm>>
    %dma_start3A_26 = arith.constant 0 : i32
    %dma_start3A_27 = tpu.memref_slice %arg4[%dma_start3A, %dma_start3A_26] : memref<4x128xi32, #tpu.memory_space<vmem>> -> memref<1x128xi32, #tpu.memory_space<vmem>>
    %dma_start3A_28 = tpu.memref_squeeze %dma_start3A_27 : memref<1x128xi32, #tpu.memory_space<vmem>> -> memref<128xi32, #tpu.memory_space<vmem>>
    %dma_start3A_29 = tpu.memref_slice %arg2[%multiple_of3A] : memref<320000xi32, #tpu.memory_space<hbm>> -> memref<128xi32, #tpu.memory_space<hbm>>
    tpu.enqueue_dma source(%dma_start3A_29 : memref<128xi32, #tpu.memory_space<hbm>>) target(%dma_start3A_28 : memref<128xi32, #tpu.memory_space<vmem>>) target_semaphore(%arg10 : memref<!tpu.dma_semaphore, #tpu.memory_space<semaphore_mem>>)
    %mul3A_30 = arith.constant 10000 : i32
    %mul3A_31 = arith.muli %add3A, %mul3A_30 : i32
    %add3A_32 = arith.constant 128 : i32
    %add3A_33 = arith.addi %mul3A_31, %add3A_32 : i32
    %multiple_of3A_34 = tpu.assume_multiple %add3A_33, 8 : i32
    %dma_start3A_35 = arith.constant 1 : i32
    %dma_start3A_36 = arith.constant 0 : i32
    %dma_start3A_37 = tpu.memref_slice %arg4[%dma_start3A_35, %dma_start3A_36] : memref<4x128xi32, #tpu.memory_space<vmem>> -> memref<1x128xi32, #tpu.memory_space<vmem>>
    %dma_start3A_38 = tpu.memref_squeeze %dma_start3A_37 : memref<1x128xi32, #tpu.memory_space<vmem>> -> memref<128xi32, #tpu.memory_space<vmem>>
    %dma_start3A_39 = tpu.memref_slice %arg2[%multiple_of3A_34] : memref<320000xi32, #tpu.memory_space<hbm>> -> memref<128xi32, #tpu.memory_space<hbm>>
    %dma_start3A_40 = arith.constant 0 : i32
    %dma_start3A_41 = tpu.memref_slice %arg4[%dma_start3A_35, %dma_start3A_40] : memref<4x128xi32, #tpu.memory_space<vmem>> -> memref<1x128xi32, #tpu.memory_space<vmem>>
    %dma_start3A_42 = tpu.memref_squeeze %dma_start3A_41 : memref<1x128xi32, #tpu.memory_space<vmem>> -> memref<128xi32, #tpu.memory_space<vmem>>
    %dma_start3A_43 = tpu.memref_slice %arg2[%multiple_of3A_34] : memref<320000xi32, #tpu.memory_space<hbm>> -> memref<128xi32, #tpu.memory_space<hbm>>
    tpu.enqueue_dma source(%dma_start3A_43 : memref<128xi32, #tpu.memory_space<hbm>>) target(%dma_start3A_42 : memref<128xi32, #tpu.memory_space<vmem>>) target_semaphore(%arg10 : memref<!tpu.dma_semaphore, #tpu.memory_space<semaphore_mem>>)
    %scan3A_44 = arith.constant 0 : i32
    %scan3A_45 = arith.constant 0 : i32
    %scan3A_46 = arith.constant 78 : i32
    %scan3A_47 = arith.addi %scan3A_45, %scan3A_46 : i32
    %scan3A_48 = arith.constant 1 : i32
    scf.for %scan3A_74 = %scan3A_45 to %scan3A_47 step %scan3A_48  : i32 {
      %rem3A_75 = arith.constant 4 : i32
      %rem3A_76 = arith.remsi %scan3A_74, %rem3A_75 : i32
      %mul3A_77 = arith.constant 10000 : i32
      %mul3A_78 = arith.muli %add3A, %mul3A_77 : i32
      %mul3A_79 = arith.constant 128 : i32
      %mul3A_80 = arith.muli %scan3A_74, %mul3A_79 : i32
      %add3A_81 = arith.addi %mul3A_78, %mul3A_80 : i32
      %multiple_of3A_82 = tpu.assume_multiple %add3A_81, 8 : i32
      %dma_wait3A_83 = arith.constant 0 : i32
      %dma_wait3A_84 = tpu.memref_slice %arg4[%rem3A_76, %dma_wait3A_83] : memref<4x128xi32, #tpu.memory_space<vmem>> -> memref<1x128xi32, #tpu.memory_space<vmem>>
      %dma_wait3A_85 = tpu.memref_squeeze %dma_wait3A_84 : memref<1x128xi32, #tpu.memory_space<vmem>> -> memref<128xi32, #tpu.memory_space<vmem>>
      %dma_wait3A_86 = tpu.memref_slice %arg2[%multiple_of3A_82] : memref<320000xi32, #tpu.memory_space<hbm>> -> memref<128xi32, #tpu.memory_space<hbm>>
      %dma_wait3A_87 = arith.constant 0 : i32
      %dma_wait3A_88 = tpu.memref_slice %arg4[%rem3A_76, %dma_wait3A_87] : memref<4x128xi32, #tpu.memory_space<vmem>> -> memref<1x128xi32, #tpu.memory_space<vmem>>
      %dma_wait3A_89 = tpu.memref_squeeze %dma_wait3A_88 : memref<1x128xi32, #tpu.memory_space<vmem>> -> memref<128xi32, #tpu.memory_space<vmem>>
      %dma_wait3A_90 = tpu.memref_slice %arg2[%multiple_of3A_82] : memref<320000xi32, #tpu.memory_space<hbm>> -> memref<128xi32, #tpu.memory_space<hbm>>
      tpu.wait_dma2 semaphore(%arg10 : memref<!tpu.dma_semaphore, #tpu.memory_space<semaphore_mem>>) src(%dma_wait3A_90 : memref<128xi32, #tpu.memory_space<hbm>>) dst(%dma_wait3A_89 : memref<128xi32, #tpu.memory_space<vmem>>)
      %ge3A = arith.constant 2 : i32
      %ge3A_91 = arith.cmpi sge, %scan3A_74, %ge3A : i32
      %convert_element_type3A = arith.extui %ge3A_91 : i1 to i32
      %cond3A = arith.constant 0 : i32
      %cond3A_92 = arith.cmpi ne, %convert_element_type3A, %cond3A : i32
      scf.if %cond3A_92 {
        %sub3A = arith.constant 2 : i32
        %sub3A_104 = arith.subi %scan3A_74, %sub3A : i32
        %rem3A_105 = arith.constant 4 : i32
        %rem3A_106 = arith.remsi %sub3A_104, %rem3A_105 : i32
        %dma_wait3A_107 = arith.constant 0 : i32
        %dma_wait3A_108 = tpu.memref_slice %arg4[%rem3A_106, %dma_wait3A_107] : memref<4x128xi32, #tpu.memory_space<vmem>> -> memref<1x128xi32, #tpu.memory_space<vmem>>
        %dma_wait3A_109 = tpu.memref_squeeze %dma_wait3A_108 : memref<1x128xi32, #tpu.memory_space<vmem>> -> memref<128xi32, #tpu.memory_space<vmem>>
        %dma_wait3A_110 = arith.constant 0 : i32
        %dma_wait3A_111 = tpu.memref_slice %arg9[%dma_wait3A_110] : memref<10240xf32, #tpu.memory_space<vmem_shared>> -> memref<10240xf32, #tpu.memory_space<vmem_shared>>
        tpu.wait_indirect_dma semaphore(%arg11 : memref<!tpu.dma_semaphore, #tpu.memory_space<semaphore_mem>>) src(%arg5 : memref<128xf32, #tpu.memory_space<vmem>>) dst(%dma_wait3A_111 : memref<10240xf32, #tpu.memory_space<vmem_shared>>)
      } else {
      }
      %dma_start3A_93 = arith.constant 0 : i32
      %dma_start3A_94 = tpu.memref_slice %arg4[%rem3A_76, %dma_start3A_93] : memref<4x128xi32, #tpu.memory_space<vmem>> -> memref<1x128xi32, #tpu.memory_space<vmem>>
      %dma_start3A_95 = tpu.memref_squeeze %dma_start3A_94 : memref<1x128xi32, #tpu.memory_space<vmem>> -> memref<128xi32, #tpu.memory_space<vmem>>
      %dma_start3A_96 = arith.constant 0 : i32
      %dma_start3A_97 = tpu.memref_slice %arg9[%dma_start3A_96] : memref<10240xf32, #tpu.memory_space<vmem_shared>> -> memref<10240xf32, #tpu.memory_space<vmem_shared>>
      tpu.enqueue_indirect_dma source(%arg5 : memref<128xf32, #tpu.memory_space<vmem>>) target(%dma_start3A_97 : memref<10240xf32, #tpu.memory_space<vmem_shared>>) offsets(%dma_start3A_95 : memref<128xi32, #tpu.memory_space<vmem>>) semaphore(%arg11 : memref<!tpu.dma_semaphore, #tpu.memory_space<semaphore_mem>>) {add = true}
      %add3A_98 = arith.constant 2 : i32
      %add3A_99 = arith.addi %scan3A_74, %add3A_98 : i32
      %lt3A = arith.constant 78 : i32
      %lt3A_100 = arith.cmpi slt, %add3A_99, %lt3A : i32
      %convert_element_type3A_101 = arith.extui %lt3A_100 : i1 to i32
      %cond3A_102 = arith.constant 0 : i32
      %cond3A_103 = arith.cmpi ne, %convert_element_type3A_101, %cond3A_102 : i32
      scf.if %cond3A_103 {
        %add3A_104 = arith.constant 2 : i32
        %add3A_105 = arith.addi %scan3A_74, %add3A_104 : i32
        %add3A_106 = arith.constant 2 : i32
        %add3A_107 = arith.addi %scan3A_74, %add3A_106 : i32
        %rem3A_108 = arith.constant 4 : i32
        %rem3A_109 = arith.remsi %add3A_107, %rem3A_108 : i32
        %mul3A_110 = arith.constant 10000 : i32
        %mul3A_111 = arith.muli %add3A, %mul3A_110 : i32
        %mul3A_112 = arith.constant 128 : i32
        %mul3A_113 = arith.muli %add3A_105, %mul3A_112 : i32
        %add3A_114 = arith.addi %mul3A_111, %mul3A_113 : i32
        %multiple_of3A_115 = tpu.assume_multiple %add3A_114, 8 : i32
        %dma_start3A_116 = arith.constant 0 : i32
        %dma_start3A_117 = tpu.memref_slice %arg4[%rem3A_109, %dma_start3A_116] : memref<4x128xi32, #tpu.memory_space<vmem>> -> memref<1x128xi32, #tpu.memory_space<vmem>>
        %dma_start3A_118 = tpu.memref_squeeze %dma_start3A_117 : memref<1x128xi32, #tpu.memory_space<vmem>> -> memref<128xi32, #tpu.memory_space<vmem>>
        %dma_start3A_119 = tpu.memref_slice %arg2[%multiple_of3A_115] : memref<320000xi32, #tpu.memory_space<hbm>> -> memref<128xi32, #tpu.memory_space<hbm>>
        %dma_start3A_120 = arith.constant 0 : i32
        %dma_start3A_121 = tpu.memref_slice %arg4[%rem3A_109, %dma_start3A_120] : memref<4x128xi32, #tpu.memory_space<vmem>> -> memref<1x128xi32, #tpu.memory_space<vmem>>
        %dma_start3A_122 = tpu.memref_squeeze %dma_start3A_121 : memref<1x128xi32, #tpu.memory_space<vmem>> -> memref<128xi32, #tpu.memory_space<vmem>>
        %dma_start3A_123 = tpu.memref_slice %arg2[%multiple_of3A_115] : memref<320000xi32, #tpu.memory_space<hbm>> -> memref<128xi32, #tpu.memory_space<hbm>>
        tpu.enqueue_dma source(%dma_start3A_123 : memref<128xi32, #tpu.memory_space<hbm>>) target(%dma_start3A_122 : memref<128xi32, #tpu.memory_space<vmem>>) target_semaphore(%arg10 : memref<!tpu.dma_semaphore, #tpu.memory_space<semaphore_mem>>)
      } else {
      }
    }
    %scan3A_49 = arith.constant 78 : i32
    %rem3A = arith.constant 76 : i32
    %rem3A_50 = arith.constant 4 : i32
    %rem3A_51 = arith.remsi %rem3A, %rem3A_50 : i32
    %dma_wait3A = arith.constant 0 : i32
    %dma_wait3A_52 = tpu.memref_slice %arg4[%rem3A_51, %dma_wait3A] : memref<4x128xi32, #tpu.memory_space<vmem>> -> memref<1x128xi32, #tpu.memory_space<vmem>>
    %dma_wait3A_53 = tpu.memref_squeeze %dma_wait3A_52 : memref<1x128xi32, #tpu.memory_space<vmem>> -> memref<128xi32, #tpu.memory_space<vmem>>
    %dma_wait3A_54 = arith.constant 0 : i32
    %dma_wait3A_55 = tpu.memref_slice %arg9[%dma_wait3A_54] : memref<10240xf32, #tpu.memory_space<vmem_shared>> -> memref<10240xf32, #tpu.memory_space<vmem_shared>>
    tpu.wait_indirect_dma semaphore(%arg11 : memref<!tpu.dma_semaphore, #tpu.memory_space<semaphore_mem>>) src(%arg5 : memref<128xf32, #tpu.memory_space<vmem>>) dst(%dma_wait3A_55 : memref<10240xf32, #tpu.memory_space<vmem_shared>>)
    %rem3A_56 = arith.constant 77 : i32
    %rem3A_57 = arith.constant 4 : i32
    %rem3A_58 = arith.remsi %rem3A_56, %rem3A_57 : i32
    %dma_wait3A_59 = arith.constant 0 : i32
    %dma_wait3A_60 = tpu.memref_slice %arg4[%rem3A_58, %dma_wait3A_59] : memref<4x128xi32, #tpu.memory_space<vmem>> -> memref<1x128xi32, #tpu.memory_space<vmem>>
    %dma_wait3A_61 = tpu.memref_squeeze %dma_wait3A_60 : memref<1x128xi32, #tpu.memory_space<vmem>> -> memref<128xi32, #tpu.memory_space<vmem>>
    %dma_wait3A_62 = arith.constant 0 : i32
    %dma_wait3A_63 = tpu.memref_slice %arg9[%dma_wait3A_62] : memref<10240xf32, #tpu.memory_space<vmem_shared>> -> memref<10240xf32, #tpu.memory_space<vmem_shared>>
    tpu.wait_indirect_dma semaphore(%arg11 : memref<!tpu.dma_semaphore, #tpu.memory_space<semaphore_mem>>) src(%arg5 : memref<128xf32, #tpu.memory_space<vmem>>) dst(%dma_wait3A_63 : memref<10240xf32, #tpu.memory_space<vmem_shared>>)
    %mul3A_64 = arith.constant 10000 : i32
    %mul3A_65 = arith.muli %add3A, %mul3A_64 : i32
    %add3A_66 = arith.constant 9984 : i32
    %add3A_67 = arith.addi %mul3A_65, %add3A_66 : i32
    %multiple_of3A_68 = tpu.assume_multiple %add3A_67, 8 : i32
    "tpu.region"() ({
      %run_scoped3A = tpu.sem_alloc : memref<!tpu.dma_semaphore, #tpu.memory_space<semaphore_mem>>
      %dma_start3A_74 = tpu.memref_slice %arg2[%multiple_of3A_68] : memref<320000xi32, #tpu.memory_space<hbm>> -> memref<16xi32, #tpu.memory_space<hbm>>
      %dma_start3A_75 = tpu.memref_slice %arg2[%multiple_of3A_68] : memref<320000xi32, #tpu.memory_space<hbm>> -> memref<16xi32, #tpu.memory_space<hbm>>
      tpu.enqueue_dma source(%dma_start3A_75 : memref<16xi32, #tpu.memory_space<hbm>>) target(%arg6 : memref<16xi32, #tpu.memory_space<vmem>>) target_semaphore(%run_scoped3A : memref<!tpu.dma_semaphore, #tpu.memory_space<semaphore_mem>>)
      %dma_wait3A_76 = tpu.memref_slice %arg2[%multiple_of3A_68] : memref<320000xi32, #tpu.memory_space<hbm>> -> memref<16xi32, #tpu.memory_space<hbm>>
      %dma_wait3A_77 = tpu.memref_slice %arg2[%multiple_of3A_68] : memref<320000xi32, #tpu.memory_space<hbm>> -> memref<16xi32, #tpu.memory_space<hbm>>
      tpu.wait_dma2 semaphore(%run_scoped3A : memref<!tpu.dma_semaphore, #tpu.memory_space<semaphore_mem>>) src(%dma_wait3A_77 : memref<16xi32, #tpu.memory_space<hbm>>) dst(%arg6 : memref<16xi32, #tpu.memory_space<vmem>>)
      tpu.yield
    }) : () -> ()
    "tpu.region"() ({
      %run_scoped3A = tpu.sem_alloc : memref<!tpu.dma_semaphore, #tpu.memory_space<semaphore_mem>>
      %dma_start3A_74 = arith.constant 0 : i32
      %dma_start3A_75 = tpu.memref_slice %arg9[%dma_start3A_74] : memref<10240xf32, #tpu.memory_space<vmem_shared>> -> memref<10240xf32, #tpu.memory_space<vmem_shared>>
      tpu.enqueue_indirect_dma source(%arg7 : memref<16xf32, #tpu.memory_space<vmem>>) target(%dma_start3A_75 : memref<10240xf32, #tpu.memory_space<vmem_shared>>) offsets(%arg6 : memref<16xi32, #tpu.memory_space<vmem>>) semaphore(%run_scoped3A : memref<!tpu.dma_semaphore, #tpu.memory_space<semaphore_mem>>) {add = true}
      %dma_wait3A_76 = arith.constant 0 : i32
      %dma_wait3A_77 = tpu.memref_slice %arg9[%dma_wait3A_76] : memref<10240xf32, #tpu.memory_space<vmem_shared>> -> memref<10240xf32, #tpu.memory_space<vmem_shared>>
      tpu.wait_indirect_dma semaphore(%run_scoped3A : memref<!tpu.dma_semaphore, #tpu.memory_space<semaphore_mem>>) src(%arg7 : memref<16xf32, #tpu.memory_space<vmem>>) dst(%dma_wait3A_77 : memref<10240xf32, #tpu.memory_space<vmem_shared>>)
      tpu.yield
    }) : () -> ()
    %barrier3A_69 = arith.constant 0 : index
    tpu.barrier barrier_id(%barrier3A_69)
    %mul3A_70 = arith.constant 640 : i32
    %mul3A_71 = arith.muli %arg1, %mul3A_70 : i32
    %mul3A_72 = arith.constant 640 : i32
    %mul3A_73 = arith.muli %arg1, %mul3A_72 : i32
    "tpu.region"() ({
      %run_scoped3A = tpu.sem_alloc : memref<!tpu.dma_semaphore, #tpu.memory_space<semaphore_mem>>
      %dma_start3A_74 = tpu.memref_slice %arg3[%arg0, %mul3A_73] : memref<2x10240xf32, #tpu.memory_space<hbm>> -> memref<1x640xf32, #tpu.memory_space<hbm>>
      %dma_start3A_75 = tpu.memref_squeeze %dma_start3A_74 : memref<1x640xf32, #tpu.memory_space<hbm>> -> memref<640xf32, #tpu.memory_space<hbm>>
      %dma_start3A_76 = tpu.memref_slice %arg9[%mul3A_71] : memref<10240xf32, #tpu.memory_space<vmem_shared>> -> memref<640xf32, #tpu.memory_space<vmem_shared>>
      tpu.enqueue_dma source(%dma_start3A_76 : memref<640xf32, #tpu.memory_space<vmem_shared>>) target(%dma_start3A_75 : memref<640xf32, #tpu.memory_space<hbm>>) target_semaphore(%run_scoped3A : memref<!tpu.dma_semaphore, #tpu.memory_space<semaphore_mem>>)
      %dma_wait3A_77 = tpu.memref_slice %arg3[%arg0, %mul3A_73] : memref<2x10240xf32, #tpu.memory_space<hbm>> -> memref<1x640xf32, #tpu.memory_space<hbm>>
      %dma_wait3A_78 = tpu.memref_squeeze %dma_wait3A_77 : memref<1x640xf32, #tpu.memory_space<hbm>> -> memref<640xf32, #tpu.memory_space<hbm>>
      %dma_wait3A_79 = tpu.memref_slice %arg9[%mul3A_71] : memref<10240xf32, #tpu.memory_space<vmem_shared>> -> memref<640xf32, #tpu.memory_space<vmem_shared>>
      tpu.wait_dma2 semaphore(%run_scoped3A : memref<!tpu.dma_semaphore, #tpu.memory_space<semaphore_mem>>) src(%dma_wait3A_79 : memref<640xf32, #tpu.memory_space<vmem_shared>>) dst(%dma_wait3A_78 : memref<640xf32, #tpu.memory_space<hbm>>)
      tpu.yield
    }) : () -> ()
    return
  }
}

#map = affine_map<(d0, d1) -> (0, 0)>
#map1 = affine_map<(d0, d1) -> (0)>
#map2 = affine_map<(d0, d1) -> (0, 0, 0)>
module attributes {stable_mosaic.version = 14 : i64} {
  func.func @_scatter_kernel(%arg0: i32, %arg1: i32, %arg2: memref<10000x128xf32, #tpu.memory_space<hbm>>, %arg3: memref<320000xi32, #tpu.memory_space<hbm>>, %arg4: memref<320000xi32, #tpu.memory_space<hbm>>, %arg5: memref<2x10240x128xf32, #tpu.memory_space<hbm>>, %arg6: memref<2x128xi32, #tpu.memory_space<vmem>>, %arg7: memref<4x128xi32, #tpu.memory_space<vmem>>, %arg8: memref<2x128x128xf32, #tpu.memory_space<vmem>>, %arg9: memref<16xi32, #tpu.memory_space<vmem>>, %arg10: memref<16xi32, #tpu.memory_space<vmem>>, %arg11: memref<16x128xf32, #tpu.memory_space<vmem>>, %arg12: memref<32x128xf32, #tpu.memory_space<vmem>>, %arg13: memref<10240x128xf32, #tpu.memory_space<vmem_shared>>, %arg14: memref<!tpu.dma_semaphore, #tpu.memory_space<semaphore_mem>>, %arg15: memref<!tpu.dma_semaphore, #tpu.memory_space<semaphore_mem>>, %arg16: memref<!tpu.dma_semaphore, #tpu.memory_space<semaphore_mem>>, %arg17: memref<!tpu.dma_semaphore, #tpu.memory_space<semaphore_mem>>, %arg18: memref<!tpu.dma_semaphore, #tpu.memory_space<semaphore_mem>>) attributes {dimension_semantics = [#tpu.dimension_semantics<core_parallel>, #tpu.dimension_semantics<subcore_parallel>], iteration_bounds = array<i64: 2, 16>, scalar_prefetch = 0 : i64, scratch_operands = 13 : i64, tpu.core_type = #tpu.core_type<sc_vector_subcore>, window_params = [{transform_indices = #map}, {transform_indices = #map1}, {transform_indices = #map1}, {transform_indices = #map2}]} {
    %mul3A = arith.constant 2 : i32
    %mul3A_0 = arith.muli %arg1, %mul3A : i32
    %add3A = arith.addi %mul3A_0, %arg0 : i32
    %scan3A = arith.constant 0 : i32
    %scan3A_1 = arith.constant 0 : i32
    %scan3A_2 = arith.constant 32 : i32
    %scan3A_3 = arith.addi %scan3A_1, %scan3A_2 : i32
    %scan3A_4 = arith.constant 1 : i32
    scf.for %scan3A_458 = %scan3A_1 to %scan3A_3 step %scan3A_4  : i32 {
      %broadcast_in_dim3A = arith.constant 0.000000e+00 : f32
      %broadcast_in_dim3A_459 = vector.broadcast %broadcast_in_dim3A : f32 to vector<16xf32>
      %swap3A = arith.index_cast %scan3A_458 : i32 to index
      %swap3A_460 = arith.constant 0 : index
      %swap3A_461 = tpu.vector_load %arg12[%swap3A, %swap3A_460] {strides = array<i32>} : memref<32x128xf32, #tpu.memory_space<vmem>>, vector<1x16xf32>,
      %swap3A_462 = vector.shape_cast %swap3A_461 : vector<1x16xf32> to vector<16xf32>
      %swap3A_463 = vector.shape_cast %broadcast_in_dim3A_459 : vector<16xf32> to vector<1x16xf32>
      tpu.vector_store %arg12[%swap3A, %swap3A_460], %swap3A_463 {strides = array<i32>} : memref<32x128xf32, #tpu.memory_space<vmem>>, vector<1x16xf32>,
      %broadcast_in_dim3A_464 = arith.constant 0.000000e+00 : f32
      %broadcast_in_dim3A_465 = vector.broadcast %broadcast_in_dim3A_464 : f32 to vector<16xf32>
      %swap3A_466 = arith.index_cast %scan3A_458 : i32 to index
      %swap3A_467 = arith.constant 16 : index
      %swap3A_468 = tpu.vector_load %arg12[%swap3A_466, %swap3A_467] {strides = array<i32>} : memref<32x128xf32, #tpu.memory_space<vmem>>, vector<1x16xf32>,
      %swap3A_469 = vector.shape_cast %swap3A_468 : vector<1x16xf32> to vector<16xf32>
      %swap3A_470 = vector.shape_cast %broadcast_in_dim3A_465 : vector<16xf32> to vector<1x16xf32>
      tpu.vector_store %arg12[%swap3A_466, %swap3A_467], %swap3A_470 {strides = array<i32>} : memref<32x128xf32, #tpu.memory_space<vmem>>, vector<1x16xf32>,
      %broadcast_in_dim3A_471 = arith.constant 0.000000e+00 : f32
      %broadcast_in_dim3A_472 = vector.broadcast %broadcast_in_dim3A_471 : f32 to vector<16xf32>
      %swap3A_473 = arith.index_cast %scan3A_458 : i32 to index
      %swap3A_474 = arith.constant 32 : index
      %swap3A_475 = tpu.vector_load %arg12[%swap3A_473, %swap3A_474] {strides = array<i32>} : memref<32x128xf32, #tpu.memory_space<vmem>>, vector<1x16xf32>,
      %swap3A_476 = vector.shape_cast %swap3A_475 : vector<1x16xf32> to vector<16xf32>
      %swap3A_477 = vector.shape_cast %broadcast_in_dim3A_472 : vector<16xf32> to vector<1x16xf32>
      tpu.vector_store %arg12[%swap3A_473, %swap3A_474], %swap3A_477 {strides = array<i32>} : memref<32x128xf32, #tpu.memory_space<vmem>>, vector<1x16xf32>,
      %broadcast_in_dim3A_478 = arith.constant 0.000000e+00 : f32
      %broadcast_in_dim3A_479 = vector.broadcast %broadcast_in_dim3A_478 : f32 to vector<16xf32>
      %swap3A_480 = arith.index_cast %scan3A_458 : i32 to index
      %swap3A_481 = arith.constant 48 : index
      %swap3A_482 = tpu.vector_load %arg12[%swap3A_480, %swap3A_481] {strides = array<i32>} : memref<32x128xf32, #tpu.memory_space<vmem>>, vector<1x16xf32>,
      %swap3A_483 = vector.shape_cast %swap3A_482 : vector<1x16xf32> to vector<16xf32>
      %swap3A_484 = vector.shape_cast %broadcast_in_dim3A_479 : vector<16xf32> to vector<1x16xf32>
      tpu.vector_store %arg12[%swap3A_480, %swap3A_481], %swap3A_484 {strides = array<i32>} : memref<32x128xf32, #tpu.memory_space<vmem>>, vector<1x16xf32>,
      %broadcast_in_dim3A_485 = arith.constant 0.000000e+00 : f32
      %broadcast_in_dim3A_486 = vector.broadcast %broadcast_in_dim3A_485 : f32 to vector<16xf32>
      %swap3A_487 = arith.index_cast %scan3A_458 : i32 to index
      %swap3A_488 = arith.constant 64 : index
      %swap3A_489 = tpu.vector_load %arg12[%swap3A_487, %swap3A_488] {strides = array<i32>} : memref<32x128xf32, #tpu.memory_space<vmem>>, vector<1x16xf32>,
      %swap3A_490 = vector.shape_cast %swap3A_489 : vector<1x16xf32> to vector<16xf32>
      %swap3A_491 = vector.shape_cast %broadcast_in_dim3A_486 : vector<16xf32> to vector<1x16xf32>
      tpu.vector_store %arg12[%swap3A_487, %swap3A_488], %swap3A_491 {strides = array<i32>} : memref<32x128xf32, #tpu.memory_space<vmem>>, vector<1x16xf32>,
      %broadcast_in_dim3A_492 = arith.constant 0.000000e+00 : f32
      %broadcast_in_dim3A_493 = vector.broadcast %broadcast_in_dim3A_492 : f32 to vector<16xf32>
      %swap3A_494 = arith.index_cast %scan3A_458 : i32 to index
      %swap3A_495 = arith.constant 80 : index
      %swap3A_496 = tpu.vector_load %arg12[%swap3A_494, %swap3A_495] {strides = array<i32>} : memref<32x128xf32, #tpu.memory_space<vmem>>, vector<1x16xf32>,
      %swap3A_497 = vector.shape_cast %swap3A_496 : vector<1x16xf32> to vector<16xf32>
      %swap3A_498 = vector.shape_cast %broadcast_in_dim3A_493 : vector<16xf32> to vector<1x16xf32>
      tpu.vector_store %arg12[%swap3A_494, %swap3A_495], %swap3A_498 {strides = array<i32>} : memref<32x128xf32, #tpu.memory_space<vmem>>, vector<1x16xf32>,
      %broadcast_in_dim3A_499 = arith.constant 0.000000e+00 : f32
      %broadcast_in_dim3A_500 = vector.broadcast %broadcast_in_dim3A_499 : f32 to vector<16xf32>
      %swap3A_501 = arith.index_cast %scan3A_458 : i32 to index
      %swap3A_502 = arith.constant 96 : index
      %swap3A_503 = tpu.vector_load %arg12[%swap3A_501, %swap3A_502] {strides = array<i32>} : memref<32x128xf32, #tpu.memory_space<vmem>>, vector<1x16xf32>,
      %swap3A_504 = vector.shape_cast %swap3A_503 : vector<1x16xf32> to vector<16xf32>
      %swap3A_505 = vector.shape_cast %broadcast_in_dim3A_500 : vector<16xf32> to vector<1x16xf32>
      tpu.vector_store %arg12[%swap3A_501, %swap3A_502], %swap3A_505 {strides = array<i32>} : memref<32x128xf32, #tpu.memory_space<vmem>>, vector<1x16xf32>,
      %broadcast_in_dim3A_506 = arith.constant 0.000000e+00 : f32
      %broadcast_in_dim3A_507 = vector.broadcast %broadcast_in_dim3A_506 : f32 to vector<16xf32>
      %swap3A_508 = arith.index_cast %scan3A_458 : i32 to index
      %swap3A_509 = arith.constant 112 : index
      %swap3A_510 = tpu.vector_load %arg12[%swap3A_508, %swap3A_509] {strides = array<i32>} : memref<32x128xf32, #tpu.memory_space<vmem>>, vector<1x16xf32>,
      %swap3A_511 = vector.shape_cast %swap3A_510 : vector<1x16xf32> to vector<16xf32>
      %swap3A_512 = vector.shape_cast %broadcast_in_dim3A_507 : vector<16xf32> to vector<1x16xf32>
      tpu.vector_store %arg12[%swap3A_508, %swap3A_509], %swap3A_512 {strides = array<i32>} : memref<32x128xf32, #tpu.memory_space<vmem>>, vector<1x16xf32>,
    }
    %scan3A_5 = arith.constant 32 : i32
    %mul3A_6 = arith.constant 640 : i32
    %mul3A_7 = arith.muli %arg1, %mul3A_6 : i32
    %add3A_8 = arith.constant 0 : i32
    %add3A_9 = arith.addi %mul3A_7, %add3A_8 : i32
    %dma_start3A = arith.constant 0 : i32
    %dma_start3A_10 = tpu.memref_slice %arg13[%add3A_9, %dma_start3A] : memref<10240x128xf32, #tpu.memory_space<vmem_shared>> -> memref<32x128xf32, #tpu.memory_space<vmem_shared>>
    %dma_start3A_11 = arith.constant 0 : i32
    %dma_start3A_12 = tpu.memref_slice %arg13[%add3A_9, %dma_start3A_11] : memref<10240x128xf32, #tpu.memory_space<vmem_shared>> -> memref<32x128xf32, #tpu.memory_space<vmem_shared>>
    tpu.enqueue_dma source(%arg12 : memref<32x128xf32, #tpu.memory_space<vmem>>) target(%dma_start3A_12 : memref<32x128xf32, #tpu.memory_space<vmem_shared>>) target_semaphore(%arg18 : memref<!tpu.dma_semaphore, #tpu.memory_space<semaphore_mem>>)
    %mul3A_13 = arith.constant 640 : i32
    %mul3A_14 = arith.muli %arg1, %mul3A_13 : i32
    %add3A_15 = arith.constant 32 : i32
    %add3A_16 = arith.addi %mul3A_14, %add3A_15 : i32
    %dma_start3A_17 = arith.constant 0 : i32
    %dma_start3A_18 = tpu.memref_slice %arg13[%add3A_16, %dma_start3A_17] : memref<10240x128xf32, #tpu.memory_space<vmem_shared>> -> memref<32x128xf32, #tpu.memory_space<vmem_shared>>
    %dma_start3A_19 = arith.constant 0 : i32
    %dma_start3A_20 = tpu.memref_slice %arg13[%add3A_16, %dma_start3A_19] : memref<10240x128xf32, #tpu.memory_space<vmem_shared>> -> memref<32x128xf32, #tpu.memory_space<vmem_shared>>
    tpu.enqueue_dma source(%arg12 : memref<32x128xf32, #tpu.memory_space<vmem>>) target(%dma_start3A_20 : memref<32x128xf32, #tpu.memory_space<vmem_shared>>) target_semaphore(%arg18 : memref<!tpu.dma_semaphore, #tpu.memory_space<semaphore_mem>>)
    %mul3A_21 = arith.constant 640 : i32
    %mul3A_22 = arith.muli %arg1, %mul3A_21 : i32
    %add3A_23 = arith.constant 64 : i32
    %add3A_24 = arith.addi %mul3A_22, %add3A_23 : i32
    %dma_start3A_25 = arith.constant 0 : i32
    %dma_start3A_26 = tpu.memref_slice %arg13[%add3A_24, %dma_start3A_25] : memref<10240x128xf32, #tpu.memory_space<vmem_shared>> -> memref<32x128xf32, #tpu.memory_space<vmem_shared>>
    %dma_start3A_27 = arith.constant 0 : i32
    %dma_start3A_28 = tpu.memref_slice %arg13[%add3A_24, %dma_start3A_27] : memref<10240x128xf32, #tpu.memory_space<vmem_shared>> -> memref<32x128xf32, #tpu.memory_space<vmem_shared>>
    tpu.enqueue_dma source(%arg12 : memref<32x128xf32, #tpu.memory_space<vmem>>) target(%dma_start3A_28 : memref<32x128xf32, #tpu.memory_space<vmem_shared>>) target_semaphore(%arg18 : memref<!tpu.dma_semaphore, #tpu.memory_space<semaphore_mem>>)
    %mul3A_29 = arith.constant 640 : i32
    %mul3A_30 = arith.muli %arg1, %mul3A_29 : i32
    %add3A_31 = arith.constant 96 : i32
    %add3A_32 = arith.addi %mul3A_30, %add3A_31 : i32
    %dma_start3A_33 = arith.constant 0 : i32
    %dma_start3A_34 = tpu.memref_slice %arg13[%add3A_32, %dma_start3A_33] : memref<10240x128xf32, #tpu.memory_space<vmem_shared>> -> memref<32x128xf32, #tpu.memory_space<vmem_shared>>
    %dma_start3A_35 = arith.constant 0 : i32
    %dma_start3A_36 = tpu.memref_slice %arg13[%add3A_32, %dma_start3A_35] : memref<10240x128xf32, #tpu.memory_space<vmem_shared>> -> memref<32x128xf32, #tpu.memory_space<vmem_shared>>
    tpu.enqueue_dma source(%arg12 : memref<32x128xf32, #tpu.memory_space<vmem>>) target(%dma_start3A_36 : memref<32x128xf32, #tpu.memory_space<vmem_shared>>) target_semaphore(%arg18 : memref<!tpu.dma_semaphore, #tpu.memory_space<semaphore_mem>>)
    %mul3A_37 = arith.constant 640 : i32
    %mul3A_38 = arith.muli %arg1, %mul3A_37 : i32
    %add3A_39 = arith.constant 128 : i32
    %add3A_40 = arith.addi %mul3A_38, %add3A_39 : i32
    %dma_start3A_41 = arith.constant 0 : i32
    %dma_start3A_42 = tpu.memref_slice %arg13[%add3A_40, %dma_start3A_41] : memref<10240x128xf32, #tpu.memory_space<vmem_shared>> -> memref<32x128xf32, #tpu.memory_space<vmem_shared>>
    %dma_start3A_43 = arith.constant 0 : i32
    %dma_start3A_44 = tpu.memref_slice %arg13[%add3A_40, %dma_start3A_43] : memref<10240x128xf32, #tpu.memory_space<vmem_shared>> -> memref<32x128xf32, #tpu.memory_space<vmem_shared>>
    tpu.enqueue_dma source(%arg12 : memref<32x128xf32, #tpu.memory_space<vmem>>) target(%dma_start3A_44 : memref<32x128xf32, #tpu.memory_space<vmem_shared>>) target_semaphore(%arg18 : memref<!tpu.dma_semaphore, #tpu.memory_space<semaphore_mem>>)
    %mul3A_45 = arith.constant 640 : i32
    %mul3A_46 = arith.muli %arg1, %mul3A_45 : i32
    %add3A_47 = arith.constant 160 : i32
    %add3A_48 = arith.addi %mul3A_46, %add3A_47 : i32
    %dma_start3A_49 = arith.constant 0 : i32
    %dma_start3A_50 = tpu.memref_slice %arg13[%add3A_48, %dma_start3A_49] : memref<10240x128xf32, #tpu.memory_space<vmem_shared>> -> memref<32x128xf32, #tpu.memory_space<vmem_shared>>
    %dma_start3A_51 = arith.constant 0 : i32
    %dma_start3A_52 = tpu.memref_slice %arg13[%add3A_48, %dma_start3A_51] : memref<10240x128xf32, #tpu.memory_space<vmem_shared>> -> memref<32x128xf32, #tpu.memory_space<vmem_shared>>
    tpu.enqueue_dma source(%arg12 : memref<32x128xf32, #tpu.memory_space<vmem>>) target(%dma_start3A_52 : memref<32x128xf32, #tpu.memory_space<vmem_shared>>) target_semaphore(%arg18 : memref<!tpu.dma_semaphore, #tpu.memory_space<semaphore_mem>>)
    %mul3A_53 = arith.constant 640 : i32
    %mul3A_54 = arith.muli %arg1, %mul3A_53 : i32
    %add3A_55 = arith.constant 192 : i32
    %add3A_56 = arith.addi %mul3A_54, %add3A_55 : i32
    %dma_start3A_57 = arith.constant 0 : i32
    %dma_start3A_58 = tpu.memref_slice %arg13[%add3A_56, %dma_start3A_57] : memref<10240x128xf32, #tpu.memory_space<vmem_shared>> -> memref<32x128xf32, #tpu.memory_space<vmem_shared>>
    %dma_start3A_59 = arith.constant 0 : i32
    %dma_start3A_60 = tpu.memref_slice %arg13[%add3A_56, %dma_start3A_59] : memref<10240x128xf32, #tpu.memory_space<vmem_shared>> -> memref<32x128xf32, #tpu.memory_space<vmem_shared>>
    tpu.enqueue_dma source(%arg12 : memref<32x128xf32, #tpu.memory_space<vmem>>) target(%dma_start3A_60 : memref<32x128xf32, #tpu.memory_space<vmem_shared>>) target_semaphore(%arg18 : memref<!tpu.dma_semaphore, #tpu.memory_space<semaphore_mem>>)
    %mul3A_61 = arith.constant 640 : i32
    %mul3A_62 = arith.muli %arg1, %mul3A_61 : i32
    %add3A_63 = arith.constant 224 : i32
    %add3A_64 = arith.addi %mul3A_62, %add3A_63 : i32
    %dma_start3A_65 = arith.constant 0 : i32
    %dma_start3A_66 = tpu.memref_slice %arg13[%add3A_64, %dma_start3A_65] : memref<10240x128xf32, #tpu.memory_space<vmem_shared>> -> memref<32x128xf32, #tpu.memory_space<vmem_shared>>
    %dma_start3A_67 = arith.constant 0 : i32
    %dma_start3A_68 = tpu.memref_slice %arg13[%add3A_64, %dma_start3A_67] : memref<10240x128xf32, #tpu.memory_space<vmem_shared>> -> memref<32x128xf32, #tpu.memory_space<vmem_shared>>
    tpu.enqueue_dma source(%arg12 : memref<32x128xf32, #tpu.memory_space<vmem>>) target(%dma_start3A_68 : memref<32x128xf32, #tpu.memory_space<vmem_shared>>) target_semaphore(%arg18 : memref<!tpu.dma_semaphore, #tpu.memory_space<semaphore_mem>>)
    %mul3A_69 = arith.constant 640 : i32
    %mul3A_70 = arith.muli %arg1, %mul3A_69 : i32
    %add3A_71 = arith.constant 256 : i32
    %add3A_72 = arith.addi %mul3A_70, %add3A_71 : i32
    %dma_start3A_73 = arith.constant 0 : i32
    %dma_start3A_74 = tpu.memref_slice %arg13[%add3A_72, %dma_start3A_73] : memref<10240x128xf32, #tpu.memory_space<vmem_shared>> -> memref<32x128xf32, #tpu.memory_space<vmem_shared>>
    %dma_start3A_75 = arith.constant 0 : i32
    %dma_start3A_76 = tpu.memref_slice %arg13[%add3A_72, %dma_start3A_75] : memref<10240x128xf32, #tpu.memory_space<vmem_shared>> -> memref<32x128xf32, #tpu.memory_space<vmem_shared>>
    tpu.enqueue_dma source(%arg12 : memref<32x128xf32, #tpu.memory_space<vmem>>) target(%dma_start3A_76 : memref<32x128xf32, #tpu.memory_space<vmem_shared>>) target_semaphore(%arg18 : memref<!tpu.dma_semaphore, #tpu.memory_space<semaphore_mem>>)
    %mul3A_77 = arith.constant 640 : i32
    %mul3A_78 = arith.muli %arg1, %mul3A_77 : i32
    %add3A_79 = arith.constant 288 : i32
    %add3A_80 = arith.addi %mul3A_78, %add3A_79 : i32
    %dma_start3A_81 = arith.constant 0 : i32
    %dma_start3A_82 = tpu.memref_slice %arg13[%add3A_80, %dma_start3A_81] : memref<10240x128xf32, #tpu.memory_space<vmem_shared>> -> memref<32x128xf32, #tpu.memory_space<vmem_shared>>
    %dma_start3A_83 = arith.constant 0 : i32
    %dma_start3A_84 = tpu.memref_slice %arg13[%add3A_80, %dma_start3A_83] : memref<10240x128xf32, #tpu.memory_space<vmem_shared>> -> memref<32x128xf32, #tpu.memory_space<vmem_shared>>
    tpu.enqueue_dma source(%arg12 : memref<32x128xf32, #tpu.memory_space<vmem>>) target(%dma_start3A_84 : memref<32x128xf32, #tpu.memory_space<vmem_shared>>) target_semaphore(%arg18 : memref<!tpu.dma_semaphore, #tpu.memory_space<semaphore_mem>>)
    %mul3A_85 = arith.constant 640 : i32
    %mul3A_86 = arith.muli %arg1, %mul3A_85 : i32
    %add3A_87 = arith.constant 320 : i32
    %add3A_88 = arith.addi %mul3A_86, %add3A_87 : i32
    %dma_start3A_89 = arith.constant 0 : i32
    %dma_start3A_90 = tpu.memref_slice %arg13[%add3A_88, %dma_start3A_89] : memref<10240x128xf32, #tpu.memory_space<vmem_shared>> -> memref<32x128xf32, #tpu.memory_space<vmem_shared>>
    %dma_start3A_91 = arith.constant 0 : i32
    %dma_start3A_92 = tpu.memref_slice %arg13[%add3A_88, %dma_start3A_91] : memref<10240x128xf32, #tpu.memory_space<vmem_shared>> -> memref<32x128xf32, #tpu.memory_space<vmem_shared>>
    tpu.enqueue_dma source(%arg12 : memref<32x128xf32, #tpu.memory_space<vmem>>) target(%dma_start3A_92 : memref<32x128xf32, #tpu.memory_space<vmem_shared>>) target_semaphore(%arg18 : memref<!tpu.dma_semaphore, #tpu.memory_space<semaphore_mem>>)
    %mul3A_93 = arith.constant 640 : i32
    %mul3A_94 = arith.muli %arg1, %mul3A_93 : i32
    %add3A_95 = arith.constant 352 : i32
    %add3A_96 = arith.addi %mul3A_94, %add3A_95 : i32
    %dma_start3A_97 = arith.constant 0 : i32
    %dma_start3A_98 = tpu.memref_slice %arg13[%add3A_96, %dma_start3A_97] : memref<10240x128xf32, #tpu.memory_space<vmem_shared>> -> memref<32x128xf32, #tpu.memory_space<vmem_shared>>
    %dma_start3A_99 = arith.constant 0 : i32
    %dma_start3A_100 = tpu.memref_slice %arg13[%add3A_96, %dma_start3A_99] : memref<10240x128xf32, #tpu.memory_space<vmem_shared>> -> memref<32x128xf32, #tpu.memory_space<vmem_shared>>
    tpu.enqueue_dma source(%arg12 : memref<32x128xf32, #tpu.memory_space<vmem>>) target(%dma_start3A_100 : memref<32x128xf32, #tpu.memory_space<vmem_shared>>) target_semaphore(%arg18 : memref<!tpu.dma_semaphore, #tpu.memory_space<semaphore_mem>>)
    %mul3A_101 = arith.constant 640 : i32
    %mul3A_102 = arith.muli %arg1, %mul3A_101 : i32
    %add3A_103 = arith.constant 384 : i32
    %add3A_104 = arith.addi %mul3A_102, %add3A_103 : i32
    %dma_start3A_105 = arith.constant 0 : i32
    %dma_start3A_106 = tpu.memref_slice %arg13[%add3A_104, %dma_start3A_105] : memref<10240x128xf32, #tpu.memory_space<vmem_shared>> -> memref<32x128xf32, #tpu.memory_space<vmem_shared>>
    %dma_start3A_107 = arith.constant 0 : i32
    %dma_start3A_108 = tpu.memref_slice %arg13[%add3A_104, %dma_start3A_107] : memref<10240x128xf32, #tpu.memory_space<vmem_shared>> -> memref<32x128xf32, #tpu.memory_space<vmem_shared>>
    tpu.enqueue_dma source(%arg12 : memref<32x128xf32, #tpu.memory_space<vmem>>) target(%dma_start3A_108 : memref<32x128xf32, #tpu.memory_space<vmem_shared>>) target_semaphore(%arg18 : memref<!tpu.dma_semaphore, #tpu.memory_space<semaphore_mem>>)
    %mul3A_109 = arith.constant 640 : i32
    %mul3A_110 = arith.muli %arg1, %mul3A_109 : i32
    %add3A_111 = arith.constant 416 : i32
    %add3A_112 = arith.addi %mul3A_110, %add3A_111 : i32
    %dma_start3A_113 = arith.constant 0 : i32
    %dma_start3A_114 = tpu.memref_slice %arg13[%add3A_112, %dma_start3A_113] : memref<10240x128xf32, #tpu.memory_space<vmem_shared>> -> memref<32x128xf32, #tpu.memory_space<vmem_shared>>
    %dma_start3A_115 = arith.constant 0 : i32
    %dma_start3A_116 = tpu.memref_slice %arg13[%add3A_112, %dma_start3A_115] : memref<10240x128xf32, #tpu.memory_space<vmem_shared>> -> memref<32x128xf32, #tpu.memory_space<vmem_shared>>
    tpu.enqueue_dma source(%arg12 : memref<32x128xf32, #tpu.memory_space<vmem>>) target(%dma_start3A_116 : memref<32x128xf32, #tpu.memory_space<vmem_shared>>) target_semaphore(%arg18 : memref<!tpu.dma_semaphore, #tpu.memory_space<semaphore_mem>>)
    %mul3A_117 = arith.constant 640 : i32
    %mul3A_118 = arith.muli %arg1, %mul3A_117 : i32
    %add3A_119 = arith.constant 448 : i32
    %add3A_120 = arith.addi %mul3A_118, %add3A_119 : i32
    %dma_start3A_121 = arith.constant 0 : i32
    %dma_start3A_122 = tpu.memref_slice %arg13[%add3A_120, %dma_start3A_121] : memref<10240x128xf32, #tpu.memory_space<vmem_shared>> -> memref<32x128xf32, #tpu.memory_space<vmem_shared>>
    %dma_start3A_123 = arith.constant 0 : i32
    %dma_start3A_124 = tpu.memref_slice %arg13[%add3A_120, %dma_start3A_123] : memref<10240x128xf32, #tpu.memory_space<vmem_shared>> -> memref<32x128xf32, #tpu.memory_space<vmem_shared>>
    tpu.enqueue_dma source(%arg12 : memref<32x128xf32, #tpu.memory_space<vmem>>) target(%dma_start3A_124 : memref<32x128xf32, #tpu.memory_space<vmem_shared>>) target_semaphore(%arg18 : memref<!tpu.dma_semaphore, #tpu.memory_space<semaphore_mem>>)
    %mul3A_125 = arith.constant 640 : i32
    %mul3A_126 = arith.muli %arg1, %mul3A_125 : i32
    %add3A_127 = arith.constant 480 : i32
    %add3A_128 = arith.addi %mul3A_126, %add3A_127 : i32
    %dma_start3A_129 = arith.constant 0 : i32
    %dma_start3A_130 = tpu.memref_slice %arg13[%add3A_128, %dma_start3A_129] : memref<10240x128xf32, #tpu.memory_space<vmem_shared>> -> memref<32x128xf32, #tpu.memory_space<vmem_shared>>
    %dma_start3A_131 = arith.constant 0 : i32
    %dma_start3A_132 = tpu.memref_slice %arg13[%add3A_128, %dma_start3A_131] : memref<10240x128xf32, #tpu.memory_space<vmem_shared>> -> memref<32x128xf32, #tpu.memory_space<vmem_shared>>
    tpu.enqueue_dma source(%arg12 : memref<32x128xf32, #tpu.memory_space<vmem>>) target(%dma_start3A_132 : memref<32x128xf32, #tpu.memory_space<vmem_shared>>) target_semaphore(%arg18 : memref<!tpu.dma_semaphore, #tpu.memory_space<semaphore_mem>>)
    %mul3A_133 = arith.constant 640 : i32
    %mul3A_134 = arith.muli %arg1, %mul3A_133 : i32
    %add3A_135 = arith.constant 512 : i32
    %add3A_136 = arith.addi %mul3A_134, %add3A_135 : i32
    %dma_start3A_137 = arith.constant 0 : i32
    %dma_start3A_138 = tpu.memref_slice %arg13[%add3A_136, %dma_start3A_137] : memref<10240x128xf32, #tpu.memory_space<vmem_shared>> -> memref<32x128xf32, #tpu.memory_space<vmem_shared>>
    %dma_start3A_139 = arith.constant 0 : i32
    %dma_start3A_140 = tpu.memref_slice %arg13[%add3A_136, %dma_start3A_139] : memref<10240x128xf32, #tpu.memory_space<vmem_shared>> -> memref<32x128xf32, #tpu.memory_space<vmem_shared>>
    tpu.enqueue_dma source(%arg12 : memref<32x128xf32, #tpu.memory_space<vmem>>) target(%dma_start3A_140 : memref<32x128xf32, #tpu.memory_space<vmem_shared>>) target_semaphore(%arg18 : memref<!tpu.dma_semaphore, #tpu.memory_space<semaphore_mem>>)
    %mul3A_141 = arith.constant 640 : i32
    %mul3A_142 = arith.muli %arg1, %mul3A_141 : i32
    %add3A_143 = arith.constant 544 : i32
    %add3A_144 = arith.addi %mul3A_142, %add3A_143 : i32
    %dma_start3A_145 = arith.constant 0 : i32
    %dma_start3A_146 = tpu.memref_slice %arg13[%add3A_144, %dma_start3A_145] : memref<10240x128xf32, #tpu.memory_space<vmem_shared>> -> memref<32x128xf32, #tpu.memory_space<vmem_shared>>
    %dma_start3A_147 = arith.constant 0 : i32
    %dma_start3A_148 = tpu.memref_slice %arg13[%add3A_144, %dma_start3A_147] : memref<10240x128xf32, #tpu.memory_space<vmem_shared>> -> memref<32x128xf32, #tpu.memory_space<vmem_shared>>
    tpu.enqueue_dma source(%arg12 : memref<32x128xf32, #tpu.memory_space<vmem>>) target(%dma_start3A_148 : memref<32x128xf32, #tpu.memory_space<vmem_shared>>) target_semaphore(%arg18 : memref<!tpu.dma_semaphore, #tpu.memory_space<semaphore_mem>>)
    %mul3A_149 = arith.constant 640 : i32
    %mul3A_150 = arith.muli %arg1, %mul3A_149 : i32
    %add3A_151 = arith.constant 576 : i32
    %add3A_152 = arith.addi %mul3A_150, %add3A_151 : i32
    %dma_start3A_153 = arith.constant 0 : i32
    %dma_start3A_154 = tpu.memref_slice %arg13[%add3A_152, %dma_start3A_153] : memref<10240x128xf32, #tpu.memory_space<vmem_shared>> -> memref<32x128xf32, #tpu.memory_space<vmem_shared>>
    %dma_start3A_155 = arith.constant 0 : i32
    %dma_start3A_156 = tpu.memref_slice %arg13[%add3A_152, %dma_start3A_155] : memref<10240x128xf32, #tpu.memory_space<vmem_shared>> -> memref<32x128xf32, #tpu.memory_space<vmem_shared>>
    tpu.enqueue_dma source(%arg12 : memref<32x128xf32, #tpu.memory_space<vmem>>) target(%dma_start3A_156 : memref<32x128xf32, #tpu.memory_space<vmem_shared>>) target_semaphore(%arg18 : memref<!tpu.dma_semaphore, #tpu.memory_space<semaphore_mem>>)
    %mul3A_157 = arith.constant 640 : i32
    %mul3A_158 = arith.muli %arg1, %mul3A_157 : i32
    %add3A_159 = arith.constant 608 : i32
    %add3A_160 = arith.addi %mul3A_158, %add3A_159 : i32
    %dma_start3A_161 = arith.constant 0 : i32
    %dma_start3A_162 = tpu.memref_slice %arg13[%add3A_160, %dma_start3A_161] : memref<10240x128xf32, #tpu.memory_space<vmem_shared>> -> memref<32x128xf32, #tpu.memory_space<vmem_shared>>
    %dma_start3A_163 = arith.constant 0 : i32
    %dma_start3A_164 = tpu.memref_slice %arg13[%add3A_160, %dma_start3A_163] : memref<10240x128xf32, #tpu.memory_space<vmem_shared>> -> memref<32x128xf32, #tpu.memory_space<vmem_shared>>
    tpu.enqueue_dma source(%arg12 : memref<32x128xf32, #tpu.memory_space<vmem>>) target(%dma_start3A_164 : memref<32x128xf32, #tpu.memory_space<vmem_shared>>) target_semaphore(%arg18 : memref<!tpu.dma_semaphore, #tpu.memory_space<semaphore_mem>>)
    %mul3A_165 = arith.constant 10000 : i32
    %mul3A_166 = arith.muli %add3A, %mul3A_165 : i32
    %add3A_167 = arith.constant 0 : i32
    %add3A_168 = arith.addi %mul3A_166, %add3A_167 : i32
    %multiple_of3A = tpu.assume_multiple %add3A_168, 8 : i32
    %dma_start3A_169 = arith.constant 0 : i32
    %dma_start3A_170 = arith.constant 0 : i32
    %dma_start3A_171 = tpu.memref_slice %arg6[%dma_start3A_169, %dma_start3A_170] : memref<2x128xi32, #tpu.memory_space<vmem>> -> memref<1x128xi32, #tpu.memory_space<vmem>>
    %dma_start3A_172 = tpu.memref_squeeze %dma_start3A_171 : memref<1x128xi32, #tpu.memory_space<vmem>> -> memref<128xi32, #tpu.memory_space<vmem>>
    %dma_start3A_173 = tpu.memref_slice %arg3[%multiple_of3A] : memref<320000xi32, #tpu.memory_space<hbm>> -> memref<128xi32, #tpu.memory_space<hbm>>
    %dma_start3A_174 = arith.constant 0 : i32
    %dma_start3A_175 = tpu.memref_slice %arg6[%dma_start3A_169, %dma_start3A_174] : memref<2x128xi32, #tpu.memory_space<vmem>> -> memref<1x128xi32, #tpu.memory_space<vmem>>
    %dma_start3A_176 = tpu.memref_squeeze %dma_start3A_175 : memref<1x128xi32, #tpu.memory_space<vmem>> -> memref<128xi32, #tpu.memory_space<vmem>>
    %dma_start3A_177 = tpu.memref_slice %arg3[%multiple_of3A] : memref<320000xi32, #tpu.memory_space<hbm>> -> memref<128xi32, #tpu.memory_space<hbm>>
    tpu.enqueue_dma source(%dma_start3A_177 : memref<128xi32, #tpu.memory_space<hbm>>) target(%dma_start3A_176 : memref<128xi32, #tpu.memory_space<vmem>>) target_semaphore(%arg14 : memref<!tpu.dma_semaphore, #tpu.memory_space<semaphore_mem>>)
    %mul3A_178 = arith.constant 10000 : i32
    %mul3A_179 = arith.muli %add3A, %mul3A_178 : i32
    %add3A_180 = arith.constant 0 : i32
    %add3A_181 = arith.addi %mul3A_179, %add3A_180 : i32
    %multiple_of3A_182 = tpu.assume_multiple %add3A_181, 8 : i32
    %dma_start3A_183 = arith.constant 0 : i32
    %dma_start3A_184 = arith.constant 0 : i32
    %dma_start3A_185 = tpu.memref_slice %arg7[%dma_start3A_183, %dma_start3A_184] : memref<4x128xi32, #tpu.memory_space<vmem>> -> memref<1x128xi32, #tpu.memory_space<vmem>>
    %dma_start3A_186 = tpu.memref_squeeze %dma_start3A_185 : memref<1x128xi32, #tpu.memory_space<vmem>> -> memref<128xi32, #tpu.memory_space<vmem>>
    %dma_start3A_187 = tpu.memref_slice %arg4[%multiple_of3A_182] : memref<320000xi32, #tpu.memory_space<hbm>> -> memref<128xi32, #tpu.memory_space<hbm>>
    %dma_start3A_188 = arith.constant 0 : i32
    %dma_start3A_189 = tpu.memref_slice %arg7[%dma_start3A_183, %dma_start3A_188] : memref<4x128xi32, #tpu.memory_space<vmem>> -> memref<1x128xi32, #tpu.memory_space<vmem>>
    %dma_start3A_190 = tpu.memref_squeeze %dma_start3A_189 : memref<1x128xi32, #tpu.memory_space<vmem>> -> memref<128xi32, #tpu.memory_space<vmem>>
    %dma_start3A_191 = tpu.memref_slice %arg4[%multiple_of3A_182] : memref<320000xi32, #tpu.memory_space<hbm>> -> memref<128xi32, #tpu.memory_space<hbm>>
    tpu.enqueue_dma source(%dma_start3A_191 : memref<128xi32, #tpu.memory_space<hbm>>) target(%dma_start3A_190 : memref<128xi32, #tpu.memory_space<vmem>>) target_semaphore(%arg15 : memref<!tpu.dma_semaphore, #tpu.memory_space<semaphore_mem>>)
    %mul3A_192 = arith.constant 10000 : i32
    %mul3A_193 = arith.muli %add3A, %mul3A_192 : i32
    %add3A_194 = arith.constant 128 : i32
    %add3A_195 = arith.addi %mul3A_193, %add3A_194 : i32
    %multiple_of3A_196 = tpu.assume_multiple %add3A_195, 8 : i32
    %dma_start3A_197 = arith.constant 1 : i32
    %dma_start3A_198 = arith.constant 0 : i32
    %dma_start3A_199 = tpu.memref_slice %arg6[%dma_start3A_197, %dma_start3A_198] : memref<2x128xi32, #tpu.memory_space<vmem>> -> memref<1x128xi32, #tpu.memory_space<vmem>>
    %dma_start3A_200 = tpu.memref_squeeze %dma_start3A_199 : memref<1x128xi32, #tpu.memory_space<vmem>> -> memref<128xi32, #tpu.memory_space<vmem>>
    %dma_start3A_201 = tpu.memref_slice %arg3[%multiple_of3A_196] : memref<320000xi32, #tpu.memory_space<hbm>> -> memref<128xi32, #tpu.memory_space<hbm>>
    %dma_start3A_202 = arith.constant 0 : i32
    %dma_start3A_203 = tpu.memref_slice %arg6[%dma_start3A_197, %dma_start3A_202] : memref<2x128xi32, #tpu.memory_space<vmem>> -> memref<1x128xi32, #tpu.memory_space<vmem>>
    %dma_start3A_204 = tpu.memref_squeeze %dma_start3A_203 : memref<1x128xi32, #tpu.memory_space<vmem>> -> memref<128xi32, #tpu.memory_space<vmem>>
    %dma_start3A_205 = tpu.memref_slice %arg3[%multiple_of3A_196] : memref<320000xi32, #tpu.memory_space<hbm>> -> memref<128xi32, #tpu.memory_space<hbm>>
    tpu.enqueue_dma source(%dma_start3A_205 : memref<128xi32, #tpu.memory_space<hbm>>) target(%dma_start3A_204 : memref<128xi32, #tpu.memory_space<vmem>>) target_semaphore(%arg14 : memref<!tpu.dma_semaphore, #tpu.memory_space<semaphore_mem>>)
    %mul3A_206 = arith.constant 10000 : i32
    %mul3A_207 = arith.muli %add3A, %mul3A_206 : i32
    %add3A_208 = arith.constant 128 : i32
    %add3A_209 = arith.addi %mul3A_207, %add3A_208 : i32
    %multiple_of3A_210 = tpu.assume_multiple %add3A_209, 8 : i32
    %dma_start3A_211 = arith.constant 1 : i32
    %dma_start3A_212 = arith.constant 0 : i32
    %dma_start3A_213 = tpu.memref_slice %arg7[%dma_start3A_211, %dma_start3A_212] : memref<4x128xi32, #tpu.memory_space<vmem>> -> memref<1x128xi32, #tpu.memory_space<vmem>>
    %dma_start3A_214 = tpu.memref_squeeze %dma_start3A_213 : memref<1x128xi32, #tpu.memory_space<vmem>> -> memref<128xi32, #tpu.memory_space<vmem>>
    %dma_start3A_215 = tpu.memref_slice %arg4[%multiple_of3A_210] : memref<320000xi32, #tpu.memory_space<hbm>> -> memref<128xi32, #tpu.memory_space<hbm>>
    %dma_start3A_216 = arith.constant 0 : i32
    %dma_start3A_217 = tpu.memref_slice %arg7[%dma_start3A_211, %dma_start3A_216] : memref<4x128xi32, #tpu.memory_space<vmem>> -> memref<1x128xi32, #tpu.memory_space<vmem>>
    %dma_start3A_218 = tpu.memref_squeeze %dma_start3A_217 : memref<1x128xi32, #tpu.memory_space<vmem>> -> memref<128xi32, #tpu.memory_space<vmem>>
    %dma_start3A_219 = tpu.memref_slice %arg4[%multiple_of3A_210] : memref<320000xi32, #tpu.memory_space<hbm>> -> memref<128xi32, #tpu.memory_space<hbm>>
    tpu.enqueue_dma source(%dma_start3A_219 : memref<128xi32, #tpu.memory_space<hbm>>) target(%dma_start3A_218 : memref<128xi32, #tpu.memory_space<vmem>>) target_semaphore(%arg15 : memref<!tpu.dma_semaphore, #tpu.memory_space<semaphore_mem>>)
    %mul3A_220 = arith.constant 10000 : i32
    %mul3A_221 = arith.muli %add3A, %mul3A_220 : i32
    %add3A_222 = arith.constant 0 : i32
    %add3A_223 = arith.addi %mul3A_221, %add3A_222 : i32
    %multiple_of3A_224 = tpu.assume_multiple %add3A_223, 8 : i32
    %dma_wait3A = arith.constant 0 : i32
    %dma_wait3A_225 = arith.constant 0 : i32
    %dma_wait3A_226 = tpu.memref_slice %arg6[%dma_wait3A, %dma_wait3A_225] : memref<2x128xi32, #tpu.memory_space<vmem>> -> memref<1x128xi32, #tpu.memory_space<vmem>>
    %dma_wait3A_227 = tpu.memref_squeeze %dma_wait3A_226 : memref<1x128xi32, #tpu.memory_space<vmem>> -> memref<128xi32, #tpu.memory_space<vmem>>
    %dma_wait3A_228 = tpu.memref_slice %arg3[%multiple_of3A_224] : memref<320000xi32, #tpu.memory_space<hbm>> -> memref<128xi32, #tpu.memory_space<hbm>>
    %dma_wait3A_229 = arith.constant 0 : i32
    %dma_wait3A_230 = tpu.memref_slice %arg6[%dma_wait3A, %dma_wait3A_229] : memref<2x128xi32, #tpu.memory_space<vmem>> -> memref<1x128xi32, #tpu.memory_space<vmem>>
    %dma_wait3A_231 = tpu.memref_squeeze %dma_wait3A_230 : memref<1x128xi32, #tpu.memory_space<vmem>> -> memref<128xi32, #tpu.memory_space<vmem>>
    %dma_wait3A_232 = tpu.memref_slice %arg3[%multiple_of3A_224] : memref<320000xi32, #tpu.memory_space<hbm>> -> memref<128xi32, #tpu.memory_space<hbm>>
    tpu.wait_dma2 semaphore(%arg14 : memref<!tpu.dma_semaphore, #tpu.memory_space<semaphore_mem>>) src(%dma_wait3A_232 : memref<128xi32, #tpu.memory_space<hbm>>) dst(%dma_wait3A_231 : memref<128xi32, #tpu.memory_space<vmem>>)
    %dma_start3A_233 = arith.constant 0 : i32
    %dma_start3A_234 = arith.constant 0 : i32
    %dma_start3A_235 = arith.constant 0 : i32
    %dma_start3A_236 = arith.constant 0 : i32
    %dma_start3A_237 = tpu.memref_slice %arg8[%dma_start3A_234, %dma_start3A_235, %dma_start3A_236] : memref<2x128x128xf32, #tpu.memory_space<vmem>> -> memref<1x128x128xf32, #tpu.memory_space<vmem>>
    %dma_start3A_238 = tpu.memref_squeeze %dma_start3A_237 : memref<1x128x128xf32, #tpu.memory_space<vmem>> -> memref<128x128xf32, #tpu.memory_space<vmem>>
    %dma_start3A_239 = arith.constant 0 : i32
    %dma_start3A_240 = tpu.memref_slice %arg6[%dma_start3A_233, %dma_start3A_239] : memref<2x128xi32, #tpu.memory_space<vmem>> -> memref<1x128xi32, #tpu.memory_space<vmem>>
    %dma_start3A_241 = tpu.memref_squeeze %dma_start3A_240 : memref<1x128xi32, #tpu.memory_space<vmem>> -> memref<128xi32, #tpu.memory_space<vmem>>
    %dma_start3A_242 = arith.constant 0 : i32
    %dma_start3A_243 = arith.constant 0 : i32
    %dma_start3A_244 = tpu.memref_slice %arg2[%dma_start3A_242, %dma_start3A_243] : memref<10000x128xf32, #tpu.memory_space<hbm>> -> memref<10000x128xf32, #tpu.memory_space<hbm>>
    tpu.enqueue_indirect_dma source(%dma_start3A_244 : memref<10000x128xf32, #tpu.memory_space<hbm>>) target(%dma_start3A_238 : memref<128x128xf32, #tpu.memory_space<vmem>>) offsets(%dma_start3A_241 : memref<128xi32, #tpu.memory_space<vmem>>) semaphore(%arg16 : memref<!tpu.dma_semaphore, #tpu.memory_space<semaphore_mem>>)
    %mul3A_245 = arith.constant 640 : i32
    %mul3A_246 = arith.muli %arg1, %mul3A_245 : i32
    %add3A_247 = arith.constant 0 : i32
    %add3A_248 = arith.addi %mul3A_246, %add3A_247 : i32
    %dma_wait3A_249 = arith.constant 0 : i32
    %dma_wait3A_250 = tpu.memref_slice %arg13[%add3A_248, %dma_wait3A_249] : memref<10240x128xf32, #tpu.memory_space<vmem_shared>> -> memref<32x128xf32, #tpu.memory_space<vmem_shared>>
    %dma_wait3A_251 = arith.constant 0 : i32
    %dma_wait3A_252 = tpu.memref_slice %arg13[%add3A_248, %dma_wait3A_251] : memref<10240x128xf32, #tpu.memory_space<vmem_shared>> -> memref<32x128xf32, #tpu.memory_space<vmem_shared>>
    tpu.wait_dma2 semaphore(%arg18 : memref<!tpu.dma_semaphore, #tpu.memory_space<semaphore_mem>>) src(%arg12 : memref<32x128xf32, #tpu.memory_space<vmem>>) dst(%dma_wait3A_252 : memref<32x128xf32, #tpu.memory_space<vmem_shared>>)
    %mul3A_253 = arith.constant 640 : i32
    %mul3A_254 = arith.muli %arg1, %mul3A_253 : i32
    %add3A_255 = arith.constant 32 : i32
    %add3A_256 = arith.addi %mul3A_254, %add3A_255 : i32
    %dma_wait3A_257 = arith.constant 0 : i32
    %dma_wait3A_258 = tpu.memref_slice %arg13[%add3A_256, %dma_wait3A_257] : memref<10240x128xf32, #tpu.memory_space<vmem_shared>> -> memref<32x128xf32, #tpu.memory_space<vmem_shared>>
    %dma_wait3A_259 = arith.constant 0 : i32
    %dma_wait3A_260 = tpu.memref_slice %arg13[%add3A_256, %dma_wait3A_259] : memref<10240x128xf32, #tpu.memory_space<vmem_shared>> -> memref<32x128xf32, #tpu.memory_space<vmem_shared>>
    tpu.wait_dma2 semaphore(%arg18 : memref<!tpu.dma_semaphore, #tpu.memory_space<semaphore_mem>>) src(%arg12 : memref<32x128xf32, #tpu.memory_space<vmem>>) dst(%dma_wait3A_260 : memref<32x128xf32, #tpu.memory_space<vmem_shared>>)
    %mul3A_261 = arith.constant 640 : i32
    %mul3A_262 = arith.muli %arg1, %mul3A_261 : i32
    %add3A_263 = arith.constant 64 : i32
    %add3A_264 = arith.addi %mul3A_262, %add3A_263 : i32
    %dma_wait3A_265 = arith.constant 0 : i32
    %dma_wait3A_266 = tpu.memref_slice %arg13[%add3A_264, %dma_wait3A_265] : memref<10240x128xf32, #tpu.memory_space<vmem_shared>> -> memref<32x128xf32, #tpu.memory_space<vmem_shared>>
    %dma_wait3A_267 = arith.constant 0 : i32
    %dma_wait3A_268 = tpu.memref_slice %arg13[%add3A_264, %dma_wait3A_267] : memref<10240x128xf32, #tpu.memory_space<vmem_shared>> -> memref<32x128xf32, #tpu.memory_space<vmem_shared>>
    tpu.wait_dma2 semaphore(%arg18 : memref<!tpu.dma_semaphore, #tpu.memory_space<semaphore_mem>>) src(%arg12 : memref<32x128xf32, #tpu.memory_space<vmem>>) dst(%dma_wait3A_268 : memref<32x128xf32, #tpu.memory_space<vmem_shared>>)
    %mul3A_269 = arith.constant 640 : i32
    %mul3A_270 = arith.muli %arg1, %mul3A_269 : i32
    %add3A_271 = arith.constant 96 : i32
    %add3A_272 = arith.addi %mul3A_270, %add3A_271 : i32
    %dma_wait3A_273 = arith.constant 0 : i32
    %dma_wait3A_274 = tpu.memref_slice %arg13[%add3A_272, %dma_wait3A_273] : memref<10240x128xf32, #tpu.memory_space<vmem_shared>> -> memref<32x128xf32, #tpu.memory_space<vmem_shared>>
    %dma_wait3A_275 = arith.constant 0 : i32
    %dma_wait3A_276 = tpu.memref_slice %arg13[%add3A_272, %dma_wait3A_275] : memref<10240x128xf32, #tpu.memory_space<vmem_shared>> -> memref<32x128xf32, #tpu.memory_space<vmem_shared>>
    tpu.wait_dma2 semaphore(%arg18 : memref<!tpu.dma_semaphore, #tpu.memory_space<semaphore_mem>>) src(%arg12 : memref<32x128xf32, #tpu.memory_space<vmem>>) dst(%dma_wait3A_276 : memref<32x128xf32, #tpu.memory_space<vmem_shared>>)
    %mul3A_277 = arith.constant 640 : i32
    %mul3A_278 = arith.muli %arg1, %mul3A_277 : i32
    %add3A_279 = arith.constant 128 : i32
    %add3A_280 = arith.addi %mul3A_278, %add3A_279 : i32
    %dma_wait3A_281 = arith.constant 0 : i32
    %dma_wait3A_282 = tpu.memref_slice %arg13[%add3A_280, %dma_wait3A_281] : memref<10240x128xf32, #tpu.memory_space<vmem_shared>> -> memref<32x128xf32, #tpu.memory_space<vmem_shared>>
    %dma_wait3A_283 = arith.constant 0 : i32
    %dma_wait3A_284 = tpu.memref_slice %arg13[%add3A_280, %dma_wait3A_283] : memref<10240x128xf32, #tpu.memory_space<vmem_shared>> -> memref<32x128xf32, #tpu.memory_space<vmem_shared>>
    tpu.wait_dma2 semaphore(%arg18 : memref<!tpu.dma_semaphore, #tpu.memory_space<semaphore_mem>>) src(%arg12 : memref<32x128xf32, #tpu.memory_space<vmem>>) dst(%dma_wait3A_284 : memref<32x128xf32, #tpu.memory_space<vmem_shared>>)
    %mul3A_285 = arith.constant 640 : i32
    %mul3A_286 = arith.muli %arg1, %mul3A_285 : i32
    %add3A_287 = arith.constant 160 : i32
    %add3A_288 = arith.addi %mul3A_286, %add3A_287 : i32
    %dma_wait3A_289 = arith.constant 0 : i32
    %dma_wait3A_290 = tpu.memref_slice %arg13[%add3A_288, %dma_wait3A_289] : memref<10240x128xf32, #tpu.memory_space<vmem_shared>> -> memref<32x128xf32, #tpu.memory_space<vmem_shared>>
    %dma_wait3A_291 = arith.constant 0 : i32
    %dma_wait3A_292 = tpu.memref_slice %arg13[%add3A_288, %dma_wait3A_291] : memref<10240x128xf32, #tpu.memory_space<vmem_shared>> -> memref<32x128xf32, #tpu.memory_space<vmem_shared>>
    tpu.wait_dma2 semaphore(%arg18 : memref<!tpu.dma_semaphore, #tpu.memory_space<semaphore_mem>>) src(%arg12 : memref<32x128xf32, #tpu.memory_space<vmem>>) dst(%dma_wait3A_292 : memref<32x128xf32, #tpu.memory_space<vmem_shared>>)
    %mul3A_293 = arith.constant 640 : i32
    %mul3A_294 = arith.muli %arg1, %mul3A_293 : i32
    %add3A_295 = arith.constant 192 : i32
    %add3A_296 = arith.addi %mul3A_294, %add3A_295 : i32
    %dma_wait3A_297 = arith.constant 0 : i32
    %dma_wait3A_298 = tpu.memref_slice %arg13[%add3A_296, %dma_wait3A_297] : memref<10240x128xf32, #tpu.memory_space<vmem_shared>> -> memref<32x128xf32, #tpu.memory_space<vmem_shared>>
    %dma_wait3A_299 = arith.constant 0 : i32
    %dma_wait3A_300 = tpu.memref_slice %arg13[%add3A_296, %dma_wait3A_299] : memref<10240x128xf32, #tpu.memory_space<vmem_shared>> -> memref<32x128xf32, #tpu.memory_space<vmem_shared>>
    tpu.wait_dma2 semaphore(%arg18 : memref<!tpu.dma_semaphore, #tpu.memory_space<semaphore_mem>>) src(%arg12 : memref<32x128xf32, #tpu.memory_space<vmem>>) dst(%dma_wait3A_300 : memref<32x128xf32, #tpu.memory_space<vmem_shared>>)
    %mul3A_301 = arith.constant 640 : i32
    %mul3A_302 = arith.muli %arg1, %mul3A_301 : i32
    %add3A_303 = arith.constant 224 : i32
    %add3A_304 = arith.addi %mul3A_302, %add3A_303 : i32
    %dma_wait3A_305 = arith.constant 0 : i32
    %dma_wait3A_306 = tpu.memref_slice %arg13[%add3A_304, %dma_wait3A_305] : memref<10240x128xf32, #tpu.memory_space<vmem_shared>> -> memref<32x128xf32, #tpu.memory_space<vmem_shared>>
    %dma_wait3A_307 = arith.constant 0 : i32
    %dma_wait3A_308 = tpu.memref_slice %arg13[%add3A_304, %dma_wait3A_307] : memref<10240x128xf32, #tpu.memory_space<vmem_shared>> -> memref<32x128xf32, #tpu.memory_space<vmem_shared>>
    tpu.wait_dma2 semaphore(%arg18 : memref<!tpu.dma_semaphore, #tpu.memory_space<semaphore_mem>>) src(%arg12 : memref<32x128xf32, #tpu.memory_space<vmem>>) dst(%dma_wait3A_308 : memref<32x128xf32, #tpu.memory_space<vmem_shared>>)
    %mul3A_309 = arith.constant 640 : i32
    %mul3A_310 = arith.muli %arg1, %mul3A_309 : i32
    %add3A_311 = arith.constant 256 : i32
    %add3A_312 = arith.addi %mul3A_310, %add3A_311 : i32
    %dma_wait3A_313 = arith.constant 0 : i32
    %dma_wait3A_314 = tpu.memref_slice %arg13[%add3A_312, %dma_wait3A_313] : memref<10240x128xf32, #tpu.memory_space<vmem_shared>> -> memref<32x128xf32, #tpu.memory_space<vmem_shared>>
    %dma_wait3A_315 = arith.constant 0 : i32
    %dma_wait3A_316 = tpu.memref_slice %arg13[%add3A_312, %dma_wait3A_315] : memref<10240x128xf32, #tpu.memory_space<vmem_shared>> -> memref<32x128xf32, #tpu.memory_space<vmem_shared>>
    tpu.wait_dma2 semaphore(%arg18 : memref<!tpu.dma_semaphore, #tpu.memory_space<semaphore_mem>>) src(%arg12 : memref<32x128xf32, #tpu.memory_space<vmem>>) dst(%dma_wait3A_316 : memref<32x128xf32, #tpu.memory_space<vmem_shared>>)
    %mul3A_317 = arith.constant 640 : i32
    %mul3A_318 = arith.muli %arg1, %mul3A_317 : i32
    %add3A_319 = arith.constant 288 : i32
    %add3A_320 = arith.addi %mul3A_318, %add3A_319 : i32
    %dma_wait3A_321 = arith.constant 0 : i32
    %dma_wait3A_322 = tpu.memref_slice %arg13[%add3A_320, %dma_wait3A_321] : memref<10240x128xf32, #tpu.memory_space<vmem_shared>> -> memref<32x128xf32, #tpu.memory_space<vmem_shared>>
    %dma_wait3A_323 = arith.constant 0 : i32
    %dma_wait3A_324 = tpu.memref_slice %arg13[%add3A_320, %dma_wait3A_323] : memref<10240x128xf32, #tpu.memory_space<vmem_shared>> -> memref<32x128xf32, #tpu.memory_space<vmem_shared>>
    tpu.wait_dma2 semaphore(%arg18 : memref<!tpu.dma_semaphore, #tpu.memory_space<semaphore_mem>>) src(%arg12 : memref<32x128xf32, #tpu.memory_space<vmem>>) dst(%dma_wait3A_324 : memref<32x128xf32, #tpu.memory_space<vmem_shared>>)
    %mul3A_325 = arith.constant 640 : i32
    %mul3A_326 = arith.muli %arg1, %mul3A_325 : i32
    %add3A_327 = arith.constant 320 : i32
    %add3A_328 = arith.addi %mul3A_326, %add3A_327 : i32
    %dma_wait3A_329 = arith.constant 0 : i32
    %dma_wait3A_330 = tpu.memref_slice %arg13[%add3A_328, %dma_wait3A_329] : memref<10240x128xf32, #tpu.memory_space<vmem_shared>> -> memref<32x128xf32, #tpu.memory_space<vmem_shared>>
    %dma_wait3A_331 = arith.constant 0 : i32
    %dma_wait3A_332 = tpu.memref_slice %arg13[%add3A_328, %dma_wait3A_331] : memref<10240x128xf32, #tpu.memory_space<vmem_shared>> -> memref<32x128xf32, #tpu.memory_space<vmem_shared>>
    tpu.wait_dma2 semaphore(%arg18 : memref<!tpu.dma_semaphore, #tpu.memory_space<semaphore_mem>>) src(%arg12 : memref<32x128xf32, #tpu.memory_space<vmem>>) dst(%dma_wait3A_332 : memref<32x128xf32, #tpu.memory_space<vmem_shared>>)
    %mul3A_333 = arith.constant 640 : i32
    %mul3A_334 = arith.muli %arg1, %mul3A_333 : i32
    %add3A_335 = arith.constant 352 : i32
    %add3A_336 = arith.addi %mul3A_334, %add3A_335 : i32
    %dma_wait3A_337 = arith.constant 0 : i32
    %dma_wait3A_338 = tpu.memref_slice %arg13[%add3A_336, %dma_wait3A_337] : memref<10240x128xf32, #tpu.memory_space<vmem_shared>> -> memref<32x128xf32, #tpu.memory_space<vmem_shared>>
    %dma_wait3A_339 = arith.constant 0 : i32
    %dma_wait3A_340 = tpu.memref_slice %arg13[%add3A_336, %dma_wait3A_339] : memref<10240x128xf32, #tpu.memory_space<vmem_shared>> -> memref<32x128xf32, #tpu.memory_space<vmem_shared>>
    tpu.wait_dma2 semaphore(%arg18 : memref<!tpu.dma_semaphore, #tpu.memory_space<semaphore_mem>>) src(%arg12 : memref<32x128xf32, #tpu.memory_space<vmem>>) dst(%dma_wait3A_340 : memref<32x128xf32, #tpu.memory_space<vmem_shared>>)
    %mul3A_341 = arith.constant 640 : i32
    %mul3A_342 = arith.muli %arg1, %mul3A_341 : i32
    %add3A_343 = arith.constant 384 : i32
    %add3A_344 = arith.addi %mul3A_342, %add3A_343 : i32
    %dma_wait3A_345 = arith.constant 0 : i32
    %dma_wait3A_346 = tpu.memref_slice %arg13[%add3A_344, %dma_wait3A_345] : memref<10240x128xf32, #tpu.memory_space<vmem_shared>> -> memref<32x128xf32, #tpu.memory_space<vmem_shared>>
    %dma_wait3A_347 = arith.constant 0 : i32
    %dma_wait3A_348 = tpu.memref_slice %arg13[%add3A_344, %dma_wait3A_347] : memref<10240x128xf32, #tpu.memory_space<vmem_shared>> -> memref<32x128xf32, #tpu.memory_space<vmem_shared>>
    tpu.wait_dma2 semaphore(%arg18 : memref<!tpu.dma_semaphore, #tpu.memory_space<semaphore_mem>>) src(%arg12 : memref<32x128xf32, #tpu.memory_space<vmem>>) dst(%dma_wait3A_348 : memref<32x128xf32, #tpu.memory_space<vmem_shared>>)
    %mul3A_349 = arith.constant 640 : i32
    %mul3A_350 = arith.muli %arg1, %mul3A_349 : i32
    %add3A_351 = arith.constant 416 : i32
    %add3A_352 = arith.addi %mul3A_350, %add3A_351 : i32
    %dma_wait3A_353 = arith.constant 0 : i32
    %dma_wait3A_354 = tpu.memref_slice %arg13[%add3A_352, %dma_wait3A_353] : memref<10240x128xf32, #tpu.memory_space<vmem_shared>> -> memref<32x128xf32, #tpu.memory_space<vmem_shared>>
    %dma_wait3A_355 = arith.constant 0 : i32
    %dma_wait3A_356 = tpu.memref_slice %arg13[%add3A_352, %dma_wait3A_355] : memref<10240x128xf32, #tpu.memory_space<vmem_shared>> -> memref<32x128xf32, #tpu.memory_space<vmem_shared>>
    tpu.wait_dma2 semaphore(%arg18 : memref<!tpu.dma_semaphore, #tpu.memory_space<semaphore_mem>>) src(%arg12 : memref<32x128xf32, #tpu.memory_space<vmem>>) dst(%dma_wait3A_356 : memref<32x128xf32, #tpu.memory_space<vmem_shared>>)
    %mul3A_357 = arith.constant 640 : i32
    %mul3A_358 = arith.muli %arg1, %mul3A_357 : i32
    %add3A_359 = arith.constant 448 : i32
    %add3A_360 = arith.addi %mul3A_358, %add3A_359 : i32
    %dma_wait3A_361 = arith.constant 0 : i32
    %dma_wait3A_362 = tpu.memref_slice %arg13[%add3A_360, %dma_wait3A_361] : memref<10240x128xf32, #tpu.memory_space<vmem_shared>> -> memref<32x128xf32, #tpu.memory_space<vmem_shared>>
    %dma_wait3A_363 = arith.constant 0 : i32
    %dma_wait3A_364 = tpu.memref_slice %arg13[%add3A_360, %dma_wait3A_363] : memref<10240x128xf32, #tpu.memory_space<vmem_shared>> -> memref<32x128xf32, #tpu.memory_space<vmem_shared>>
    tpu.wait_dma2 semaphore(%arg18 : memref<!tpu.dma_semaphore, #tpu.memory_space<semaphore_mem>>) src(%arg12 : memref<32x128xf32, #tpu.memory_space<vmem>>) dst(%dma_wait3A_364 : memref<32x128xf32, #tpu.memory_space<vmem_shared>>)
    %mul3A_365 = arith.constant 640 : i32
    %mul3A_366 = arith.muli %arg1, %mul3A_365 : i32
    %add3A_367 = arith.constant 480 : i32
    %add3A_368 = arith.addi %mul3A_366, %add3A_367 : i32
    %dma_wait3A_369 = arith.constant 0 : i32
    %dma_wait3A_370 = tpu.memref_slice %arg13[%add3A_368, %dma_wait3A_369] : memref<10240x128xf32, #tpu.memory_space<vmem_shared>> -> memref<32x128xf32, #tpu.memory_space<vmem_shared>>
    %dma_wait3A_371 = arith.constant 0 : i32
    %dma_wait3A_372 = tpu.memref_slice %arg13[%add3A_368, %dma_wait3A_371] : memref<10240x128xf32, #tpu.memory_space<vmem_shared>> -> memref<32x128xf32, #tpu.memory_space<vmem_shared>>
    tpu.wait_dma2 semaphore(%arg18 : memref<!tpu.dma_semaphore, #tpu.memory_space<semaphore_mem>>) src(%arg12 : memref<32x128xf32, #tpu.memory_space<vmem>>) dst(%dma_wait3A_372 : memref<32x128xf32, #tpu.memory_space<vmem_shared>>)
    %mul3A_373 = arith.constant 640 : i32
    %mul3A_374 = arith.muli %arg1, %mul3A_373 : i32
    %add3A_375 = arith.constant 512 : i32
    %add3A_376 = arith.addi %mul3A_374, %add3A_375 : i32
    %dma_wait3A_377 = arith.constant 0 : i32
    %dma_wait3A_378 = tpu.memref_slice %arg13[%add3A_376, %dma_wait3A_377] : memref<10240x128xf32, #tpu.memory_space<vmem_shared>> -> memref<32x128xf32, #tpu.memory_space<vmem_shared>>
    %dma_wait3A_379 = arith.constant 0 : i32
    %dma_wait3A_380 = tpu.memref_slice %arg13[%add3A_376, %dma_wait3A_379] : memref<10240x128xf32, #tpu.memory_space<vmem_shared>> -> memref<32x128xf32, #tpu.memory_space<vmem_shared>>
    tpu.wait_dma2 semaphore(%arg18 : memref<!tpu.dma_semaphore, #tpu.memory_space<semaphore_mem>>) src(%arg12 : memref<32x128xf32, #tpu.memory_space<vmem>>) dst(%dma_wait3A_380 : memref<32x128xf32, #tpu.memory_space<vmem_shared>>)
    %mul3A_381 = arith.constant 640 : i32
    %mul3A_382 = arith.muli %arg1, %mul3A_381 : i32
    %add3A_383 = arith.constant 544 : i32
    %add3A_384 = arith.addi %mul3A_382, %add3A_383 : i32
    %dma_wait3A_385 = arith.constant 0 : i32
    %dma_wait3A_386 = tpu.memref_slice %arg13[%add3A_384, %dma_wait3A_385] : memref<10240x128xf32, #tpu.memory_space<vmem_shared>> -> memref<32x128xf32, #tpu.memory_space<vmem_shared>>
    %dma_wait3A_387 = arith.constant 0 : i32
    %dma_wait3A_388 = tpu.memref_slice %arg13[%add3A_384, %dma_wait3A_387] : memref<10240x128xf32, #tpu.memory_space<vmem_shared>> -> memref<32x128xf32, #tpu.memory_space<vmem_shared>>
    tpu.wait_dma2 semaphore(%arg18 : memref<!tpu.dma_semaphore, #tpu.memory_space<semaphore_mem>>) src(%arg12 : memref<32x128xf32, #tpu.memory_space<vmem>>) dst(%dma_wait3A_388 : memref<32x128xf32, #tpu.memory_space<vmem_shared>>)
    %mul3A_389 = arith.constant 640 : i32
    %mul3A_390 = arith.muli %arg1, %mul3A_389 : i32
    %add3A_391 = arith.constant 576 : i32
    %add3A_392 = arith.addi %mul3A_390, %add3A_391 : i32
    %dma_wait3A_393 = arith.constant 0 : i32
    %dma_wait3A_394 = tpu.memref_slice %arg13[%add3A_392, %dma_wait3A_393] : memref<10240x128xf32, #tpu.memory_space<vmem_shared>> -> memref<32x128xf32, #tpu.memory_space<vmem_shared>>
    %dma_wait3A_395 = arith.constant 0 : i32
    %dma_wait3A_396 = tpu.memref_slice %arg13[%add3A_392, %dma_wait3A_395] : memref<10240x128xf32, #tpu.memory_space<vmem_shared>> -> memref<32x128xf32, #tpu.memory_space<vmem_shared>>
    tpu.wait_dma2 semaphore(%arg18 : memref<!tpu.dma_semaphore, #tpu.memory_space<semaphore_mem>>) src(%arg12 : memref<32x128xf32, #tpu.memory_space<vmem>>) dst(%dma_wait3A_396 : memref<32x128xf32, #tpu.memory_space<vmem_shared>>)
    %mul3A_397 = arith.constant 640 : i32
    %mul3A_398 = arith.muli %arg1, %mul3A_397 : i32
    %add3A_399 = arith.constant 608 : i32
    %add3A_400 = arith.addi %mul3A_398, %add3A_399 : i32
    %dma_wait3A_401 = arith.constant 0 : i32
    %dma_wait3A_402 = tpu.memref_slice %arg13[%add3A_400, %dma_wait3A_401] : memref<10240x128xf32, #tpu.memory_space<vmem_shared>> -> memref<32x128xf32, #tpu.memory_space<vmem_shared>>
    %dma_wait3A_403 = arith.constant 0 : i32
    %dma_wait3A_404 = tpu.memref_slice %arg13[%add3A_400, %dma_wait3A_403] : memref<10240x128xf32, #tpu.memory_space<vmem_shared>> -> memref<32x128xf32, #tpu.memory_space<vmem_shared>>
    tpu.wait_dma2 semaphore(%arg18 : memref<!tpu.dma_semaphore, #tpu.memory_space<semaphore_mem>>) src(%arg12 : memref<32x128xf32, #tpu.memory_space<vmem>>) dst(%dma_wait3A_404 : memref<32x128xf32, #tpu.memory_space<vmem_shared>>)
    %barrier3A = arith.constant 0 : index
    tpu.barrier barrier_id(%barrier3A)
    %scan3A_405 = arith.constant 0 : i32
    %scan3A_406 = arith.constant 0 : i32
    %scan3A_407 = arith.constant 78 : i32
    %scan3A_408 = arith.addi %scan3A_406, %scan3A_407 : i32
    %scan3A_409 = arith.constant 1 : i32
    scf.for %scan3A_458 = %scan3A_406 to %scan3A_408 step %scan3A_409  : i32 {
      %rem3A_459 = arith.constant 2 : i32
      %rem3A_460 = arith.remsi %scan3A_458, %rem3A_459 : i32
      %sub3A = arith.constant 1 : i32
      %sub3A_461 = arith.subi %sub3A, %rem3A_460 : i32
      %rem3A_462 = arith.constant 4 : i32
      %rem3A_463 = arith.remsi %scan3A_458, %rem3A_462 : i32
      %dma_wait3A_464 = arith.constant 0 : i32
      %dma_wait3A_465 = arith.constant 0 : i32
      %dma_wait3A_466 = tpu.memref_slice %arg8[%rem3A_460, %dma_wait3A_464, %dma_wait3A_465] : memref<2x128x128xf32, #tpu.memory_space<vmem>> -> memref<1x128x128xf32, #tpu.memory_space<vmem>>
      %dma_wait3A_467 = tpu.memref_squeeze %dma_wait3A_466 : memref<1x128x128xf32, #tpu.memory_space<vmem>> -> memref<128x128xf32, #tpu.memory_space<vmem>>
      %dma_wait3A_468 = arith.constant 0 : i32
      %dma_wait3A_469 = tpu.memref_slice %arg6[%rem3A_460, %dma_wait3A_468] : memref<2x128xi32, #tpu.memory_space<vmem>> -> memref<1x128xi32, #tpu.memory_space<vmem>>
      %dma_wait3A_470 = tpu.memref_squeeze %dma_wait3A_469 : memref<1x128xi32, #tpu.memory_space<vmem>> -> memref<128xi32, #tpu.memory_space<vmem>>
      %dma_wait3A_471 = arith.constant 0 : i32
      %dma_wait3A_472 = arith.constant 0 : i32
      %dma_wait3A_473 = tpu.memref_slice %arg2[%dma_wait3A_471, %dma_wait3A_472] : memref<10000x128xf32, #tpu.memory_space<hbm>> -> memref<10000x128xf32, #tpu.memory_space<hbm>>
      tpu.wait_indirect_dma semaphore(%arg16 : memref<!tpu.dma_semaphore, #tpu.memory_space<semaphore_mem>>) src(%dma_wait3A_473 : memref<10000x128xf32, #tpu.memory_space<hbm>>) dst(%dma_wait3A_467 : memref<128x128xf32, #tpu.memory_space<vmem>>)
      %ge3A = arith.constant 1 : i32
      %ge3A_474 = arith.cmpi sge, %scan3A_458, %ge3A : i32
      %convert_element_type3A = arith.extui %ge3A_474 : i1 to i32
      %cond3A = arith.constant 0 : i32
      %cond3A_475 = arith.cmpi ne, %convert_element_type3A, %cond3A : i32
      scf.if %cond3A_475 {
        %sub3A_513 = arith.constant 1 : i32
        %sub3A_514 = arith.subi %scan3A_458, %sub3A_513 : i32
        %rem3A_515 = arith.constant 4 : i32
        %rem3A_516 = arith.remsi %sub3A_514, %rem3A_515 : i32
        %dma_wait3A_517 = arith.constant 0 : i32
        %dma_wait3A_518 = arith.constant 0 : i32
        %dma_wait3A_519 = tpu.memref_slice %arg8[%sub3A_461, %dma_wait3A_517, %dma_wait3A_518] : memref<2x128x128xf32, #tpu.memory_space<vmem>> -> memref<1x128x128xf32, #tpu.memory_space<vmem>>
        %dma_wait3A_520 = tpu.memref_squeeze %dma_wait3A_519 : memref<1x128x128xf32, #tpu.memory_space<vmem>> -> memref<128x128xf32, #tpu.memory_space<vmem>>
        %dma_wait3A_521 = arith.constant 0 : i32
        %dma_wait3A_522 = tpu.memref_slice %arg7[%rem3A_516, %dma_wait3A_521] : memref<4x128xi32, #tpu.memory_space<vmem>> -> memref<1x128xi32, #tpu.memory_space<vmem>>
        %dma_wait3A_523 = tpu.memref_squeeze %dma_wait3A_522 : memref<1x128xi32, #tpu.memory_space<vmem>> -> memref<128xi32, #tpu.memory_space<vmem>>
        %dma_wait3A_524 = arith.constant 0 : i32
        %dma_wait3A_525 = arith.constant 0 : i32
        %dma_wait3A_526 = tpu.memref_slice %arg13[%dma_wait3A_524, %dma_wait3A_525] : memref<10240x128xf32, #tpu.memory_space<vmem_shared>> -> memref<10240x128xf32, #tpu.memory_space<vmem_shared>>
        tpu.wait_indirect_dma semaphore(%arg17 : memref<!tpu.dma_semaphore, #tpu.memory_space<semaphore_mem>>) src(%dma_wait3A_520 : memref<128x128xf32, #tpu.memory_space<vmem>>) dst(%dma_wait3A_526 : memref<10240x128xf32, #tpu.memory_space<vmem_shared>>)
      } else {
      }
      %add3A_476 = arith.constant 1 : i32
      %add3A_477 = arith.addi %scan3A_458, %add3A_476 : i32
      %lt3A = arith.constant 78 : i32
      %lt3A_478 = arith.cmpi slt, %add3A_477, %lt3A : i32
      %convert_element_type3A_479 = arith.extui %lt3A_478 : i1 to i32
      %cond3A_480 = arith.constant 0 : i32
      %cond3A_481 = arith.cmpi ne, %convert_element_type3A_479, %cond3A_480 : i32
      scf.if %cond3A_481 {
        %add3A_513 = arith.constant 1 : i32
        %add3A_514 = arith.addi %scan3A_458, %add3A_513 : i32
        %mul3A_515 = arith.constant 10000 : i32
        %mul3A_516 = arith.muli %add3A, %mul3A_515 : i32
        %mul3A_517 = arith.constant 128 : i32
        %mul3A_518 = arith.muli %add3A_514, %mul3A_517 : i32
        %add3A_519 = arith.addi %mul3A_516, %mul3A_518 : i32
        %multiple_of3A_520 = tpu.assume_multiple %add3A_519, 8 : i32
        %dma_wait3A_521 = arith.constant 0 : i32
        %dma_wait3A_522 = tpu.memref_slice %arg6[%sub3A_461, %dma_wait3A_521] : memref<2x128xi32, #tpu.memory_space<vmem>> -> memref<1x128xi32, #tpu.memory_space<vmem>>
        %dma_wait3A_523 = tpu.memref_squeeze %dma_wait3A_522 : memref<1x128xi32, #tpu.memory_space<vmem>> -> memref<128xi32, #tpu.memory_space<vmem>>
        %dma_wait3A_524 = tpu.memref_slice %arg3[%multiple_of3A_520] : memref<320000xi32, #tpu.memory_space<hbm>> -> memref<128xi32, #tpu.memory_space<hbm>>
        %dma_wait3A_525 = arith.constant 0 : i32
        %dma_wait3A_526 = tpu.memref_slice %arg6[%sub3A_461, %dma_wait3A_525] : memref<2x128xi32, #tpu.memory_space<vmem>> -> memref<1x128xi32, #tpu.memory_space<vmem>>
        %dma_wait3A_527 = tpu.memref_squeeze %dma_wait3A_526 : memref<1x128xi32, #tpu.memory_space<vmem>> -> memref<128xi32, #tpu.memory_space<vmem>>
        %dma_wait3A_528 = tpu.memref_slice %arg3[%multiple_of3A_520] : memref<320000xi32, #tpu.memory_space<hbm>> -> memref<128xi32, #tpu.memory_space<hbm>>
        tpu.wait_dma2 semaphore(%arg14 : memref<!tpu.dma_semaphore, #tpu.memory_space<semaphore_mem>>) src(%dma_wait3A_528 : memref<128xi32, #tpu.memory_space<hbm>>) dst(%dma_wait3A_527 : memref<128xi32, #tpu.memory_space<vmem>>)
        %dma_start3A_529 = arith.constant 0 : i32
        %dma_start3A_530 = arith.constant 0 : i32
        %dma_start3A_531 = tpu.memref_slice %arg8[%sub3A_461, %dma_start3A_529, %dma_start3A_530] : memref<2x128x128xf32, #tpu.memory_space<vmem>> -> memref<1x128x128xf32, #tpu.memory_space<vmem>>
        %dma_start3A_532 = tpu.memref_squeeze %dma_start3A_531 : memref<1x128x128xf32, #tpu.memory_space<vmem>> -> memref<128x128xf32, #tpu.memory_space<vmem>>
        %dma_start3A_533 = arith.constant 0 : i32
        %dma_start3A_534 = tpu.memref_slice %arg6[%sub3A_461, %dma_start3A_533] : memref<2x128xi32, #tpu.memory_space<vmem>> -> memref<1x128xi32, #tpu.memory_space<vmem>>
        %dma_start3A_535 = tpu.memref_squeeze %dma_start3A_534 : memref<1x128xi32, #tpu.memory_space<vmem>> -> memref<128xi32, #tpu.memory_space<vmem>>
        %dma_start3A_536 = arith.constant 0 : i32
        %dma_start3A_537 = arith.constant 0 : i32
        %dma_start3A_538 = tpu.memref_slice %arg2[%dma_start3A_536, %dma_start3A_537] : memref<10000x128xf32, #tpu.memory_space<hbm>> -> memref<10000x128xf32, #tpu.memory_space<hbm>>
        tpu.enqueue_indirect_dma source(%dma_start3A_538 : memref<10000x128xf32, #tpu.memory_space<hbm>>) target(%dma_start3A_532 : memref<128x128xf32, #tpu.memory_space<vmem>>) offsets(%dma_start3A_535 : memref<128xi32, #tpu.memory_space<vmem>>) semaphore(%arg16 : memref<!tpu.dma_semaphore, #tpu.memory_space<semaphore_mem>>)
      } else {
      }
      %mul3A_482 = arith.constant 10000 : i32
      %mul3A_483 = arith.muli %add3A, %mul3A_482 : i32
      %mul3A_484 = arith.constant 128 : i32
      %mul3A_485 = arith.muli %scan3A_458, %mul3A_484 : i32
      %add3A_486 = arith.addi %mul3A_483, %mul3A_485 : i32
      %multiple_of3A_487 = tpu.assume_multiple %add3A_486, 8 : i32
      %dma_wait3A_488 = arith.constant 0 : i32
      %dma_wait3A_489 = tpu.memref_slice %arg7[%rem3A_463, %dma_wait3A_488] : memref<4x128xi32, #tpu.memory_space<vmem>> -> memref<1x128xi32, #tpu.memory_space<vmem>>
      %dma_wait3A_490 = tpu.memref_squeeze %dma_wait3A_489 : memref<1x128xi32, #tpu.memory_space<vmem>> -> memref<128xi32, #tpu.memory_space<vmem>>
      %dma_wait3A_491 = tpu.memref_slice %arg4[%multiple_of3A_487] : memref<320000xi32, #tpu.memory_space<hbm>> -> memref<128xi32, #tpu.memory_space<hbm>>
      %dma_wait3A_492 = arith.constant 0 : i32
      %dma_wait3A_493 = tpu.memref_slice %arg7[%rem3A_463, %dma_wait3A_492] : memref<4x128xi32, #tpu.memory_space<vmem>> -> memref<1x128xi32, #tpu.memory_space<vmem>>
      %dma_wait3A_494 = tpu.memref_squeeze %dma_wait3A_493 : memref<1x128xi32, #tpu.memory_space<vmem>> -> memref<128xi32, #tpu.memory_space<vmem>>
      %dma_wait3A_495 = tpu.memref_slice %arg4[%multiple_of3A_487] : memref<320000xi32, #tpu.memory_space<hbm>> -> memref<128xi32, #tpu.memory_space<hbm>>
      tpu.wait_dma2 semaphore(%arg15 : memref<!tpu.dma_semaphore, #tpu.memory_space<semaphore_mem>>) src(%dma_wait3A_495 : memref<128xi32, #tpu.memory_space<hbm>>) dst(%dma_wait3A_494 : memref<128xi32, #tpu.memory_space<vmem>>)
      %dma_start3A_496 = arith.constant 0 : i32
      %dma_start3A_497 = arith.constant 0 : i32
      %dma_start3A_498 = tpu.memref_slice %arg8[%rem3A_460, %dma_start3A_496, %dma_start3A_497] : memref<2x128x128xf32, #tpu.memory_space<vmem>> -> memref<1x128x128xf32, #tpu.memory_space<vmem>>
      %dma_start3A_499 = tpu.memref_squeeze %dma_start3A_498 : memref<1x128x128xf32, #tpu.memory_space<vmem>> -> memref<128x128xf32, #tpu.memory_space<vmem>>
      %dma_start3A_500 = arith.constant 0 : i32
      %dma_start3A_501 = tpu.memref_slice %arg7[%rem3A_463, %dma_start3A_500] : memref<4x128xi32, #tpu.memory_space<vmem>> -> memref<1x128xi32, #tpu.memory_space<vmem>>
      %dma_start3A_502 = tpu.memref_squeeze %dma_start3A_501 : memref<1x128xi32, #tpu.memory_space<vmem>> -> memref<128xi32, #tpu.memory_space<vmem>>
      %dma_start3A_503 = arith.constant 0 : i32
      %dma_start3A_504 = arith.constant 0 : i32
      %dma_start3A_505 = tpu.memref_slice %arg13[%dma_start3A_503, %dma_start3A_504] : memref<10240x128xf32, #tpu.memory_space<vmem_shared>> -> memref<10240x128xf32, #tpu.memory_space<vmem_shared>>
      tpu.enqueue_indirect_dma source(%dma_start3A_499 : memref<128x128xf32, #tpu.memory_space<vmem>>) target(%dma_start3A_505 : memref<10240x128xf32, #tpu.memory_space<vmem_shared>>) offsets(%dma_start3A_502 : memref<128xi32, #tpu.memory_space<vmem>>) semaphore(%arg17 : memref<!tpu.dma_semaphore, #tpu.memory_space<semaphore_mem>>) {add = true}
      %add3A_506 = arith.constant 2 : i32
      %add3A_507 = arith.addi %scan3A_458, %add3A_506 : i32
      %lt3A_508 = arith.constant 78 : i32
      %lt3A_509 = arith.cmpi slt, %add3A_507, %lt3A_508 : i32
      %convert_element_type3A_510 = arith.extui %lt3A_509 : i1 to i32
      %cond3A_511 = arith.constant 0 : i32
      %cond3A_512 = arith.cmpi ne, %convert_element_type3A_510, %cond3A_511 : i32
      scf.if %cond3A_512 {
        %add3A_513 = arith.constant 2 : i32
        %add3A_514 = arith.addi %scan3A_458, %add3A_513 : i32
        %add3A_515 = arith.constant 2 : i32
        %add3A_516 = arith.addi %scan3A_458, %add3A_515 : i32
        %rem3A_517 = arith.constant 4 : i32
        %rem3A_518 = arith.remsi %add3A_516, %rem3A_517 : i32
        %mul3A_519 = arith.constant 10000 : i32
        %mul3A_520 = arith.muli %add3A, %mul3A_519 : i32
        %mul3A_521 = arith.constant 128 : i32
        %mul3A_522 = arith.muli %add3A_514, %mul3A_521 : i32
        %add3A_523 = arith.addi %mul3A_520, %mul3A_522 : i32
        %multiple_of3A_524 = tpu.assume_multiple %add3A_523, 8 : i32
        %dma_start3A_525 = arith.constant 0 : i32
        %dma_start3A_526 = tpu.memref_slice %arg6[%rem3A_460, %dma_start3A_525] : memref<2x128xi32, #tpu.memory_space<vmem>> -> memref<1x128xi32, #tpu.memory_space<vmem>>
        %dma_start3A_527 = tpu.memref_squeeze %dma_start3A_526 : memref<1x128xi32, #tpu.memory_space<vmem>> -> memref<128xi32, #tpu.memory_space<vmem>>
        %dma_start3A_528 = tpu.memref_slice %arg3[%multiple_of3A_524] : memref<320000xi32, #tpu.memory_space<hbm>> -> memref<128xi32, #tpu.memory_space<hbm>>
        %dma_start3A_529 = arith.constant 0 : i32
        %dma_start3A_530 = tpu.memref_slice %arg6[%rem3A_460, %dma_start3A_529] : memref<2x128xi32, #tpu.memory_space<vmem>> -> memref<1x128xi32, #tpu.memory_space<vmem>>
        %dma_start3A_531 = tpu.memref_squeeze %dma_start3A_530 : memref<1x128xi32, #tpu.memory_space<vmem>> -> memref<128xi32, #tpu.memory_space<vmem>>
        %dma_start3A_532 = tpu.memref_slice %arg3[%multiple_of3A_524] : memref<320000xi32, #tpu.memory_space<hbm>> -> memref<128xi32, #tpu.memory_space<hbm>>
        tpu.enqueue_dma source(%dma_start3A_532 : memref<128xi32, #tpu.memory_space<hbm>>) target(%dma_start3A_531 : memref<128xi32, #tpu.memory_space<vmem>>) target_semaphore(%arg14 : memref<!tpu.dma_semaphore, #tpu.memory_space<semaphore_mem>>)
        %mul3A_533 = arith.constant 10000 : i32
        %mul3A_534 = arith.muli %add3A, %mul3A_533 : i32
        %mul3A_535 = arith.constant 128 : i32
        %mul3A_536 = arith.muli %add3A_514, %mul3A_535 : i32
        %add3A_537 = arith.addi %mul3A_534, %mul3A_536 : i32
        %multiple_of3A_538 = tpu.assume_multiple %add3A_537, 8 : i32
        %dma_start3A_539 = arith.constant 0 : i32
        %dma_start3A_540 = tpu.memref_slice %arg7[%rem3A_518, %dma_start3A_539] : memref<4x128xi32, #tpu.memory_space<vmem>> -> memref<1x128xi32, #tpu.memory_space<vmem>>
        %dma_start3A_541 = tpu.memref_squeeze %dma_start3A_540 : memref<1x128xi32, #tpu.memory_space<vmem>> -> memref<128xi32, #tpu.memory_space<vmem>>
        %dma_start3A_542 = tpu.memref_slice %arg4[%multiple_of3A_538] : memref<320000xi32, #tpu.memory_space<hbm>> -> memref<128xi32, #tpu.memory_space<hbm>>
        %dma_start3A_543 = arith.constant 0 : i32
        %dma_start3A_544 = tpu.memref_slice %arg7[%rem3A_518, %dma_start3A_543] : memref<4x128xi32, #tpu.memory_space<vmem>> -> memref<1x128xi32, #tpu.memory_space<vmem>>
        %dma_start3A_545 = tpu.memref_squeeze %dma_start3A_544 : memref<1x128xi32, #tpu.memory_space<vmem>> -> memref<128xi32, #tpu.memory_space<vmem>>
        %dma_start3A_546 = tpu.memref_slice %arg4[%multiple_of3A_538] : memref<320000xi32, #tpu.memory_space<hbm>> -> memref<128xi32, #tpu.memory_space<hbm>>
        tpu.enqueue_dma source(%dma_start3A_546 : memref<128xi32, #tpu.memory_space<hbm>>) target(%dma_start3A_545 : memref<128xi32, #tpu.memory_space<vmem>>) target_semaphore(%arg15 : memref<!tpu.dma_semaphore, #tpu.memory_space<semaphore_mem>>)
      } else {
      }
    }
    %scan3A_410 = arith.constant 78 : i32
    %rem3A = arith.constant 77 : i32
    %rem3A_411 = arith.constant 2 : i32
    %rem3A_412 = arith.remsi %rem3A, %rem3A_411 : i32
    %rem3A_413 = arith.constant 77 : i32
    %rem3A_414 = arith.constant 4 : i32
    %rem3A_415 = arith.remsi %rem3A_413, %rem3A_414 : i32
    %dma_wait3A_416 = arith.constant 0 : i32
    %dma_wait3A_417 = arith.constant 0 : i32
    %dma_wait3A_418 = tpu.memref_slice %arg8[%rem3A_412, %dma_wait3A_416, %dma_wait3A_417] : memref<2x128x128xf32, #tpu.memory_space<vmem>> -> memref<1x128x128xf32, #tpu.memory_space<vmem>>
    %dma_wait3A_419 = tpu.memref_squeeze %dma_wait3A_418 : memref<1x128x128xf32, #tpu.memory_space<vmem>> -> memref<128x128xf32, #tpu.memory_space<vmem>>
    %dma_wait3A_420 = arith.constant 0 : i32
    %dma_wait3A_421 = tpu.memref_slice %arg7[%rem3A_415, %dma_wait3A_420] : memref<4x128xi32, #tpu.memory_space<vmem>> -> memref<1x128xi32, #tpu.memory_space<vmem>>
    %dma_wait3A_422 = tpu.memref_squeeze %dma_wait3A_421 : memref<1x128xi32, #tpu.memory_space<vmem>> -> memref<128xi32, #tpu.memory_space<vmem>>
    %dma_wait3A_423 = arith.constant 0 : i32
    %dma_wait3A_424 = arith.constant 0 : i32
    %dma_wait3A_425 = tpu.memref_slice %arg13[%dma_wait3A_423, %dma_wait3A_424] : memref<10240x128xf32, #tpu.memory_space<vmem_shared>> -> memref<10240x128xf32, #tpu.memory_space<vmem_shared>>
    tpu.wait_indirect_dma semaphore(%arg17 : memref<!tpu.dma_semaphore, #tpu.memory_space<semaphore_mem>>) src(%dma_wait3A_419 : memref<128x128xf32, #tpu.memory_space<vmem>>) dst(%dma_wait3A_425 : memref<10240x128xf32, #tpu.memory_space<vmem_shared>>)
    %mul3A_426 = arith.constant 10000 : i32
    %mul3A_427 = arith.muli %add3A, %mul3A_426 : i32
    %add3A_428 = arith.constant 9984 : i32
    %add3A_429 = arith.addi %mul3A_427, %add3A_428 : i32
    %multiple_of3A_430 = tpu.assume_multiple %add3A_429, 8 : i32
    "tpu.region"() ({
      %run_scoped3A = tpu.sem_alloc : memref<!tpu.dma_semaphore, #tpu.memory_space<semaphore_mem>>
      %dma_start3A_458 = tpu.memref_slice %arg3[%multiple_of3A_430] : memref<320000xi32, #tpu.memory_space<hbm>> -> memref<16xi32, #tpu.memory_space<hbm>>
      %dma_start3A_459 = tpu.memref_slice %arg3[%multiple_of3A_430] : memref<320000xi32, #tpu.memory_space<hbm>> -> memref<16xi32, #tpu.memory_space<hbm>>
      tpu.enqueue_dma source(%dma_start3A_459 : memref<16xi32, #tpu.memory_space<hbm>>) target(%arg9 : memref<16xi32, #tpu.memory_space<vmem>>) target_semaphore(%run_scoped3A : memref<!tpu.dma_semaphore, #tpu.memory_space<semaphore_mem>>)
      %dma_wait3A_460 = tpu.memref_slice %arg3[%multiple_of3A_430] : memref<320000xi32, #tpu.memory_space<hbm>> -> memref<16xi32, #tpu.memory_space<hbm>>
      %dma_wait3A_461 = tpu.memref_slice %arg3[%multiple_of3A_430] : memref<320000xi32, #tpu.memory_space<hbm>> -> memref<16xi32, #tpu.memory_space<hbm>>
      tpu.wait_dma2 semaphore(%run_scoped3A : memref<!tpu.dma_semaphore, #tpu.memory_space<semaphore_mem>>) src(%dma_wait3A_461 : memref<16xi32, #tpu.memory_space<hbm>>) dst(%arg9 : memref<16xi32, #tpu.memory_space<vmem>>)
      tpu.yield
    }) : () -> ()
    "tpu.region"() ({
      %run_scoped3A = tpu.sem_alloc : memref<!tpu.dma_semaphore, #tpu.memory_space<semaphore_mem>>
      %dma_start3A_458 = tpu.memref_slice %arg4[%multiple_of3A_430] : memref<320000xi32, #tpu.memory_space<hbm>> -> memref<16xi32, #tpu.memory_space<hbm>>
      %dma_start3A_459 = tpu.memref_slice %arg4[%multiple_of3A_430] : memref<320000xi32, #tpu.memory_space<hbm>> -> memref<16xi32, #tpu.memory_space<hbm>>
      tpu.enqueue_dma source(%dma_start3A_459 : memref<16xi32, #tpu.memory_space<hbm>>) target(%arg10 : memref<16xi32, #tpu.memory_space<vmem>>) target_semaphore(%run_scoped3A : memref<!tpu.dma_semaphore, #tpu.memory_space<semaphore_mem>>)
      %dma_wait3A_460 = tpu.memref_slice %arg4[%multiple_of3A_430] : memref<320000xi32, #tpu.memory_space<hbm>> -> memref<16xi32, #tpu.memory_space<hbm>>
      %dma_wait3A_461 = tpu.memref_slice %arg4[%multiple_of3A_430] : memref<320000xi32, #tpu.memory_space<hbm>> -> memref<16xi32, #tpu.memory_space<hbm>>
      tpu.wait_dma2 semaphore(%run_scoped3A : memref<!tpu.dma_semaphore, #tpu.memory_space<semaphore_mem>>) src(%dma_wait3A_461 : memref<16xi32, #tpu.memory_space<hbm>>) dst(%arg10 : memref<16xi32, #tpu.memory_space<vmem>>)
      tpu.yield
    }) : () -> ()
    %dma_start3A_431 = arith.constant 0 : i32
    %dma_start3A_432 = arith.constant 0 : i32
    %dma_start3A_433 = tpu.memref_slice %arg2[%dma_start3A_431, %dma_start3A_432] : memref<10000x128xf32, #tpu.memory_space<hbm>> -> memref<10000x128xf32, #tpu.memory_space<hbm>>
    tpu.enqueue_indirect_dma source(%dma_start3A_433 : memref<10000x128xf32, #tpu.memory_space<hbm>>) target(%arg11 : memref<16x128xf32, #tpu.memory_space<vmem>>) offsets(%arg9 : memref<16xi32, #tpu.memory_space<vmem>>) semaphore(%arg16 : memref<!tpu.dma_semaphore, #tpu.memory_space<semaphore_mem>>)
    %dma_wait3A_434 = arith.constant 0 : i32
    %dma_wait3A_435 = arith.constant 0 : i32
    %dma_wait3A_436 = tpu.memref_slice %arg2[%dma_wait3A_434, %dma_wait3A_435] : memref<10000x128xf32, #tpu.memory_space<hbm>> -> memref<10000x128xf32, #tpu.memory_space<hbm>>
    tpu.wait_indirect_dma semaphore(%arg16 : memref<!tpu.dma_semaphore, #tpu.memory_space<semaphore_mem>>) src(%dma_wait3A_436 : memref<10000x128xf32, #tpu.memory_space<hbm>>) dst(%arg11 : memref<16x128xf32, #tpu.memory_space<vmem>>)
    "tpu.region"() ({
      %run_scoped3A = tpu.sem_alloc : memref<!tpu.dma_semaphore, #tpu.memory_space<semaphore_mem>>
      %dma_start3A_458 = arith.constant 0 : i32
      %dma_start3A_459 = arith.constant 0 : i32
      %dma_start3A_460 = tpu.memref_slice %arg13[%dma_start3A_458, %dma_start3A_459] : memref<10240x128xf32, #tpu.memory_space<vmem_shared>> -> memref<10240x128xf32, #tpu.memory_space<vmem_shared>>
      tpu.enqueue_indirect_dma source(%arg11 : memref<16x128xf32, #tpu.memory_space<vmem>>) target(%dma_start3A_460 : memref<10240x128xf32, #tpu.memory_space<vmem_shared>>) offsets(%arg10 : memref<16xi32, #tpu.memory_space<vmem>>) semaphore(%run_scoped3A : memref<!tpu.dma_semaphore, #tpu.memory_space<semaphore_mem>>) {add = true}
      %dma_wait3A_461 = arith.constant 0 : i32
      %dma_wait3A_462 = arith.constant 0 : i32
      %dma_wait3A_463 = tpu.memref_slice %arg13[%dma_wait3A_461, %dma_wait3A_462] : memref<10240x128xf32, #tpu.memory_space<vmem_shared>> -> memref<10240x128xf32, #tpu.memory_space<vmem_shared>>
      tpu.wait_indirect_dma semaphore(%run_scoped3A : memref<!tpu.dma_semaphore, #tpu.memory_space<semaphore_mem>>) src(%arg11 : memref<16x128xf32, #tpu.memory_space<vmem>>) dst(%dma_wait3A_463 : memref<10240x128xf32, #tpu.memory_space<vmem_shared>>)
      tpu.yield
    }) : () -> ()
    %barrier3A_437 = arith.constant 0 : index
    tpu.barrier barrier_id(%barrier3A_437)
    %mul3A_438 = arith.constant 640 : i32
    %mul3A_439 = arith.muli %arg1, %mul3A_438 : i32
    %add3A_440 = arith.constant 0 : i32
    %add3A_441 = arith.addi %mul3A_439, %add3A_440 : i32
    "tpu.region"() ({
      %run_scoped3A = tpu.sem_alloc : memref<!tpu.dma_semaphore, #tpu.memory_space<semaphore_mem>>
      %dma_start3A_458 = arith.constant 0 : i32
      %dma_start3A_459 = tpu.memref_slice %arg5[%arg0, %add3A_441, %dma_start3A_458] : memref<2x10240x128xf32, #tpu.memory_space<hbm>> -> memref<1x128x128xf32, #tpu.memory_space<hbm>>
      %dma_start3A_460 = tpu.memref_squeeze %dma_start3A_459 : memref<1x128x128xf32, #tpu.memory_space<hbm>> -> memref<128x128xf32, #tpu.memory_space<hbm>>
      %dma_start3A_461 = arith.constant 0 : i32
      %dma_start3A_462 = tpu.memref_slice %arg13[%add3A_441, %dma_start3A_461] : memref<10240x128xf32, #tpu.memory_space<vmem_shared>> -> memref<128x128xf32, #tpu.memory_space<vmem_shared>>
      tpu.enqueue_dma source(%dma_start3A_462 : memref<128x128xf32, #tpu.memory_space<vmem_shared>>) target(%dma_start3A_460 : memref<128x128xf32, #tpu.memory_space<hbm>>) target_semaphore(%run_scoped3A : memref<!tpu.dma_semaphore, #tpu.memory_space<semaphore_mem>>)
      %dma_wait3A_463 = arith.constant 0 : i32
      %dma_wait3A_464 = tpu.memref_slice %arg5[%arg0, %add3A_441, %dma_wait3A_463] : memref<2x10240x128xf32, #tpu.memory_space<hbm>> -> memref<1x128x128xf32, #tpu.memory_space<hbm>>
      %dma_wait3A_465 = tpu.memref_squeeze %dma_wait3A_464 : memref<1x128x128xf32, #tpu.memory_space<hbm>> -> memref<128x128xf32, #tpu.memory_space<hbm>>
      %dma_wait3A_466 = arith.constant 0 : i32
      %dma_wait3A_467 = tpu.memref_slice %arg13[%add3A_441, %dma_wait3A_466] : memref<10240x128xf32, #tpu.memory_space<vmem_shared>> -> memref<128x128xf32, #tpu.memory_space<vmem_shared>>
      tpu.wait_dma2 semaphore(%run_scoped3A : memref<!tpu.dma_semaphore, #tpu.memory_space<semaphore_mem>>) src(%dma_wait3A_467 : memref<128x128xf32, #tpu.memory_space<vmem_shared>>) dst(%dma_wait3A_465 : memref<128x128xf32, #tpu.memory_space<hbm>>)
      tpu.yield
    }) : () -> ()
    %mul3A_442 = arith.constant 640 : i32
    %mul3A_443 = arith.muli %arg1, %mul3A_442 : i32
    %add3A_444 = arith.constant 128 : i32
    %add3A_445 = arith.addi %mul3A_443, %add3A_444 : i32
    "tpu.region"() ({
      %run_scoped3A = tpu.sem_alloc : memref<!tpu.dma_semaphore, #tpu.memory_space<semaphore_mem>>
      %dma_start3A_458 = arith.constant 0 : i32
      %dma_start3A_459 = tpu.memref_slice %arg5[%arg0, %add3A_445, %dma_start3A_458] : memref<2x10240x128xf32, #tpu.memory_space<hbm>> -> memref<1x128x128xf32, #tpu.memory_space<hbm>>
      %dma_start3A_460 = tpu.memref_squeeze %dma_start3A_459 : memref<1x128x128xf32, #tpu.memory_space<hbm>> -> memref<128x128xf32, #tpu.memory_space<hbm>>
      %dma_start3A_461 = arith.constant 0 : i32
      %dma_start3A_462 = tpu.memref_slice %arg13[%add3A_445, %dma_start3A_461] : memref<10240x128xf32, #tpu.memory_space<vmem_shared>> -> memref<128x128xf32, #tpu.memory_space<vmem_shared>>
      tpu.enqueue_dma source(%dma_start3A_462 : memref<128x128xf32, #tpu.memory_space<vmem_shared>>) target(%dma_start3A_460 : memref<128x128xf32, #tpu.memory_space<hbm>>) target_semaphore(%run_scoped3A : memref<!tpu.dma_semaphore, #tpu.memory_space<semaphore_mem>>)
      %dma_wait3A_463 = arith.constant 0 : i32
      %dma_wait3A_464 = tpu.memref_slice %arg5[%arg0, %add3A_445, %dma_wait3A_463] : memref<2x10240x128xf32, #tpu.memory_space<hbm>> -> memref<1x128x128xf32, #tpu.memory_space<hbm>>
      %dma_wait3A_465 = tpu.memref_squeeze %dma_wait3A_464 : memref<1x128x128xf32, #tpu.memory_space<hbm>> -> memref<128x128xf32, #tpu.memory_space<hbm>>
      %dma_wait3A_466 = arith.constant 0 : i32
      %dma_wait3A_467 = tpu.memref_slice %arg13[%add3A_445, %dma_wait3A_466] : memref<10240x128xf32, #tpu.memory_space<vmem_shared>> -> memref<128x128xf32, #tpu.memory_space<vmem_shared>>
      tpu.wait_dma2 semaphore(%run_scoped3A : memref<!tpu.dma_semaphore, #tpu.memory_space<semaphore_mem>>) src(%dma_wait3A_467 : memref<128x128xf32, #tpu.memory_space<vmem_shared>>) dst(%dma_wait3A_465 : memref<128x128xf32, #tpu.memory_space<hbm>>)
      tpu.yield
    }) : () -> ()
    %mul3A_446 = arith.constant 640 : i32
    %mul3A_447 = arith.muli %arg1, %mul3A_446 : i32
    %add3A_448 = arith.constant 256 : i32
    %add3A_449 = arith.addi %mul3A_447, %add3A_448 : i32
    "tpu.region"() ({
      %run_scoped3A = tpu.sem_alloc : memref<!tpu.dma_semaphore, #tpu.memory_space<semaphore_mem>>
      %dma_start3A_458 = arith.constant 0 : i32
      %dma_start3A_459 = tpu.memref_slice %arg5[%arg0, %add3A_449, %dma_start3A_458] : memref<2x10240x128xf32, #tpu.memory_space<hbm>> -> memref<1x128x128xf32, #tpu.memory_space<hbm>>
      %dma_start3A_460 = tpu.memref_squeeze %dma_start3A_459 : memref<1x128x128xf32, #tpu.memory_space<hbm>> -> memref<128x128xf32, #tpu.memory_space<hbm>>
      %dma_start3A_461 = arith.constant 0 : i32
      %dma_start3A_462 = tpu.memref_slice %arg13[%add3A_449, %dma_start3A_461] : memref<10240x128xf32, #tpu.memory_space<vmem_shared>> -> memref<128x128xf32, #tpu.memory_space<vmem_shared>>
      tpu.enqueue_dma source(%dma_start3A_462 : memref<128x128xf32, #tpu.memory_space<vmem_shared>>) target(%dma_start3A_460 : memref<128x128xf32, #tpu.memory_space<hbm>>) target_semaphore(%run_scoped3A : memref<!tpu.dma_semaphore, #tpu.memory_space<semaphore_mem>>)
      %dma_wait3A_463 = arith.constant 0 : i32
      %dma_wait3A_464 = tpu.memref_slice %arg5[%arg0, %add3A_449, %dma_wait3A_463] : memref<2x10240x128xf32, #tpu.memory_space<hbm>> -> memref<1x128x128xf32, #tpu.memory_space<hbm>>
      %dma_wait3A_465 = tpu.memref_squeeze %dma_wait3A_464 : memref<1x128x128xf32, #tpu.memory_space<hbm>> -> memref<128x128xf32, #tpu.memory_space<hbm>>
      %dma_wait3A_466 = arith.constant 0 : i32
      %dma_wait3A_467 = tpu.memref_slice %arg13[%add3A_449, %dma_wait3A_466] : memref<10240x128xf32, #tpu.memory_space<vmem_shared>> -> memref<128x128xf32, #tpu.memory_space<vmem_shared>>
      tpu.wait_dma2 semaphore(%run_scoped3A : memref<!tpu.dma_semaphore, #tpu.memory_space<semaphore_mem>>) src(%dma_wait3A_467 : memref<128x128xf32, #tpu.memory_space<vmem_shared>>) dst(%dma_wait3A_465 : memref<128x128xf32, #tpu.memory_space<hbm>>)
      tpu.yield
    }) : () -> ()
    %mul3A_450 = arith.constant 640 : i32
    %mul3A_451 = arith.muli %arg1, %mul3A_450 : i32
    %add3A_452 = arith.constant 384 : i32
    %add3A_453 = arith.addi %mul3A_451, %add3A_452 : i32
    "tpu.region"() ({
      %run_scoped3A = tpu.sem_alloc : memref<!tpu.dma_semaphore, #tpu.memory_space<semaphore_mem>>
      %dma_start3A_458 = arith.constant 0 : i32
      %dma_start3A_459 = tpu.memref_slice %arg5[%arg0, %add3A_453, %dma_start3A_458] : memref<2x10240x128xf32, #tpu.memory_space<hbm>> -> memref<1x128x128xf32, #tpu.memory_space<hbm>>
      %dma_start3A_460 = tpu.memref_squeeze %dma_start3A_459 : memref<1x128x128xf32, #tpu.memory_space<hbm>> -> memref<128x128xf32, #tpu.memory_space<hbm>>
      %dma_start3A_461 = arith.constant 0 : i32
      %dma_start3A_462 = tpu.memref_slice %arg13[%add3A_453, %dma_start3A_461] : memref<10240x128xf32, #tpu.memory_space<vmem_shared>> -> memref<128x128xf32, #tpu.memory_space<vmem_shared>>
      tpu.enqueue_dma source(%dma_start3A_462 : memref<128x128xf32, #tpu.memory_space<vmem_shared>>) target(%dma_start3A_460 : memref<128x128xf32, #tpu.memory_space<hbm>>) target_semaphore(%run_scoped3A : memref<!tpu.dma_semaphore, #tpu.memory_space<semaphore_mem>>)
      %dma_wait3A_463 = arith.constant 0 : i32
      %dma_wait3A_464 = tpu.memref_slice %arg5[%arg0, %add3A_453, %dma_wait3A_463] : memref<2x10240x128xf32, #tpu.memory_space<hbm>> -> memref<1x128x128xf32, #tpu.memory_space<hbm>>
      %dma_wait3A_465 = tpu.memref_squeeze %dma_wait3A_464 : memref<1x128x128xf32, #tpu.memory_space<hbm>> -> memref<128x128xf32, #tpu.memory_space<hbm>>
      %dma_wait3A_466 = arith.constant 0 : i32
      %dma_wait3A_467 = tpu.memref_slice %arg13[%add3A_453, %dma_wait3A_466] : memref<10240x128xf32, #tpu.memory_space<vmem_shared>> -> memref<128x128xf32, #tpu.memory_space<vmem_shared>>
      tpu.wait_dma2 semaphore(%run_scoped3A : memref<!tpu.dma_semaphore, #tpu.memory_space<semaphore_mem>>) src(%dma_wait3A_467 : memref<128x128xf32, #tpu.memory_space<vmem_shared>>) dst(%dma_wait3A_465 : memref<128x128xf32, #tpu.memory_space<hbm>>)
      tpu.yield
    }) : () -> ()
    %mul3A_454 = arith.constant 640 : i32
    %mul3A_455 = arith.muli %arg1, %mul3A_454 : i32
    %add3A_456 = arith.constant 512 : i32
    %add3A_457 = arith.addi %mul3A_455, %add3A_456 : i32
    "tpu.region"() ({
      %run_scoped3A = tpu.sem_alloc : memref<!tpu.dma_semaphore, #tpu.memory_space<semaphore_mem>>
      %dma_start3A_458 = arith.constant 0 : i32
      %dma_start3A_459 = tpu.memref_slice %arg5[%arg0, %add3A_457, %dma_start3A_458] : memref<2x10240x128xf32, #tpu.memory_space<hbm>> -> memref<1x128x128xf32, #tpu.memory_space<hbm>>
      %dma_start3A_460 = tpu.memref_squeeze %dma_start3A_459 : memref<1x128x128xf32, #tpu.memory_space<hbm>> -> memref<128x128xf32, #tpu.memory_space<hbm>>
      %dma_start3A_461 = arith.constant 0 : i32
      %dma_start3A_462 = tpu.memref_slice %arg13[%add3A_457, %dma_start3A_461] : memref<10240x128xf32, #tpu.memory_space<vmem_shared>> -> memref<128x128xf32, #tpu.memory_space<vmem_shared>>
      tpu.enqueue_dma source(%dma_start3A_462 : memref<128x128xf32, #tpu.memory_space<vmem_shared>>) target(%dma_start3A_460 : memref<128x128xf32, #tpu.memory_space<hbm>>) target_semaphore(%run_scoped3A : memref<!tpu.dma_semaphore, #tpu.memory_space<semaphore_mem>>)
      %dma_wait3A_463 = arith.constant 0 : i32
      %dma_wait3A_464 = tpu.memref_slice %arg5[%arg0, %add3A_457, %dma_wait3A_463] : memref<2x10240x128xf32, #tpu.memory_space<hbm>> -> memref<1x128x128xf32, #tpu.memory_space<hbm>>
      %dma_wait3A_465 = tpu.memref_squeeze %dma_wait3A_464 : memref<1x128x128xf32, #tpu.memory_space<hbm>> -> memref<128x128xf32, #tpu.memory_space<hbm>>
      %dma_wait3A_466 = arith.constant 0 : i32
      %dma_wait3A_467 = tpu.memref_slice %arg13[%add3A_457, %dma_wait3A_466] : memref<10240x128xf32, #tpu.memory_space<vmem_shared>> -> memref<128x128xf32, #tpu.memory_space<vmem_shared>>
      tpu.wait_dma2 semaphore(%run_scoped3A : memref<!tpu.dma_semaphore, #tpu.memory_space<semaphore_mem>>) src(%dma_wait3A_467 : memref<128x128xf32, #tpu.memory_space<vmem_shared>>) dst(%dma_wait3A_465 : memref<128x128xf32, #tpu.memory_space<hbm>>)
      tpu.yield
    }) : () -> ()
    return
  }
}

#map = affine_map<(d0, d1) -> (0, 0)>
#map1 = affine_map<(d0, d1) -> (0)>
#map2 = affine_map<(d0, d1) -> (0, 0, 0)>
module attributes {stable_mosaic.version = 14 : i64} {
  func.func @_scatter_kernel(%arg0: i32, %arg1: i32, %arg2: memref<10000x128xf32, #tpu.memory_space<hbm>>, %arg3: memref<320000xi32, #tpu.memory_space<hbm>>, %arg4: memref<320000xi32, #tpu.memory_space<hbm>>, %arg5: memref<2x10240x128xf32, #tpu.memory_space<hbm>>, %arg6: memref<2x128xi32, #tpu.memory_space<vmem>>, %arg7: memref<4x128xi32, #tpu.memory_space<vmem>>, %arg8: memref<2x128x128xf32, #tpu.memory_space<vmem>>, %arg9: memref<16xi32, #tpu.memory_space<vmem>>, %arg10: memref<16xi32, #tpu.memory_space<vmem>>, %arg11: memref<16x128xf32, #tpu.memory_space<vmem>>, %arg12: memref<32x128xf32, #tpu.memory_space<vmem>>, %arg13: memref<10240x128xf32, #tpu.memory_space<vmem_shared>>, %arg14: memref<!tpu.dma_semaphore, #tpu.memory_space<semaphore_mem>>, %arg15: memref<!tpu.dma_semaphore, #tpu.memory_space<semaphore_mem>>, %arg16: memref<!tpu.dma_semaphore, #tpu.memory_space<semaphore_mem>>, %arg17: memref<!tpu.dma_semaphore, #tpu.memory_space<semaphore_mem>>, %arg18: memref<!tpu.dma_semaphore, #tpu.memory_space<semaphore_mem>>) attributes {dimension_semantics = [#tpu.dimension_semantics<core_parallel>, #tpu.dimension_semantics<subcore_parallel>], iteration_bounds = array<i64: 2, 16>, scalar_prefetch = 0 : i64, scratch_operands = 13 : i64, tpu.core_type = #tpu.core_type<sc_vector_subcore>, window_params = [{transform_indices = #map}, {transform_indices = #map1}, {transform_indices = #map1}, {transform_indices = #map2}]} {
    %mul3A = arith.constant 2 : i32
    %mul3A_0 = arith.muli %arg1, %mul3A : i32
    %add3A = arith.addi %mul3A_0, %arg0 : i32
    %scan3A = arith.constant 0 : i32
    %scan3A_1 = arith.constant 0 : i32
    %scan3A_2 = arith.constant 32 : i32
    %scan3A_3 = arith.addi %scan3A_1, %scan3A_2 : i32
    %scan3A_4 = arith.constant 1 : i32
    scf.for %scan3A_458 = %scan3A_1 to %scan3A_3 step %scan3A_4  : i32 {
      %broadcast_in_dim3A = arith.constant 0.000000e+00 : f32
      %broadcast_in_dim3A_459 = vector.broadcast %broadcast_in_dim3A : f32 to vector<16xf32>
      %swap3A = arith.index_cast %scan3A_458 : i32 to index
      %swap3A_460 = arith.constant 0 : index
      %swap3A_461 = tpu.vector_load %arg12[%swap3A, %swap3A_460] {strides = array<i32>} : memref<32x128xf32, #tpu.memory_space<vmem>>, vector<1x16xf32>,
      %swap3A_462 = vector.shape_cast %swap3A_461 : vector<1x16xf32> to vector<16xf32>
      %swap3A_463 = vector.shape_cast %broadcast_in_dim3A_459 : vector<16xf32> to vector<1x16xf32>
      tpu.vector_store %arg12[%swap3A, %swap3A_460], %swap3A_463 {strides = array<i32>} : memref<32x128xf32, #tpu.memory_space<vmem>>, vector<1x16xf32>,
      %broadcast_in_dim3A_464 = arith.constant 0.000000e+00 : f32
      %broadcast_in_dim3A_465 = vector.broadcast %broadcast_in_dim3A_464 : f32 to vector<16xf32>
      %swap3A_466 = arith.index_cast %scan3A_458 : i32 to index
      %swap3A_467 = arith.constant 16 : index
      %swap3A_468 = tpu.vector_load %arg12[%swap3A_466, %swap3A_467] {strides = array<i32>} : memref<32x128xf32, #tpu.memory_space<vmem>>, vector<1x16xf32>,
      %swap3A_469 = vector.shape_cast %swap3A_468 : vector<1x16xf32> to vector<16xf32>
      %swap3A_470 = vector.shape_cast %broadcast_in_dim3A_465 : vector<16xf32> to vector<1x16xf32>
      tpu.vector_store %arg12[%swap3A_466, %swap3A_467], %swap3A_470 {strides = array<i32>} : memref<32x128xf32, #tpu.memory_space<vmem>>, vector<1x16xf32>,
      %broadcast_in_dim3A_471 = arith.constant 0.000000e+00 : f32
      %broadcast_in_dim3A_472 = vector.broadcast %broadcast_in_dim3A_471 : f32 to vector<16xf32>
      %swap3A_473 = arith.index_cast %scan3A_458 : i32 to index
      %swap3A_474 = arith.constant 32 : index
      %swap3A_475 = tpu.vector_load %arg12[%swap3A_473, %swap3A_474] {strides = array<i32>} : memref<32x128xf32, #tpu.memory_space<vmem>>, vector<1x16xf32>,
      %swap3A_476 = vector.shape_cast %swap3A_475 : vector<1x16xf32> to vector<16xf32>
      %swap3A_477 = vector.shape_cast %broadcast_in_dim3A_472 : vector<16xf32> to vector<1x16xf32>
      tpu.vector_store %arg12[%swap3A_473, %swap3A_474], %swap3A_477 {strides = array<i32>} : memref<32x128xf32, #tpu.memory_space<vmem>>, vector<1x16xf32>,
      %broadcast_in_dim3A_478 = arith.constant 0.000000e+00 : f32
      %broadcast_in_dim3A_479 = vector.broadcast %broadcast_in_dim3A_478 : f32 to vector<16xf32>
      %swap3A_480 = arith.index_cast %scan3A_458 : i32 to index
      %swap3A_481 = arith.constant 48 : index
      %swap3A_482 = tpu.vector_load %arg12[%swap3A_480, %swap3A_481] {strides = array<i32>} : memref<32x128xf32, #tpu.memory_space<vmem>>, vector<1x16xf32>,
      %swap3A_483 = vector.shape_cast %swap3A_482 : vector<1x16xf32> to vector<16xf32>
      %swap3A_484 = vector.shape_cast %broadcast_in_dim3A_479 : vector<16xf32> to vector<1x16xf32>
      tpu.vector_store %arg12[%swap3A_480, %swap3A_481], %swap3A_484 {strides = array<i32>} : memref<32x128xf32, #tpu.memory_space<vmem>>, vector<1x16xf32>,
      %broadcast_in_dim3A_485 = arith.constant 0.000000e+00 : f32
      %broadcast_in_dim3A_486 = vector.broadcast %broadcast_in_dim3A_485 : f32 to vector<16xf32>
      %swap3A_487 = arith.index_cast %scan3A_458 : i32 to index
      %swap3A_488 = arith.constant 64 : index
      %swap3A_489 = tpu.vector_load %arg12[%swap3A_487, %swap3A_488] {strides = array<i32>} : memref<32x128xf32, #tpu.memory_space<vmem>>, vector<1x16xf32>,
      %swap3A_490 = vector.shape_cast %swap3A_489 : vector<1x16xf32> to vector<16xf32>
      %swap3A_491 = vector.shape_cast %broadcast_in_dim3A_486 : vector<16xf32> to vector<1x16xf32>
      tpu.vector_store %arg12[%swap3A_487, %swap3A_488], %swap3A_491 {strides = array<i32>} : memref<32x128xf32, #tpu.memory_space<vmem>>, vector<1x16xf32>,
      %broadcast_in_dim3A_492 = arith.constant 0.000000e+00 : f32
      %broadcast_in_dim3A_493 = vector.broadcast %broadcast_in_dim3A_492 : f32 to vector<16xf32>
      %swap3A_494 = arith.index_cast %scan3A_458 : i32 to index
      %swap3A_495 = arith.constant 80 : index
      %swap3A_496 = tpu.vector_load %arg12[%swap3A_494, %swap3A_495] {strides = array<i32>} : memref<32x128xf32, #tpu.memory_space<vmem>>, vector<1x16xf32>,
      %swap3A_497 = vector.shape_cast %swap3A_496 : vector<1x16xf32> to vector<16xf32>
      %swap3A_498 = vector.shape_cast %broadcast_in_dim3A_493 : vector<16xf32> to vector<1x16xf32>
      tpu.vector_store %arg12[%swap3A_494, %swap3A_495], %swap3A_498 {strides = array<i32>} : memref<32x128xf32, #tpu.memory_space<vmem>>, vector<1x16xf32>,
      %broadcast_in_dim3A_499 = arith.constant 0.000000e+00 : f32
      %broadcast_in_dim3A_500 = vector.broadcast %broadcast_in_dim3A_499 : f32 to vector<16xf32>
      %swap3A_501 = arith.index_cast %scan3A_458 : i32 to index
      %swap3A_502 = arith.constant 96 : index
      %swap3A_503 = tpu.vector_load %arg12[%swap3A_501, %swap3A_502] {strides = array<i32>} : memref<32x128xf32, #tpu.memory_space<vmem>>, vector<1x16xf32>,
      %swap3A_504 = vector.shape_cast %swap3A_503 : vector<1x16xf32> to vector<16xf32>
      %swap3A_505 = vector.shape_cast %broadcast_in_dim3A_500 : vector<16xf32> to vector<1x16xf32>
      tpu.vector_store %arg12[%swap3A_501, %swap3A_502], %swap3A_505 {strides = array<i32>} : memref<32x128xf32, #tpu.memory_space<vmem>>, vector<1x16xf32>,
      %broadcast_in_dim3A_506 = arith.constant 0.000000e+00 : f32
      %broadcast_in_dim3A_507 = vector.broadcast %broadcast_in_dim3A_506 : f32 to vector<16xf32>
      %swap3A_508 = arith.index_cast %scan3A_458 : i32 to index
      %swap3A_509 = arith.constant 112 : index
      %swap3A_510 = tpu.vector_load %arg12[%swap3A_508, %swap3A_509] {strides = array<i32>} : memref<32x128xf32, #tpu.memory_space<vmem>>, vector<1x16xf32>,
      %swap3A_511 = vector.shape_cast %swap3A_510 : vector<1x16xf32> to vector<16xf32>
      %swap3A_512 = vector.shape_cast %broadcast_in_dim3A_507 : vector<16xf32> to vector<1x16xf32>
      tpu.vector_store %arg12[%swap3A_508, %swap3A_509], %swap3A_512 {strides = array<i32>} : memref<32x128xf32, #tpu.memory_space<vmem>>, vector<1x16xf32>,
    }
    %scan3A_5 = arith.constant 32 : i32
    %mul3A_6 = arith.constant 640 : i32
    %mul3A_7 = arith.muli %arg1, %mul3A_6 : i32
    %add3A_8 = arith.constant 0 : i32
    %add3A_9 = arith.addi %mul3A_7, %add3A_8 : i32
    %dma_start3A = arith.constant 0 : i32
    %dma_start3A_10 = tpu.memref_slice %arg13[%add3A_9, %dma_start3A] : memref<10240x128xf32, #tpu.memory_space<vmem_shared>> -> memref<32x128xf32, #tpu.memory_space<vmem_shared>>
    %dma_start3A_11 = arith.constant 0 : i32
    %dma_start3A_12 = tpu.memref_slice %arg13[%add3A_9, %dma_start3A_11] : memref<10240x128xf32, #tpu.memory_space<vmem_shared>> -> memref<32x128xf32, #tpu.memory_space<vmem_shared>>
    tpu.enqueue_dma source(%arg12 : memref<32x128xf32, #tpu.memory_space<vmem>>) target(%dma_start3A_12 : memref<32x128xf32, #tpu.memory_space<vmem_shared>>) target_semaphore(%arg18 : memref<!tpu.dma_semaphore, #tpu.memory_space<semaphore_mem>>)
    %mul3A_13 = arith.constant 640 : i32
    %mul3A_14 = arith.muli %arg1, %mul3A_13 : i32
    %add3A_15 = arith.constant 32 : i32
    %add3A_16 = arith.addi %mul3A_14, %add3A_15 : i32
    %dma_start3A_17 = arith.constant 0 : i32
    %dma_start3A_18 = tpu.memref_slice %arg13[%add3A_16, %dma_start3A_17] : memref<10240x128xf32, #tpu.memory_space<vmem_shared>> -> memref<32x128xf32, #tpu.memory_space<vmem_shared>>
    %dma_start3A_19 = arith.constant 0 : i32
    %dma_start3A_20 = tpu.memref_slice %arg13[%add3A_16, %dma_start3A_19] : memref<10240x128xf32, #tpu.memory_space<vmem_shared>> -> memref<32x128xf32, #tpu.memory_space<vmem_shared>>
    tpu.enqueue_dma source(%arg12 : memref<32x128xf32, #tpu.memory_space<vmem>>) target(%dma_start3A_20 : memref<32x128xf32, #tpu.memory_space<vmem_shared>>) target_semaphore(%arg18 : memref<!tpu.dma_semaphore, #tpu.memory_space<semaphore_mem>>)
    %mul3A_21 = arith.constant 640 : i32
    %mul3A_22 = arith.muli %arg1, %mul3A_21 : i32
    %add3A_23 = arith.constant 64 : i32
    %add3A_24 = arith.addi %mul3A_22, %add3A_23 : i32
    %dma_start3A_25 = arith.constant 0 : i32
    %dma_start3A_26 = tpu.memref_slice %arg13[%add3A_24, %dma_start3A_25] : memref<10240x128xf32, #tpu.memory_space<vmem_shared>> -> memref<32x128xf32, #tpu.memory_space<vmem_shared>>
    %dma_start3A_27 = arith.constant 0 : i32
    %dma_start3A_28 = tpu.memref_slice %arg13[%add3A_24, %dma_start3A_27] : memref<10240x128xf32, #tpu.memory_space<vmem_shared>> -> memref<32x128xf32, #tpu.memory_space<vmem_shared>>
    tpu.enqueue_dma source(%arg12 : memref<32x128xf32, #tpu.memory_space<vmem>>) target(%dma_start3A_28 : memref<32x128xf32, #tpu.memory_space<vmem_shared>>) target_semaphore(%arg18 : memref<!tpu.dma_semaphore, #tpu.memory_space<semaphore_mem>>)
    %mul3A_29 = arith.constant 640 : i32
    %mul3A_30 = arith.muli %arg1, %mul3A_29 : i32
    %add3A_31 = arith.constant 96 : i32
    %add3A_32 = arith.addi %mul3A_30, %add3A_31 : i32
    %dma_start3A_33 = arith.constant 0 : i32
    %dma_start3A_34 = tpu.memref_slice %arg13[%add3A_32, %dma_start3A_33] : memref<10240x128xf32, #tpu.memory_space<vmem_shared>> -> memref<32x128xf32, #tpu.memory_space<vmem_shared>>
    %dma_start3A_35 = arith.constant 0 : i32
    %dma_start3A_36 = tpu.memref_slice %arg13[%add3A_32, %dma_start3A_35] : memref<10240x128xf32, #tpu.memory_space<vmem_shared>> -> memref<32x128xf32, #tpu.memory_space<vmem_shared>>
    tpu.enqueue_dma source(%arg12 : memref<32x128xf32, #tpu.memory_space<vmem>>) target(%dma_start3A_36 : memref<32x128xf32, #tpu.memory_space<vmem_shared>>) target_semaphore(%arg18 : memref<!tpu.dma_semaphore, #tpu.memory_space<semaphore_mem>>)
    %mul3A_37 = arith.constant 640 : i32
    %mul3A_38 = arith.muli %arg1, %mul3A_37 : i32
    %add3A_39 = arith.constant 128 : i32
    %add3A_40 = arith.addi %mul3A_38, %add3A_39 : i32
    %dma_start3A_41 = arith.constant 0 : i32
    %dma_start3A_42 = tpu.memref_slice %arg13[%add3A_40, %dma_start3A_41] : memref<10240x128xf32, #tpu.memory_space<vmem_shared>> -> memref<32x128xf32, #tpu.memory_space<vmem_shared>>
    %dma_start3A_43 = arith.constant 0 : i32
    %dma_start3A_44 = tpu.memref_slice %arg13[%add3A_40, %dma_start3A_43] : memref<10240x128xf32, #tpu.memory_space<vmem_shared>> -> memref<32x128xf32, #tpu.memory_space<vmem_shared>>
    tpu.enqueue_dma source(%arg12 : memref<32x128xf32, #tpu.memory_space<vmem>>) target(%dma_start3A_44 : memref<32x128xf32, #tpu.memory_space<vmem_shared>>) target_semaphore(%arg18 : memref<!tpu.dma_semaphore, #tpu.memory_space<semaphore_mem>>)
    %mul3A_45 = arith.constant 640 : i32
    %mul3A_46 = arith.muli %arg1, %mul3A_45 : i32
    %add3A_47 = arith.constant 160 : i32
    %add3A_48 = arith.addi %mul3A_46, %add3A_47 : i32
    %dma_start3A_49 = arith.constant 0 : i32
    %dma_start3A_50 = tpu.memref_slice %arg13[%add3A_48, %dma_start3A_49] : memref<10240x128xf32, #tpu.memory_space<vmem_shared>> -> memref<32x128xf32, #tpu.memory_space<vmem_shared>>
    %dma_start3A_51 = arith.constant 0 : i32
    %dma_start3A_52 = tpu.memref_slice %arg13[%add3A_48, %dma_start3A_51] : memref<10240x128xf32, #tpu.memory_space<vmem_shared>> -> memref<32x128xf32, #tpu.memory_space<vmem_shared>>
    tpu.enqueue_dma source(%arg12 : memref<32x128xf32, #tpu.memory_space<vmem>>) target(%dma_start3A_52 : memref<32x128xf32, #tpu.memory_space<vmem_shared>>) target_semaphore(%arg18 : memref<!tpu.dma_semaphore, #tpu.memory_space<semaphore_mem>>)
    %mul3A_53 = arith.constant 640 : i32
    %mul3A_54 = arith.muli %arg1, %mul3A_53 : i32
    %add3A_55 = arith.constant 192 : i32
    %add3A_56 = arith.addi %mul3A_54, %add3A_55 : i32
    %dma_start3A_57 = arith.constant 0 : i32
    %dma_start3A_58 = tpu.memref_slice %arg13[%add3A_56, %dma_start3A_57] : memref<10240x128xf32, #tpu.memory_space<vmem_shared>> -> memref<32x128xf32, #tpu.memory_space<vmem_shared>>
    %dma_start3A_59 = arith.constant 0 : i32
    %dma_start3A_60 = tpu.memref_slice %arg13[%add3A_56, %dma_start3A_59] : memref<10240x128xf32, #tpu.memory_space<vmem_shared>> -> memref<32x128xf32, #tpu.memory_space<vmem_shared>>
    tpu.enqueue_dma source(%arg12 : memref<32x128xf32, #tpu.memory_space<vmem>>) target(%dma_start3A_60 : memref<32x128xf32, #tpu.memory_space<vmem_shared>>) target_semaphore(%arg18 : memref<!tpu.dma_semaphore, #tpu.memory_space<semaphore_mem>>)
    %mul3A_61 = arith.constant 640 : i32
    %mul3A_62 = arith.muli %arg1, %mul3A_61 : i32
    %add3A_63 = arith.constant 224 : i32
    %add3A_64 = arith.addi %mul3A_62, %add3A_63 : i32
    %dma_start3A_65 = arith.constant 0 : i32
    %dma_start3A_66 = tpu.memref_slice %arg13[%add3A_64, %dma_start3A_65] : memref<10240x128xf32, #tpu.memory_space<vmem_shared>> -> memref<32x128xf32, #tpu.memory_space<vmem_shared>>
    %dma_start3A_67 = arith.constant 0 : i32
    %dma_start3A_68 = tpu.memref_slice %arg13[%add3A_64, %dma_start3A_67] : memref<10240x128xf32, #tpu.memory_space<vmem_shared>> -> memref<32x128xf32, #tpu.memory_space<vmem_shared>>
    tpu.enqueue_dma source(%arg12 : memref<32x128xf32, #tpu.memory_space<vmem>>) target(%dma_start3A_68 : memref<32x128xf32, #tpu.memory_space<vmem_shared>>) target_semaphore(%arg18 : memref<!tpu.dma_semaphore, #tpu.memory_space<semaphore_mem>>)
    %mul3A_69 = arith.constant 640 : i32
    %mul3A_70 = arith.muli %arg1, %mul3A_69 : i32
    %add3A_71 = arith.constant 256 : i32
    %add3A_72 = arith.addi %mul3A_70, %add3A_71 : i32
    %dma_start3A_73 = arith.constant 0 : i32
    %dma_start3A_74 = tpu.memref_slice %arg13[%add3A_72, %dma_start3A_73] : memref<10240x128xf32, #tpu.memory_space<vmem_shared>> -> memref<32x128xf32, #tpu.memory_space<vmem_shared>>
    %dma_start3A_75 = arith.constant 0 : i32
    %dma_start3A_76 = tpu.memref_slice %arg13[%add3A_72, %dma_start3A_75] : memref<10240x128xf32, #tpu.memory_space<vmem_shared>> -> memref<32x128xf32, #tpu.memory_space<vmem_shared>>
    tpu.enqueue_dma source(%arg12 : memref<32x128xf32, #tpu.memory_space<vmem>>) target(%dma_start3A_76 : memref<32x128xf32, #tpu.memory_space<vmem_shared>>) target_semaphore(%arg18 : memref<!tpu.dma_semaphore, #tpu.memory_space<semaphore_mem>>)
    %mul3A_77 = arith.constant 640 : i32
    %mul3A_78 = arith.muli %arg1, %mul3A_77 : i32
    %add3A_79 = arith.constant 288 : i32
    %add3A_80 = arith.addi %mul3A_78, %add3A_79 : i32
    %dma_start3A_81 = arith.constant 0 : i32
    %dma_start3A_82 = tpu.memref_slice %arg13[%add3A_80, %dma_start3A_81] : memref<10240x128xf32, #tpu.memory_space<vmem_shared>> -> memref<32x128xf32, #tpu.memory_space<vmem_shared>>
    %dma_start3A_83 = arith.constant 0 : i32
    %dma_start3A_84 = tpu.memref_slice %arg13[%add3A_80, %dma_start3A_83] : memref<10240x128xf32, #tpu.memory_space<vmem_shared>> -> memref<32x128xf32, #tpu.memory_space<vmem_shared>>
    tpu.enqueue_dma source(%arg12 : memref<32x128xf32, #tpu.memory_space<vmem>>) target(%dma_start3A_84 : memref<32x128xf32, #tpu.memory_space<vmem_shared>>) target_semaphore(%arg18 : memref<!tpu.dma_semaphore, #tpu.memory_space<semaphore_mem>>)
    %mul3A_85 = arith.constant 640 : i32
    %mul3A_86 = arith.muli %arg1, %mul3A_85 : i32
    %add3A_87 = arith.constant 320 : i32
    %add3A_88 = arith.addi %mul3A_86, %add3A_87 : i32
    %dma_start3A_89 = arith.constant 0 : i32
    %dma_start3A_90 = tpu.memref_slice %arg13[%add3A_88, %dma_start3A_89] : memref<10240x128xf32, #tpu.memory_space<vmem_shared>> -> memref<32x128xf32, #tpu.memory_space<vmem_shared>>
    %dma_start3A_91 = arith.constant 0 : i32
    %dma_start3A_92 = tpu.memref_slice %arg13[%add3A_88, %dma_start3A_91] : memref<10240x128xf32, #tpu.memory_space<vmem_shared>> -> memref<32x128xf32, #tpu.memory_space<vmem_shared>>
    tpu.enqueue_dma source(%arg12 : memref<32x128xf32, #tpu.memory_space<vmem>>) target(%dma_start3A_92 : memref<32x128xf32, #tpu.memory_space<vmem_shared>>) target_semaphore(%arg18 : memref<!tpu.dma_semaphore, #tpu.memory_space<semaphore_mem>>)
    %mul3A_93 = arith.constant 640 : i32
    %mul3A_94 = arith.muli %arg1, %mul3A_93 : i32
    %add3A_95 = arith.constant 352 : i32
    %add3A_96 = arith.addi %mul3A_94, %add3A_95 : i32
    %dma_start3A_97 = arith.constant 0 : i32
    %dma_start3A_98 = tpu.memref_slice %arg13[%add3A_96, %dma_start3A_97] : memref<10240x128xf32, #tpu.memory_space<vmem_shared>> -> memref<32x128xf32, #tpu.memory_space<vmem_shared>>
    %dma_start3A_99 = arith.constant 0 : i32
    %dma_start3A_100 = tpu.memref_slice %arg13[%add3A_96, %dma_start3A_99] : memref<10240x128xf32, #tpu.memory_space<vmem_shared>> -> memref<32x128xf32, #tpu.memory_space<vmem_shared>>
    tpu.enqueue_dma source(%arg12 : memref<32x128xf32, #tpu.memory_space<vmem>>) target(%dma_start3A_100 : memref<32x128xf32, #tpu.memory_space<vmem_shared>>) target_semaphore(%arg18 : memref<!tpu.dma_semaphore, #tpu.memory_space<semaphore_mem>>)
    %mul3A_101 = arith.constant 640 : i32
    %mul3A_102 = arith.muli %arg1, %mul3A_101 : i32
    %add3A_103 = arith.constant 384 : i32
    %add3A_104 = arith.addi %mul3A_102, %add3A_103 : i32
    %dma_start3A_105 = arith.constant 0 : i32
    %dma_start3A_106 = tpu.memref_slice %arg13[%add3A_104, %dma_start3A_105] : memref<10240x128xf32, #tpu.memory_space<vmem_shared>> -> memref<32x128xf32, #tpu.memory_space<vmem_shared>>
    %dma_start3A_107 = arith.constant 0 : i32
    %dma_start3A_108 = tpu.memref_slice %arg13[%add3A_104, %dma_start3A_107] : memref<10240x128xf32, #tpu.memory_space<vmem_shared>> -> memref<32x128xf32, #tpu.memory_space<vmem_shared>>
    tpu.enqueue_dma source(%arg12 : memref<32x128xf32, #tpu.memory_space<vmem>>) target(%dma_start3A_108 : memref<32x128xf32, #tpu.memory_space<vmem_shared>>) target_semaphore(%arg18 : memref<!tpu.dma_semaphore, #tpu.memory_space<semaphore_mem>>)
    %mul3A_109 = arith.constant 640 : i32
    %mul3A_110 = arith.muli %arg1, %mul3A_109 : i32
    %add3A_111 = arith.constant 416 : i32
    %add3A_112 = arith.addi %mul3A_110, %add3A_111 : i32
    %dma_start3A_113 = arith.constant 0 : i32
    %dma_start3A_114 = tpu.memref_slice %arg13[%add3A_112, %dma_start3A_113] : memref<10240x128xf32, #tpu.memory_space<vmem_shared>> -> memref<32x128xf32, #tpu.memory_space<vmem_shared>>
    %dma_start3A_115 = arith.constant 0 : i32
    %dma_start3A_116 = tpu.memref_slice %arg13[%add3A_112, %dma_start3A_115] : memref<10240x128xf32, #tpu.memory_space<vmem_shared>> -> memref<32x128xf32, #tpu.memory_space<vmem_shared>>
    tpu.enqueue_dma source(%arg12 : memref<32x128xf32, #tpu.memory_space<vmem>>) target(%dma_start3A_116 : memref<32x128xf32, #tpu.memory_space<vmem_shared>>) target_semaphore(%arg18 : memref<!tpu.dma_semaphore, #tpu.memory_space<semaphore_mem>>)
    %mul3A_117 = arith.constant 640 : i32
    %mul3A_118 = arith.muli %arg1, %mul3A_117 : i32
    %add3A_119 = arith.constant 448 : i32
    %add3A_120 = arith.addi %mul3A_118, %add3A_119 : i32
    %dma_start3A_121 = arith.constant 0 : i32
    %dma_start3A_122 = tpu.memref_slice %arg13[%add3A_120, %dma_start3A_121] : memref<10240x128xf32, #tpu.memory_space<vmem_shared>> -> memref<32x128xf32, #tpu.memory_space<vmem_shared>>
    %dma_start3A_123 = arith.constant 0 : i32
    %dma_start3A_124 = tpu.memref_slice %arg13[%add3A_120, %dma_start3A_123] : memref<10240x128xf32, #tpu.memory_space<vmem_shared>> -> memref<32x128xf32, #tpu.memory_space<vmem_shared>>
    tpu.enqueue_dma source(%arg12 : memref<32x128xf32, #tpu.memory_space<vmem>>) target(%dma_start3A_124 : memref<32x128xf32, #tpu.memory_space<vmem_shared>>) target_semaphore(%arg18 : memref<!tpu.dma_semaphore, #tpu.memory_space<semaphore_mem>>)
    %mul3A_125 = arith.constant 640 : i32
    %mul3A_126 = arith.muli %arg1, %mul3A_125 : i32
    %add3A_127 = arith.constant 480 : i32
    %add3A_128 = arith.addi %mul3A_126, %add3A_127 : i32
    %dma_start3A_129 = arith.constant 0 : i32
    %dma_start3A_130 = tpu.memref_slice %arg13[%add3A_128, %dma_start3A_129] : memref<10240x128xf32, #tpu.memory_space<vmem_shared>> -> memref<32x128xf32, #tpu.memory_space<vmem_shared>>
    %dma_start3A_131 = arith.constant 0 : i32
    %dma_start3A_132 = tpu.memref_slice %arg13[%add3A_128, %dma_start3A_131] : memref<10240x128xf32, #tpu.memory_space<vmem_shared>> -> memref<32x128xf32, #tpu.memory_space<vmem_shared>>
    tpu.enqueue_dma source(%arg12 : memref<32x128xf32, #tpu.memory_space<vmem>>) target(%dma_start3A_132 : memref<32x128xf32, #tpu.memory_space<vmem_shared>>) target_semaphore(%arg18 : memref<!tpu.dma_semaphore, #tpu.memory_space<semaphore_mem>>)
    %mul3A_133 = arith.constant 640 : i32
    %mul3A_134 = arith.muli %arg1, %mul3A_133 : i32
    %add3A_135 = arith.constant 512 : i32
    %add3A_136 = arith.addi %mul3A_134, %add3A_135 : i32
    %dma_start3A_137 = arith.constant 0 : i32
    %dma_start3A_138 = tpu.memref_slice %arg13[%add3A_136, %dma_start3A_137] : memref<10240x128xf32, #tpu.memory_space<vmem_shared>> -> memref<32x128xf32, #tpu.memory_space<vmem_shared>>
    %dma_start3A_139 = arith.constant 0 : i32
    %dma_start3A_140 = tpu.memref_slice %arg13[%add3A_136, %dma_start3A_139] : memref<10240x128xf32, #tpu.memory_space<vmem_shared>> -> memref<32x128xf32, #tpu.memory_space<vmem_shared>>
    tpu.enqueue_dma source(%arg12 : memref<32x128xf32, #tpu.memory_space<vmem>>) target(%dma_start3A_140 : memref<32x128xf32, #tpu.memory_space<vmem_shared>>) target_semaphore(%arg18 : memref<!tpu.dma_semaphore, #tpu.memory_space<semaphore_mem>>)
    %mul3A_141 = arith.constant 640 : i32
    %mul3A_142 = arith.muli %arg1, %mul3A_141 : i32
    %add3A_143 = arith.constant 544 : i32
    %add3A_144 = arith.addi %mul3A_142, %add3A_143 : i32
    %dma_start3A_145 = arith.constant 0 : i32
    %dma_start3A_146 = tpu.memref_slice %arg13[%add3A_144, %dma_start3A_145] : memref<10240x128xf32, #tpu.memory_space<vmem_shared>> -> memref<32x128xf32, #tpu.memory_space<vmem_shared>>
    %dma_start3A_147 = arith.constant 0 : i32
    %dma_start3A_148 = tpu.memref_slice %arg13[%add3A_144, %dma_start3A_147] : memref<10240x128xf32, #tpu.memory_space<vmem_shared>> -> memref<32x128xf32, #tpu.memory_space<vmem_shared>>
    tpu.enqueue_dma source(%arg12 : memref<32x128xf32, #tpu.memory_space<vmem>>) target(%dma_start3A_148 : memref<32x128xf32, #tpu.memory_space<vmem_shared>>) target_semaphore(%arg18 : memref<!tpu.dma_semaphore, #tpu.memory_space<semaphore_mem>>)
    %mul3A_149 = arith.constant 640 : i32
    %mul3A_150 = arith.muli %arg1, %mul3A_149 : i32
    %add3A_151 = arith.constant 576 : i32
    %add3A_152 = arith.addi %mul3A_150, %add3A_151 : i32
    %dma_start3A_153 = arith.constant 0 : i32
    %dma_start3A_154 = tpu.memref_slice %arg13[%add3A_152, %dma_start3A_153] : memref<10240x128xf32, #tpu.memory_space<vmem_shared>> -> memref<32x128xf32, #tpu.memory_space<vmem_shared>>
    %dma_start3A_155 = arith.constant 0 : i32
    %dma_start3A_156 = tpu.memref_slice %arg13[%add3A_152, %dma_start3A_155] : memref<10240x128xf32, #tpu.memory_space<vmem_shared>> -> memref<32x128xf32, #tpu.memory_space<vmem_shared>>
    tpu.enqueue_dma source(%arg12 : memref<32x128xf32, #tpu.memory_space<vmem>>) target(%dma_start3A_156 : memref<32x128xf32, #tpu.memory_space<vmem_shared>>) target_semaphore(%arg18 : memref<!tpu.dma_semaphore, #tpu.memory_space<semaphore_mem>>)
    %mul3A_157 = arith.constant 640 : i32
    %mul3A_158 = arith.muli %arg1, %mul3A_157 : i32
    %add3A_159 = arith.constant 608 : i32
    %add3A_160 = arith.addi %mul3A_158, %add3A_159 : i32
    %dma_start3A_161 = arith.constant 0 : i32
    %dma_start3A_162 = tpu.memref_slice %arg13[%add3A_160, %dma_start3A_161] : memref<10240x128xf32, #tpu.memory_space<vmem_shared>> -> memref<32x128xf32, #tpu.memory_space<vmem_shared>>
    %dma_start3A_163 = arith.constant 0 : i32
    %dma_start3A_164 = tpu.memref_slice %arg13[%add3A_160, %dma_start3A_163] : memref<10240x128xf32, #tpu.memory_space<vmem_shared>> -> memref<32x128xf32, #tpu.memory_space<vmem_shared>>
    tpu.enqueue_dma source(%arg12 : memref<32x128xf32, #tpu.memory_space<vmem>>) target(%dma_start3A_164 : memref<32x128xf32, #tpu.memory_space<vmem_shared>>) target_semaphore(%arg18 : memref<!tpu.dma_semaphore, #tpu.memory_space<semaphore_mem>>)
    %mul3A_165 = arith.constant 10000 : i32
    %mul3A_166 = arith.muli %add3A, %mul3A_165 : i32
    %add3A_167 = arith.constant 0 : i32
    %add3A_168 = arith.addi %mul3A_166, %add3A_167 : i32
    %multiple_of3A = tpu.assume_multiple %add3A_168, 8 : i32
    %dma_start3A_169 = arith.constant 0 : i32
    %dma_start3A_170 = arith.constant 0 : i32
    %dma_start3A_171 = tpu.memref_slice %arg6[%dma_start3A_169, %dma_start3A_170] : memref<2x128xi32, #tpu.memory_space<vmem>> -> memref<1x128xi32, #tpu.memory_space<vmem>>
    %dma_start3A_172 = tpu.memref_squeeze %dma_start3A_171 : memref<1x128xi32, #tpu.memory_space<vmem>> -> memref<128xi32, #tpu.memory_space<vmem>>
    %dma_start3A_173 = tpu.memref_slice %arg3[%multiple_of3A] : memref<320000xi32, #tpu.memory_space<hbm>> -> memref<128xi32, #tpu.memory_space<hbm>>
    %dma_start3A_174 = arith.constant 0 : i32
    %dma_start3A_175 = tpu.memref_slice %arg6[%dma_start3A_169, %dma_start3A_174] : memref<2x128xi32, #tpu.memory_space<vmem>> -> memref<1x128xi32, #tpu.memory_space<vmem>>
    %dma_start3A_176 = tpu.memref_squeeze %dma_start3A_175 : memref<1x128xi32, #tpu.memory_space<vmem>> -> memref<128xi32, #tpu.memory_space<vmem>>
    %dma_start3A_177 = tpu.memref_slice %arg3[%multiple_of3A] : memref<320000xi32, #tpu.memory_space<hbm>> -> memref<128xi32, #tpu.memory_space<hbm>>
    tpu.enqueue_dma source(%dma_start3A_177 : memref<128xi32, #tpu.memory_space<hbm>>) target(%dma_start3A_176 : memref<128xi32, #tpu.memory_space<vmem>>) target_semaphore(%arg14 : memref<!tpu.dma_semaphore, #tpu.memory_space<semaphore_mem>>)
    %mul3A_178 = arith.constant 10000 : i32
    %mul3A_179 = arith.muli %add3A, %mul3A_178 : i32
    %add3A_180 = arith.constant 0 : i32
    %add3A_181 = arith.addi %mul3A_179, %add3A_180 : i32
    %multiple_of3A_182 = tpu.assume_multiple %add3A_181, 8 : i32
    %dma_start3A_183 = arith.constant 0 : i32
    %dma_start3A_184 = arith.constant 0 : i32
    %dma_start3A_185 = tpu.memref_slice %arg7[%dma_start3A_183, %dma_start3A_184] : memref<4x128xi32, #tpu.memory_space<vmem>> -> memref<1x128xi32, #tpu.memory_space<vmem>>
    %dma_start3A_186 = tpu.memref_squeeze %dma_start3A_185 : memref<1x128xi32, #tpu.memory_space<vmem>> -> memref<128xi32, #tpu.memory_space<vmem>>
    %dma_start3A_187 = tpu.memref_slice %arg4[%multiple_of3A_182] : memref<320000xi32, #tpu.memory_space<hbm>> -> memref<128xi32, #tpu.memory_space<hbm>>
    %dma_start3A_188 = arith.constant 0 : i32
    %dma_start3A_189 = tpu.memref_slice %arg7[%dma_start3A_183, %dma_start3A_188] : memref<4x128xi32, #tpu.memory_space<vmem>> -> memref<1x128xi32, #tpu.memory_space<vmem>>
    %dma_start3A_190 = tpu.memref_squeeze %dma_start3A_189 : memref<1x128xi32, #tpu.memory_space<vmem>> -> memref<128xi32, #tpu.memory_space<vmem>>
    %dma_start3A_191 = tpu.memref_slice %arg4[%multiple_of3A_182] : memref<320000xi32, #tpu.memory_space<hbm>> -> memref<128xi32, #tpu.memory_space<hbm>>
    tpu.enqueue_dma source(%dma_start3A_191 : memref<128xi32, #tpu.memory_space<hbm>>) target(%dma_start3A_190 : memref<128xi32, #tpu.memory_space<vmem>>) target_semaphore(%arg15 : memref<!tpu.dma_semaphore, #tpu.memory_space<semaphore_mem>>)
    %mul3A_192 = arith.constant 10000 : i32
    %mul3A_193 = arith.muli %add3A, %mul3A_192 : i32
    %add3A_194 = arith.constant 128 : i32
    %add3A_195 = arith.addi %mul3A_193, %add3A_194 : i32
    %multiple_of3A_196 = tpu.assume_multiple %add3A_195, 8 : i32
    %dma_start3A_197 = arith.constant 1 : i32
    %dma_start3A_198 = arith.constant 0 : i32
    %dma_start3A_199 = tpu.memref_slice %arg6[%dma_start3A_197, %dma_start3A_198] : memref<2x128xi32, #tpu.memory_space<vmem>> -> memref<1x128xi32, #tpu.memory_space<vmem>>
    %dma_start3A_200 = tpu.memref_squeeze %dma_start3A_199 : memref<1x128xi32, #tpu.memory_space<vmem>> -> memref<128xi32, #tpu.memory_space<vmem>>
    %dma_start3A_201 = tpu.memref_slice %arg3[%multiple_of3A_196] : memref<320000xi32, #tpu.memory_space<hbm>> -> memref<128xi32, #tpu.memory_space<hbm>>
    %dma_start3A_202 = arith.constant 0 : i32
    %dma_start3A_203 = tpu.memref_slice %arg6[%dma_start3A_197, %dma_start3A_202] : memref<2x128xi32, #tpu.memory_space<vmem>> -> memref<1x128xi32, #tpu.memory_space<vmem>>
    %dma_start3A_204 = tpu.memref_squeeze %dma_start3A_203 : memref<1x128xi32, #tpu.memory_space<vmem>> -> memref<128xi32, #tpu.memory_space<vmem>>
    %dma_start3A_205 = tpu.memref_slice %arg3[%multiple_of3A_196] : memref<320000xi32, #tpu.memory_space<hbm>> -> memref<128xi32, #tpu.memory_space<hbm>>
    tpu.enqueue_dma source(%dma_start3A_205 : memref<128xi32, #tpu.memory_space<hbm>>) target(%dma_start3A_204 : memref<128xi32, #tpu.memory_space<vmem>>) target_semaphore(%arg14 : memref<!tpu.dma_semaphore, #tpu.memory_space<semaphore_mem>>)
    %mul3A_206 = arith.constant 10000 : i32
    %mul3A_207 = arith.muli %add3A, %mul3A_206 : i32
    %add3A_208 = arith.constant 128 : i32
    %add3A_209 = arith.addi %mul3A_207, %add3A_208 : i32
    %multiple_of3A_210 = tpu.assume_multiple %add3A_209, 8 : i32
    %dma_start3A_211 = arith.constant 1 : i32
    %dma_start3A_212 = arith.constant 0 : i32
    %dma_start3A_213 = tpu.memref_slice %arg7[%dma_start3A_211, %dma_start3A_212] : memref<4x128xi32, #tpu.memory_space<vmem>> -> memref<1x128xi32, #tpu.memory_space<vmem>>
    %dma_start3A_214 = tpu.memref_squeeze %dma_start3A_213 : memref<1x128xi32, #tpu.memory_space<vmem>> -> memref<128xi32, #tpu.memory_space<vmem>>
    %dma_start3A_215 = tpu.memref_slice %arg4[%multiple_of3A_210] : memref<320000xi32, #tpu.memory_space<hbm>> -> memref<128xi32, #tpu.memory_space<hbm>>
    %dma_start3A_216 = arith.constant 0 : i32
    %dma_start3A_217 = tpu.memref_slice %arg7[%dma_start3A_211, %dma_start3A_216] : memref<4x128xi32, #tpu.memory_space<vmem>> -> memref<1x128xi32, #tpu.memory_space<vmem>>
    %dma_start3A_218 = tpu.memref_squeeze %dma_start3A_217 : memref<1x128xi32, #tpu.memory_space<vmem>> -> memref<128xi32, #tpu.memory_space<vmem>>
    %dma_start3A_219 = tpu.memref_slice %arg4[%multiple_of3A_210] : memref<320000xi32, #tpu.memory_space<hbm>> -> memref<128xi32, #tpu.memory_space<hbm>>
    tpu.enqueue_dma source(%dma_start3A_219 : memref<128xi32, #tpu.memory_space<hbm>>) target(%dma_start3A_218 : memref<128xi32, #tpu.memory_space<vmem>>) target_semaphore(%arg15 : memref<!tpu.dma_semaphore, #tpu.memory_space<semaphore_mem>>)
    %mul3A_220 = arith.constant 10000 : i32
    %mul3A_221 = arith.muli %add3A, %mul3A_220 : i32
    %add3A_222 = arith.constant 0 : i32
    %add3A_223 = arith.addi %mul3A_221, %add3A_222 : i32
    %multiple_of3A_224 = tpu.assume_multiple %add3A_223, 8 : i32
    %dma_wait3A = arith.constant 0 : i32
    %dma_wait3A_225 = arith.constant 0 : i32
    %dma_wait3A_226 = tpu.memref_slice %arg6[%dma_wait3A, %dma_wait3A_225] : memref<2x128xi32, #tpu.memory_space<vmem>> -> memref<1x128xi32, #tpu.memory_space<vmem>>
    %dma_wait3A_227 = tpu.memref_squeeze %dma_wait3A_226 : memref<1x128xi32, #tpu.memory_space<vmem>> -> memref<128xi32, #tpu.memory_space<vmem>>
    %dma_wait3A_228 = tpu.memref_slice %arg3[%multiple_of3A_224] : memref<320000xi32, #tpu.memory_space<hbm>> -> memref<128xi32, #tpu.memory_space<hbm>>
    %dma_wait3A_229 = arith.constant 0 : i32
    %dma_wait3A_230 = tpu.memref_slice %arg6[%dma_wait3A, %dma_wait3A_229] : memref<2x128xi32, #tpu.memory_space<vmem>> -> memref<1x128xi32, #tpu.memory_space<vmem>>
    %dma_wait3A_231 = tpu.memref_squeeze %dma_wait3A_230 : memref<1x128xi32, #tpu.memory_space<vmem>> -> memref<128xi32, #tpu.memory_space<vmem>>
    %dma_wait3A_232 = tpu.memref_slice %arg3[%multiple_of3A_224] : memref<320000xi32, #tpu.memory_space<hbm>> -> memref<128xi32, #tpu.memory_space<hbm>>
    tpu.wait_dma2 semaphore(%arg14 : memref<!tpu.dma_semaphore, #tpu.memory_space<semaphore_mem>>) src(%dma_wait3A_232 : memref<128xi32, #tpu.memory_space<hbm>>) dst(%dma_wait3A_231 : memref<128xi32, #tpu.memory_space<vmem>>)
    %dma_start3A_233 = arith.constant 0 : i32
    %dma_start3A_234 = arith.constant 0 : i32
    %dma_start3A_235 = arith.constant 0 : i32
    %dma_start3A_236 = arith.constant 0 : i32
    %dma_start3A_237 = tpu.memref_slice %arg8[%dma_start3A_234, %dma_start3A_235, %dma_start3A_236] : memref<2x128x128xf32, #tpu.memory_space<vmem>> -> memref<1x128x128xf32, #tpu.memory_space<vmem>>
    %dma_start3A_238 = tpu.memref_squeeze %dma_start3A_237 : memref<1x128x128xf32, #tpu.memory_space<vmem>> -> memref<128x128xf32, #tpu.memory_space<vmem>>
    %dma_start3A_239 = arith.constant 0 : i32
    %dma_start3A_240 = tpu.memref_slice %arg6[%dma_start3A_233, %dma_start3A_239] : memref<2x128xi32, #tpu.memory_space<vmem>> -> memref<1x128xi32, #tpu.memory_space<vmem>>
    %dma_start3A_241 = tpu.memref_squeeze %dma_start3A_240 : memref<1x128xi32, #tpu.memory_space<vmem>> -> memref<128xi32, #tpu.memory_space<vmem>>
    %dma_start3A_242 = arith.constant 0 : i32
    %dma_start3A_243 = arith.constant 0 : i32
    %dma_start3A_244 = tpu.memref_slice %arg2[%dma_start3A_242, %dma_start3A_243] : memref<10000x128xf32, #tpu.memory_space<hbm>> -> memref<10000x128xf32, #tpu.memory_space<hbm>>
    tpu.enqueue_indirect_dma source(%dma_start3A_244 : memref<10000x128xf32, #tpu.memory_space<hbm>>) target(%dma_start3A_238 : memref<128x128xf32, #tpu.memory_space<vmem>>) offsets(%dma_start3A_241 : memref<128xi32, #tpu.memory_space<vmem>>) semaphore(%arg16 : memref<!tpu.dma_semaphore, #tpu.memory_space<semaphore_mem>>)
    %mul3A_245 = arith.constant 640 : i32
    %mul3A_246 = arith.muli %arg1, %mul3A_245 : i32
    %add3A_247 = arith.constant 0 : i32
    %add3A_248 = arith.addi %mul3A_246, %add3A_247 : i32
    %dma_wait3A_249 = arith.constant 0 : i32
    %dma_wait3A_250 = tpu.memref_slice %arg13[%add3A_248, %dma_wait3A_249] : memref<10240x128xf32, #tpu.memory_space<vmem_shared>> -> memref<32x128xf32, #tpu.memory_space<vmem_shared>>
    %dma_wait3A_251 = arith.constant 0 : i32
    %dma_wait3A_252 = tpu.memref_slice %arg13[%add3A_248, %dma_wait3A_251] : memref<10240x128xf32, #tpu.memory_space<vmem_shared>> -> memref<32x128xf32, #tpu.memory_space<vmem_shared>>
    tpu.wait_dma2 semaphore(%arg18 : memref<!tpu.dma_semaphore, #tpu.memory_space<semaphore_mem>>) src(%arg12 : memref<32x128xf32, #tpu.memory_space<vmem>>) dst(%dma_wait3A_252 : memref<32x128xf32, #tpu.memory_space<vmem_shared>>)
    %mul3A_253 = arith.constant 640 : i32
    %mul3A_254 = arith.muli %arg1, %mul3A_253 : i32
    %add3A_255 = arith.constant 32 : i32
    %add3A_256 = arith.addi %mul3A_254, %add3A_255 : i32
    %dma_wait3A_257 = arith.constant 0 : i32
    %dma_wait3A_258 = tpu.memref_slice %arg13[%add3A_256, %dma_wait3A_257] : memref<10240x128xf32, #tpu.memory_space<vmem_shared>> -> memref<32x128xf32, #tpu.memory_space<vmem_shared>>
    %dma_wait3A_259 = arith.constant 0 : i32
    %dma_wait3A_260 = tpu.memref_slice %arg13[%add3A_256, %dma_wait3A_259] : memref<10240x128xf32, #tpu.memory_space<vmem_shared>> -> memref<32x128xf32, #tpu.memory_space<vmem_shared>>
    tpu.wait_dma2 semaphore(%arg18 : memref<!tpu.dma_semaphore, #tpu.memory_space<semaphore_mem>>) src(%arg12 : memref<32x128xf32, #tpu.memory_space<vmem>>) dst(%dma_wait3A_260 : memref<32x128xf32, #tpu.memory_space<vmem_shared>>)
    %mul3A_261 = arith.constant 640 : i32
    %mul3A_262 = arith.muli %arg1, %mul3A_261 : i32
    %add3A_263 = arith.constant 64 : i32
    %add3A_264 = arith.addi %mul3A_262, %add3A_263 : i32
    %dma_wait3A_265 = arith.constant 0 : i32
    %dma_wait3A_266 = tpu.memref_slice %arg13[%add3A_264, %dma_wait3A_265] : memref<10240x128xf32, #tpu.memory_space<vmem_shared>> -> memref<32x128xf32, #tpu.memory_space<vmem_shared>>
    %dma_wait3A_267 = arith.constant 0 : i32
    %dma_wait3A_268 = tpu.memref_slice %arg13[%add3A_264, %dma_wait3A_267] : memref<10240x128xf32, #tpu.memory_space<vmem_shared>> -> memref<32x128xf32, #tpu.memory_space<vmem_shared>>
    tpu.wait_dma2 semaphore(%arg18 : memref<!tpu.dma_semaphore, #tpu.memory_space<semaphore_mem>>) src(%arg12 : memref<32x128xf32, #tpu.memory_space<vmem>>) dst(%dma_wait3A_268 : memref<32x128xf32, #tpu.memory_space<vmem_shared>>)
    %mul3A_269 = arith.constant 640 : i32
    %mul3A_270 = arith.muli %arg1, %mul3A_269 : i32
    %add3A_271 = arith.constant 96 : i32
    %add3A_272 = arith.addi %mul3A_270, %add3A_271 : i32
    %dma_wait3A_273 = arith.constant 0 : i32
    %dma_wait3A_274 = tpu.memref_slice %arg13[%add3A_272, %dma_wait3A_273] : memref<10240x128xf32, #tpu.memory_space<vmem_shared>> -> memref<32x128xf32, #tpu.memory_space<vmem_shared>>
    %dma_wait3A_275 = arith.constant 0 : i32
    %dma_wait3A_276 = tpu.memref_slice %arg13[%add3A_272, %dma_wait3A_275] : memref<10240x128xf32, #tpu.memory_space<vmem_shared>> -> memref<32x128xf32, #tpu.memory_space<vmem_shared>>
    tpu.wait_dma2 semaphore(%arg18 : memref<!tpu.dma_semaphore, #tpu.memory_space<semaphore_mem>>) src(%arg12 : memref<32x128xf32, #tpu.memory_space<vmem>>) dst(%dma_wait3A_276 : memref<32x128xf32, #tpu.memory_space<vmem_shared>>)
    %mul3A_277 = arith.constant 640 : i32
    %mul3A_278 = arith.muli %arg1, %mul3A_277 : i32
    %add3A_279 = arith.constant 128 : i32
    %add3A_280 = arith.addi %mul3A_278, %add3A_279 : i32
    %dma_wait3A_281 = arith.constant 0 : i32
    %dma_wait3A_282 = tpu.memref_slice %arg13[%add3A_280, %dma_wait3A_281] : memref<10240x128xf32, #tpu.memory_space<vmem_shared>> -> memref<32x128xf32, #tpu.memory_space<vmem_shared>>
    %dma_wait3A_283 = arith.constant 0 : i32
    %dma_wait3A_284 = tpu.memref_slice %arg13[%add3A_280, %dma_wait3A_283] : memref<10240x128xf32, #tpu.memory_space<vmem_shared>> -> memref<32x128xf32, #tpu.memory_space<vmem_shared>>
    tpu.wait_dma2 semaphore(%arg18 : memref<!tpu.dma_semaphore, #tpu.memory_space<semaphore_mem>>) src(%arg12 : memref<32x128xf32, #tpu.memory_space<vmem>>) dst(%dma_wait3A_284 : memref<32x128xf32, #tpu.memory_space<vmem_shared>>)
    %mul3A_285 = arith.constant 640 : i32
    %mul3A_286 = arith.muli %arg1, %mul3A_285 : i32
    %add3A_287 = arith.constant 160 : i32
    %add3A_288 = arith.addi %mul3A_286, %add3A_287 : i32
    %dma_wait3A_289 = arith.constant 0 : i32
    %dma_wait3A_290 = tpu.memref_slice %arg13[%add3A_288, %dma_wait3A_289] : memref<10240x128xf32, #tpu.memory_space<vmem_shared>> -> memref<32x128xf32, #tpu.memory_space<vmem_shared>>
    %dma_wait3A_291 = arith.constant 0 : i32
    %dma_wait3A_292 = tpu.memref_slice %arg13[%add3A_288, %dma_wait3A_291] : memref<10240x128xf32, #tpu.memory_space<vmem_shared>> -> memref<32x128xf32, #tpu.memory_space<vmem_shared>>
    tpu.wait_dma2 semaphore(%arg18 : memref<!tpu.dma_semaphore, #tpu.memory_space<semaphore_mem>>) src(%arg12 : memref<32x128xf32, #tpu.memory_space<vmem>>) dst(%dma_wait3A_292 : memref<32x128xf32, #tpu.memory_space<vmem_shared>>)
    %mul3A_293 = arith.constant 640 : i32
    %mul3A_294 = arith.muli %arg1, %mul3A_293 : i32
    %add3A_295 = arith.constant 192 : i32
    %add3A_296 = arith.addi %mul3A_294, %add3A_295 : i32
    %dma_wait3A_297 = arith.constant 0 : i32
    %dma_wait3A_298 = tpu.memref_slice %arg13[%add3A_296, %dma_wait3A_297] : memref<10240x128xf32, #tpu.memory_space<vmem_shared>> -> memref<32x128xf32, #tpu.memory_space<vmem_shared>>
    %dma_wait3A_299 = arith.constant 0 : i32
    %dma_wait3A_300 = tpu.memref_slice %arg13[%add3A_296, %dma_wait3A_299] : memref<10240x128xf32, #tpu.memory_space<vmem_shared>> -> memref<32x128xf32, #tpu.memory_space<vmem_shared>>
    tpu.wait_dma2 semaphore(%arg18 : memref<!tpu.dma_semaphore, #tpu.memory_space<semaphore_mem>>) src(%arg12 : memref<32x128xf32, #tpu.memory_space<vmem>>) dst(%dma_wait3A_300 : memref<32x128xf32, #tpu.memory_space<vmem_shared>>)
    %mul3A_301 = arith.constant 640 : i32
    %mul3A_302 = arith.muli %arg1, %mul3A_301 : i32
    %add3A_303 = arith.constant 224 : i32
    %add3A_304 = arith.addi %mul3A_302, %add3A_303 : i32
    %dma_wait3A_305 = arith.constant 0 : i32
    %dma_wait3A_306 = tpu.memref_slice %arg13[%add3A_304, %dma_wait3A_305] : memref<10240x128xf32, #tpu.memory_space<vmem_shared>> -> memref<32x128xf32, #tpu.memory_space<vmem_shared>>
    %dma_wait3A_307 = arith.constant 0 : i32
    %dma_wait3A_308 = tpu.memref_slice %arg13[%add3A_304, %dma_wait3A_307] : memref<10240x128xf32, #tpu.memory_space<vmem_shared>> -> memref<32x128xf32, #tpu.memory_space<vmem_shared>>
    tpu.wait_dma2 semaphore(%arg18 : memref<!tpu.dma_semaphore, #tpu.memory_space<semaphore_mem>>) src(%arg12 : memref<32x128xf32, #tpu.memory_space<vmem>>) dst(%dma_wait3A_308 : memref<32x128xf32, #tpu.memory_space<vmem_shared>>)
    %mul3A_309 = arith.constant 640 : i32
    %mul3A_310 = arith.muli %arg1, %mul3A_309 : i32
    %add3A_311 = arith.constant 256 : i32
    %add3A_312 = arith.addi %mul3A_310, %add3A_311 : i32
    %dma_wait3A_313 = arith.constant 0 : i32
    %dma_wait3A_314 = tpu.memref_slice %arg13[%add3A_312, %dma_wait3A_313] : memref<10240x128xf32, #tpu.memory_space<vmem_shared>> -> memref<32x128xf32, #tpu.memory_space<vmem_shared>>
    %dma_wait3A_315 = arith.constant 0 : i32
    %dma_wait3A_316 = tpu.memref_slice %arg13[%add3A_312, %dma_wait3A_315] : memref<10240x128xf32, #tpu.memory_space<vmem_shared>> -> memref<32x128xf32, #tpu.memory_space<vmem_shared>>
    tpu.wait_dma2 semaphore(%arg18 : memref<!tpu.dma_semaphore, #tpu.memory_space<semaphore_mem>>) src(%arg12 : memref<32x128xf32, #tpu.memory_space<vmem>>) dst(%dma_wait3A_316 : memref<32x128xf32, #tpu.memory_space<vmem_shared>>)
    %mul3A_317 = arith.constant 640 : i32
    %mul3A_318 = arith.muli %arg1, %mul3A_317 : i32
    %add3A_319 = arith.constant 288 : i32
    %add3A_320 = arith.addi %mul3A_318, %add3A_319 : i32
    %dma_wait3A_321 = arith.constant 0 : i32
    %dma_wait3A_322 = tpu.memref_slice %arg13[%add3A_320, %dma_wait3A_321] : memref<10240x128xf32, #tpu.memory_space<vmem_shared>> -> memref<32x128xf32, #tpu.memory_space<vmem_shared>>
    %dma_wait3A_323 = arith.constant 0 : i32
    %dma_wait3A_324 = tpu.memref_slice %arg13[%add3A_320, %dma_wait3A_323] : memref<10240x128xf32, #tpu.memory_space<vmem_shared>> -> memref<32x128xf32, #tpu.memory_space<vmem_shared>>
    tpu.wait_dma2 semaphore(%arg18 : memref<!tpu.dma_semaphore, #tpu.memory_space<semaphore_mem>>) src(%arg12 : memref<32x128xf32, #tpu.memory_space<vmem>>) dst(%dma_wait3A_324 : memref<32x128xf32, #tpu.memory_space<vmem_shared>>)
    %mul3A_325 = arith.constant 640 : i32
    %mul3A_326 = arith.muli %arg1, %mul3A_325 : i32
    %add3A_327 = arith.constant 320 : i32
    %add3A_328 = arith.addi %mul3A_326, %add3A_327 : i32
    %dma_wait3A_329 = arith.constant 0 : i32
    %dma_wait3A_330 = tpu.memref_slice %arg13[%add3A_328, %dma_wait3A_329] : memref<10240x128xf32, #tpu.memory_space<vmem_shared>> -> memref<32x128xf32, #tpu.memory_space<vmem_shared>>
    %dma_wait3A_331 = arith.constant 0 : i32
    %dma_wait3A_332 = tpu.memref_slice %arg13[%add3A_328, %dma_wait3A_331] : memref<10240x128xf32, #tpu.memory_space<vmem_shared>> -> memref<32x128xf32, #tpu.memory_space<vmem_shared>>
    tpu.wait_dma2 semaphore(%arg18 : memref<!tpu.dma_semaphore, #tpu.memory_space<semaphore_mem>>) src(%arg12 : memref<32x128xf32, #tpu.memory_space<vmem>>) dst(%dma_wait3A_332 : memref<32x128xf32, #tpu.memory_space<vmem_shared>>)
    %mul3A_333 = arith.constant 640 : i32
    %mul3A_334 = arith.muli %arg1, %mul3A_333 : i32
    %add3A_335 = arith.constant 352 : i32
    %add3A_336 = arith.addi %mul3A_334, %add3A_335 : i32
    %dma_wait3A_337 = arith.constant 0 : i32
    %dma_wait3A_338 = tpu.memref_slice %arg13[%add3A_336, %dma_wait3A_337] : memref<10240x128xf32, #tpu.memory_space<vmem_shared>> -> memref<32x128xf32, #tpu.memory_space<vmem_shared>>
    %dma_wait3A_339 = arith.constant 0 : i32
    %dma_wait3A_340 = tpu.memref_slice %arg13[%add3A_336, %dma_wait3A_339] : memref<10240x128xf32, #tpu.memory_space<vmem_shared>> -> memref<32x128xf32, #tpu.memory_space<vmem_shared>>
    tpu.wait_dma2 semaphore(%arg18 : memref<!tpu.dma_semaphore, #tpu.memory_space<semaphore_mem>>) src(%arg12 : memref<32x128xf32, #tpu.memory_space<vmem>>) dst(%dma_wait3A_340 : memref<32x128xf32, #tpu.memory_space<vmem_shared>>)
    %mul3A_341 = arith.constant 640 : i32
    %mul3A_342 = arith.muli %arg1, %mul3A_341 : i32
    %add3A_343 = arith.constant 384 : i32
    %add3A_344 = arith.addi %mul3A_342, %add3A_343 : i32
    %dma_wait3A_345 = arith.constant 0 : i32
    %dma_wait3A_346 = tpu.memref_slice %arg13[%add3A_344, %dma_wait3A_345] : memref<10240x128xf32, #tpu.memory_space<vmem_shared>> -> memref<32x128xf32, #tpu.memory_space<vmem_shared>>
    %dma_wait3A_347 = arith.constant 0 : i32
    %dma_wait3A_348 = tpu.memref_slice %arg13[%add3A_344, %dma_wait3A_347] : memref<10240x128xf32, #tpu.memory_space<vmem_shared>> -> memref<32x128xf32, #tpu.memory_space<vmem_shared>>
    tpu.wait_dma2 semaphore(%arg18 : memref<!tpu.dma_semaphore, #tpu.memory_space<semaphore_mem>>) src(%arg12 : memref<32x128xf32, #tpu.memory_space<vmem>>) dst(%dma_wait3A_348 : memref<32x128xf32, #tpu.memory_space<vmem_shared>>)
    %mul3A_349 = arith.constant 640 : i32
    %mul3A_350 = arith.muli %arg1, %mul3A_349 : i32
    %add3A_351 = arith.constant 416 : i32
    %add3A_352 = arith.addi %mul3A_350, %add3A_351 : i32
    %dma_wait3A_353 = arith.constant 0 : i32
    %dma_wait3A_354 = tpu.memref_slice %arg13[%add3A_352, %dma_wait3A_353] : memref<10240x128xf32, #tpu.memory_space<vmem_shared>> -> memref<32x128xf32, #tpu.memory_space<vmem_shared>>
    %dma_wait3A_355 = arith.constant 0 : i32
    %dma_wait3A_356 = tpu.memref_slice %arg13[%add3A_352, %dma_wait3A_355] : memref<10240x128xf32, #tpu.memory_space<vmem_shared>> -> memref<32x128xf32, #tpu.memory_space<vmem_shared>>
    tpu.wait_dma2 semaphore(%arg18 : memref<!tpu.dma_semaphore, #tpu.memory_space<semaphore_mem>>) src(%arg12 : memref<32x128xf32, #tpu.memory_space<vmem>>) dst(%dma_wait3A_356 : memref<32x128xf32, #tpu.memory_space<vmem_shared>>)
    %mul3A_357 = arith.constant 640 : i32
    %mul3A_358 = arith.muli %arg1, %mul3A_357 : i32
    %add3A_359 = arith.constant 448 : i32
    %add3A_360 = arith.addi %mul3A_358, %add3A_359 : i32
    %dma_wait3A_361 = arith.constant 0 : i32
    %dma_wait3A_362 = tpu.memref_slice %arg13[%add3A_360, %dma_wait3A_361] : memref<10240x128xf32, #tpu.memory_space<vmem_shared>> -> memref<32x128xf32, #tpu.memory_space<vmem_shared>>
    %dma_wait3A_363 = arith.constant 0 : i32
    %dma_wait3A_364 = tpu.memref_slice %arg13[%add3A_360, %dma_wait3A_363] : memref<10240x128xf32, #tpu.memory_space<vmem_shared>> -> memref<32x128xf32, #tpu.memory_space<vmem_shared>>
    tpu.wait_dma2 semaphore(%arg18 : memref<!tpu.dma_semaphore, #tpu.memory_space<semaphore_mem>>) src(%arg12 : memref<32x128xf32, #tpu.memory_space<vmem>>) dst(%dma_wait3A_364 : memref<32x128xf32, #tpu.memory_space<vmem_shared>>)
    %mul3A_365 = arith.constant 640 : i32
    %mul3A_366 = arith.muli %arg1, %mul3A_365 : i32
    %add3A_367 = arith.constant 480 : i32
    %add3A_368 = arith.addi %mul3A_366, %add3A_367 : i32
    %dma_wait3A_369 = arith.constant 0 : i32
    %dma_wait3A_370 = tpu.memref_slice %arg13[%add3A_368, %dma_wait3A_369] : memref<10240x128xf32, #tpu.memory_space<vmem_shared>> -> memref<32x128xf32, #tpu.memory_space<vmem_shared>>
    %dma_wait3A_371 = arith.constant 0 : i32
    %dma_wait3A_372 = tpu.memref_slice %arg13[%add3A_368, %dma_wait3A_371] : memref<10240x128xf32, #tpu.memory_space<vmem_shared>> -> memref<32x128xf32, #tpu.memory_space<vmem_shared>>
    tpu.wait_dma2 semaphore(%arg18 : memref<!tpu.dma_semaphore, #tpu.memory_space<semaphore_mem>>) src(%arg12 : memref<32x128xf32, #tpu.memory_space<vmem>>) dst(%dma_wait3A_372 : memref<32x128xf32, #tpu.memory_space<vmem_shared>>)
    %mul3A_373 = arith.constant 640 : i32
    %mul3A_374 = arith.muli %arg1, %mul3A_373 : i32
    %add3A_375 = arith.constant 512 : i32
    %add3A_376 = arith.addi %mul3A_374, %add3A_375 : i32
    %dma_wait3A_377 = arith.constant 0 : i32
    %dma_wait3A_378 = tpu.memref_slice %arg13[%add3A_376, %dma_wait3A_377] : memref<10240x128xf32, #tpu.memory_space<vmem_shared>> -> memref<32x128xf32, #tpu.memory_space<vmem_shared>>
    %dma_wait3A_379 = arith.constant 0 : i32
    %dma_wait3A_380 = tpu.memref_slice %arg13[%add3A_376, %dma_wait3A_379] : memref<10240x128xf32, #tpu.memory_space<vmem_shared>> -> memref<32x128xf32, #tpu.memory_space<vmem_shared>>
    tpu.wait_dma2 semaphore(%arg18 : memref<!tpu.dma_semaphore, #tpu.memory_space<semaphore_mem>>) src(%arg12 : memref<32x128xf32, #tpu.memory_space<vmem>>) dst(%dma_wait3A_380 : memref<32x128xf32, #tpu.memory_space<vmem_shared>>)
    %mul3A_381 = arith.constant 640 : i32
    %mul3A_382 = arith.muli %arg1, %mul3A_381 : i32
    %add3A_383 = arith.constant 544 : i32
    %add3A_384 = arith.addi %mul3A_382, %add3A_383 : i32
    %dma_wait3A_385 = arith.constant 0 : i32
    %dma_wait3A_386 = tpu.memref_slice %arg13[%add3A_384, %dma_wait3A_385] : memref<10240x128xf32, #tpu.memory_space<vmem_shared>> -> memref<32x128xf32, #tpu.memory_space<vmem_shared>>
    %dma_wait3A_387 = arith.constant 0 : i32
    %dma_wait3A_388 = tpu.memref_slice %arg13[%add3A_384, %dma_wait3A_387] : memref<10240x128xf32, #tpu.memory_space<vmem_shared>> -> memref<32x128xf32, #tpu.memory_space<vmem_shared>>
    tpu.wait_dma2 semaphore(%arg18 : memref<!tpu.dma_semaphore, #tpu.memory_space<semaphore_mem>>) src(%arg12 : memref<32x128xf32, #tpu.memory_space<vmem>>) dst(%dma_wait3A_388 : memref<32x128xf32, #tpu.memory_space<vmem_shared>>)
    %mul3A_389 = arith.constant 640 : i32
    %mul3A_390 = arith.muli %arg1, %mul3A_389 : i32
    %add3A_391 = arith.constant 576 : i32
    %add3A_392 = arith.addi %mul3A_390, %add3A_391 : i32
    %dma_wait3A_393 = arith.constant 0 : i32
    %dma_wait3A_394 = tpu.memref_slice %arg13[%add3A_392, %dma_wait3A_393] : memref<10240x128xf32, #tpu.memory_space<vmem_shared>> -> memref<32x128xf32, #tpu.memory_space<vmem_shared>>
    %dma_wait3A_395 = arith.constant 0 : i32
    %dma_wait3A_396 = tpu.memref_slice %arg13[%add3A_392, %dma_wait3A_395] : memref<10240x128xf32, #tpu.memory_space<vmem_shared>> -> memref<32x128xf32, #tpu.memory_space<vmem_shared>>
    tpu.wait_dma2 semaphore(%arg18 : memref<!tpu.dma_semaphore, #tpu.memory_space<semaphore_mem>>) src(%arg12 : memref<32x128xf32, #tpu.memory_space<vmem>>) dst(%dma_wait3A_396 : memref<32x128xf32, #tpu.memory_space<vmem_shared>>)
    %mul3A_397 = arith.constant 640 : i32
    %mul3A_398 = arith.muli %arg1, %mul3A_397 : i32
    %add3A_399 = arith.constant 608 : i32
    %add3A_400 = arith.addi %mul3A_398, %add3A_399 : i32
    %dma_wait3A_401 = arith.constant 0 : i32
    %dma_wait3A_402 = tpu.memref_slice %arg13[%add3A_400, %dma_wait3A_401] : memref<10240x128xf32, #tpu.memory_space<vmem_shared>> -> memref<32x128xf32, #tpu.memory_space<vmem_shared>>
    %dma_wait3A_403 = arith.constant 0 : i32
    %dma_wait3A_404 = tpu.memref_slice %arg13[%add3A_400, %dma_wait3A_403] : memref<10240x128xf32, #tpu.memory_space<vmem_shared>> -> memref<32x128xf32, #tpu.memory_space<vmem_shared>>
    tpu.wait_dma2 semaphore(%arg18 : memref<!tpu.dma_semaphore, #tpu.memory_space<semaphore_mem>>) src(%arg12 : memref<32x128xf32, #tpu.memory_space<vmem>>) dst(%dma_wait3A_404 : memref<32x128xf32, #tpu.memory_space<vmem_shared>>)
    %barrier3A = arith.constant 0 : index
    tpu.barrier barrier_id(%barrier3A)
    %scan3A_405 = arith.constant 0 : i32
    %scan3A_406 = arith.constant 0 : i32
    %scan3A_407 = arith.constant 78 : i32
    %scan3A_408 = arith.addi %scan3A_406, %scan3A_407 : i32
    %scan3A_409 = arith.constant 1 : i32
    scf.for %scan3A_458 = %scan3A_406 to %scan3A_408 step %scan3A_409  : i32 {
      %rem3A_459 = arith.constant 2 : i32
      %rem3A_460 = arith.remsi %scan3A_458, %rem3A_459 : i32
      %sub3A = arith.constant 1 : i32
      %sub3A_461 = arith.subi %sub3A, %rem3A_460 : i32
      %rem3A_462 = arith.constant 4 : i32
      %rem3A_463 = arith.remsi %scan3A_458, %rem3A_462 : i32
      %dma_wait3A_464 = arith.constant 0 : i32
      %dma_wait3A_465 = arith.constant 0 : i32
      %dma_wait3A_466 = tpu.memref_slice %arg8[%rem3A_460, %dma_wait3A_464, %dma_wait3A_465] : memref<2x128x128xf32, #tpu.memory_space<vmem>> -> memref<1x128x128xf32, #tpu.memory_space<vmem>>
      %dma_wait3A_467 = tpu.memref_squeeze %dma_wait3A_466 : memref<1x128x128xf32, #tpu.memory_space<vmem>> -> memref<128x128xf32, #tpu.memory_space<vmem>>
      %dma_wait3A_468 = arith.constant 0 : i32
      %dma_wait3A_469 = tpu.memref_slice %arg6[%rem3A_460, %dma_wait3A_468] : memref<2x128xi32, #tpu.memory_space<vmem>> -> memref<1x128xi32, #tpu.memory_space<vmem>>
      %dma_wait3A_470 = tpu.memref_squeeze %dma_wait3A_469 : memref<1x128xi32, #tpu.memory_space<vmem>> -> memref<128xi32, #tpu.memory_space<vmem>>
      %dma_wait3A_471 = arith.constant 0 : i32
      %dma_wait3A_472 = arith.constant 0 : i32
      %dma_wait3A_473 = tpu.memref_slice %arg2[%dma_wait3A_471, %dma_wait3A_472] : memref<10000x128xf32, #tpu.memory_space<hbm>> -> memref<10000x128xf32, #tpu.memory_space<hbm>>
      tpu.wait_indirect_dma semaphore(%arg16 : memref<!tpu.dma_semaphore, #tpu.memory_space<semaphore_mem>>) src(%dma_wait3A_473 : memref<10000x128xf32, #tpu.memory_space<hbm>>) dst(%dma_wait3A_467 : memref<128x128xf32, #tpu.memory_space<vmem>>)
      %ge3A = arith.constant 1 : i32
      %ge3A_474 = arith.cmpi sge, %scan3A_458, %ge3A : i32
      %convert_element_type3A = arith.extui %ge3A_474 : i1 to i32
      %cond3A = arith.constant 0 : i32
      %cond3A_475 = arith.cmpi ne, %convert_element_type3A, %cond3A : i32
      scf.if %cond3A_475 {
        %sub3A_513 = arith.constant 1 : i32
        %sub3A_514 = arith.subi %scan3A_458, %sub3A_513 : i32
        %rem3A_515 = arith.constant 4 : i32
        %rem3A_516 = arith.remsi %sub3A_514, %rem3A_515 : i32
        %dma_wait3A_517 = arith.constant 0 : i32
        %dma_wait3A_518 = arith.constant 0 : i32
        %dma_wait3A_519 = tpu.memref_slice %arg8[%sub3A_461, %dma_wait3A_517, %dma_wait3A_518] : memref<2x128x128xf32, #tpu.memory_space<vmem>> -> memref<1x128x128xf32, #tpu.memory_space<vmem>>
        %dma_wait3A_520 = tpu.memref_squeeze %dma_wait3A_519 : memref<1x128x128xf32, #tpu.memory_space<vmem>> -> memref<128x128xf32, #tpu.memory_space<vmem>>
        %dma_wait3A_521 = arith.constant 0 : i32
        %dma_wait3A_522 = tpu.memref_slice %arg7[%rem3A_516, %dma_wait3A_521] : memref<4x128xi32, #tpu.memory_space<vmem>> -> memref<1x128xi32, #tpu.memory_space<vmem>>
        %dma_wait3A_523 = tpu.memref_squeeze %dma_wait3A_522 : memref<1x128xi32, #tpu.memory_space<vmem>> -> memref<128xi32, #tpu.memory_space<vmem>>
        %dma_wait3A_524 = arith.constant 0 : i32
        %dma_wait3A_525 = arith.constant 0 : i32
        %dma_wait3A_526 = tpu.memref_slice %arg13[%dma_wait3A_524, %dma_wait3A_525] : memref<10240x128xf32, #tpu.memory_space<vmem_shared>> -> memref<10240x128xf32, #tpu.memory_space<vmem_shared>>
        tpu.wait_indirect_dma semaphore(%arg17 : memref<!tpu.dma_semaphore, #tpu.memory_space<semaphore_mem>>) src(%dma_wait3A_520 : memref<128x128xf32, #tpu.memory_space<vmem>>) dst(%dma_wait3A_526 : memref<10240x128xf32, #tpu.memory_space<vmem_shared>>)
      } else {
      }
      %add3A_476 = arith.constant 1 : i32
      %add3A_477 = arith.addi %scan3A_458, %add3A_476 : i32
      %lt3A = arith.constant 78 : i32
      %lt3A_478 = arith.cmpi slt, %add3A_477, %lt3A : i32
      %convert_element_type3A_479 = arith.extui %lt3A_478 : i1 to i32
      %cond3A_480 = arith.constant 0 : i32
      %cond3A_481 = arith.cmpi ne, %convert_element_type3A_479, %cond3A_480 : i32
      scf.if %cond3A_481 {
        %add3A_513 = arith.constant 1 : i32
        %add3A_514 = arith.addi %scan3A_458, %add3A_513 : i32
        %mul3A_515 = arith.constant 10000 : i32
        %mul3A_516 = arith.muli %add3A, %mul3A_515 : i32
        %mul3A_517 = arith.constant 128 : i32
        %mul3A_518 = arith.muli %add3A_514, %mul3A_517 : i32
        %add3A_519 = arith.addi %mul3A_516, %mul3A_518 : i32
        %multiple_of3A_520 = tpu.assume_multiple %add3A_519, 8 : i32
        %dma_wait3A_521 = arith.constant 0 : i32
        %dma_wait3A_522 = tpu.memref_slice %arg6[%sub3A_461, %dma_wait3A_521] : memref<2x128xi32, #tpu.memory_space<vmem>> -> memref<1x128xi32, #tpu.memory_space<vmem>>
        %dma_wait3A_523 = tpu.memref_squeeze %dma_wait3A_522 : memref<1x128xi32, #tpu.memory_space<vmem>> -> memref<128xi32, #tpu.memory_space<vmem>>
        %dma_wait3A_524 = tpu.memref_slice %arg3[%multiple_of3A_520] : memref<320000xi32, #tpu.memory_space<hbm>> -> memref<128xi32, #tpu.memory_space<hbm>>
        %dma_wait3A_525 = arith.constant 0 : i32
        %dma_wait3A_526 = tpu.memref_slice %arg6[%sub3A_461, %dma_wait3A_525] : memref<2x128xi32, #tpu.memory_space<vmem>> -> memref<1x128xi32, #tpu.memory_space<vmem>>
        %dma_wait3A_527 = tpu.memref_squeeze %dma_wait3A_526 : memref<1x128xi32, #tpu.memory_space<vmem>> -> memref<128xi32, #tpu.memory_space<vmem>>
        %dma_wait3A_528 = tpu.memref_slice %arg3[%multiple_of3A_520] : memref<320000xi32, #tpu.memory_space<hbm>> -> memref<128xi32, #tpu.memory_space<hbm>>
        tpu.wait_dma2 semaphore(%arg14 : memref<!tpu.dma_semaphore, #tpu.memory_space<semaphore_mem>>) src(%dma_wait3A_528 : memref<128xi32, #tpu.memory_space<hbm>>) dst(%dma_wait3A_527 : memref<128xi32, #tpu.memory_space<vmem>>)
        %dma_start3A_529 = arith.constant 0 : i32
        %dma_start3A_530 = arith.constant 0 : i32
        %dma_start3A_531 = tpu.memref_slice %arg8[%sub3A_461, %dma_start3A_529, %dma_start3A_530] : memref<2x128x128xf32, #tpu.memory_space<vmem>> -> memref<1x128x128xf32, #tpu.memory_space<vmem>>
        %dma_start3A_532 = tpu.memref_squeeze %dma_start3A_531 : memref<1x128x128xf32, #tpu.memory_space<vmem>> -> memref<128x128xf32, #tpu.memory_space<vmem>>
        %dma_start3A_533 = arith.constant 0 : i32
        %dma_start3A_534 = tpu.memref_slice %arg6[%sub3A_461, %dma_start3A_533] : memref<2x128xi32, #tpu.memory_space<vmem>> -> memref<1x128xi32, #tpu.memory_space<vmem>>
        %dma_start3A_535 = tpu.memref_squeeze %dma_start3A_534 : memref<1x128xi32, #tpu.memory_space<vmem>> -> memref<128xi32, #tpu.memory_space<vmem>>
        %dma_start3A_536 = arith.constant 0 : i32
        %dma_start3A_537 = arith.constant 0 : i32
        %dma_start3A_538 = tpu.memref_slice %arg2[%dma_start3A_536, %dma_start3A_537] : memref<10000x128xf32, #tpu.memory_space<hbm>> -> memref<10000x128xf32, #tpu.memory_space<hbm>>
        tpu.enqueue_indirect_dma source(%dma_start3A_538 : memref<10000x128xf32, #tpu.memory_space<hbm>>) target(%dma_start3A_532 : memref<128x128xf32, #tpu.memory_space<vmem>>) offsets(%dma_start3A_535 : memref<128xi32, #tpu.memory_space<vmem>>) semaphore(%arg16 : memref<!tpu.dma_semaphore, #tpu.memory_space<semaphore_mem>>)
      } else {
      }
      %mul3A_482 = arith.constant 10000 : i32
      %mul3A_483 = arith.muli %add3A, %mul3A_482 : i32
      %mul3A_484 = arith.constant 128 : i32
      %mul3A_485 = arith.muli %scan3A_458, %mul3A_484 : i32
      %add3A_486 = arith.addi %mul3A_483, %mul3A_485 : i32
      %multiple_of3A_487 = tpu.assume_multiple %add3A_486, 8 : i32
      %dma_wait3A_488 = arith.constant 0 : i32
      %dma_wait3A_489 = tpu.memref_slice %arg7[%rem3A_463, %dma_wait3A_488] : memref<4x128xi32, #tpu.memory_space<vmem>> -> memref<1x128xi32, #tpu.memory_space<vmem>>
      %dma_wait3A_490 = tpu.memref_squeeze %dma_wait3A_489 : memref<1x128xi32, #tpu.memory_space<vmem>> -> memref<128xi32, #tpu.memory_space<vmem>>
      %dma_wait3A_491 = tpu.memref_slice %arg4[%multiple_of3A_487] : memref<320000xi32, #tpu.memory_space<hbm>> -> memref<128xi32, #tpu.memory_space<hbm>>
      %dma_wait3A_492 = arith.constant 0 : i32
      %dma_wait3A_493 = tpu.memref_slice %arg7[%rem3A_463, %dma_wait3A_492] : memref<4x128xi32, #tpu.memory_space<vmem>> -> memref<1x128xi32, #tpu.memory_space<vmem>>
      %dma_wait3A_494 = tpu.memref_squeeze %dma_wait3A_493 : memref<1x128xi32, #tpu.memory_space<vmem>> -> memref<128xi32, #tpu.memory_space<vmem>>
      %dma_wait3A_495 = tpu.memref_slice %arg4[%multiple_of3A_487] : memref<320000xi32, #tpu.memory_space<hbm>> -> memref<128xi32, #tpu.memory_space<hbm>>
      tpu.wait_dma2 semaphore(%arg15 : memref<!tpu.dma_semaphore, #tpu.memory_space<semaphore_mem>>) src(%dma_wait3A_495 : memref<128xi32, #tpu.memory_space<hbm>>) dst(%dma_wait3A_494 : memref<128xi32, #tpu.memory_space<vmem>>)
      %dma_start3A_496 = arith.constant 0 : i32
      %dma_start3A_497 = arith.constant 0 : i32
      %dma_start3A_498 = tpu.memref_slice %arg8[%rem3A_460, %dma_start3A_496, %dma_start3A_497] : memref<2x128x128xf32, #tpu.memory_space<vmem>> -> memref<1x128x128xf32, #tpu.memory_space<vmem>>
      %dma_start3A_499 = tpu.memref_squeeze %dma_start3A_498 : memref<1x128x128xf32, #tpu.memory_space<vmem>> -> memref<128x128xf32, #tpu.memory_space<vmem>>
      %dma_start3A_500 = arith.constant 0 : i32
      %dma_start3A_501 = tpu.memref_slice %arg7[%rem3A_463, %dma_start3A_500] : memref<4x128xi32, #tpu.memory_space<vmem>> -> memref<1x128xi32, #tpu.memory_space<vmem>>
      %dma_start3A_502 = tpu.memref_squeeze %dma_start3A_501 : memref<1x128xi32, #tpu.memory_space<vmem>> -> memref<128xi32, #tpu.memory_space<vmem>>
      %dma_start3A_503 = arith.constant 0 : i32
      %dma_start3A_504 = arith.constant 0 : i32
      %dma_start3A_505 = tpu.memref_slice %arg13[%dma_start3A_503, %dma_start3A_504] : memref<10240x128xf32, #tpu.memory_space<vmem_shared>> -> memref<10240x128xf32, #tpu.memory_space<vmem_shared>>
      tpu.enqueue_indirect_dma source(%dma_start3A_499 : memref<128x128xf32, #tpu.memory_space<vmem>>) target(%dma_start3A_505 : memref<10240x128xf32, #tpu.memory_space<vmem_shared>>) offsets(%dma_start3A_502 : memref<128xi32, #tpu.memory_space<vmem>>) semaphore(%arg17 : memref<!tpu.dma_semaphore, #tpu.memory_space<semaphore_mem>>) {add = true}
      %add3A_506 = arith.constant 2 : i32
      %add3A_507 = arith.addi %scan3A_458, %add3A_506 : i32
      %lt3A_508 = arith.constant 78 : i32
      %lt3A_509 = arith.cmpi slt, %add3A_507, %lt3A_508 : i32
      %convert_element_type3A_510 = arith.extui %lt3A_509 : i1 to i32
      %cond3A_511 = arith.constant 0 : i32
      %cond3A_512 = arith.cmpi ne, %convert_element_type3A_510, %cond3A_511 : i32
      scf.if %cond3A_512 {
        %add3A_513 = arith.constant 2 : i32
        %add3A_514 = arith.addi %scan3A_458, %add3A_513 : i32
        %add3A_515 = arith.constant 2 : i32
        %add3A_516 = arith.addi %scan3A_458, %add3A_515 : i32
        %rem3A_517 = arith.constant 4 : i32
        %rem3A_518 = arith.remsi %add3A_516, %rem3A_517 : i32
        %mul3A_519 = arith.constant 10000 : i32
        %mul3A_520 = arith.muli %add3A, %mul3A_519 : i32
        %mul3A_521 = arith.constant 128 : i32
        %mul3A_522 = arith.muli %add3A_514, %mul3A_521 : i32
        %add3A_523 = arith.addi %mul3A_520, %mul3A_522 : i32
        %multiple_of3A_524 = tpu.assume_multiple %add3A_523, 8 : i32
        %dma_start3A_525 = arith.constant 0 : i32
        %dma_start3A_526 = tpu.memref_slice %arg6[%rem3A_460, %dma_start3A_525] : memref<2x128xi32, #tpu.memory_space<vmem>> -> memref<1x128xi32, #tpu.memory_space<vmem>>
        %dma_start3A_527 = tpu.memref_squeeze %dma_start3A_526 : memref<1x128xi32, #tpu.memory_space<vmem>> -> memref<128xi32, #tpu.memory_space<vmem>>
        %dma_start3A_528 = tpu.memref_slice %arg3[%multiple_of3A_524] : memref<320000xi32, #tpu.memory_space<hbm>> -> memref<128xi32, #tpu.memory_space<hbm>>
        %dma_start3A_529 = arith.constant 0 : i32
        %dma_start3A_530 = tpu.memref_slice %arg6[%rem3A_460, %dma_start3A_529] : memref<2x128xi32, #tpu.memory_space<vmem>> -> memref<1x128xi32, #tpu.memory_space<vmem>>
        %dma_start3A_531 = tpu.memref_squeeze %dma_start3A_530 : memref<1x128xi32, #tpu.memory_space<vmem>> -> memref<128xi32, #tpu.memory_space<vmem>>
        %dma_start3A_532 = tpu.memref_slice %arg3[%multiple_of3A_524] : memref<320000xi32, #tpu.memory_space<hbm>> -> memref<128xi32, #tpu.memory_space<hbm>>
        tpu.enqueue_dma source(%dma_start3A_532 : memref<128xi32, #tpu.memory_space<hbm>>) target(%dma_start3A_531 : memref<128xi32, #tpu.memory_space<vmem>>) target_semaphore(%arg14 : memref<!tpu.dma_semaphore, #tpu.memory_space<semaphore_mem>>)
        %mul3A_533 = arith.constant 10000 : i32
        %mul3A_534 = arith.muli %add3A, %mul3A_533 : i32
        %mul3A_535 = arith.constant 128 : i32
        %mul3A_536 = arith.muli %add3A_514, %mul3A_535 : i32
        %add3A_537 = arith.addi %mul3A_534, %mul3A_536 : i32
        %multiple_of3A_538 = tpu.assume_multiple %add3A_537, 8 : i32
        %dma_start3A_539 = arith.constant 0 : i32
        %dma_start3A_540 = tpu.memref_slice %arg7[%rem3A_518, %dma_start3A_539] : memref<4x128xi32, #tpu.memory_space<vmem>> -> memref<1x128xi32, #tpu.memory_space<vmem>>
        %dma_start3A_541 = tpu.memref_squeeze %dma_start3A_540 : memref<1x128xi32, #tpu.memory_space<vmem>> -> memref<128xi32, #tpu.memory_space<vmem>>
        %dma_start3A_542 = tpu.memref_slice %arg4[%multiple_of3A_538] : memref<320000xi32, #tpu.memory_space<hbm>> -> memref<128xi32, #tpu.memory_space<hbm>>
        %dma_start3A_543 = arith.constant 0 : i32
        %dma_start3A_544 = tpu.memref_slice %arg7[%rem3A_518, %dma_start3A_543] : memref<4x128xi32, #tpu.memory_space<vmem>> -> memref<1x128xi32, #tpu.memory_space<vmem>>
        %dma_start3A_545 = tpu.memref_squeeze %dma_start3A_544 : memref<1x128xi32, #tpu.memory_space<vmem>> -> memref<128xi32, #tpu.memory_space<vmem>>
        %dma_start3A_546 = tpu.memref_slice %arg4[%multiple_of3A_538] : memref<320000xi32, #tpu.memory_space<hbm>> -> memref<128xi32, #tpu.memory_space<hbm>>
        tpu.enqueue_dma source(%dma_start3A_546 : memref<128xi32, #tpu.memory_space<hbm>>) target(%dma_start3A_545 : memref<128xi32, #tpu.memory_space<vmem>>) target_semaphore(%arg15 : memref<!tpu.dma_semaphore, #tpu.memory_space<semaphore_mem>>)
      } else {
      }
    }
    %scan3A_410 = arith.constant 78 : i32
    %rem3A = arith.constant 77 : i32
    %rem3A_411 = arith.constant 2 : i32
    %rem3A_412 = arith.remsi %rem3A, %rem3A_411 : i32
    %rem3A_413 = arith.constant 77 : i32
    %rem3A_414 = arith.constant 4 : i32
    %rem3A_415 = arith.remsi %rem3A_413, %rem3A_414 : i32
    %dma_wait3A_416 = arith.constant 0 : i32
    %dma_wait3A_417 = arith.constant 0 : i32
    %dma_wait3A_418 = tpu.memref_slice %arg8[%rem3A_412, %dma_wait3A_416, %dma_wait3A_417] : memref<2x128x128xf32, #tpu.memory_space<vmem>> -> memref<1x128x128xf32, #tpu.memory_space<vmem>>
    %dma_wait3A_419 = tpu.memref_squeeze %dma_wait3A_418 : memref<1x128x128xf32, #tpu.memory_space<vmem>> -> memref<128x128xf32, #tpu.memory_space<vmem>>
    %dma_wait3A_420 = arith.constant 0 : i32
    %dma_wait3A_421 = tpu.memref_slice %arg7[%rem3A_415, %dma_wait3A_420] : memref<4x128xi32, #tpu.memory_space<vmem>> -> memref<1x128xi32, #tpu.memory_space<vmem>>
    %dma_wait3A_422 = tpu.memref_squeeze %dma_wait3A_421 : memref<1x128xi32, #tpu.memory_space<vmem>> -> memref<128xi32, #tpu.memory_space<vmem>>
    %dma_wait3A_423 = arith.constant 0 : i32
    %dma_wait3A_424 = arith.constant 0 : i32
    %dma_wait3A_425 = tpu.memref_slice %arg13[%dma_wait3A_423, %dma_wait3A_424] : memref<10240x128xf32, #tpu.memory_space<vmem_shared>> -> memref<10240x128xf32, #tpu.memory_space<vmem_shared>>
    tpu.wait_indirect_dma semaphore(%arg17 : memref<!tpu.dma_semaphore, #tpu.memory_space<semaphore_mem>>) src(%dma_wait3A_419 : memref<128x128xf32, #tpu.memory_space<vmem>>) dst(%dma_wait3A_425 : memref<10240x128xf32, #tpu.memory_space<vmem_shared>>)
    %mul3A_426 = arith.constant 10000 : i32
    %mul3A_427 = arith.muli %add3A, %mul3A_426 : i32
    %add3A_428 = arith.constant 9984 : i32
    %add3A_429 = arith.addi %mul3A_427, %add3A_428 : i32
    %multiple_of3A_430 = tpu.assume_multiple %add3A_429, 8 : i32
    "tpu.region"() ({
      %run_scoped3A = tpu.sem_alloc : memref<!tpu.dma_semaphore, #tpu.memory_space<semaphore_mem>>
      %dma_start3A_458 = tpu.memref_slice %arg3[%multiple_of3A_430] : memref<320000xi32, #tpu.memory_space<hbm>> -> memref<16xi32, #tpu.memory_space<hbm>>
      %dma_start3A_459 = tpu.memref_slice %arg3[%multiple_of3A_430] : memref<320000xi32, #tpu.memory_space<hbm>> -> memref<16xi32, #tpu.memory_space<hbm>>
      tpu.enqueue_dma source(%dma_start3A_459 : memref<16xi32, #tpu.memory_space<hbm>>) target(%arg9 : memref<16xi32, #tpu.memory_space<vmem>>) target_semaphore(%run_scoped3A : memref<!tpu.dma_semaphore, #tpu.memory_space<semaphore_mem>>)
      %dma_wait3A_460 = tpu.memref_slice %arg3[%multiple_of3A_430] : memref<320000xi32, #tpu.memory_space<hbm>> -> memref<16xi32, #tpu.memory_space<hbm>>
      %dma_wait3A_461 = tpu.memref_slice %arg3[%multiple_of3A_430] : memref<320000xi32, #tpu.memory_space<hbm>> -> memref<16xi32, #tpu.memory_space<hbm>>
      tpu.wait_dma2 semaphore(%run_scoped3A : memref<!tpu.dma_semaphore, #tpu.memory_space<semaphore_mem>>) src(%dma_wait3A_461 : memref<16xi32, #tpu.memory_space<hbm>>) dst(%arg9 : memref<16xi32, #tpu.memory_space<vmem>>)
      tpu.yield
    }) : () -> ()
    "tpu.region"() ({
      %run_scoped3A = tpu.sem_alloc : memref<!tpu.dma_semaphore, #tpu.memory_space<semaphore_mem>>
      %dma_start3A_458 = tpu.memref_slice %arg4[%multiple_of3A_430] : memref<320000xi32, #tpu.memory_space<hbm>> -> memref<16xi32, #tpu.memory_space<hbm>>
      %dma_start3A_459 = tpu.memref_slice %arg4[%multiple_of3A_430] : memref<320000xi32, #tpu.memory_space<hbm>> -> memref<16xi32, #tpu.memory_space<hbm>>
      tpu.enqueue_dma source(%dma_start3A_459 : memref<16xi32, #tpu.memory_space<hbm>>) target(%arg10 : memref<16xi32, #tpu.memory_space<vmem>>) target_semaphore(%run_scoped3A : memref<!tpu.dma_semaphore, #tpu.memory_space<semaphore_mem>>)
      %dma_wait3A_460 = tpu.memref_slice %arg4[%multiple_of3A_430] : memref<320000xi32, #tpu.memory_space<hbm>> -> memref<16xi32, #tpu.memory_space<hbm>>
      %dma_wait3A_461 = tpu.memref_slice %arg4[%multiple_of3A_430] : memref<320000xi32, #tpu.memory_space<hbm>> -> memref<16xi32, #tpu.memory_space<hbm>>
      tpu.wait_dma2 semaphore(%run_scoped3A : memref<!tpu.dma_semaphore, #tpu.memory_space<semaphore_mem>>) src(%dma_wait3A_461 : memref<16xi32, #tpu.memory_space<hbm>>) dst(%arg10 : memref<16xi32, #tpu.memory_space<vmem>>)
      tpu.yield
    }) : () -> ()
    %dma_start3A_431 = arith.constant 0 : i32
    %dma_start3A_432 = arith.constant 0 : i32
    %dma_start3A_433 = tpu.memref_slice %arg2[%dma_start3A_431, %dma_start3A_432] : memref<10000x128xf32, #tpu.memory_space<hbm>> -> memref<10000x128xf32, #tpu.memory_space<hbm>>
    tpu.enqueue_indirect_dma source(%dma_start3A_433 : memref<10000x128xf32, #tpu.memory_space<hbm>>) target(%arg11 : memref<16x128xf32, #tpu.memory_space<vmem>>) offsets(%arg9 : memref<16xi32, #tpu.memory_space<vmem>>) semaphore(%arg16 : memref<!tpu.dma_semaphore, #tpu.memory_space<semaphore_mem>>)
    %dma_wait3A_434 = arith.constant 0 : i32
    %dma_wait3A_435 = arith.constant 0 : i32
    %dma_wait3A_436 = tpu.memref_slice %arg2[%dma_wait3A_434, %dma_wait3A_435] : memref<10000x128xf32, #tpu.memory_space<hbm>> -> memref<10000x128xf32, #tpu.memory_space<hbm>>
    tpu.wait_indirect_dma semaphore(%arg16 : memref<!tpu.dma_semaphore, #tpu.memory_space<semaphore_mem>>) src(%dma_wait3A_436 : memref<10000x128xf32, #tpu.memory_space<hbm>>) dst(%arg11 : memref<16x128xf32, #tpu.memory_space<vmem>>)
    "tpu.region"() ({
      %run_scoped3A = tpu.sem_alloc : memref<!tpu.dma_semaphore, #tpu.memory_space<semaphore_mem>>
      %dma_start3A_458 = arith.constant 0 : i32
      %dma_start3A_459 = arith.constant 0 : i32
      %dma_start3A_460 = tpu.memref_slice %arg13[%dma_start3A_458, %dma_start3A_459] : memref<10240x128xf32, #tpu.memory_space<vmem_shared>> -> memref<10240x128xf32, #tpu.memory_space<vmem_shared>>
      tpu.enqueue_indirect_dma source(%arg11 : memref<16x128xf32, #tpu.memory_space<vmem>>) target(%dma_start3A_460 : memref<10240x128xf32, #tpu.memory_space<vmem_shared>>) offsets(%arg10 : memref<16xi32, #tpu.memory_space<vmem>>) semaphore(%run_scoped3A : memref<!tpu.dma_semaphore, #tpu.memory_space<semaphore_mem>>) {add = true}
      %dma_wait3A_461 = arith.constant 0 : i32
      %dma_wait3A_462 = arith.constant 0 : i32
      %dma_wait3A_463 = tpu.memref_slice %arg13[%dma_wait3A_461, %dma_wait3A_462] : memref<10240x128xf32, #tpu.memory_space<vmem_shared>> -> memref<10240x128xf32, #tpu.memory_space<vmem_shared>>
      tpu.wait_indirect_dma semaphore(%run_scoped3A : memref<!tpu.dma_semaphore, #tpu.memory_space<semaphore_mem>>) src(%arg11 : memref<16x128xf32, #tpu.memory_space<vmem>>) dst(%dma_wait3A_463 : memref<10240x128xf32, #tpu.memory_space<vmem_shared>>)
      tpu.yield
    }) : () -> ()
    %barrier3A_437 = arith.constant 0 : index
    tpu.barrier barrier_id(%barrier3A_437)
    %mul3A_438 = arith.constant 640 : i32
    %mul3A_439 = arith.muli %arg1, %mul3A_438 : i32
    %add3A_440 = arith.constant 0 : i32
    %add3A_441 = arith.addi %mul3A_439, %add3A_440 : i32
    "tpu.region"() ({
      %run_scoped3A = tpu.sem_alloc : memref<!tpu.dma_semaphore, #tpu.memory_space<semaphore_mem>>
      %dma_start3A_458 = arith.constant 0 : i32
      %dma_start3A_459 = tpu.memref_slice %arg5[%arg0, %add3A_441, %dma_start3A_458] : memref<2x10240x128xf32, #tpu.memory_space<hbm>> -> memref<1x128x128xf32, #tpu.memory_space<hbm>>
      %dma_start3A_460 = tpu.memref_squeeze %dma_start3A_459 : memref<1x128x128xf32, #tpu.memory_space<hbm>> -> memref<128x128xf32, #tpu.memory_space<hbm>>
      %dma_start3A_461 = arith.constant 0 : i32
      %dma_start3A_462 = tpu.memref_slice %arg13[%add3A_441, %dma_start3A_461] : memref<10240x128xf32, #tpu.memory_space<vmem_shared>> -> memref<128x128xf32, #tpu.memory_space<vmem_shared>>
      tpu.enqueue_dma source(%dma_start3A_462 : memref<128x128xf32, #tpu.memory_space<vmem_shared>>) target(%dma_start3A_460 : memref<128x128xf32, #tpu.memory_space<hbm>>) target_semaphore(%run_scoped3A : memref<!tpu.dma_semaphore, #tpu.memory_space<semaphore_mem>>)
      %dma_wait3A_463 = arith.constant 0 : i32
      %dma_wait3A_464 = tpu.memref_slice %arg5[%arg0, %add3A_441, %dma_wait3A_463] : memref<2x10240x128xf32, #tpu.memory_space<hbm>> -> memref<1x128x128xf32, #tpu.memory_space<hbm>>
      %dma_wait3A_465 = tpu.memref_squeeze %dma_wait3A_464 : memref<1x128x128xf32, #tpu.memory_space<hbm>> -> memref<128x128xf32, #tpu.memory_space<hbm>>
      %dma_wait3A_466 = arith.constant 0 : i32
      %dma_wait3A_467 = tpu.memref_slice %arg13[%add3A_441, %dma_wait3A_466] : memref<10240x128xf32, #tpu.memory_space<vmem_shared>> -> memref<128x128xf32, #tpu.memory_space<vmem_shared>>
      tpu.wait_dma2 semaphore(%run_scoped3A : memref<!tpu.dma_semaphore, #tpu.memory_space<semaphore_mem>>) src(%dma_wait3A_467 : memref<128x128xf32, #tpu.memory_space<vmem_shared>>) dst(%dma_wait3A_465 : memref<128x128xf32, #tpu.memory_space<hbm>>)
      tpu.yield
    }) : () -> ()
    %mul3A_442 = arith.constant 640 : i32
    %mul3A_443 = arith.muli %arg1, %mul3A_442 : i32
    %add3A_444 = arith.constant 128 : i32
    %add3A_445 = arith.addi %mul3A_443, %add3A_444 : i32
    "tpu.region"() ({
      %run_scoped3A = tpu.sem_alloc : memref<!tpu.dma_semaphore, #tpu.memory_space<semaphore_mem>>
      %dma_start3A_458 = arith.constant 0 : i32
      %dma_start3A_459 = tpu.memref_slice %arg5[%arg0, %add3A_445, %dma_start3A_458] : memref<2x10240x128xf32, #tpu.memory_space<hbm>> -> memref<1x128x128xf32, #tpu.memory_space<hbm>>
      %dma_start3A_460 = tpu.memref_squeeze %dma_start3A_459 : memref<1x128x128xf32, #tpu.memory_space<hbm>> -> memref<128x128xf32, #tpu.memory_space<hbm>>
      %dma_start3A_461 = arith.constant 0 : i32
      %dma_start3A_462 = tpu.memref_slice %arg13[%add3A_445, %dma_start3A_461] : memref<10240x128xf32, #tpu.memory_space<vmem_shared>> -> memref<128x128xf32, #tpu.memory_space<vmem_shared>>
      tpu.enqueue_dma source(%dma_start3A_462 : memref<128x128xf32, #tpu.memory_space<vmem_shared>>) target(%dma_start3A_460 : memref<128x128xf32, #tpu.memory_space<hbm>>) target_semaphore(%run_scoped3A : memref<!tpu.dma_semaphore, #tpu.memory_space<semaphore_mem>>)
      %dma_wait3A_463 = arith.constant 0 : i32
      %dma_wait3A_464 = tpu.memref_slice %arg5[%arg0, %add3A_445, %dma_wait3A_463] : memref<2x10240x128xf32, #tpu.memory_space<hbm>> -> memref<1x128x128xf32, #tpu.memory_space<hbm>>
      %dma_wait3A_465 = tpu.memref_squeeze %dma_wait3A_464 : memref<1x128x128xf32, #tpu.memory_space<hbm>> -> memref<128x128xf32, #tpu.memory_space<hbm>>
      %dma_wait3A_466 = arith.constant 0 : i32
      %dma_wait3A_467 = tpu.memref_slice %arg13[%add3A_445, %dma_wait3A_466] : memref<10240x128xf32, #tpu.memory_space<vmem_shared>> -> memref<128x128xf32, #tpu.memory_space<vmem_shared>>
      tpu.wait_dma2 semaphore(%run_scoped3A : memref<!tpu.dma_semaphore, #tpu.memory_space<semaphore_mem>>) src(%dma_wait3A_467 : memref<128x128xf32, #tpu.memory_space<vmem_shared>>) dst(%dma_wait3A_465 : memref<128x128xf32, #tpu.memory_space<hbm>>)
      tpu.yield
    }) : () -> ()
    %mul3A_446 = arith.constant 640 : i32
    %mul3A_447 = arith.muli %arg1, %mul3A_446 : i32
    %add3A_448 = arith.constant 256 : i32
    %add3A_449 = arith.addi %mul3A_447, %add3A_448 : i32
    "tpu.region"() ({
      %run_scoped3A = tpu.sem_alloc : memref<!tpu.dma_semaphore, #tpu.memory_space<semaphore_mem>>
      %dma_start3A_458 = arith.constant 0 : i32
      %dma_start3A_459 = tpu.memref_slice %arg5[%arg0, %add3A_449, %dma_start3A_458] : memref<2x10240x128xf32, #tpu.memory_space<hbm>> -> memref<1x128x128xf32, #tpu.memory_space<hbm>>
      %dma_start3A_460 = tpu.memref_squeeze %dma_start3A_459 : memref<1x128x128xf32, #tpu.memory_space<hbm>> -> memref<128x128xf32, #tpu.memory_space<hbm>>
      %dma_start3A_461 = arith.constant 0 : i32
      %dma_start3A_462 = tpu.memref_slice %arg13[%add3A_449, %dma_start3A_461] : memref<10240x128xf32, #tpu.memory_space<vmem_shared>> -> memref<128x128xf32, #tpu.memory_space<vmem_shared>>
      tpu.enqueue_dma source(%dma_start3A_462 : memref<128x128xf32, #tpu.memory_space<vmem_shared>>) target(%dma_start3A_460 : memref<128x128xf32, #tpu.memory_space<hbm>>) target_semaphore(%run_scoped3A : memref<!tpu.dma_semaphore, #tpu.memory_space<semaphore_mem>>)
      %dma_wait3A_463 = arith.constant 0 : i32
      %dma_wait3A_464 = tpu.memref_slice %arg5[%arg0, %add3A_449, %dma_wait3A_463] : memref<2x10240x128xf32, #tpu.memory_space<hbm>> -> memref<1x128x128xf32, #tpu.memory_space<hbm>>
      %dma_wait3A_465 = tpu.memref_squeeze %dma_wait3A_464 : memref<1x128x128xf32, #tpu.memory_space<hbm>> -> memref<128x128xf32, #tpu.memory_space<hbm>>
      %dma_wait3A_466 = arith.constant 0 : i32
      %dma_wait3A_467 = tpu.memref_slice %arg13[%add3A_449, %dma_wait3A_466] : memref<10240x128xf32, #tpu.memory_space<vmem_shared>> -> memref<128x128xf32, #tpu.memory_space<vmem_shared>>
      tpu.wait_dma2 semaphore(%run_scoped3A : memref<!tpu.dma_semaphore, #tpu.memory_space<semaphore_mem>>) src(%dma_wait3A_467 : memref<128x128xf32, #tpu.memory_space<vmem_shared>>) dst(%dma_wait3A_465 : memref<128x128xf32, #tpu.memory_space<hbm>>)
      tpu.yield
    }) : () -> ()
    %mul3A_450 = arith.constant 640 : i32
    %mul3A_451 = arith.muli %arg1, %mul3A_450 : i32
    %add3A_452 = arith.constant 384 : i32
    %add3A_453 = arith.addi %mul3A_451, %add3A_452 : i32
    "tpu.region"() ({
      %run_scoped3A = tpu.sem_alloc : memref<!tpu.dma_semaphore, #tpu.memory_space<semaphore_mem>>
      %dma_start3A_458 = arith.constant 0 : i32
      %dma_start3A_459 = tpu.memref_slice %arg5[%arg0, %add3A_453, %dma_start3A_458] : memref<2x10240x128xf32, #tpu.memory_space<hbm>> -> memref<1x128x128xf32, #tpu.memory_space<hbm>>
      %dma_start3A_460 = tpu.memref_squeeze %dma_start3A_459 : memref<1x128x128xf32, #tpu.memory_space<hbm>> -> memref<128x128xf32, #tpu.memory_space<hbm>>
      %dma_start3A_461 = arith.constant 0 : i32
      %dma_start3A_462 = tpu.memref_slice %arg13[%add3A_453, %dma_start3A_461] : memref<10240x128xf32, #tpu.memory_space<vmem_shared>> -> memref<128x128xf32, #tpu.memory_space<vmem_shared>>
      tpu.enqueue_dma source(%dma_start3A_462 : memref<128x128xf32, #tpu.memory_space<vmem_shared>>) target(%dma_start3A_460 : memref<128x128xf32, #tpu.memory_space<hbm>>) target_semaphore(%run_scoped3A : memref<!tpu.dma_semaphore, #tpu.memory_space<semaphore_mem>>)
      %dma_wait3A_463 = arith.constant 0 : i32
      %dma_wait3A_464 = tpu.memref_slice %arg5[%arg0, %add3A_453, %dma_wait3A_463] : memref<2x10240x128xf32, #tpu.memory_space<hbm>> -> memref<1x128x128xf32, #tpu.memory_space<hbm>>
      %dma_wait3A_465 = tpu.memref_squeeze %dma_wait3A_464 : memref<1x128x128xf32, #tpu.memory_space<hbm>> -> memref<128x128xf32, #tpu.memory_space<hbm>>
      %dma_wait3A_466 = arith.constant 0 : i32
      %dma_wait3A_467 = tpu.memref_slice %arg13[%add3A_453, %dma_wait3A_466] : memref<10240x128xf32, #tpu.memory_space<vmem_shared>> -> memref<128x128xf32, #tpu.memory_space<vmem_shared>>
      tpu.wait_dma2 semaphore(%run_scoped3A : memref<!tpu.dma_semaphore, #tpu.memory_space<semaphore_mem>>) src(%dma_wait3A_467 : memref<128x128xf32, #tpu.memory_space<vmem_shared>>) dst(%dma_wait3A_465 : memref<128x128xf32, #tpu.memory_space<hbm>>)
      tpu.yield
    }) : () -> ()
    %mul3A_454 = arith.constant 640 : i32
    %mul3A_455 = arith.muli %arg1, %mul3A_454 : i32
    %add3A_456 = arith.constant 512 : i32
    %add3A_457 = arith.addi %mul3A_455, %add3A_456 : i32
    "tpu.region"() ({
      %run_scoped3A = tpu.sem_alloc : memref<!tpu.dma_semaphore, #tpu.memory_space<semaphore_mem>>
      %dma_start3A_458 = arith.constant 0 : i32
      %dma_start3A_459 = tpu.memref_slice %arg5[%arg0, %add3A_457, %dma_start3A_458] : memref<2x10240x128xf32, #tpu.memory_space<hbm>> -> memref<1x128x128xf32, #tpu.memory_space<hbm>>
      %dma_start3A_460 = tpu.memref_squeeze %dma_start3A_459 : memref<1x128x128xf32, #tpu.memory_space<hbm>> -> memref<128x128xf32, #tpu.memory_space<hbm>>
      %dma_start3A_461 = arith.constant 0 : i32
      %dma_start3A_462 = tpu.memref_slice %arg13[%add3A_457, %dma_start3A_461] : memref<10240x128xf32, #tpu.memory_space<vmem_shared>> -> memref<128x128xf32, #tpu.memory_space<vmem_shared>>
      tpu.enqueue_dma source(%dma_start3A_462 : memref<128x128xf32, #tpu.memory_space<vmem_shared>>) target(%dma_start3A_460 : memref<128x128xf32, #tpu.memory_space<hbm>>) target_semaphore(%run_scoped3A : memref<!tpu.dma_semaphore, #tpu.memory_space<semaphore_mem>>)
      %dma_wait3A_463 = arith.constant 0 : i32
      %dma_wait3A_464 = tpu.memref_slice %arg5[%arg0, %add3A_457, %dma_wait3A_463] : memref<2x10240x128xf32, #tpu.memory_space<hbm>> -> memref<1x128x128xf32, #tpu.memory_space<hbm>>
      %dma_wait3A_465 = tpu.memref_squeeze %dma_wait3A_464 : memref<1x128x128xf32, #tpu.memory_space<hbm>> -> memref<128x128xf32, #tpu.memory_space<hbm>>
      %dma_wait3A_466 = arith.constant 0 : i32
      %dma_wait3A_467 = tpu.memref_slice %arg13[%add3A_457, %dma_wait3A_466] : memref<10240x128xf32, #tpu.memory_space<vmem_shared>> -> memref<128x128xf32, #tpu.memory_space<vmem_shared>>
      tpu.wait_dma2 semaphore(%run_scoped3A : memref<!tpu.dma_semaphore, #tpu.memory_space<semaphore_mem>>) src(%dma_wait3A_467 : memref<128x128xf32, #tpu.memory_space<vmem_shared>>) dst(%dma_wait3A_465 : memref<128x128xf32, #tpu.memory_space<hbm>>)
      tpu.yield
    }) : () -> ()
    return
  }
}

#map = affine_map<(d0, d1) -> (0, 0)>
#map1 = affine_map<(d0, d1) -> (0)>
#map2 = affine_map<(d0, d1) -> (0, 0, 0)>
module attributes {stable_mosaic.version = 14 : i64} {
  func.func @_scatter_kernel(%arg0: i32, %arg1: i32, %arg2: memref<10000x128xf32, #tpu.memory_space<hbm>>, %arg3: memref<320000xi32, #tpu.memory_space<hbm>>, %arg4: memref<320000xi32, #tpu.memory_space<hbm>>, %arg5: memref<2x10240x128xf32, #tpu.memory_space<hbm>>, %arg6: memref<2x128xi32, #tpu.memory_space<vmem>>, %arg7: memref<4x128xi32, #tpu.memory_space<vmem>>, %arg8: memref<2x128x128xf32, #tpu.memory_space<vmem>>, %arg9: memref<16xi32, #tpu.memory_space<vmem>>, %arg10: memref<16xi32, #tpu.memory_space<vmem>>, %arg11: memref<16x128xf32, #tpu.memory_space<vmem>>, %arg12: memref<32x128xf32, #tpu.memory_space<vmem>>, %arg13: memref<10240x128xf32, #tpu.memory_space<vmem_shared>>, %arg14: memref<!tpu.dma_semaphore, #tpu.memory_space<semaphore_mem>>, %arg15: memref<!tpu.dma_semaphore, #tpu.memory_space<semaphore_mem>>, %arg16: memref<!tpu.dma_semaphore, #tpu.memory_space<semaphore_mem>>, %arg17: memref<!tpu.dma_semaphore, #tpu.memory_space<semaphore_mem>>, %arg18: memref<!tpu.dma_semaphore, #tpu.memory_space<semaphore_mem>>) attributes {dimension_semantics = [#tpu.dimension_semantics<core_parallel>, #tpu.dimension_semantics<subcore_parallel>], iteration_bounds = array<i64: 2, 16>, scalar_prefetch = 0 : i64, scratch_operands = 13 : i64, tpu.core_type = #tpu.core_type<sc_vector_subcore>, window_params = [{transform_indices = #map}, {transform_indices = #map1}, {transform_indices = #map1}, {transform_indices = #map2}]} {
    %mul3A = arith.constant 2 : i32
    %mul3A_0 = arith.muli %arg1, %mul3A : i32
    %add3A = arith.addi %mul3A_0, %arg0 : i32
    %scan3A = arith.constant 0 : i32
    %scan3A_1 = arith.constant 0 : i32
    %scan3A_2 = arith.constant 32 : i32
    %scan3A_3 = arith.addi %scan3A_1, %scan3A_2 : i32
    %scan3A_4 = arith.constant 1 : i32
    scf.for %scan3A_458 = %scan3A_1 to %scan3A_3 step %scan3A_4  : i32 {
      %broadcast_in_dim3A = arith.constant 0.000000e+00 : f32
      %broadcast_in_dim3A_459 = vector.broadcast %broadcast_in_dim3A : f32 to vector<16xf32>
      %swap3A = arith.index_cast %scan3A_458 : i32 to index
      %swap3A_460 = arith.constant 0 : index
      %swap3A_461 = tpu.vector_load %arg12[%swap3A, %swap3A_460] {strides = array<i32>} : memref<32x128xf32, #tpu.memory_space<vmem>>, vector<1x16xf32>,
      %swap3A_462 = vector.shape_cast %swap3A_461 : vector<1x16xf32> to vector<16xf32>
      %swap3A_463 = vector.shape_cast %broadcast_in_dim3A_459 : vector<16xf32> to vector<1x16xf32>
      tpu.vector_store %arg12[%swap3A, %swap3A_460], %swap3A_463 {strides = array<i32>} : memref<32x128xf32, #tpu.memory_space<vmem>>, vector<1x16xf32>,
      %broadcast_in_dim3A_464 = arith.constant 0.000000e+00 : f32
      %broadcast_in_dim3A_465 = vector.broadcast %broadcast_in_dim3A_464 : f32 to vector<16xf32>
      %swap3A_466 = arith.index_cast %scan3A_458 : i32 to index
      %swap3A_467 = arith.constant 16 : index
      %swap3A_468 = tpu.vector_load %arg12[%swap3A_466, %swap3A_467] {strides = array<i32>} : memref<32x128xf32, #tpu.memory_space<vmem>>, vector<1x16xf32>,
      %swap3A_469 = vector.shape_cast %swap3A_468 : vector<1x16xf32> to vector<16xf32>
      %swap3A_470 = vector.shape_cast %broadcast_in_dim3A_465 : vector<16xf32> to vector<1x16xf32>
      tpu.vector_store %arg12[%swap3A_466, %swap3A_467], %swap3A_470 {strides = array<i32>} : memref<32x128xf32, #tpu.memory_space<vmem>>, vector<1x16xf32>,
      %broadcast_in_dim3A_471 = arith.constant 0.000000e+00 : f32
      %broadcast_in_dim3A_472 = vector.broadcast %broadcast_in_dim3A_471 : f32 to vector<16xf32>
      %swap3A_473 = arith.index_cast %scan3A_458 : i32 to index
      %swap3A_474 = arith.constant 32 : index
      %swap3A_475 = tpu.vector_load %arg12[%swap3A_473, %swap3A_474] {strides = array<i32>} : memref<32x128xf32, #tpu.memory_space<vmem>>, vector<1x16xf32>,
      %swap3A_476 = vector.shape_cast %swap3A_475 : vector<1x16xf32> to vector<16xf32>
      %swap3A_477 = vector.shape_cast %broadcast_in_dim3A_472 : vector<16xf32> to vector<1x16xf32>
      tpu.vector_store %arg12[%swap3A_473, %swap3A_474], %swap3A_477 {strides = array<i32>} : memref<32x128xf32, #tpu.memory_space<vmem>>, vector<1x16xf32>,
      %broadcast_in_dim3A_478 = arith.constant 0.000000e+00 : f32
      %broadcast_in_dim3A_479 = vector.broadcast %broadcast_in_dim3A_478 : f32 to vector<16xf32>
      %swap3A_480 = arith.index_cast %scan3A_458 : i32 to index
      %swap3A_481 = arith.constant 48 : index
      %swap3A_482 = tpu.vector_load %arg12[%swap3A_480, %swap3A_481] {strides = array<i32>} : memref<32x128xf32, #tpu.memory_space<vmem>>, vector<1x16xf32>,
      %swap3A_483 = vector.shape_cast %swap3A_482 : vector<1x16xf32> to vector<16xf32>
      %swap3A_484 = vector.shape_cast %broadcast_in_dim3A_479 : vector<16xf32> to vector<1x16xf32>
      tpu.vector_store %arg12[%swap3A_480, %swap3A_481], %swap3A_484 {strides = array<i32>} : memref<32x128xf32, #tpu.memory_space<vmem>>, vector<1x16xf32>,
      %broadcast_in_dim3A_485 = arith.constant 0.000000e+00 : f32
      %broadcast_in_dim3A_486 = vector.broadcast %broadcast_in_dim3A_485 : f32 to vector<16xf32>
      %swap3A_487 = arith.index_cast %scan3A_458 : i32 to index
      %swap3A_488 = arith.constant 64 : index
      %swap3A_489 = tpu.vector_load %arg12[%swap3A_487, %swap3A_488] {strides = array<i32>} : memref<32x128xf32, #tpu.memory_space<vmem>>, vector<1x16xf32>,
      %swap3A_490 = vector.shape_cast %swap3A_489 : vector<1x16xf32> to vector<16xf32>
      %swap3A_491 = vector.shape_cast %broadcast_in_dim3A_486 : vector<16xf32> to vector<1x16xf32>
      tpu.vector_store %arg12[%swap3A_487, %swap3A_488], %swap3A_491 {strides = array<i32>} : memref<32x128xf32, #tpu.memory_space<vmem>>, vector<1x16xf32>,
      %broadcast_in_dim3A_492 = arith.constant 0.000000e+00 : f32
      %broadcast_in_dim3A_493 = vector.broadcast %broadcast_in_dim3A_492 : f32 to vector<16xf32>
      %swap3A_494 = arith.index_cast %scan3A_458 : i32 to index
      %swap3A_495 = arith.constant 80 : index
      %swap3A_496 = tpu.vector_load %arg12[%swap3A_494, %swap3A_495] {strides = array<i32>} : memref<32x128xf32, #tpu.memory_space<vmem>>, vector<1x16xf32>,
      %swap3A_497 = vector.shape_cast %swap3A_496 : vector<1x16xf32> to vector<16xf32>
      %swap3A_498 = vector.shape_cast %broadcast_in_dim3A_493 : vector<16xf32> to vector<1x16xf32>
      tpu.vector_store %arg12[%swap3A_494, %swap3A_495], %swap3A_498 {strides = array<i32>} : memref<32x128xf32, #tpu.memory_space<vmem>>, vector<1x16xf32>,
      %broadcast_in_dim3A_499 = arith.constant 0.000000e+00 : f32
      %broadcast_in_dim3A_500 = vector.broadcast %broadcast_in_dim3A_499 : f32 to vector<16xf32>
      %swap3A_501 = arith.index_cast %scan3A_458 : i32 to index
      %swap3A_502 = arith.constant 96 : index
      %swap3A_503 = tpu.vector_load %arg12[%swap3A_501, %swap3A_502] {strides = array<i32>} : memref<32x128xf32, #tpu.memory_space<vmem>>, vector<1x16xf32>,
      %swap3A_504 = vector.shape_cast %swap3A_503 : vector<1x16xf32> to vector<16xf32>
      %swap3A_505 = vector.shape_cast %broadcast_in_dim3A_500 : vector<16xf32> to vector<1x16xf32>
      tpu.vector_store %arg12[%swap3A_501, %swap3A_502], %swap3A_505 {strides = array<i32>} : memref<32x128xf32, #tpu.memory_space<vmem>>, vector<1x16xf32>,
      %broadcast_in_dim3A_506 = arith.constant 0.000000e+00 : f32
      %broadcast_in_dim3A_507 = vector.broadcast %broadcast_in_dim3A_506 : f32 to vector<16xf32>
      %swap3A_508 = arith.index_cast %scan3A_458 : i32 to index
      %swap3A_509 = arith.constant 112 : index
      %swap3A_510 = tpu.vector_load %arg12[%swap3A_508, %swap3A_509] {strides = array<i32>} : memref<32x128xf32, #tpu.memory_space<vmem>>, vector<1x16xf32>,
      %swap3A_511 = vector.shape_cast %swap3A_510 : vector<1x16xf32> to vector<16xf32>
      %swap3A_512 = vector.shape_cast %broadcast_in_dim3A_507 : vector<16xf32> to vector<1x16xf32>
      tpu.vector_store %arg12[%swap3A_508, %swap3A_509], %swap3A_512 {strides = array<i32>} : memref<32x128xf32, #tpu.memory_space<vmem>>, vector<1x16xf32>,
    }
    %scan3A_5 = arith.constant 32 : i32
    %mul3A_6 = arith.constant 640 : i32
    %mul3A_7 = arith.muli %arg1, %mul3A_6 : i32
    %add3A_8 = arith.constant 0 : i32
    %add3A_9 = arith.addi %mul3A_7, %add3A_8 : i32
    %dma_start3A = arith.constant 0 : i32
    %dma_start3A_10 = tpu.memref_slice %arg13[%add3A_9, %dma_start3A] : memref<10240x128xf32, #tpu.memory_space<vmem_shared>> -> memref<32x128xf32, #tpu.memory_space<vmem_shared>>
    %dma_start3A_11 = arith.constant 0 : i32
    %dma_start3A_12 = tpu.memref_slice %arg13[%add3A_9, %dma_start3A_11] : memref<10240x128xf32, #tpu.memory_space<vmem_shared>> -> memref<32x128xf32, #tpu.memory_space<vmem_shared>>
    tpu.enqueue_dma source(%arg12 : memref<32x128xf32, #tpu.memory_space<vmem>>) target(%dma_start3A_12 : memref<32x128xf32, #tpu.memory_space<vmem_shared>>) target_semaphore(%arg18 : memref<!tpu.dma_semaphore, #tpu.memory_space<semaphore_mem>>)
    %mul3A_13 = arith.constant 640 : i32
    %mul3A_14 = arith.muli %arg1, %mul3A_13 : i32
    %add3A_15 = arith.constant 32 : i32
    %add3A_16 = arith.addi %mul3A_14, %add3A_15 : i32
    %dma_start3A_17 = arith.constant 0 : i32
    %dma_start3A_18 = tpu.memref_slice %arg13[%add3A_16, %dma_start3A_17] : memref<10240x128xf32, #tpu.memory_space<vmem_shared>> -> memref<32x128xf32, #tpu.memory_space<vmem_shared>>
    %dma_start3A_19 = arith.constant 0 : i32
    %dma_start3A_20 = tpu.memref_slice %arg13[%add3A_16, %dma_start3A_19] : memref<10240x128xf32, #tpu.memory_space<vmem_shared>> -> memref<32x128xf32, #tpu.memory_space<vmem_shared>>
    tpu.enqueue_dma source(%arg12 : memref<32x128xf32, #tpu.memory_space<vmem>>) target(%dma_start3A_20 : memref<32x128xf32, #tpu.memory_space<vmem_shared>>) target_semaphore(%arg18 : memref<!tpu.dma_semaphore, #tpu.memory_space<semaphore_mem>>)
    %mul3A_21 = arith.constant 640 : i32
    %mul3A_22 = arith.muli %arg1, %mul3A_21 : i32
    %add3A_23 = arith.constant 64 : i32
    %add3A_24 = arith.addi %mul3A_22, %add3A_23 : i32
    %dma_start3A_25 = arith.constant 0 : i32
    %dma_start3A_26 = tpu.memref_slice %arg13[%add3A_24, %dma_start3A_25] : memref<10240x128xf32, #tpu.memory_space<vmem_shared>> -> memref<32x128xf32, #tpu.memory_space<vmem_shared>>
    %dma_start3A_27 = arith.constant 0 : i32
    %dma_start3A_28 = tpu.memref_slice %arg13[%add3A_24, %dma_start3A_27] : memref<10240x128xf32, #tpu.memory_space<vmem_shared>> -> memref<32x128xf32, #tpu.memory_space<vmem_shared>>
    tpu.enqueue_dma source(%arg12 : memref<32x128xf32, #tpu.memory_space<vmem>>) target(%dma_start3A_28 : memref<32x128xf32, #tpu.memory_space<vmem_shared>>) target_semaphore(%arg18 : memref<!tpu.dma_semaphore, #tpu.memory_space<semaphore_mem>>)
    %mul3A_29 = arith.constant 640 : i32
    %mul3A_30 = arith.muli %arg1, %mul3A_29 : i32
    %add3A_31 = arith.constant 96 : i32
    %add3A_32 = arith.addi %mul3A_30, %add3A_31 : i32
    %dma_start3A_33 = arith.constant 0 : i32
    %dma_start3A_34 = tpu.memref_slice %arg13[%add3A_32, %dma_start3A_33] : memref<10240x128xf32, #tpu.memory_space<vmem_shared>> -> memref<32x128xf32, #tpu.memory_space<vmem_shared>>
    %dma_start3A_35 = arith.constant 0 : i32
    %dma_start3A_36 = tpu.memref_slice %arg13[%add3A_32, %dma_start3A_35] : memref<10240x128xf32, #tpu.memory_space<vmem_shared>> -> memref<32x128xf32, #tpu.memory_space<vmem_shared>>
    tpu.enqueue_dma source(%arg12 : memref<32x128xf32, #tpu.memory_space<vmem>>) target(%dma_start3A_36 : memref<32x128xf32, #tpu.memory_space<vmem_shared>>) target_semaphore(%arg18 : memref<!tpu.dma_semaphore, #tpu.memory_space<semaphore_mem>>)
    %mul3A_37 = arith.constant 640 : i32
    %mul3A_38 = arith.muli %arg1, %mul3A_37 : i32
    %add3A_39 = arith.constant 128 : i32
    %add3A_40 = arith.addi %mul3A_38, %add3A_39 : i32
    %dma_start3A_41 = arith.constant 0 : i32
    %dma_start3A_42 = tpu.memref_slice %arg13[%add3A_40, %dma_start3A_41] : memref<10240x128xf32, #tpu.memory_space<vmem_shared>> -> memref<32x128xf32, #tpu.memory_space<vmem_shared>>
    %dma_start3A_43 = arith.constant 0 : i32
    %dma_start3A_44 = tpu.memref_slice %arg13[%add3A_40, %dma_start3A_43] : memref<10240x128xf32, #tpu.memory_space<vmem_shared>> -> memref<32x128xf32, #tpu.memory_space<vmem_shared>>
    tpu.enqueue_dma source(%arg12 : memref<32x128xf32, #tpu.memory_space<vmem>>) target(%dma_start3A_44 : memref<32x128xf32, #tpu.memory_space<vmem_shared>>) target_semaphore(%arg18 : memref<!tpu.dma_semaphore, #tpu.memory_space<semaphore_mem>>)
    %mul3A_45 = arith.constant 640 : i32
    %mul3A_46 = arith.muli %arg1, %mul3A_45 : i32
    %add3A_47 = arith.constant 160 : i32
    %add3A_48 = arith.addi %mul3A_46, %add3A_47 : i32
    %dma_start3A_49 = arith.constant 0 : i32
    %dma_start3A_50 = tpu.memref_slice %arg13[%add3A_48, %dma_start3A_49] : memref<10240x128xf32, #tpu.memory_space<vmem_shared>> -> memref<32x128xf32, #tpu.memory_space<vmem_shared>>
    %dma_start3A_51 = arith.constant 0 : i32
    %dma_start3A_52 = tpu.memref_slice %arg13[%add3A_48, %dma_start3A_51] : memref<10240x128xf32, #tpu.memory_space<vmem_shared>> -> memref<32x128xf32, #tpu.memory_space<vmem_shared>>
    tpu.enqueue_dma source(%arg12 : memref<32x128xf32, #tpu.memory_space<vmem>>) target(%dma_start3A_52 : memref<32x128xf32, #tpu.memory_space<vmem_shared>>) target_semaphore(%arg18 : memref<!tpu.dma_semaphore, #tpu.memory_space<semaphore_mem>>)
    %mul3A_53 = arith.constant 640 : i32
    %mul3A_54 = arith.muli %arg1, %mul3A_53 : i32
    %add3A_55 = arith.constant 192 : i32
    %add3A_56 = arith.addi %mul3A_54, %add3A_55 : i32
    %dma_start3A_57 = arith.constant 0 : i32
    %dma_start3A_58 = tpu.memref_slice %arg13[%add3A_56, %dma_start3A_57] : memref<10240x128xf32, #tpu.memory_space<vmem_shared>> -> memref<32x128xf32, #tpu.memory_space<vmem_shared>>
    %dma_start3A_59 = arith.constant 0 : i32
    %dma_start3A_60 = tpu.memref_slice %arg13[%add3A_56, %dma_start3A_59] : memref<10240x128xf32, #tpu.memory_space<vmem_shared>> -> memref<32x128xf32, #tpu.memory_space<vmem_shared>>
    tpu.enqueue_dma source(%arg12 : memref<32x128xf32, #tpu.memory_space<vmem>>) target(%dma_start3A_60 : memref<32x128xf32, #tpu.memory_space<vmem_shared>>) target_semaphore(%arg18 : memref<!tpu.dma_semaphore, #tpu.memory_space<semaphore_mem>>)
    %mul3A_61 = arith.constant 640 : i32
    %mul3A_62 = arith.muli %arg1, %mul3A_61 : i32
    %add3A_63 = arith.constant 224 : i32
    %add3A_64 = arith.addi %mul3A_62, %add3A_63 : i32
    %dma_start3A_65 = arith.constant 0 : i32
    %dma_start3A_66 = tpu.memref_slice %arg13[%add3A_64, %dma_start3A_65] : memref<10240x128xf32, #tpu.memory_space<vmem_shared>> -> memref<32x128xf32, #tpu.memory_space<vmem_shared>>
    %dma_start3A_67 = arith.constant 0 : i32
    %dma_start3A_68 = tpu.memref_slice %arg13[%add3A_64, %dma_start3A_67] : memref<10240x128xf32, #tpu.memory_space<vmem_shared>> -> memref<32x128xf32, #tpu.memory_space<vmem_shared>>
    tpu.enqueue_dma source(%arg12 : memref<32x128xf32, #tpu.memory_space<vmem>>) target(%dma_start3A_68 : memref<32x128xf32, #tpu.memory_space<vmem_shared>>) target_semaphore(%arg18 : memref<!tpu.dma_semaphore, #tpu.memory_space<semaphore_mem>>)
    %mul3A_69 = arith.constant 640 : i32
    %mul3A_70 = arith.muli %arg1, %mul3A_69 : i32
    %add3A_71 = arith.constant 256 : i32
    %add3A_72 = arith.addi %mul3A_70, %add3A_71 : i32
    %dma_start3A_73 = arith.constant 0 : i32
    %dma_start3A_74 = tpu.memref_slice %arg13[%add3A_72, %dma_start3A_73] : memref<10240x128xf32, #tpu.memory_space<vmem_shared>> -> memref<32x128xf32, #tpu.memory_space<vmem_shared>>
    %dma_start3A_75 = arith.constant 0 : i32
    %dma_start3A_76 = tpu.memref_slice %arg13[%add3A_72, %dma_start3A_75] : memref<10240x128xf32, #tpu.memory_space<vmem_shared>> -> memref<32x128xf32, #tpu.memory_space<vmem_shared>>
    tpu.enqueue_dma source(%arg12 : memref<32x128xf32, #tpu.memory_space<vmem>>) target(%dma_start3A_76 : memref<32x128xf32, #tpu.memory_space<vmem_shared>>) target_semaphore(%arg18 : memref<!tpu.dma_semaphore, #tpu.memory_space<semaphore_mem>>)
    %mul3A_77 = arith.constant 640 : i32
    %mul3A_78 = arith.muli %arg1, %mul3A_77 : i32
    %add3A_79 = arith.constant 288 : i32
    %add3A_80 = arith.addi %mul3A_78, %add3A_79 : i32
    %dma_start3A_81 = arith.constant 0 : i32
    %dma_start3A_82 = tpu.memref_slice %arg13[%add3A_80, %dma_start3A_81] : memref<10240x128xf32, #tpu.memory_space<vmem_shared>> -> memref<32x128xf32, #tpu.memory_space<vmem_shared>>
    %dma_start3A_83 = arith.constant 0 : i32
    %dma_start3A_84 = tpu.memref_slice %arg13[%add3A_80, %dma_start3A_83] : memref<10240x128xf32, #tpu.memory_space<vmem_shared>> -> memref<32x128xf32, #tpu.memory_space<vmem_shared>>
    tpu.enqueue_dma source(%arg12 : memref<32x128xf32, #tpu.memory_space<vmem>>) target(%dma_start3A_84 : memref<32x128xf32, #tpu.memory_space<vmem_shared>>) target_semaphore(%arg18 : memref<!tpu.dma_semaphore, #tpu.memory_space<semaphore_mem>>)
    %mul3A_85 = arith.constant 640 : i32
    %mul3A_86 = arith.muli %arg1, %mul3A_85 : i32
    %add3A_87 = arith.constant 320 : i32
    %add3A_88 = arith.addi %mul3A_86, %add3A_87 : i32
    %dma_start3A_89 = arith.constant 0 : i32
    %dma_start3A_90 = tpu.memref_slice %arg13[%add3A_88, %dma_start3A_89] : memref<10240x128xf32, #tpu.memory_space<vmem_shared>> -> memref<32x128xf32, #tpu.memory_space<vmem_shared>>
    %dma_start3A_91 = arith.constant 0 : i32
    %dma_start3A_92 = tpu.memref_slice %arg13[%add3A_88, %dma_start3A_91] : memref<10240x128xf32, #tpu.memory_space<vmem_shared>> -> memref<32x128xf32, #tpu.memory_space<vmem_shared>>
    tpu.enqueue_dma source(%arg12 : memref<32x128xf32, #tpu.memory_space<vmem>>) target(%dma_start3A_92 : memref<32x128xf32, #tpu.memory_space<vmem_shared>>) target_semaphore(%arg18 : memref<!tpu.dma_semaphore, #tpu.memory_space<semaphore_mem>>)
    %mul3A_93 = arith.constant 640 : i32
    %mul3A_94 = arith.muli %arg1, %mul3A_93 : i32
    %add3A_95 = arith.constant 352 : i32
    %add3A_96 = arith.addi %mul3A_94, %add3A_95 : i32
    %dma_start3A_97 = arith.constant 0 : i32
    %dma_start3A_98 = tpu.memref_slice %arg13[%add3A_96, %dma_start3A_97] : memref<10240x128xf32, #tpu.memory_space<vmem_shared>> -> memref<32x128xf32, #tpu.memory_space<vmem_shared>>
    %dma_start3A_99 = arith.constant 0 : i32
    %dma_start3A_100 = tpu.memref_slice %arg13[%add3A_96, %dma_start3A_99] : memref<10240x128xf32, #tpu.memory_space<vmem_shared>> -> memref<32x128xf32, #tpu.memory_space<vmem_shared>>
    tpu.enqueue_dma source(%arg12 : memref<32x128xf32, #tpu.memory_space<vmem>>) target(%dma_start3A_100 : memref<32x128xf32, #tpu.memory_space<vmem_shared>>) target_semaphore(%arg18 : memref<!tpu.dma_semaphore, #tpu.memory_space<semaphore_mem>>)
    %mul3A_101 = arith.constant 640 : i32
    %mul3A_102 = arith.muli %arg1, %mul3A_101 : i32
    %add3A_103 = arith.constant 384 : i32
    %add3A_104 = arith.addi %mul3A_102, %add3A_103 : i32
    %dma_start3A_105 = arith.constant 0 : i32
    %dma_start3A_106 = tpu.memref_slice %arg13[%add3A_104, %dma_start3A_105] : memref<10240x128xf32, #tpu.memory_space<vmem_shared>> -> memref<32x128xf32, #tpu.memory_space<vmem_shared>>
    %dma_start3A_107 = arith.constant 0 : i32
    %dma_start3A_108 = tpu.memref_slice %arg13[%add3A_104, %dma_start3A_107] : memref<10240x128xf32, #tpu.memory_space<vmem_shared>> -> memref<32x128xf32, #tpu.memory_space<vmem_shared>>
    tpu.enqueue_dma source(%arg12 : memref<32x128xf32, #tpu.memory_space<vmem>>) target(%dma_start3A_108 : memref<32x128xf32, #tpu.memory_space<vmem_shared>>) target_semaphore(%arg18 : memref<!tpu.dma_semaphore, #tpu.memory_space<semaphore_mem>>)
    %mul3A_109 = arith.constant 640 : i32
    %mul3A_110 = arith.muli %arg1, %mul3A_109 : i32
    %add3A_111 = arith.constant 416 : i32
    %add3A_112 = arith.addi %mul3A_110, %add3A_111 : i32
    %dma_start3A_113 = arith.constant 0 : i32
    %dma_start3A_114 = tpu.memref_slice %arg13[%add3A_112, %dma_start3A_113] : memref<10240x128xf32, #tpu.memory_space<vmem_shared>> -> memref<32x128xf32, #tpu.memory_space<vmem_shared>>
    %dma_start3A_115 = arith.constant 0 : i32
    %dma_start3A_116 = tpu.memref_slice %arg13[%add3A_112, %dma_start3A_115] : memref<10240x128xf32, #tpu.memory_space<vmem_shared>> -> memref<32x128xf32, #tpu.memory_space<vmem_shared>>
    tpu.enqueue_dma source(%arg12 : memref<32x128xf32, #tpu.memory_space<vmem>>) target(%dma_start3A_116 : memref<32x128xf32, #tpu.memory_space<vmem_shared>>) target_semaphore(%arg18 : memref<!tpu.dma_semaphore, #tpu.memory_space<semaphore_mem>>)
    %mul3A_117 = arith.constant 640 : i32
    %mul3A_118 = arith.muli %arg1, %mul3A_117 : i32
    %add3A_119 = arith.constant 448 : i32
    %add3A_120 = arith.addi %mul3A_118, %add3A_119 : i32
    %dma_start3A_121 = arith.constant 0 : i32
    %dma_start3A_122 = tpu.memref_slice %arg13[%add3A_120, %dma_start3A_121] : memref<10240x128xf32, #tpu.memory_space<vmem_shared>> -> memref<32x128xf32, #tpu.memory_space<vmem_shared>>
    %dma_start3A_123 = arith.constant 0 : i32
    %dma_start3A_124 = tpu.memref_slice %arg13[%add3A_120, %dma_start3A_123] : memref<10240x128xf32, #tpu.memory_space<vmem_shared>> -> memref<32x128xf32, #tpu.memory_space<vmem_shared>>
    tpu.enqueue_dma source(%arg12 : memref<32x128xf32, #tpu.memory_space<vmem>>) target(%dma_start3A_124 : memref<32x128xf32, #tpu.memory_space<vmem_shared>>) target_semaphore(%arg18 : memref<!tpu.dma_semaphore, #tpu.memory_space<semaphore_mem>>)
    %mul3A_125 = arith.constant 640 : i32
    %mul3A_126 = arith.muli %arg1, %mul3A_125 : i32
    %add3A_127 = arith.constant 480 : i32
    %add3A_128 = arith.addi %mul3A_126, %add3A_127 : i32
    %dma_start3A_129 = arith.constant 0 : i32
    %dma_start3A_130 = tpu.memref_slice %arg13[%add3A_128, %dma_start3A_129] : memref<10240x128xf32, #tpu.memory_space<vmem_shared>> -> memref<32x128xf32, #tpu.memory_space<vmem_shared>>
    %dma_start3A_131 = arith.constant 0 : i32
    %dma_start3A_132 = tpu.memref_slice %arg13[%add3A_128, %dma_start3A_131] : memref<10240x128xf32, #tpu.memory_space<vmem_shared>> -> memref<32x128xf32, #tpu.memory_space<vmem_shared>>
    tpu.enqueue_dma source(%arg12 : memref<32x128xf32, #tpu.memory_space<vmem>>) target(%dma_start3A_132 : memref<32x128xf32, #tpu.memory_space<vmem_shared>>) target_semaphore(%arg18 : memref<!tpu.dma_semaphore, #tpu.memory_space<semaphore_mem>>)
    %mul3A_133 = arith.constant 640 : i32
    %mul3A_134 = arith.muli %arg1, %mul3A_133 : i32
    %add3A_135 = arith.constant 512 : i32
    %add3A_136 = arith.addi %mul3A_134, %add3A_135 : i32
    %dma_start3A_137 = arith.constant 0 : i32
    %dma_start3A_138 = tpu.memref_slice %arg13[%add3A_136, %dma_start3A_137] : memref<10240x128xf32, #tpu.memory_space<vmem_shared>> -> memref<32x128xf32, #tpu.memory_space<vmem_shared>>
    %dma_start3A_139 = arith.constant 0 : i32
    %dma_start3A_140 = tpu.memref_slice %arg13[%add3A_136, %dma_start3A_139] : memref<10240x128xf32, #tpu.memory_space<vmem_shared>> -> memref<32x128xf32, #tpu.memory_space<vmem_shared>>
    tpu.enqueue_dma source(%arg12 : memref<32x128xf32, #tpu.memory_space<vmem>>) target(%dma_start3A_140 : memref<32x128xf32, #tpu.memory_space<vmem_shared>>) target_semaphore(%arg18 : memref<!tpu.dma_semaphore, #tpu.memory_space<semaphore_mem>>)
    %mul3A_141 = arith.constant 640 : i32
    %mul3A_142 = arith.muli %arg1, %mul3A_141 : i32
    %add3A_143 = arith.constant 544 : i32
    %add3A_144 = arith.addi %mul3A_142, %add3A_143 : i32
    %dma_start3A_145 = arith.constant 0 : i32
    %dma_start3A_146 = tpu.memref_slice %arg13[%add3A_144, %dma_start3A_145] : memref<10240x128xf32, #tpu.memory_space<vmem_shared>> -> memref<32x128xf32, #tpu.memory_space<vmem_shared>>
    %dma_start3A_147 = arith.constant 0 : i32
    %dma_start3A_148 = tpu.memref_slice %arg13[%add3A_144, %dma_start3A_147] : memref<10240x128xf32, #tpu.memory_space<vmem_shared>> -> memref<32x128xf32, #tpu.memory_space<vmem_shared>>
    tpu.enqueue_dma source(%arg12 : memref<32x128xf32, #tpu.memory_space<vmem>>) target(%dma_start3A_148 : memref<32x128xf32, #tpu.memory_space<vmem_shared>>) target_semaphore(%arg18 : memref<!tpu.dma_semaphore, #tpu.memory_space<semaphore_mem>>)
    %mul3A_149 = arith.constant 640 : i32
    %mul3A_150 = arith.muli %arg1, %mul3A_149 : i32
    %add3A_151 = arith.constant 576 : i32
    %add3A_152 = arith.addi %mul3A_150, %add3A_151 : i32
    %dma_start3A_153 = arith.constant 0 : i32
    %dma_start3A_154 = tpu.memref_slice %arg13[%add3A_152, %dma_start3A_153] : memref<10240x128xf32, #tpu.memory_space<vmem_shared>> -> memref<32x128xf32, #tpu.memory_space<vmem_shared>>
    %dma_start3A_155 = arith.constant 0 : i32
    %dma_start3A_156 = tpu.memref_slice %arg13[%add3A_152, %dma_start3A_155] : memref<10240x128xf32, #tpu.memory_space<vmem_shared>> -> memref<32x128xf32, #tpu.memory_space<vmem_shared>>
    tpu.enqueue_dma source(%arg12 : memref<32x128xf32, #tpu.memory_space<vmem>>) target(%dma_start3A_156 : memref<32x128xf32, #tpu.memory_space<vmem_shared>>) target_semaphore(%arg18 : memref<!tpu.dma_semaphore, #tpu.memory_space<semaphore_mem>>)
    %mul3A_157 = arith.constant 640 : i32
    %mul3A_158 = arith.muli %arg1, %mul3A_157 : i32
    %add3A_159 = arith.constant 608 : i32
    %add3A_160 = arith.addi %mul3A_158, %add3A_159 : i32
    %dma_start3A_161 = arith.constant 0 : i32
    %dma_start3A_162 = tpu.memref_slice %arg13[%add3A_160, %dma_start3A_161] : memref<10240x128xf32, #tpu.memory_space<vmem_shared>> -> memref<32x128xf32, #tpu.memory_space<vmem_shared>>
    %dma_start3A_163 = arith.constant 0 : i32
    %dma_start3A_164 = tpu.memref_slice %arg13[%add3A_160, %dma_start3A_163] : memref<10240x128xf32, #tpu.memory_space<vmem_shared>> -> memref<32x128xf32, #tpu.memory_space<vmem_shared>>
    tpu.enqueue_dma source(%arg12 : memref<32x128xf32, #tpu.memory_space<vmem>>) target(%dma_start3A_164 : memref<32x128xf32, #tpu.memory_space<vmem_shared>>) target_semaphore(%arg18 : memref<!tpu.dma_semaphore, #tpu.memory_space<semaphore_mem>>)
    %mul3A_165 = arith.constant 10000 : i32
    %mul3A_166 = arith.muli %add3A, %mul3A_165 : i32
    %add3A_167 = arith.constant 0 : i32
    %add3A_168 = arith.addi %mul3A_166, %add3A_167 : i32
    %multiple_of3A = tpu.assume_multiple %add3A_168, 8 : i32
    %dma_start3A_169 = arith.constant 0 : i32
    %dma_start3A_170 = arith.constant 0 : i32
    %dma_start3A_171 = tpu.memref_slice %arg6[%dma_start3A_169, %dma_start3A_170] : memref<2x128xi32, #tpu.memory_space<vmem>> -> memref<1x128xi32, #tpu.memory_space<vmem>>
    %dma_start3A_172 = tpu.memref_squeeze %dma_start3A_171 : memref<1x128xi32, #tpu.memory_space<vmem>> -> memref<128xi32, #tpu.memory_space<vmem>>
    %dma_start3A_173 = tpu.memref_slice %arg3[%multiple_of3A] : memref<320000xi32, #tpu.memory_space<hbm>> -> memref<128xi32, #tpu.memory_space<hbm>>
    %dma_start3A_174 = arith.constant 0 : i32
    %dma_start3A_175 = tpu.memref_slice %arg6[%dma_start3A_169, %dma_start3A_174] : memref<2x128xi32, #tpu.memory_space<vmem>> -> memref<1x128xi32, #tpu.memory_space<vmem>>
    %dma_start3A_176 = tpu.memref_squeeze %dma_start3A_175 : memref<1x128xi32, #tpu.memory_space<vmem>> -> memref<128xi32, #tpu.memory_space<vmem>>
    %dma_start3A_177 = tpu.memref_slice %arg3[%multiple_of3A] : memref<320000xi32, #tpu.memory_space<hbm>> -> memref<128xi32, #tpu.memory_space<hbm>>
    tpu.enqueue_dma source(%dma_start3A_177 : memref<128xi32, #tpu.memory_space<hbm>>) target(%dma_start3A_176 : memref<128xi32, #tpu.memory_space<vmem>>) target_semaphore(%arg14 : memref<!tpu.dma_semaphore, #tpu.memory_space<semaphore_mem>>)
    %mul3A_178 = arith.constant 10000 : i32
    %mul3A_179 = arith.muli %add3A, %mul3A_178 : i32
    %add3A_180 = arith.constant 0 : i32
    %add3A_181 = arith.addi %mul3A_179, %add3A_180 : i32
    %multiple_of3A_182 = tpu.assume_multiple %add3A_181, 8 : i32
    %dma_start3A_183 = arith.constant 0 : i32
    %dma_start3A_184 = arith.constant 0 : i32
    %dma_start3A_185 = tpu.memref_slice %arg7[%dma_start3A_183, %dma_start3A_184] : memref<4x128xi32, #tpu.memory_space<vmem>> -> memref<1x128xi32, #tpu.memory_space<vmem>>
    %dma_start3A_186 = tpu.memref_squeeze %dma_start3A_185 : memref<1x128xi32, #tpu.memory_space<vmem>> -> memref<128xi32, #tpu.memory_space<vmem>>
    %dma_start3A_187 = tpu.memref_slice %arg4[%multiple_of3A_182] : memref<320000xi32, #tpu.memory_space<hbm>> -> memref<128xi32, #tpu.memory_space<hbm>>
    %dma_start3A_188 = arith.constant 0 : i32
    %dma_start3A_189 = tpu.memref_slice %arg7[%dma_start3A_183, %dma_start3A_188] : memref<4x128xi32, #tpu.memory_space<vmem>> -> memref<1x128xi32, #tpu.memory_space<vmem>>
    %dma_start3A_190 = tpu.memref_squeeze %dma_start3A_189 : memref<1x128xi32, #tpu.memory_space<vmem>> -> memref<128xi32, #tpu.memory_space<vmem>>
    %dma_start3A_191 = tpu.memref_slice %arg4[%multiple_of3A_182] : memref<320000xi32, #tpu.memory_space<hbm>> -> memref<128xi32, #tpu.memory_space<hbm>>
    tpu.enqueue_dma source(%dma_start3A_191 : memref<128xi32, #tpu.memory_space<hbm>>) target(%dma_start3A_190 : memref<128xi32, #tpu.memory_space<vmem>>) target_semaphore(%arg15 : memref<!tpu.dma_semaphore, #tpu.memory_space<semaphore_mem>>)
    %mul3A_192 = arith.constant 10000 : i32
    %mul3A_193 = arith.muli %add3A, %mul3A_192 : i32
    %add3A_194 = arith.constant 128 : i32
    %add3A_195 = arith.addi %mul3A_193, %add3A_194 : i32
    %multiple_of3A_196 = tpu.assume_multiple %add3A_195, 8 : i32
    %dma_start3A_197 = arith.constant 1 : i32
    %dma_start3A_198 = arith.constant 0 : i32
    %dma_start3A_199 = tpu.memref_slice %arg6[%dma_start3A_197, %dma_start3A_198] : memref<2x128xi32, #tpu.memory_space<vmem>> -> memref<1x128xi32, #tpu.memory_space<vmem>>
    %dma_start3A_200 = tpu.memref_squeeze %dma_start3A_199 : memref<1x128xi32, #tpu.memory_space<vmem>> -> memref<128xi32, #tpu.memory_space<vmem>>
    %dma_start3A_201 = tpu.memref_slice %arg3[%multiple_of3A_196] : memref<320000xi32, #tpu.memory_space<hbm>> -> memref<128xi32, #tpu.memory_space<hbm>>
    %dma_start3A_202 = arith.constant 0 : i32
    %dma_start3A_203 = tpu.memref_slice %arg6[%dma_start3A_197, %dma_start3A_202] : memref<2x128xi32, #tpu.memory_space<vmem>> -> memref<1x128xi32, #tpu.memory_space<vmem>>
    %dma_start3A_204 = tpu.memref_squeeze %dma_start3A_203 : memref<1x128xi32, #tpu.memory_space<vmem>> -> memref<128xi32, #tpu.memory_space<vmem>>
    %dma_start3A_205 = tpu.memref_slice %arg3[%multiple_of3A_196] : memref<320000xi32, #tpu.memory_space<hbm>> -> memref<128xi32, #tpu.memory_space<hbm>>
    tpu.enqueue_dma source(%dma_start3A_205 : memref<128xi32, #tpu.memory_space<hbm>>) target(%dma_start3A_204 : memref<128xi32, #tpu.memory_space<vmem>>) target_semaphore(%arg14 : memref<!tpu.dma_semaphore, #tpu.memory_space<semaphore_mem>>)
    %mul3A_206 = arith.constant 10000 : i32
    %mul3A_207 = arith.muli %add3A, %mul3A_206 : i32
    %add3A_208 = arith.constant 128 : i32
    %add3A_209 = arith.addi %mul3A_207, %add3A_208 : i32
    %multiple_of3A_210 = tpu.assume_multiple %add3A_209, 8 : i32
    %dma_start3A_211 = arith.constant 1 : i32
    %dma_start3A_212 = arith.constant 0 : i32
    %dma_start3A_213 = tpu.memref_slice %arg7[%dma_start3A_211, %dma_start3A_212] : memref<4x128xi32, #tpu.memory_space<vmem>> -> memref<1x128xi32, #tpu.memory_space<vmem>>
    %dma_start3A_214 = tpu.memref_squeeze %dma_start3A_213 : memref<1x128xi32, #tpu.memory_space<vmem>> -> memref<128xi32, #tpu.memory_space<vmem>>
    %dma_start3A_215 = tpu.memref_slice %arg4[%multiple_of3A_210] : memref<320000xi32, #tpu.memory_space<hbm>> -> memref<128xi32, #tpu.memory_space<hbm>>
    %dma_start3A_216 = arith.constant 0 : i32
    %dma_start3A_217 = tpu.memref_slice %arg7[%dma_start3A_211, %dma_start3A_216] : memref<4x128xi32, #tpu.memory_space<vmem>> -> memref<1x128xi32, #tpu.memory_space<vmem>>
    %dma_start3A_218 = tpu.memref_squeeze %dma_start3A_217 : memref<1x128xi32, #tpu.memory_space<vmem>> -> memref<128xi32, #tpu.memory_space<vmem>>
    %dma_start3A_219 = tpu.memref_slice %arg4[%multiple_of3A_210] : memref<320000xi32, #tpu.memory_space<hbm>> -> memref<128xi32, #tpu.memory_space<hbm>>
    tpu.enqueue_dma source(%dma_start3A_219 : memref<128xi32, #tpu.memory_space<hbm>>) target(%dma_start3A_218 : memref<128xi32, #tpu.memory_space<vmem>>) target_semaphore(%arg15 : memref<!tpu.dma_semaphore, #tpu.memory_space<semaphore_mem>>)
    %mul3A_220 = arith.constant 10000 : i32
    %mul3A_221 = arith.muli %add3A, %mul3A_220 : i32
    %add3A_222 = arith.constant 0 : i32
    %add3A_223 = arith.addi %mul3A_221, %add3A_222 : i32
    %multiple_of3A_224 = tpu.assume_multiple %add3A_223, 8 : i32
    %dma_wait3A = arith.constant 0 : i32
    %dma_wait3A_225 = arith.constant 0 : i32
    %dma_wait3A_226 = tpu.memref_slice %arg6[%dma_wait3A, %dma_wait3A_225] : memref<2x128xi32, #tpu.memory_space<vmem>> -> memref<1x128xi32, #tpu.memory_space<vmem>>
    %dma_wait3A_227 = tpu.memref_squeeze %dma_wait3A_226 : memref<1x128xi32, #tpu.memory_space<vmem>> -> memref<128xi32, #tpu.memory_space<vmem>>
    %dma_wait3A_228 = tpu.memref_slice %arg3[%multiple_of3A_224] : memref<320000xi32, #tpu.memory_space<hbm>> -> memref<128xi32, #tpu.memory_space<hbm>>
    %dma_wait3A_229 = arith.constant 0 : i32
    %dma_wait3A_230 = tpu.memref_slice %arg6[%dma_wait3A, %dma_wait3A_229] : memref<2x128xi32, #tpu.memory_space<vmem>> -> memref<1x128xi32, #tpu.memory_space<vmem>>
    %dma_wait3A_231 = tpu.memref_squeeze %dma_wait3A_230 : memref<1x128xi32, #tpu.memory_space<vmem>> -> memref<128xi32, #tpu.memory_space<vmem>>
    %dma_wait3A_232 = tpu.memref_slice %arg3[%multiple_of3A_224] : memref<320000xi32, #tpu.memory_space<hbm>> -> memref<128xi32, #tpu.memory_space<hbm>>
    tpu.wait_dma2 semaphore(%arg14 : memref<!tpu.dma_semaphore, #tpu.memory_space<semaphore_mem>>) src(%dma_wait3A_232 : memref<128xi32, #tpu.memory_space<hbm>>) dst(%dma_wait3A_231 : memref<128xi32, #tpu.memory_space<vmem>>)
    %dma_start3A_233 = arith.constant 0 : i32
    %dma_start3A_234 = arith.constant 0 : i32
    %dma_start3A_235 = arith.constant 0 : i32
    %dma_start3A_236 = arith.constant 0 : i32
    %dma_start3A_237 = tpu.memref_slice %arg8[%dma_start3A_234, %dma_start3A_235, %dma_start3A_236] : memref<2x128x128xf32, #tpu.memory_space<vmem>> -> memref<1x128x128xf32, #tpu.memory_space<vmem>>
    %dma_start3A_238 = tpu.memref_squeeze %dma_start3A_237 : memref<1x128x128xf32, #tpu.memory_space<vmem>> -> memref<128x128xf32, #tpu.memory_space<vmem>>
    %dma_start3A_239 = arith.constant 0 : i32
    %dma_start3A_240 = tpu.memref_slice %arg6[%dma_start3A_233, %dma_start3A_239] : memref<2x128xi32, #tpu.memory_space<vmem>> -> memref<1x128xi32, #tpu.memory_space<vmem>>
    %dma_start3A_241 = tpu.memref_squeeze %dma_start3A_240 : memref<1x128xi32, #tpu.memory_space<vmem>> -> memref<128xi32, #tpu.memory_space<vmem>>
    %dma_start3A_242 = arith.constant 0 : i32
    %dma_start3A_243 = arith.constant 0 : i32
    %dma_start3A_244 = tpu.memref_slice %arg2[%dma_start3A_242, %dma_start3A_243] : memref<10000x128xf32, #tpu.memory_space<hbm>> -> memref<10000x128xf32, #tpu.memory_space<hbm>>
    tpu.enqueue_indirect_dma source(%dma_start3A_244 : memref<10000x128xf32, #tpu.memory_space<hbm>>) target(%dma_start3A_238 : memref<128x128xf32, #tpu.memory_space<vmem>>) offsets(%dma_start3A_241 : memref<128xi32, #tpu.memory_space<vmem>>) semaphore(%arg16 : memref<!tpu.dma_semaphore, #tpu.memory_space<semaphore_mem>>)
    %mul3A_245 = arith.constant 640 : i32
    %mul3A_246 = arith.muli %arg1, %mul3A_245 : i32
    %add3A_247 = arith.constant 0 : i32
    %add3A_248 = arith.addi %mul3A_246, %add3A_247 : i32
    %dma_wait3A_249 = arith.constant 0 : i32
    %dma_wait3A_250 = tpu.memref_slice %arg13[%add3A_248, %dma_wait3A_249] : memref<10240x128xf32, #tpu.memory_space<vmem_shared>> -> memref<32x128xf32, #tpu.memory_space<vmem_shared>>
    %dma_wait3A_251 = arith.constant 0 : i32
    %dma_wait3A_252 = tpu.memref_slice %arg13[%add3A_248, %dma_wait3A_251] : memref<10240x128xf32, #tpu.memory_space<vmem_shared>> -> memref<32x128xf32, #tpu.memory_space<vmem_shared>>
    tpu.wait_dma2 semaphore(%arg18 : memref<!tpu.dma_semaphore, #tpu.memory_space<semaphore_mem>>) src(%arg12 : memref<32x128xf32, #tpu.memory_space<vmem>>) dst(%dma_wait3A_252 : memref<32x128xf32, #tpu.memory_space<vmem_shared>>)
    %mul3A_253 = arith.constant 640 : i32
    %mul3A_254 = arith.muli %arg1, %mul3A_253 : i32
    %add3A_255 = arith.constant 32 : i32
    %add3A_256 = arith.addi %mul3A_254, %add3A_255 : i32
    %dma_wait3A_257 = arith.constant 0 : i32
    %dma_wait3A_258 = tpu.memref_slice %arg13[%add3A_256, %dma_wait3A_257] : memref<10240x128xf32, #tpu.memory_space<vmem_shared>> -> memref<32x128xf32, #tpu.memory_space<vmem_shared>>
    %dma_wait3A_259 = arith.constant 0 : i32
    %dma_wait3A_260 = tpu.memref_slice %arg13[%add3A_256, %dma_wait3A_259] : memref<10240x128xf32, #tpu.memory_space<vmem_shared>> -> memref<32x128xf32, #tpu.memory_space<vmem_shared>>
    tpu.wait_dma2 semaphore(%arg18 : memref<!tpu.dma_semaphore, #tpu.memory_space<semaphore_mem>>) src(%arg12 : memref<32x128xf32, #tpu.memory_space<vmem>>) dst(%dma_wait3A_260 : memref<32x128xf32, #tpu.memory_space<vmem_shared>>)
    %mul3A_261 = arith.constant 640 : i32
    %mul3A_262 = arith.muli %arg1, %mul3A_261 : i32
    %add3A_263 = arith.constant 64 : i32
    %add3A_264 = arith.addi %mul3A_262, %add3A_263 : i32
    %dma_wait3A_265 = arith.constant 0 : i32
    %dma_wait3A_266 = tpu.memref_slice %arg13[%add3A_264, %dma_wait3A_265] : memref<10240x128xf32, #tpu.memory_space<vmem_shared>> -> memref<32x128xf32, #tpu.memory_space<vmem_shared>>
    %dma_wait3A_267 = arith.constant 0 : i32
    %dma_wait3A_268 = tpu.memref_slice %arg13[%add3A_264, %dma_wait3A_267] : memref<10240x128xf32, #tpu.memory_space<vmem_shared>> -> memref<32x128xf32, #tpu.memory_space<vmem_shared>>
    tpu.wait_dma2 semaphore(%arg18 : memref<!tpu.dma_semaphore, #tpu.memory_space<semaphore_mem>>) src(%arg12 : memref<32x128xf32, #tpu.memory_space<vmem>>) dst(%dma_wait3A_268 : memref<32x128xf32, #tpu.memory_space<vmem_shared>>)
    %mul3A_269 = arith.constant 640 : i32
    %mul3A_270 = arith.muli %arg1, %mul3A_269 : i32
    %add3A_271 = arith.constant 96 : i32
    %add3A_272 = arith.addi %mul3A_270, %add3A_271 : i32
    %dma_wait3A_273 = arith.constant 0 : i32
    %dma_wait3A_274 = tpu.memref_slice %arg13[%add3A_272, %dma_wait3A_273] : memref<10240x128xf32, #tpu.memory_space<vmem_shared>> -> memref<32x128xf32, #tpu.memory_space<vmem_shared>>
    %dma_wait3A_275 = arith.constant 0 : i32
    %dma_wait3A_276 = tpu.memref_slice %arg13[%add3A_272, %dma_wait3A_275] : memref<10240x128xf32, #tpu.memory_space<vmem_shared>> -> memref<32x128xf32, #tpu.memory_space<vmem_shared>>
    tpu.wait_dma2 semaphore(%arg18 : memref<!tpu.dma_semaphore, #tpu.memory_space<semaphore_mem>>) src(%arg12 : memref<32x128xf32, #tpu.memory_space<vmem>>) dst(%dma_wait3A_276 : memref<32x128xf32, #tpu.memory_space<vmem_shared>>)
    %mul3A_277 = arith.constant 640 : i32
    %mul3A_278 = arith.muli %arg1, %mul3A_277 : i32
    %add3A_279 = arith.constant 128 : i32
    %add3A_280 = arith.addi %mul3A_278, %add3A_279 : i32
    %dma_wait3A_281 = arith.constant 0 : i32
    %dma_wait3A_282 = tpu.memref_slice %arg13[%add3A_280, %dma_wait3A_281] : memref<10240x128xf32, #tpu.memory_space<vmem_shared>> -> memref<32x128xf32, #tpu.memory_space<vmem_shared>>
    %dma_wait3A_283 = arith.constant 0 : i32
    %dma_wait3A_284 = tpu.memref_slice %arg13[%add3A_280, %dma_wait3A_283] : memref<10240x128xf32, #tpu.memory_space<vmem_shared>> -> memref<32x128xf32, #tpu.memory_space<vmem_shared>>
    tpu.wait_dma2 semaphore(%arg18 : memref<!tpu.dma_semaphore, #tpu.memory_space<semaphore_mem>>) src(%arg12 : memref<32x128xf32, #tpu.memory_space<vmem>>) dst(%dma_wait3A_284 : memref<32x128xf32, #tpu.memory_space<vmem_shared>>)
    %mul3A_285 = arith.constant 640 : i32
    %mul3A_286 = arith.muli %arg1, %mul3A_285 : i32
    %add3A_287 = arith.constant 160 : i32
    %add3A_288 = arith.addi %mul3A_286, %add3A_287 : i32
    %dma_wait3A_289 = arith.constant 0 : i32
    %dma_wait3A_290 = tpu.memref_slice %arg13[%add3A_288, %dma_wait3A_289] : memref<10240x128xf32, #tpu.memory_space<vmem_shared>> -> memref<32x128xf32, #tpu.memory_space<vmem_shared>>
    %dma_wait3A_291 = arith.constant 0 : i32
    %dma_wait3A_292 = tpu.memref_slice %arg13[%add3A_288, %dma_wait3A_291] : memref<10240x128xf32, #tpu.memory_space<vmem_shared>> -> memref<32x128xf32, #tpu.memory_space<vmem_shared>>
    tpu.wait_dma2 semaphore(%arg18 : memref<!tpu.dma_semaphore, #tpu.memory_space<semaphore_mem>>) src(%arg12 : memref<32x128xf32, #tpu.memory_space<vmem>>) dst(%dma_wait3A_292 : memref<32x128xf32, #tpu.memory_space<vmem_shared>>)
    %mul3A_293 = arith.constant 640 : i32
    %mul3A_294 = arith.muli %arg1, %mul3A_293 : i32
    %add3A_295 = arith.constant 192 : i32
    %add3A_296 = arith.addi %mul3A_294, %add3A_295 : i32
    %dma_wait3A_297 = arith.constant 0 : i32
    %dma_wait3A_298 = tpu.memref_slice %arg13[%add3A_296, %dma_wait3A_297] : memref<10240x128xf32, #tpu.memory_space<vmem_shared>> -> memref<32x128xf32, #tpu.memory_space<vmem_shared>>
    %dma_wait3A_299 = arith.constant 0 : i32
    %dma_wait3A_300 = tpu.memref_slice %arg13[%add3A_296, %dma_wait3A_299] : memref<10240x128xf32, #tpu.memory_space<vmem_shared>> -> memref<32x128xf32, #tpu.memory_space<vmem_shared>>
    tpu.wait_dma2 semaphore(%arg18 : memref<!tpu.dma_semaphore, #tpu.memory_space<semaphore_mem>>) src(%arg12 : memref<32x128xf32, #tpu.memory_space<vmem>>) dst(%dma_wait3A_300 : memref<32x128xf32, #tpu.memory_space<vmem_shared>>)
    %mul3A_301 = arith.constant 640 : i32
    %mul3A_302 = arith.muli %arg1, %mul3A_301 : i32
    %add3A_303 = arith.constant 224 : i32
    %add3A_304 = arith.addi %mul3A_302, %add3A_303 : i32
    %dma_wait3A_305 = arith.constant 0 : i32
    %dma_wait3A_306 = tpu.memref_slice %arg13[%add3A_304, %dma_wait3A_305] : memref<10240x128xf32, #tpu.memory_space<vmem_shared>> -> memref<32x128xf32, #tpu.memory_space<vmem_shared>>
    %dma_wait3A_307 = arith.constant 0 : i32
    %dma_wait3A_308 = tpu.memref_slice %arg13[%add3A_304, %dma_wait3A_307] : memref<10240x128xf32, #tpu.memory_space<vmem_shared>> -> memref<32x128xf32, #tpu.memory_space<vmem_shared>>
    tpu.wait_dma2 semaphore(%arg18 : memref<!tpu.dma_semaphore, #tpu.memory_space<semaphore_mem>>) src(%arg12 : memref<32x128xf32, #tpu.memory_space<vmem>>) dst(%dma_wait3A_308 : memref<32x128xf32, #tpu.memory_space<vmem_shared>>)
    %mul3A_309 = arith.constant 640 : i32
    %mul3A_310 = arith.muli %arg1, %mul3A_309 : i32
    %add3A_311 = arith.constant 256 : i32
    %add3A_312 = arith.addi %mul3A_310, %add3A_311 : i32
    %dma_wait3A_313 = arith.constant 0 : i32
    %dma_wait3A_314 = tpu.memref_slice %arg13[%add3A_312, %dma_wait3A_313] : memref<10240x128xf32, #tpu.memory_space<vmem_shared>> -> memref<32x128xf32, #tpu.memory_space<vmem_shared>>
    %dma_wait3A_315 = arith.constant 0 : i32
    %dma_wait3A_316 = tpu.memref_slice %arg13[%add3A_312, %dma_wait3A_315] : memref<10240x128xf32, #tpu.memory_space<vmem_shared>> -> memref<32x128xf32, #tpu.memory_space<vmem_shared>>
    tpu.wait_dma2 semaphore(%arg18 : memref<!tpu.dma_semaphore, #tpu.memory_space<semaphore_mem>>) src(%arg12 : memref<32x128xf32, #tpu.memory_space<vmem>>) dst(%dma_wait3A_316 : memref<32x128xf32, #tpu.memory_space<vmem_shared>>)
    %mul3A_317 = arith.constant 640 : i32
    %mul3A_318 = arith.muli %arg1, %mul3A_317 : i32
    %add3A_319 = arith.constant 288 : i32
    %add3A_320 = arith.addi %mul3A_318, %add3A_319 : i32
    %dma_wait3A_321 = arith.constant 0 : i32
    %dma_wait3A_322 = tpu.memref_slice %arg13[%add3A_320, %dma_wait3A_321] : memref<10240x128xf32, #tpu.memory_space<vmem_shared>> -> memref<32x128xf32, #tpu.memory_space<vmem_shared>>
    %dma_wait3A_323 = arith.constant 0 : i32
    %dma_wait3A_324 = tpu.memref_slice %arg13[%add3A_320, %dma_wait3A_323] : memref<10240x128xf32, #tpu.memory_space<vmem_shared>> -> memref<32x128xf32, #tpu.memory_space<vmem_shared>>
    tpu.wait_dma2 semaphore(%arg18 : memref<!tpu.dma_semaphore, #tpu.memory_space<semaphore_mem>>) src(%arg12 : memref<32x128xf32, #tpu.memory_space<vmem>>) dst(%dma_wait3A_324 : memref<32x128xf32, #tpu.memory_space<vmem_shared>>)
    %mul3A_325 = arith.constant 640 : i32
    %mul3A_326 = arith.muli %arg1, %mul3A_325 : i32
    %add3A_327 = arith.constant 320 : i32
    %add3A_328 = arith.addi %mul3A_326, %add3A_327 : i32
    %dma_wait3A_329 = arith.constant 0 : i32
    %dma_wait3A_330 = tpu.memref_slice %arg13[%add3A_328, %dma_wait3A_329] : memref<10240x128xf32, #tpu.memory_space<vmem_shared>> -> memref<32x128xf32, #tpu.memory_space<vmem_shared>>
    %dma_wait3A_331 = arith.constant 0 : i32
    %dma_wait3A_332 = tpu.memref_slice %arg13[%add3A_328, %dma_wait3A_331] : memref<10240x128xf32, #tpu.memory_space<vmem_shared>> -> memref<32x128xf32, #tpu.memory_space<vmem_shared>>
    tpu.wait_dma2 semaphore(%arg18 : memref<!tpu.dma_semaphore, #tpu.memory_space<semaphore_mem>>) src(%arg12 : memref<32x128xf32, #tpu.memory_space<vmem>>) dst(%dma_wait3A_332 : memref<32x128xf32, #tpu.memory_space<vmem_shared>>)
    %mul3A_333 = arith.constant 640 : i32
    %mul3A_334 = arith.muli %arg1, %mul3A_333 : i32
    %add3A_335 = arith.constant 352 : i32
    %add3A_336 = arith.addi %mul3A_334, %add3A_335 : i32
    %dma_wait3A_337 = arith.constant 0 : i32
    %dma_wait3A_338 = tpu.memref_slice %arg13[%add3A_336, %dma_wait3A_337] : memref<10240x128xf32, #tpu.memory_space<vmem_shared>> -> memref<32x128xf32, #tpu.memory_space<vmem_shared>>
    %dma_wait3A_339 = arith.constant 0 : i32
    %dma_wait3A_340 = tpu.memref_slice %arg13[%add3A_336, %dma_wait3A_339] : memref<10240x128xf32, #tpu.memory_space<vmem_shared>> -> memref<32x128xf32, #tpu.memory_space<vmem_shared>>
    tpu.wait_dma2 semaphore(%arg18 : memref<!tpu.dma_semaphore, #tpu.memory_space<semaphore_mem>>) src(%arg12 : memref<32x128xf32, #tpu.memory_space<vmem>>) dst(%dma_wait3A_340 : memref<32x128xf32, #tpu.memory_space<vmem_shared>>)
    %mul3A_341 = arith.constant 640 : i32
    %mul3A_342 = arith.muli %arg1, %mul3A_341 : i32
    %add3A_343 = arith.constant 384 : i32
    %add3A_344 = arith.addi %mul3A_342, %add3A_343 : i32
    %dma_wait3A_345 = arith.constant 0 : i32
    %dma_wait3A_346 = tpu.memref_slice %arg13[%add3A_344, %dma_wait3A_345] : memref<10240x128xf32, #tpu.memory_space<vmem_shared>> -> memref<32x128xf32, #tpu.memory_space<vmem_shared>>
    %dma_wait3A_347 = arith.constant 0 : i32
    %dma_wait3A_348 = tpu.memref_slice %arg13[%add3A_344, %dma_wait3A_347] : memref<10240x128xf32, #tpu.memory_space<vmem_shared>> -> memref<32x128xf32, #tpu.memory_space<vmem_shared>>
    tpu.wait_dma2 semaphore(%arg18 : memref<!tpu.dma_semaphore, #tpu.memory_space<semaphore_mem>>) src(%arg12 : memref<32x128xf32, #tpu.memory_space<vmem>>) dst(%dma_wait3A_348 : memref<32x128xf32, #tpu.memory_space<vmem_shared>>)
    %mul3A_349 = arith.constant 640 : i32
    %mul3A_350 = arith.muli %arg1, %mul3A_349 : i32
    %add3A_351 = arith.constant 416 : i32
    %add3A_352 = arith.addi %mul3A_350, %add3A_351 : i32
    %dma_wait3A_353 = arith.constant 0 : i32
    %dma_wait3A_354 = tpu.memref_slice %arg13[%add3A_352, %dma_wait3A_353] : memref<10240x128xf32, #tpu.memory_space<vmem_shared>> -> memref<32x128xf32, #tpu.memory_space<vmem_shared>>
    %dma_wait3A_355 = arith.constant 0 : i32
    %dma_wait3A_356 = tpu.memref_slice %arg13[%add3A_352, %dma_wait3A_355] : memref<10240x128xf32, #tpu.memory_space<vmem_shared>> -> memref<32x128xf32, #tpu.memory_space<vmem_shared>>
    tpu.wait_dma2 semaphore(%arg18 : memref<!tpu.dma_semaphore, #tpu.memory_space<semaphore_mem>>) src(%arg12 : memref<32x128xf32, #tpu.memory_space<vmem>>) dst(%dma_wait3A_356 : memref<32x128xf32, #tpu.memory_space<vmem_shared>>)
    %mul3A_357 = arith.constant 640 : i32
    %mul3A_358 = arith.muli %arg1, %mul3A_357 : i32
    %add3A_359 = arith.constant 448 : i32
    %add3A_360 = arith.addi %mul3A_358, %add3A_359 : i32
    %dma_wait3A_361 = arith.constant 0 : i32
    %dma_wait3A_362 = tpu.memref_slice %arg13[%add3A_360, %dma_wait3A_361] : memref<10240x128xf32, #tpu.memory_space<vmem_shared>> -> memref<32x128xf32, #tpu.memory_space<vmem_shared>>
    %dma_wait3A_363 = arith.constant 0 : i32
    %dma_wait3A_364 = tpu.memref_slice %arg13[%add3A_360, %dma_wait3A_363] : memref<10240x128xf32, #tpu.memory_space<vmem_shared>> -> memref<32x128xf32, #tpu.memory_space<vmem_shared>>
    tpu.wait_dma2 semaphore(%arg18 : memref<!tpu.dma_semaphore, #tpu.memory_space<semaphore_mem>>) src(%arg12 : memref<32x128xf32, #tpu.memory_space<vmem>>) dst(%dma_wait3A_364 : memref<32x128xf32, #tpu.memory_space<vmem_shared>>)
    %mul3A_365 = arith.constant 640 : i32
    %mul3A_366 = arith.muli %arg1, %mul3A_365 : i32
    %add3A_367 = arith.constant 480 : i32
    %add3A_368 = arith.addi %mul3A_366, %add3A_367 : i32
    %dma_wait3A_369 = arith.constant 0 : i32
    %dma_wait3A_370 = tpu.memref_slice %arg13[%add3A_368, %dma_wait3A_369] : memref<10240x128xf32, #tpu.memory_space<vmem_shared>> -> memref<32x128xf32, #tpu.memory_space<vmem_shared>>
    %dma_wait3A_371 = arith.constant 0 : i32
    %dma_wait3A_372 = tpu.memref_slice %arg13[%add3A_368, %dma_wait3A_371] : memref<10240x128xf32, #tpu.memory_space<vmem_shared>> -> memref<32x128xf32, #tpu.memory_space<vmem_shared>>
    tpu.wait_dma2 semaphore(%arg18 : memref<!tpu.dma_semaphore, #tpu.memory_space<semaphore_mem>>) src(%arg12 : memref<32x128xf32, #tpu.memory_space<vmem>>) dst(%dma_wait3A_372 : memref<32x128xf32, #tpu.memory_space<vmem_shared>>)
    %mul3A_373 = arith.constant 640 : i32
    %mul3A_374 = arith.muli %arg1, %mul3A_373 : i32
    %add3A_375 = arith.constant 512 : i32
    %add3A_376 = arith.addi %mul3A_374, %add3A_375 : i32
    %dma_wait3A_377 = arith.constant 0 : i32
    %dma_wait3A_378 = tpu.memref_slice %arg13[%add3A_376, %dma_wait3A_377] : memref<10240x128xf32, #tpu.memory_space<vmem_shared>> -> memref<32x128xf32, #tpu.memory_space<vmem_shared>>
    %dma_wait3A_379 = arith.constant 0 : i32
    %dma_wait3A_380 = tpu.memref_slice %arg13[%add3A_376, %dma_wait3A_379] : memref<10240x128xf32, #tpu.memory_space<vmem_shared>> -> memref<32x128xf32, #tpu.memory_space<vmem_shared>>
    tpu.wait_dma2 semaphore(%arg18 : memref<!tpu.dma_semaphore, #tpu.memory_space<semaphore_mem>>) src(%arg12 : memref<32x128xf32, #tpu.memory_space<vmem>>) dst(%dma_wait3A_380 : memref<32x128xf32, #tpu.memory_space<vmem_shared>>)
    %mul3A_381 = arith.constant 640 : i32
    %mul3A_382 = arith.muli %arg1, %mul3A_381 : i32
    %add3A_383 = arith.constant 544 : i32
    %add3A_384 = arith.addi %mul3A_382, %add3A_383 : i32
    %dma_wait3A_385 = arith.constant 0 : i32
    %dma_wait3A_386 = tpu.memref_slice %arg13[%add3A_384, %dma_wait3A_385] : memref<10240x128xf32, #tpu.memory_space<vmem_shared>> -> memref<32x128xf32, #tpu.memory_space<vmem_shared>>
    %dma_wait3A_387 = arith.constant 0 : i32
    %dma_wait3A_388 = tpu.memref_slice %arg13[%add3A_384, %dma_wait3A_387] : memref<10240x128xf32, #tpu.memory_space<vmem_shared>> -> memref<32x128xf32, #tpu.memory_space<vmem_shared>>
    tpu.wait_dma2 semaphore(%arg18 : memref<!tpu.dma_semaphore, #tpu.memory_space<semaphore_mem>>) src(%arg12 : memref<32x128xf32, #tpu.memory_space<vmem>>) dst(%dma_wait3A_388 : memref<32x128xf32, #tpu.memory_space<vmem_shared>>)
    %mul3A_389 = arith.constant 640 : i32
    %mul3A_390 = arith.muli %arg1, %mul3A_389 : i32
    %add3A_391 = arith.constant 576 : i32
    %add3A_392 = arith.addi %mul3A_390, %add3A_391 : i32
    %dma_wait3A_393 = arith.constant 0 : i32
    %dma_wait3A_394 = tpu.memref_slice %arg13[%add3A_392, %dma_wait3A_393] : memref<10240x128xf32, #tpu.memory_space<vmem_shared>> -> memref<32x128xf32, #tpu.memory_space<vmem_shared>>
    %dma_wait3A_395 = arith.constant 0 : i32
    %dma_wait3A_396 = tpu.memref_slice %arg13[%add3A_392, %dma_wait3A_395] : memref<10240x128xf32, #tpu.memory_space<vmem_shared>> -> memref<32x128xf32, #tpu.memory_space<vmem_shared>>
    tpu.wait_dma2 semaphore(%arg18 : memref<!tpu.dma_semaphore, #tpu.memory_space<semaphore_mem>>) src(%arg12 : memref<32x128xf32, #tpu.memory_space<vmem>>) dst(%dma_wait3A_396 : memref<32x128xf32, #tpu.memory_space<vmem_shared>>)
    %mul3A_397 = arith.constant 640 : i32
    %mul3A_398 = arith.muli %arg1, %mul3A_397 : i32
    %add3A_399 = arith.constant 608 : i32
    %add3A_400 = arith.addi %mul3A_398, %add3A_399 : i32
    %dma_wait3A_401 = arith.constant 0 : i32
    %dma_wait3A_402 = tpu.memref_slice %arg13[%add3A_400, %dma_wait3A_401] : memref<10240x128xf32, #tpu.memory_space<vmem_shared>> -> memref<32x128xf32, #tpu.memory_space<vmem_shared>>
    %dma_wait3A_403 = arith.constant 0 : i32
    %dma_wait3A_404 = tpu.memref_slice %arg13[%add3A_400, %dma_wait3A_403] : memref<10240x128xf32, #tpu.memory_space<vmem_shared>> -> memref<32x128xf32, #tpu.memory_space<vmem_shared>>
    tpu.wait_dma2 semaphore(%arg18 : memref<!tpu.dma_semaphore, #tpu.memory_space<semaphore_mem>>) src(%arg12 : memref<32x128xf32, #tpu.memory_space<vmem>>) dst(%dma_wait3A_404 : memref<32x128xf32, #tpu.memory_space<vmem_shared>>)
    %barrier3A = arith.constant 0 : index
    tpu.barrier barrier_id(%barrier3A)
    %scan3A_405 = arith.constant 0 : i32
    %scan3A_406 = arith.constant 0 : i32
    %scan3A_407 = arith.constant 78 : i32
    %scan3A_408 = arith.addi %scan3A_406, %scan3A_407 : i32
    %scan3A_409 = arith.constant 1 : i32
    scf.for %scan3A_458 = %scan3A_406 to %scan3A_408 step %scan3A_409  : i32 {
      %rem3A_459 = arith.constant 2 : i32
      %rem3A_460 = arith.remsi %scan3A_458, %rem3A_459 : i32
      %sub3A = arith.constant 1 : i32
      %sub3A_461 = arith.subi %sub3A, %rem3A_460 : i32
      %rem3A_462 = arith.constant 4 : i32
      %rem3A_463 = arith.remsi %scan3A_458, %rem3A_462 : i32
      %dma_wait3A_464 = arith.constant 0 : i32
      %dma_wait3A_465 = arith.constant 0 : i32
      %dma_wait3A_466 = tpu.memref_slice %arg8[%rem3A_460, %dma_wait3A_464, %dma_wait3A_465] : memref<2x128x128xf32, #tpu.memory_space<vmem>> -> memref<1x128x128xf32, #tpu.memory_space<vmem>>
      %dma_wait3A_467 = tpu.memref_squeeze %dma_wait3A_466 : memref<1x128x128xf32, #tpu.memory_space<vmem>> -> memref<128x128xf32, #tpu.memory_space<vmem>>
      %dma_wait3A_468 = arith.constant 0 : i32
      %dma_wait3A_469 = tpu.memref_slice %arg6[%rem3A_460, %dma_wait3A_468] : memref<2x128xi32, #tpu.memory_space<vmem>> -> memref<1x128xi32, #tpu.memory_space<vmem>>
      %dma_wait3A_470 = tpu.memref_squeeze %dma_wait3A_469 : memref<1x128xi32, #tpu.memory_space<vmem>> -> memref<128xi32, #tpu.memory_space<vmem>>
      %dma_wait3A_471 = arith.constant 0 : i32
      %dma_wait3A_472 = arith.constant 0 : i32
      %dma_wait3A_473 = tpu.memref_slice %arg2[%dma_wait3A_471, %dma_wait3A_472] : memref<10000x128xf32, #tpu.memory_space<hbm>> -> memref<10000x128xf32, #tpu.memory_space<hbm>>
      tpu.wait_indirect_dma semaphore(%arg16 : memref<!tpu.dma_semaphore, #tpu.memory_space<semaphore_mem>>) src(%dma_wait3A_473 : memref<10000x128xf32, #tpu.memory_space<hbm>>) dst(%dma_wait3A_467 : memref<128x128xf32, #tpu.memory_space<vmem>>)
      %ge3A = arith.constant 1 : i32
      %ge3A_474 = arith.cmpi sge, %scan3A_458, %ge3A : i32
      %convert_element_type3A = arith.extui %ge3A_474 : i1 to i32
      %cond3A = arith.constant 0 : i32
      %cond3A_475 = arith.cmpi ne, %convert_element_type3A, %cond3A : i32
      scf.if %cond3A_475 {
        %sub3A_513 = arith.constant 1 : i32
        %sub3A_514 = arith.subi %scan3A_458, %sub3A_513 : i32
        %rem3A_515 = arith.constant 4 : i32
        %rem3A_516 = arith.remsi %sub3A_514, %rem3A_515 : i32
        %dma_wait3A_517 = arith.constant 0 : i32
        %dma_wait3A_518 = arith.constant 0 : i32
        %dma_wait3A_519 = tpu.memref_slice %arg8[%sub3A_461, %dma_wait3A_517, %dma_wait3A_518] : memref<2x128x128xf32, #tpu.memory_space<vmem>> -> memref<1x128x128xf32, #tpu.memory_space<vmem>>
        %dma_wait3A_520 = tpu.memref_squeeze %dma_wait3A_519 : memref<1x128x128xf32, #tpu.memory_space<vmem>> -> memref<128x128xf32, #tpu.memory_space<vmem>>
        %dma_wait3A_521 = arith.constant 0 : i32
        %dma_wait3A_522 = tpu.memref_slice %arg7[%rem3A_516, %dma_wait3A_521] : memref<4x128xi32, #tpu.memory_space<vmem>> -> memref<1x128xi32, #tpu.memory_space<vmem>>
        %dma_wait3A_523 = tpu.memref_squeeze %dma_wait3A_522 : memref<1x128xi32, #tpu.memory_space<vmem>> -> memref<128xi32, #tpu.memory_space<vmem>>
        %dma_wait3A_524 = arith.constant 0 : i32
        %dma_wait3A_525 = arith.constant 0 : i32
        %dma_wait3A_526 = tpu.memref_slice %arg13[%dma_wait3A_524, %dma_wait3A_525] : memref<10240x128xf32, #tpu.memory_space<vmem_shared>> -> memref<10240x128xf32, #tpu.memory_space<vmem_shared>>
        tpu.wait_indirect_dma semaphore(%arg17 : memref<!tpu.dma_semaphore, #tpu.memory_space<semaphore_mem>>) src(%dma_wait3A_520 : memref<128x128xf32, #tpu.memory_space<vmem>>) dst(%dma_wait3A_526 : memref<10240x128xf32, #tpu.memory_space<vmem_shared>>)
      } else {
      }
      %add3A_476 = arith.constant 1 : i32
      %add3A_477 = arith.addi %scan3A_458, %add3A_476 : i32
      %lt3A = arith.constant 78 : i32
      %lt3A_478 = arith.cmpi slt, %add3A_477, %lt3A : i32
      %convert_element_type3A_479 = arith.extui %lt3A_478 : i1 to i32
      %cond3A_480 = arith.constant 0 : i32
      %cond3A_481 = arith.cmpi ne, %convert_element_type3A_479, %cond3A_480 : i32
      scf.if %cond3A_481 {
        %add3A_513 = arith.constant 1 : i32
        %add3A_514 = arith.addi %scan3A_458, %add3A_513 : i32
        %mul3A_515 = arith.constant 10000 : i32
        %mul3A_516 = arith.muli %add3A, %mul3A_515 : i32
        %mul3A_517 = arith.constant 128 : i32
        %mul3A_518 = arith.muli %add3A_514, %mul3A_517 : i32
        %add3A_519 = arith.addi %mul3A_516, %mul3A_518 : i32
        %multiple_of3A_520 = tpu.assume_multiple %add3A_519, 8 : i32
        %dma_wait3A_521 = arith.constant 0 : i32
        %dma_wait3A_522 = tpu.memref_slice %arg6[%sub3A_461, %dma_wait3A_521] : memref<2x128xi32, #tpu.memory_space<vmem>> -> memref<1x128xi32, #tpu.memory_space<vmem>>
        %dma_wait3A_523 = tpu.memref_squeeze %dma_wait3A_522 : memref<1x128xi32, #tpu.memory_space<vmem>> -> memref<128xi32, #tpu.memory_space<vmem>>
        %dma_wait3A_524 = tpu.memref_slice %arg3[%multiple_of3A_520] : memref<320000xi32, #tpu.memory_space<hbm>> -> memref<128xi32, #tpu.memory_space<hbm>>
        %dma_wait3A_525 = arith.constant 0 : i32
        %dma_wait3A_526 = tpu.memref_slice %arg6[%sub3A_461, %dma_wait3A_525] : memref<2x128xi32, #tpu.memory_space<vmem>> -> memref<1x128xi32, #tpu.memory_space<vmem>>
        %dma_wait3A_527 = tpu.memref_squeeze %dma_wait3A_526 : memref<1x128xi32, #tpu.memory_space<vmem>> -> memref<128xi32, #tpu.memory_space<vmem>>
        %dma_wait3A_528 = tpu.memref_slice %arg3[%multiple_of3A_520] : memref<320000xi32, #tpu.memory_space<hbm>> -> memref<128xi32, #tpu.memory_space<hbm>>
        tpu.wait_dma2 semaphore(%arg14 : memref<!tpu.dma_semaphore, #tpu.memory_space<semaphore_mem>>) src(%dma_wait3A_528 : memref<128xi32, #tpu.memory_space<hbm>>) dst(%dma_wait3A_527 : memref<128xi32, #tpu.memory_space<vmem>>)
        %dma_start3A_529 = arith.constant 0 : i32
        %dma_start3A_530 = arith.constant 0 : i32
        %dma_start3A_531 = tpu.memref_slice %arg8[%sub3A_461, %dma_start3A_529, %dma_start3A_530] : memref<2x128x128xf32, #tpu.memory_space<vmem>> -> memref<1x128x128xf32, #tpu.memory_space<vmem>>
        %dma_start3A_532 = tpu.memref_squeeze %dma_start3A_531 : memref<1x128x128xf32, #tpu.memory_space<vmem>> -> memref<128x128xf32, #tpu.memory_space<vmem>>
        %dma_start3A_533 = arith.constant 0 : i32
        %dma_start3A_534 = tpu.memref_slice %arg6[%sub3A_461, %dma_start3A_533] : memref<2x128xi32, #tpu.memory_space<vmem>> -> memref<1x128xi32, #tpu.memory_space<vmem>>
        %dma_start3A_535 = tpu.memref_squeeze %dma_start3A_534 : memref<1x128xi32, #tpu.memory_space<vmem>> -> memref<128xi32, #tpu.memory_space<vmem>>
        %dma_start3A_536 = arith.constant 0 : i32
        %dma_start3A_537 = arith.constant 0 : i32
        %dma_start3A_538 = tpu.memref_slice %arg2[%dma_start3A_536, %dma_start3A_537] : memref<10000x128xf32, #tpu.memory_space<hbm>> -> memref<10000x128xf32, #tpu.memory_space<hbm>>
        tpu.enqueue_indirect_dma source(%dma_start3A_538 : memref<10000x128xf32, #tpu.memory_space<hbm>>) target(%dma_start3A_532 : memref<128x128xf32, #tpu.memory_space<vmem>>) offsets(%dma_start3A_535 : memref<128xi32, #tpu.memory_space<vmem>>) semaphore(%arg16 : memref<!tpu.dma_semaphore, #tpu.memory_space<semaphore_mem>>)
      } else {
      }
      %mul3A_482 = arith.constant 10000 : i32
      %mul3A_483 = arith.muli %add3A, %mul3A_482 : i32
      %mul3A_484 = arith.constant 128 : i32
      %mul3A_485 = arith.muli %scan3A_458, %mul3A_484 : i32
      %add3A_486 = arith.addi %mul3A_483, %mul3A_485 : i32
      %multiple_of3A_487 = tpu.assume_multiple %add3A_486, 8 : i32
      %dma_wait3A_488 = arith.constant 0 : i32
      %dma_wait3A_489 = tpu.memref_slice %arg7[%rem3A_463, %dma_wait3A_488] : memref<4x128xi32, #tpu.memory_space<vmem>> -> memref<1x128xi32, #tpu.memory_space<vmem>>
      %dma_wait3A_490 = tpu.memref_squeeze %dma_wait3A_489 : memref<1x128xi32, #tpu.memory_space<vmem>> -> memref<128xi32, #tpu.memory_space<vmem>>
      %dma_wait3A_491 = tpu.memref_slice %arg4[%multiple_of3A_487] : memref<320000xi32, #tpu.memory_space<hbm>> -> memref<128xi32, #tpu.memory_space<hbm>>
      %dma_wait3A_492 = arith.constant 0 : i32
      %dma_wait3A_493 = tpu.memref_slice %arg7[%rem3A_463, %dma_wait3A_492] : memref<4x128xi32, #tpu.memory_space<vmem>> -> memref<1x128xi32, #tpu.memory_space<vmem>>
      %dma_wait3A_494 = tpu.memref_squeeze %dma_wait3A_493 : memref<1x128xi32, #tpu.memory_space<vmem>> -> memref<128xi32, #tpu.memory_space<vmem>>
      %dma_wait3A_495 = tpu.memref_slice %arg4[%multiple_of3A_487] : memref<320000xi32, #tpu.memory_space<hbm>> -> memref<128xi32, #tpu.memory_space<hbm>>
      tpu.wait_dma2 semaphore(%arg15 : memref<!tpu.dma_semaphore, #tpu.memory_space<semaphore_mem>>) src(%dma_wait3A_495 : memref<128xi32, #tpu.memory_space<hbm>>) dst(%dma_wait3A_494 : memref<128xi32, #tpu.memory_space<vmem>>)
      %dma_start3A_496 = arith.constant 0 : i32
      %dma_start3A_497 = arith.constant 0 : i32
      %dma_start3A_498 = tpu.memref_slice %arg8[%rem3A_460, %dma_start3A_496, %dma_start3A_497] : memref<2x128x128xf32, #tpu.memory_space<vmem>> -> memref<1x128x128xf32, #tpu.memory_space<vmem>>
      %dma_start3A_499 = tpu.memref_squeeze %dma_start3A_498 : memref<1x128x128xf32, #tpu.memory_space<vmem>> -> memref<128x128xf32, #tpu.memory_space<vmem>>
      %dma_start3A_500 = arith.constant 0 : i32
      %dma_start3A_501 = tpu.memref_slice %arg7[%rem3A_463, %dma_start3A_500] : memref<4x128xi32, #tpu.memory_space<vmem>> -> memref<1x128xi32, #tpu.memory_space<vmem>>
      %dma_start3A_502 = tpu.memref_squeeze %dma_start3A_501 : memref<1x128xi32, #tpu.memory_space<vmem>> -> memref<128xi32, #tpu.memory_space<vmem>>
      %dma_start3A_503 = arith.constant 0 : i32
      %dma_start3A_504 = arith.constant 0 : i32
      %dma_start3A_505 = tpu.memref_slice %arg13[%dma_start3A_503, %dma_start3A_504] : memref<10240x128xf32, #tpu.memory_space<vmem_shared>> -> memref<10240x128xf32, #tpu.memory_space<vmem_shared>>
      tpu.enqueue_indirect_dma source(%dma_start3A_499 : memref<128x128xf32, #tpu.memory_space<vmem>>) target(%dma_start3A_505 : memref<10240x128xf32, #tpu.memory_space<vmem_shared>>) offsets(%dma_start3A_502 : memref<128xi32, #tpu.memory_space<vmem>>) semaphore(%arg17 : memref<!tpu.dma_semaphore, #tpu.memory_space<semaphore_mem>>) {add = true}
      %add3A_506 = arith.constant 2 : i32
      %add3A_507 = arith.addi %scan3A_458, %add3A_506 : i32
      %lt3A_508 = arith.constant 78 : i32
      %lt3A_509 = arith.cmpi slt, %add3A_507, %lt3A_508 : i32
      %convert_element_type3A_510 = arith.extui %lt3A_509 : i1 to i32
      %cond3A_511 = arith.constant 0 : i32
      %cond3A_512 = arith.cmpi ne, %convert_element_type3A_510, %cond3A_511 : i32
      scf.if %cond3A_512 {
        %add3A_513 = arith.constant 2 : i32
        %add3A_514 = arith.addi %scan3A_458, %add3A_513 : i32
        %add3A_515 = arith.constant 2 : i32
        %add3A_516 = arith.addi %scan3A_458, %add3A_515 : i32
        %rem3A_517 = arith.constant 4 : i32
        %rem3A_518 = arith.remsi %add3A_516, %rem3A_517 : i32
        %mul3A_519 = arith.constant 10000 : i32
        %mul3A_520 = arith.muli %add3A, %mul3A_519 : i32
        %mul3A_521 = arith.constant 128 : i32
        %mul3A_522 = arith.muli %add3A_514, %mul3A_521 : i32
        %add3A_523 = arith.addi %mul3A_520, %mul3A_522 : i32
        %multiple_of3A_524 = tpu.assume_multiple %add3A_523, 8 : i32
        %dma_start3A_525 = arith.constant 0 : i32
        %dma_start3A_526 = tpu.memref_slice %arg6[%rem3A_460, %dma_start3A_525] : memref<2x128xi32, #tpu.memory_space<vmem>> -> memref<1x128xi32, #tpu.memory_space<vmem>>
        %dma_start3A_527 = tpu.memref_squeeze %dma_start3A_526 : memref<1x128xi32, #tpu.memory_space<vmem>> -> memref<128xi32, #tpu.memory_space<vmem>>
        %dma_start3A_528 = tpu.memref_slice %arg3[%multiple_of3A_524] : memref<320000xi32, #tpu.memory_space<hbm>> -> memref<128xi32, #tpu.memory_space<hbm>>
        %dma_start3A_529 = arith.constant 0 : i32
        %dma_start3A_530 = tpu.memref_slice %arg6[%rem3A_460, %dma_start3A_529] : memref<2x128xi32, #tpu.memory_space<vmem>> -> memref<1x128xi32, #tpu.memory_space<vmem>>
        %dma_start3A_531 = tpu.memref_squeeze %dma_start3A_530 : memref<1x128xi32, #tpu.memory_space<vmem>> -> memref<128xi32, #tpu.memory_space<vmem>>
        %dma_start3A_532 = tpu.memref_slice %arg3[%multiple_of3A_524] : memref<320000xi32, #tpu.memory_space<hbm>> -> memref<128xi32, #tpu.memory_space<hbm>>
        tpu.enqueue_dma source(%dma_start3A_532 : memref<128xi32, #tpu.memory_space<hbm>>) target(%dma_start3A_531 : memref<128xi32, #tpu.memory_space<vmem>>) target_semaphore(%arg14 : memref<!tpu.dma_semaphore, #tpu.memory_space<semaphore_mem>>)
        %mul3A_533 = arith.constant 10000 : i32
        %mul3A_534 = arith.muli %add3A, %mul3A_533 : i32
        %mul3A_535 = arith.constant 128 : i32
        %mul3A_536 = arith.muli %add3A_514, %mul3A_535 : i32
        %add3A_537 = arith.addi %mul3A_534, %mul3A_536 : i32
        %multiple_of3A_538 = tpu.assume_multiple %add3A_537, 8 : i32
        %dma_start3A_539 = arith.constant 0 : i32
        %dma_start3A_540 = tpu.memref_slice %arg7[%rem3A_518, %dma_start3A_539] : memref<4x128xi32, #tpu.memory_space<vmem>> -> memref<1x128xi32, #tpu.memory_space<vmem>>
        %dma_start3A_541 = tpu.memref_squeeze %dma_start3A_540 : memref<1x128xi32, #tpu.memory_space<vmem>> -> memref<128xi32, #tpu.memory_space<vmem>>
        %dma_start3A_542 = tpu.memref_slice %arg4[%multiple_of3A_538] : memref<320000xi32, #tpu.memory_space<hbm>> -> memref<128xi32, #tpu.memory_space<hbm>>
        %dma_start3A_543 = arith.constant 0 : i32
        %dma_start3A_544 = tpu.memref_slice %arg7[%rem3A_518, %dma_start3A_543] : memref<4x128xi32, #tpu.memory_space<vmem>> -> memref<1x128xi32, #tpu.memory_space<vmem>>
        %dma_start3A_545 = tpu.memref_squeeze %dma_start3A_544 : memref<1x128xi32, #tpu.memory_space<vmem>> -> memref<128xi32, #tpu.memory_space<vmem>>
        %dma_start3A_546 = tpu.memref_slice %arg4[%multiple_of3A_538] : memref<320000xi32, #tpu.memory_space<hbm>> -> memref<128xi32, #tpu.memory_space<hbm>>
        tpu.enqueue_dma source(%dma_start3A_546 : memref<128xi32, #tpu.memory_space<hbm>>) target(%dma_start3A_545 : memref<128xi32, #tpu.memory_space<vmem>>) target_semaphore(%arg15 : memref<!tpu.dma_semaphore, #tpu.memory_space<semaphore_mem>>)
      } else {
      }
    }
    %scan3A_410 = arith.constant 78 : i32
    %rem3A = arith.constant 77 : i32
    %rem3A_411 = arith.constant 2 : i32
    %rem3A_412 = arith.remsi %rem3A, %rem3A_411 : i32
    %rem3A_413 = arith.constant 77 : i32
    %rem3A_414 = arith.constant 4 : i32
    %rem3A_415 = arith.remsi %rem3A_413, %rem3A_414 : i32
    %dma_wait3A_416 = arith.constant 0 : i32
    %dma_wait3A_417 = arith.constant 0 : i32
    %dma_wait3A_418 = tpu.memref_slice %arg8[%rem3A_412, %dma_wait3A_416, %dma_wait3A_417] : memref<2x128x128xf32, #tpu.memory_space<vmem>> -> memref<1x128x128xf32, #tpu.memory_space<vmem>>
    %dma_wait3A_419 = tpu.memref_squeeze %dma_wait3A_418 : memref<1x128x128xf32, #tpu.memory_space<vmem>> -> memref<128x128xf32, #tpu.memory_space<vmem>>
    %dma_wait3A_420 = arith.constant 0 : i32
    %dma_wait3A_421 = tpu.memref_slice %arg7[%rem3A_415, %dma_wait3A_420] : memref<4x128xi32, #tpu.memory_space<vmem>> -> memref<1x128xi32, #tpu.memory_space<vmem>>
    %dma_wait3A_422 = tpu.memref_squeeze %dma_wait3A_421 : memref<1x128xi32, #tpu.memory_space<vmem>> -> memref<128xi32, #tpu.memory_space<vmem>>
    %dma_wait3A_423 = arith.constant 0 : i32
    %dma_wait3A_424 = arith.constant 0 : i32
    %dma_wait3A_425 = tpu.memref_slice %arg13[%dma_wait3A_423, %dma_wait3A_424] : memref<10240x128xf32, #tpu.memory_space<vmem_shared>> -> memref<10240x128xf32, #tpu.memory_space<vmem_shared>>
    tpu.wait_indirect_dma semaphore(%arg17 : memref<!tpu.dma_semaphore, #tpu.memory_space<semaphore_mem>>) src(%dma_wait3A_419 : memref<128x128xf32, #tpu.memory_space<vmem>>) dst(%dma_wait3A_425 : memref<10240x128xf32, #tpu.memory_space<vmem_shared>>)
    %mul3A_426 = arith.constant 10000 : i32
    %mul3A_427 = arith.muli %add3A, %mul3A_426 : i32
    %add3A_428 = arith.constant 9984 : i32
    %add3A_429 = arith.addi %mul3A_427, %add3A_428 : i32
    %multiple_of3A_430 = tpu.assume_multiple %add3A_429, 8 : i32
    "tpu.region"() ({
      %run_scoped3A = tpu.sem_alloc : memref<!tpu.dma_semaphore, #tpu.memory_space<semaphore_mem>>
      %dma_start3A_458 = tpu.memref_slice %arg3[%multiple_of3A_430] : memref<320000xi32, #tpu.memory_space<hbm>> -> memref<16xi32, #tpu.memory_space<hbm>>
      %dma_start3A_459 = tpu.memref_slice %arg3[%multiple_of3A_430] : memref<320000xi32, #tpu.memory_space<hbm>> -> memref<16xi32, #tpu.memory_space<hbm>>
      tpu.enqueue_dma source(%dma_start3A_459 : memref<16xi32, #tpu.memory_space<hbm>>) target(%arg9 : memref<16xi32, #tpu.memory_space<vmem>>) target_semaphore(%run_scoped3A : memref<!tpu.dma_semaphore, #tpu.memory_space<semaphore_mem>>)
      %dma_wait3A_460 = tpu.memref_slice %arg3[%multiple_of3A_430] : memref<320000xi32, #tpu.memory_space<hbm>> -> memref<16xi32, #tpu.memory_space<hbm>>
      %dma_wait3A_461 = tpu.memref_slice %arg3[%multiple_of3A_430] : memref<320000xi32, #tpu.memory_space<hbm>> -> memref<16xi32, #tpu.memory_space<hbm>>
      tpu.wait_dma2 semaphore(%run_scoped3A : memref<!tpu.dma_semaphore, #tpu.memory_space<semaphore_mem>>) src(%dma_wait3A_461 : memref<16xi32, #tpu.memory_space<hbm>>) dst(%arg9 : memref<16xi32, #tpu.memory_space<vmem>>)
      tpu.yield
    }) : () -> ()
    "tpu.region"() ({
      %run_scoped3A = tpu.sem_alloc : memref<!tpu.dma_semaphore, #tpu.memory_space<semaphore_mem>>
      %dma_start3A_458 = tpu.memref_slice %arg4[%multiple_of3A_430] : memref<320000xi32, #tpu.memory_space<hbm>> -> memref<16xi32, #tpu.memory_space<hbm>>
      %dma_start3A_459 = tpu.memref_slice %arg4[%multiple_of3A_430] : memref<320000xi32, #tpu.memory_space<hbm>> -> memref<16xi32, #tpu.memory_space<hbm>>
      tpu.enqueue_dma source(%dma_start3A_459 : memref<16xi32, #tpu.memory_space<hbm>>) target(%arg10 : memref<16xi32, #tpu.memory_space<vmem>>) target_semaphore(%run_scoped3A : memref<!tpu.dma_semaphore, #tpu.memory_space<semaphore_mem>>)
      %dma_wait3A_460 = tpu.memref_slice %arg4[%multiple_of3A_430] : memref<320000xi32, #tpu.memory_space<hbm>> -> memref<16xi32, #tpu.memory_space<hbm>>
      %dma_wait3A_461 = tpu.memref_slice %arg4[%multiple_of3A_430] : memref<320000xi32, #tpu.memory_space<hbm>> -> memref<16xi32, #tpu.memory_space<hbm>>
      tpu.wait_dma2 semaphore(%run_scoped3A : memref<!tpu.dma_semaphore, #tpu.memory_space<semaphore_mem>>) src(%dma_wait3A_461 : memref<16xi32, #tpu.memory_space<hbm>>) dst(%arg10 : memref<16xi32, #tpu.memory_space<vmem>>)
      tpu.yield
    }) : () -> ()
    %dma_start3A_431 = arith.constant 0 : i32
    %dma_start3A_432 = arith.constant 0 : i32
    %dma_start3A_433 = tpu.memref_slice %arg2[%dma_start3A_431, %dma_start3A_432] : memref<10000x128xf32, #tpu.memory_space<hbm>> -> memref<10000x128xf32, #tpu.memory_space<hbm>>
    tpu.enqueue_indirect_dma source(%dma_start3A_433 : memref<10000x128xf32, #tpu.memory_space<hbm>>) target(%arg11 : memref<16x128xf32, #tpu.memory_space<vmem>>) offsets(%arg9 : memref<16xi32, #tpu.memory_space<vmem>>) semaphore(%arg16 : memref<!tpu.dma_semaphore, #tpu.memory_space<semaphore_mem>>)
    %dma_wait3A_434 = arith.constant 0 : i32
    %dma_wait3A_435 = arith.constant 0 : i32
    %dma_wait3A_436 = tpu.memref_slice %arg2[%dma_wait3A_434, %dma_wait3A_435] : memref<10000x128xf32, #tpu.memory_space<hbm>> -> memref<10000x128xf32, #tpu.memory_space<hbm>>
    tpu.wait_indirect_dma semaphore(%arg16 : memref<!tpu.dma_semaphore, #tpu.memory_space<semaphore_mem>>) src(%dma_wait3A_436 : memref<10000x128xf32, #tpu.memory_space<hbm>>) dst(%arg11 : memref<16x128xf32, #tpu.memory_space<vmem>>)
    "tpu.region"() ({
      %run_scoped3A = tpu.sem_alloc : memref<!tpu.dma_semaphore, #tpu.memory_space<semaphore_mem>>
      %dma_start3A_458 = arith.constant 0 : i32
      %dma_start3A_459 = arith.constant 0 : i32
      %dma_start3A_460 = tpu.memref_slice %arg13[%dma_start3A_458, %dma_start3A_459] : memref<10240x128xf32, #tpu.memory_space<vmem_shared>> -> memref<10240x128xf32, #tpu.memory_space<vmem_shared>>
      tpu.enqueue_indirect_dma source(%arg11 : memref<16x128xf32, #tpu.memory_space<vmem>>) target(%dma_start3A_460 : memref<10240x128xf32, #tpu.memory_space<vmem_shared>>) offsets(%arg10 : memref<16xi32, #tpu.memory_space<vmem>>) semaphore(%run_scoped3A : memref<!tpu.dma_semaphore, #tpu.memory_space<semaphore_mem>>) {add = true}
      %dma_wait3A_461 = arith.constant 0 : i32
      %dma_wait3A_462 = arith.constant 0 : i32
      %dma_wait3A_463 = tpu.memref_slice %arg13[%dma_wait3A_461, %dma_wait3A_462] : memref<10240x128xf32, #tpu.memory_space<vmem_shared>> -> memref<10240x128xf32, #tpu.memory_space<vmem_shared>>
      tpu.wait_indirect_dma semaphore(%run_scoped3A : memref<!tpu.dma_semaphore, #tpu.memory_space<semaphore_mem>>) src(%arg11 : memref<16x128xf32, #tpu.memory_space<vmem>>) dst(%dma_wait3A_463 : memref<10240x128xf32, #tpu.memory_space<vmem_shared>>)
      tpu.yield
    }) : () -> ()
    %barrier3A_437 = arith.constant 0 : index
    tpu.barrier barrier_id(%barrier3A_437)
    %mul3A_438 = arith.constant 640 : i32
    %mul3A_439 = arith.muli %arg1, %mul3A_438 : i32
    %add3A_440 = arith.constant 0 : i32
    %add3A_441 = arith.addi %mul3A_439, %add3A_440 : i32
    "tpu.region"() ({
      %run_scoped3A = tpu.sem_alloc : memref<!tpu.dma_semaphore, #tpu.memory_space<semaphore_mem>>
      %dma_start3A_458 = arith.constant 0 : i32
      %dma_start3A_459 = tpu.memref_slice %arg5[%arg0, %add3A_441, %dma_start3A_458] : memref<2x10240x128xf32, #tpu.memory_space<hbm>> -> memref<1x128x128xf32, #tpu.memory_space<hbm>>
      %dma_start3A_460 = tpu.memref_squeeze %dma_start3A_459 : memref<1x128x128xf32, #tpu.memory_space<hbm>> -> memref<128x128xf32, #tpu.memory_space<hbm>>
      %dma_start3A_461 = arith.constant 0 : i32
      %dma_start3A_462 = tpu.memref_slice %arg13[%add3A_441, %dma_start3A_461] : memref<10240x128xf32, #tpu.memory_space<vmem_shared>> -> memref<128x128xf32, #tpu.memory_space<vmem_shared>>
      tpu.enqueue_dma source(%dma_start3A_462 : memref<128x128xf32, #tpu.memory_space<vmem_shared>>) target(%dma_start3A_460 : memref<128x128xf32, #tpu.memory_space<hbm>>) target_semaphore(%run_scoped3A : memref<!tpu.dma_semaphore, #tpu.memory_space<semaphore_mem>>)
      %dma_wait3A_463 = arith.constant 0 : i32
      %dma_wait3A_464 = tpu.memref_slice %arg5[%arg0, %add3A_441, %dma_wait3A_463] : memref<2x10240x128xf32, #tpu.memory_space<hbm>> -> memref<1x128x128xf32, #tpu.memory_space<hbm>>
      %dma_wait3A_465 = tpu.memref_squeeze %dma_wait3A_464 : memref<1x128x128xf32, #tpu.memory_space<hbm>> -> memref<128x128xf32, #tpu.memory_space<hbm>>
      %dma_wait3A_466 = arith.constant 0 : i32
      %dma_wait3A_467 = tpu.memref_slice %arg13[%add3A_441, %dma_wait3A_466] : memref<10240x128xf32, #tpu.memory_space<vmem_shared>> -> memref<128x128xf32, #tpu.memory_space<vmem_shared>>
      tpu.wait_dma2 semaphore(%run_scoped3A : memref<!tpu.dma_semaphore, #tpu.memory_space<semaphore_mem>>) src(%dma_wait3A_467 : memref<128x128xf32, #tpu.memory_space<vmem_shared>>) dst(%dma_wait3A_465 : memref<128x128xf32, #tpu.memory_space<hbm>>)
      tpu.yield
    }) : () -> ()
    %mul3A_442 = arith.constant 640 : i32
    %mul3A_443 = arith.muli %arg1, %mul3A_442 : i32
    %add3A_444 = arith.constant 128 : i32
    %add3A_445 = arith.addi %mul3A_443, %add3A_444 : i32
    "tpu.region"() ({
      %run_scoped3A = tpu.sem_alloc : memref<!tpu.dma_semaphore, #tpu.memory_space<semaphore_mem>>
      %dma_start3A_458 = arith.constant 0 : i32
      %dma_start3A_459 = tpu.memref_slice %arg5[%arg0, %add3A_445, %dma_start3A_458] : memref<2x10240x128xf32, #tpu.memory_space<hbm>> -> memref<1x128x128xf32, #tpu.memory_space<hbm>>
      %dma_start3A_460 = tpu.memref_squeeze %dma_start3A_459 : memref<1x128x128xf32, #tpu.memory_space<hbm>> -> memref<128x128xf32, #tpu.memory_space<hbm>>
      %dma_start3A_461 = arith.constant 0 : i32
      %dma_start3A_462 = tpu.memref_slice %arg13[%add3A_445, %dma_start3A_461] : memref<10240x128xf32, #tpu.memory_space<vmem_shared>> -> memref<128x128xf32, #tpu.memory_space<vmem_shared>>
      tpu.enqueue_dma source(%dma_start3A_462 : memref<128x128xf32, #tpu.memory_space<vmem_shared>>) target(%dma_start3A_460 : memref<128x128xf32, #tpu.memory_space<hbm>>) target_semaphore(%run_scoped3A : memref<!tpu.dma_semaphore, #tpu.memory_space<semaphore_mem>>)
      %dma_wait3A_463 = arith.constant 0 : i32
      %dma_wait3A_464 = tpu.memref_slice %arg5[%arg0, %add3A_445, %dma_wait3A_463] : memref<2x10240x128xf32, #tpu.memory_space<hbm>> -> memref<1x128x128xf32, #tpu.memory_space<hbm>>
      %dma_wait3A_465 = tpu.memref_squeeze %dma_wait3A_464 : memref<1x128x128xf32, #tpu.memory_space<hbm>> -> memref<128x128xf32, #tpu.memory_space<hbm>>
      %dma_wait3A_466 = arith.constant 0 : i32
      %dma_wait3A_467 = tpu.memref_slice %arg13[%add3A_445, %dma_wait3A_466] : memref<10240x128xf32, #tpu.memory_space<vmem_shared>> -> memref<128x128xf32, #tpu.memory_space<vmem_shared>>
      tpu.wait_dma2 semaphore(%run_scoped3A : memref<!tpu.dma_semaphore, #tpu.memory_space<semaphore_mem>>) src(%dma_wait3A_467 : memref<128x128xf32, #tpu.memory_space<vmem_shared>>) dst(%dma_wait3A_465 : memref<128x128xf32, #tpu.memory_space<hbm>>)
      tpu.yield
    }) : () -> ()
    %mul3A_446 = arith.constant 640 : i32
    %mul3A_447 = arith.muli %arg1, %mul3A_446 : i32
    %add3A_448 = arith.constant 256 : i32
    %add3A_449 = arith.addi %mul3A_447, %add3A_448 : i32
    "tpu.region"() ({
      %run_scoped3A = tpu.sem_alloc : memref<!tpu.dma_semaphore, #tpu.memory_space<semaphore_mem>>
      %dma_start3A_458 = arith.constant 0 : i32
      %dma_start3A_459 = tpu.memref_slice %arg5[%arg0, %add3A_449, %dma_start3A_458] : memref<2x10240x128xf32, #tpu.memory_space<hbm>> -> memref<1x128x128xf32, #tpu.memory_space<hbm>>
      %dma_start3A_460 = tpu.memref_squeeze %dma_start3A_459 : memref<1x128x128xf32, #tpu.memory_space<hbm>> -> memref<128x128xf32, #tpu.memory_space<hbm>>
      %dma_start3A_461 = arith.constant 0 : i32
      %dma_start3A_462 = tpu.memref_slice %arg13[%add3A_449, %dma_start3A_461] : memref<10240x128xf32, #tpu.memory_space<vmem_shared>> -> memref<128x128xf32, #tpu.memory_space<vmem_shared>>
      tpu.enqueue_dma source(%dma_start3A_462 : memref<128x128xf32, #tpu.memory_space<vmem_shared>>) target(%dma_start3A_460 : memref<128x128xf32, #tpu.memory_space<hbm>>) target_semaphore(%run_scoped3A : memref<!tpu.dma_semaphore, #tpu.memory_space<semaphore_mem>>)
      %dma_wait3A_463 = arith.constant 0 : i32
      %dma_wait3A_464 = tpu.memref_slice %arg5[%arg0, %add3A_449, %dma_wait3A_463] : memref<2x10240x128xf32, #tpu.memory_space<hbm>> -> memref<1x128x128xf32, #tpu.memory_space<hbm>>
      %dma_wait3A_465 = tpu.memref_squeeze %dma_wait3A_464 : memref<1x128x128xf32, #tpu.memory_space<hbm>> -> memref<128x128xf32, #tpu.memory_space<hbm>>
      %dma_wait3A_466 = arith.constant 0 : i32
      %dma_wait3A_467 = tpu.memref_slice %arg13[%add3A_449, %dma_wait3A_466] : memref<10240x128xf32, #tpu.memory_space<vmem_shared>> -> memref<128x128xf32, #tpu.memory_space<vmem_shared>>
      tpu.wait_dma2 semaphore(%run_scoped3A : memref<!tpu.dma_semaphore, #tpu.memory_space<semaphore_mem>>) src(%dma_wait3A_467 : memref<128x128xf32, #tpu.memory_space<vmem_shared>>) dst(%dma_wait3A_465 : memref<128x128xf32, #tpu.memory_space<hbm>>)
      tpu.yield
    }) : () -> ()
    %mul3A_450 = arith.constant 640 : i32
    %mul3A_451 = arith.muli %arg1, %mul3A_450 : i32
    %add3A_452 = arith.constant 384 : i32
    %add3A_453 = arith.addi %mul3A_451, %add3A_452 : i32
    "tpu.region"() ({
      %run_scoped3A = tpu.sem_alloc : memref<!tpu.dma_semaphore, #tpu.memory_space<semaphore_mem>>
      %dma_start3A_458 = arith.constant 0 : i32
      %dma_start3A_459 = tpu.memref_slice %arg5[%arg0, %add3A_453, %dma_start3A_458] : memref<2x10240x128xf32, #tpu.memory_space<hbm>> -> memref<1x128x128xf32, #tpu.memory_space<hbm>>
      %dma_start3A_460 = tpu.memref_squeeze %dma_start3A_459 : memref<1x128x128xf32, #tpu.memory_space<hbm>> -> memref<128x128xf32, #tpu.memory_space<hbm>>
      %dma_start3A_461 = arith.constant 0 : i32
      %dma_start3A_462 = tpu.memref_slice %arg13[%add3A_453, %dma_start3A_461] : memref<10240x128xf32, #tpu.memory_space<vmem_shared>> -> memref<128x128xf32, #tpu.memory_space<vmem_shared>>
      tpu.enqueue_dma source(%dma_start3A_462 : memref<128x128xf32, #tpu.memory_space<vmem_shared>>) target(%dma_start3A_460 : memref<128x128xf32, #tpu.memory_space<hbm>>) target_semaphore(%run_scoped3A : memref<!tpu.dma_semaphore, #tpu.memory_space<semaphore_mem>>)
      %dma_wait3A_463 = arith.constant 0 : i32
      %dma_wait3A_464 = tpu.memref_slice %arg5[%arg0, %add3A_453, %dma_wait3A_463] : memref<2x10240x128xf32, #tpu.memory_space<hbm>> -> memref<1x128x128xf32, #tpu.memory_space<hbm>>
      %dma_wait3A_465 = tpu.memref_squeeze %dma_wait3A_464 : memref<1x128x128xf32, #tpu.memory_space<hbm>> -> memref<128x128xf32, #tpu.memory_space<hbm>>
      %dma_wait3A_466 = arith.constant 0 : i32
      %dma_wait3A_467 = tpu.memref_slice %arg13[%add3A_453, %dma_wait3A_466] : memref<10240x128xf32, #tpu.memory_space<vmem_shared>> -> memref<128x128xf32, #tpu.memory_space<vmem_shared>>
      tpu.wait_dma2 semaphore(%run_scoped3A : memref<!tpu.dma_semaphore, #tpu.memory_space<semaphore_mem>>) src(%dma_wait3A_467 : memref<128x128xf32, #tpu.memory_space<vmem_shared>>) dst(%dma_wait3A_465 : memref<128x128xf32, #tpu.memory_space<hbm>>)
      tpu.yield
    }) : () -> ()
    %mul3A_454 = arith.constant 640 : i32
    %mul3A_455 = arith.muli %arg1, %mul3A_454 : i32
    %add3A_456 = arith.constant 512 : i32
    %add3A_457 = arith.addi %mul3A_455, %add3A_456 : i32
    "tpu.region"() ({
      %run_scoped3A = tpu.sem_alloc : memref<!tpu.dma_semaphore, #tpu.memory_space<semaphore_mem>>
      %dma_start3A_458 = arith.constant 0 : i32
      %dma_start3A_459 = tpu.memref_slice %arg5[%arg0, %add3A_457, %dma_start3A_458] : memref<2x10240x128xf32, #tpu.memory_space<hbm>> -> memref<1x128x128xf32, #tpu.memory_space<hbm>>
      %dma_start3A_460 = tpu.memref_squeeze %dma_start3A_459 : memref<1x128x128xf32, #tpu.memory_space<hbm>> -> memref<128x128xf32, #tpu.memory_space<hbm>>
      %dma_start3A_461 = arith.constant 0 : i32
      %dma_start3A_462 = tpu.memref_slice %arg13[%add3A_457, %dma_start3A_461] : memref<10240x128xf32, #tpu.memory_space<vmem_shared>> -> memref<128x128xf32, #tpu.memory_space<vmem_shared>>
      tpu.enqueue_dma source(%dma_start3A_462 : memref<128x128xf32, #tpu.memory_space<vmem_shared>>) target(%dma_start3A_460 : memref<128x128xf32, #tpu.memory_space<hbm>>) target_semaphore(%run_scoped3A : memref<!tpu.dma_semaphore, #tpu.memory_space<semaphore_mem>>)
      %dma_wait3A_463 = arith.constant 0 : i32
      %dma_wait3A_464 = tpu.memref_slice %arg5[%arg0, %add3A_457, %dma_wait3A_463] : memref<2x10240x128xf32, #tpu.memory_space<hbm>> -> memref<1x128x128xf32, #tpu.memory_space<hbm>>
      %dma_wait3A_465 = tpu.memref_squeeze %dma_wait3A_464 : memref<1x128x128xf32, #tpu.memory_space<hbm>> -> memref<128x128xf32, #tpu.memory_space<hbm>>
      %dma_wait3A_466 = arith.constant 0 : i32
      %dma_wait3A_467 = tpu.memref_slice %arg13[%add3A_457, %dma_wait3A_466] : memref<10240x128xf32, #tpu.memory_space<vmem_shared>> -> memref<128x128xf32, #tpu.memory_space<vmem_shared>>
      tpu.wait_dma2 semaphore(%run_scoped3A : memref<!tpu.dma_semaphore, #tpu.memory_space<semaphore_mem>>) src(%dma_wait3A_467 : memref<128x128xf32, #tpu.memory_space<vmem_shared>>) dst(%dma_wait3A_465 : memref<128x128xf32, #tpu.memory_space<hbm>>)
      tpu.yield
    }) : () -> ()
    return
  }
}

module attributes {stable_mosaic.version = 14 : i64} {
  func.func @_final_body(%arg0: memref<2x10240x128xf32, #tpu.memory_space<vmem>>, %arg1: memref<10000x128xf32, #tpu.memory_space<vmem>>, %arg2: memref<10000x1xf32, #tpu.memory_space<vmem>>, %arg3: memref<1x128xf32, #tpu.memory_space<vmem>>, %arg4: memref<10x128xf32, #tpu.memory_space<vmem>>, %arg5: memref<1x10xf32, #tpu.memory_space<vmem>>, %arg6: memref<10000x128xf32, #tpu.memory_space<vmem>>, %arg7: memref<10000x10xf32, #tpu.memory_space<vmem>>) attributes {dimension_semantics = [], scalar_prefetch = 0 : i64, scratch_operands = 0 : i64, tpu.core_type = #tpu.core_type<tc>} {
    %get3A = arith.constant 0 : index
    %get3A_0 = arith.constant 0 : index
    %get3A_1 = arith.constant 0 : index
    %get3A_2 = vector.load %arg0[%get3A, %get3A_0, %get3A_1] : memref<2x10240x128xf32, #tpu.memory_space<vmem>>, vector<1x10000x128xf32>
    %get3A_3 = vector.shape_cast %get3A_2 : vector<1x10000x128xf32> to vector<10000x128xf32>
    %get3A_4 = arith.constant 1 : index
    %get3A_5 = arith.constant 0 : index
    %get3A_6 = arith.constant 0 : index
    %get3A_7 = vector.load %arg0[%get3A_4, %get3A_5, %get3A_6] : memref<2x10240x128xf32, #tpu.memory_space<vmem>>, vector<1x10000x128xf32>
    %get3A_8 = vector.shape_cast %get3A_7 : vector<1x10000x128xf32> to vector<10000x128xf32>
    %add3A = arith.addf %get3A_3, %get3A_8 : vector<10000x128xf32>
    %get3A_9 = arith.constant 0 : index
    %get3A_10 = arith.constant 0 : index
    %get3A_11 = vector.load %arg1[%get3A_9, %get3A_10] : memref<10000x128xf32, #tpu.memory_space<vmem>>, vector<10000x128xf32>
    %add3A_12 = arith.addf %add3A, %get3A_11 : vector<10000x128xf32>
    %get3A_13 = arith.constant 0 : index
    %get3A_14 = arith.constant 0 : index
    %get3A_15 = vector.load %arg2[%get3A_13, %get3A_14] : memref<10000x1xf32, #tpu.memory_space<vmem>>, vector<10000x1xf32>
    %mul3A = vector.broadcast %get3A_15 : vector<10000x1xf32> to vector<10000x128xf32>
    %mul3A_16 = arith.mulf %add3A_12, %mul3A : vector<10000x128xf32>
    %get3A_17 = arith.constant 0 : index
    %get3A_18 = arith.constant 0 : index
    %get3A_19 = vector.load %arg3[%get3A_17, %get3A_18] : memref<1x128xf32, #tpu.memory_space<vmem>>, vector<1x128xf32>
    %add3A_20 = vector.broadcast %get3A_19 : vector<1x128xf32> to vector<10000x128xf32>
    %add3A_21 = arith.addf %mul3A_16, %add3A_20 : vector<10000x128xf32>
    %gt3A = arith.constant 0.000000e+00 : f32
    %gt3A_22 = vector.broadcast %gt3A : f32 to vector<10000x128xf32>
    %gt3A_23 = arith.cmpf ogt, %add3A_21, %gt3A_22 : vector<10000x128xf32>
    %mul3A_24 = arith.constant 0.00999999977 : f32
    %mul3A_25 = vector.broadcast %mul3A_24 : f32 to vector<10000x128xf32>
    %mul3A_26 = arith.mulf %mul3A_25, %add3A_21 : vector<10000x128xf32>
    %select_n3A = arith.select %gt3A_23, %add3A_21, %mul3A_26 : vector<10000x128xi1>, vector<10000x128xf32>
    %reduce_max3A = arith.constant dense<0xFF800000> : vector<10000xf32>
    %reduce_max3A_27 = vector.multi_reduction <maximumf>, %select_n3A, %reduce_max3A [1] : vector<10000x128xf32> to vector<10000xf32>
    %broadcast_in_dim3A = vector.shape_cast %reduce_max3A_27 : vector<10000xf32> to vector<10000x1xf32>
    %sub3A = vector.broadcast %broadcast_in_dim3A : vector<10000x1xf32> to vector<10000x128xf32>
    %sub3A_28 = arith.subf %select_n3A, %sub3A : vector<10000x128xf32>
    %exp3A = math.exp %sub3A_28 : vector<10000x128xf32>
    %swap3A = arith.constant 0 : index
    %swap3A_29 = arith.constant 0 : index
    %swap3A_30 = vector.load %arg6[%swap3A, %swap3A_29] : memref<10000x128xf32, #tpu.memory_space<vmem>>, vector<10000x128xf32>
    tpu.vector_store %arg6[%swap3A, %swap3A_29], %exp3A {strides = array<i32>} : memref<10000x128xf32, #tpu.memory_space<vmem>>, vector<10000x128xf32>,
    %get3A_31 = arith.constant 0 : index
    %get3A_32 = arith.constant 0 : index
    %get3A_33 = vector.load %arg4[%get3A_31, %get3A_32] : memref<10x128xf32, #tpu.memory_space<vmem>>, vector<10x128xf32>
    %abs3A = math.absf %get3A_33 : vector<10x128xf32>
    %div3A = arith.constant 6.000000e-01 : f32
    %div3A_34 = vector.broadcast %div3A : f32 to vector<10x128xf32>
    %div3A_35 = arith.divf %abs3A, %div3A_34 : vector<10x128xf32>
    %reduce_max3A_36 = arith.constant dense<0xFF800000> : vector<10xf32>
    %reduce_max3A_37 = vector.multi_reduction <maximumf>, %div3A_35, %reduce_max3A_36 [1] : vector<10x128xf32> to vector<10xf32>
    %broadcast_in_dim3A_38 = vector.shape_cast %reduce_max3A_37 : vector<10xf32> to vector<10x1xf32>
    %sub3A_39 = vector.broadcast %broadcast_in_dim3A_38 : vector<10x1xf32> to vector<10x128xf32>
    %sub3A_40 = arith.subf %div3A_35, %sub3A_39 : vector<10x128xf32>
    %exp3A_41 = math.exp %sub3A_40 : vector<10x128xf32>
    %reduce_sum3A = arith.constant dense<0.000000e+00> : vector<10xf32>
    %reduce_sum3A_42 = vector.multi_reduction <add>, %exp3A_41, %reduce_sum3A [1] : vector<10x128xf32> to vector<10xf32>
    %broadcast_in_dim3A_43 = vector.shape_cast %reduce_sum3A_42 : vector<10xf32> to vector<10x1xf32>
    %div3A_44 = vector.broadcast %broadcast_in_dim3A_43 : vector<10x1xf32> to vector<10x128xf32>
    %div3A_45 = arith.divf %exp3A_41, %div3A_44 : vector<10x128xf32>
    %reduce_max3A_46 = arith.constant dense<0xFF800000> : vector<10xf32>
    %reduce_max3A_47 = vector.multi_reduction <maximumf>, %div3A_45, %reduce_max3A_46 [1] : vector<10x128xf32> to vector<10xf32>
    %broadcast_in_dim3A_48 = vector.shape_cast %reduce_max3A_47 : vector<10xf32> to vector<10x1xf32>
    %div3A_49 = vector.broadcast %broadcast_in_dim3A_48 : vector<10x1xf32> to vector<10x128xf32>
    %div3A_50 = arith.divf %div3A_45, %div3A_49 : vector<10x128xf32>
    %mul3A_51 = arith.mulf %div3A_50, %get3A_33 : vector<10x128xf32>
    %transpose3A = tpu.transpose %mul3A_51, [1, 0] : vector<10x128xf32> -> vector<128x10xf32>
    %dot_general3A = arith.constant dense<0.000000e+00> : vector<10000x10xf32>
    %dot_general3A_52 = tpu.matmul %exp3A, %transpose3A, %dot_general3A {dimension_numbers = #tpu.dot_dimension_numbers<[1], [0], [0], [1], [0, 0, 1, 1], [], []>, transpose_lhs_hint = false} : vector<10000x128xf32>, vector<128x10xf32>, vector<10000x10xf32> -> vector<10000x10xf32>
    %get3A_53 = arith.constant 0 : index
    %get3A_54 = arith.constant 0 : index
    %get3A_55 = vector.load %arg5[%get3A_53, %get3A_54] : memref<1x10xf32, #tpu.memory_space<vmem>>, vector<1x10xf32>
    %add3A_56 = vector.broadcast %get3A_55 : vector<1x10xf32> to vector<10000x10xf32>
    %add3A_57 = arith.addf %dot_general3A_52, %add3A_56 : vector<10000x10xf32>
    %reduce_max3A_58 = arith.constant dense<0xFF800000> : vector<10xf32>
    %reduce_max3A_59 = vector.multi_reduction <maximumf>, %add3A_57, %reduce_max3A_58 [0] : vector<10000x10xf32> to vector<10xf32>
    %broadcast_in_dim3A_60 = vector.shape_cast %reduce_max3A_59 : vector<10xf32> to vector<1x10xf32>
    %sub3A_61 = vector.broadcast %broadcast_in_dim3A_60 : vector<1x10xf32> to vector<10000x10xf32>
    %sub3A_62 = arith.subf %add3A_57, %sub3A_61 : vector<10000x10xf32>
    %exp3A_63 = math.exp %sub3A_62 : vector<10000x10xf32>
    %reduce_sum3A_64 = arith.constant dense<0.000000e+00> : vector<10xf32>
    %reduce_sum3A_65 = vector.multi_reduction <add>, %exp3A_63, %reduce_sum3A_64 [0] : vector<10000x10xf32> to vector<10xf32>
    %broadcast_in_dim3A_66 = vector.shape_cast %reduce_sum3A_65 : vector<10xf32> to vector<1x10xf32>
    %log3A = math.log %broadcast_in_dim3A_66 : vector<1x10xf32>
    %add3A_67 = arith.addf %broadcast_in_dim3A_60, %log3A : vector<1x10xf32>
    %sub3A_68 = vector.broadcast %add3A_67 : vector<1x10xf32> to vector<10000x10xf32>
    %sub3A_69 = arith.subf %add3A_57, %sub3A_68 : vector<10000x10xf32>
    %swap3A_70 = arith.constant 0 : index
    %swap3A_71 = arith.constant 0 : index
    %swap3A_72 = vector.load %arg7[%swap3A_70, %swap3A_71] : memref<10000x10xf32, #tpu.memory_space<vmem>>, vector<10000x10xf32>
    tpu.vector_store %arg7[%swap3A_70, %swap3A_71], %sub3A_69 {strides = array<i32>} : memref<10000x10xf32, #tpu.memory_space<vmem>>, vector<10000x10xf32>,
    return
  }
}

module attributes {stable_mosaic.version = 14 : i64} {
  func.func @_mids_body(%arg0: memref<2x10240x128xf32, #tpu.memory_space<vmem>>, %arg1: memref<10000x128xf32, #tpu.memory_space<vmem>>, %arg2: memref<10000x1xf32, #tpu.memory_space<vmem>>, %arg3: memref<1x128xf32, #tpu.memory_space<vmem>>, %arg4: memref<128x128xf32, #tpu.memory_space<vmem>>, %arg5: memref<10000x128xf32, #tpu.memory_space<vmem>>) attributes {dimension_semantics = [], scalar_prefetch = 0 : i64, scratch_operands = 0 : i64, tpu.core_type = #tpu.core_type<tc>} {
    %get3A = arith.constant 0 : index
    %get3A_0 = arith.constant 0 : index
    %get3A_1 = vector.load %arg2[%get3A, %get3A_0] : memref<10000x1xf32, #tpu.memory_space<vmem>>, vector<10000x1xf32>
    %get3A_2 = arith.constant 0 : index
    %get3A_3 = arith.constant 0 : index
    %get3A_4 = arith.constant 0 : index
    %get3A_5 = vector.load %arg0[%get3A_2, %get3A_3, %get3A_4] : memref<2x10240x128xf32, #tpu.memory_space<vmem>>, vector<1x10000x128xf32>
    %get3A_6 = vector.shape_cast %get3A_5 : vector<1x10000x128xf32> to vector<10000x128xf32>
    %get3A_7 = arith.constant 1 : index
    %get3A_8 = arith.constant 0 : index
    %get3A_9 = arith.constant 0 : index
    %get3A_10 = vector.load %arg0[%get3A_7, %get3A_8, %get3A_9] : memref<2x10240x128xf32, #tpu.memory_space<vmem>>, vector<1x10000x128xf32>
    %get3A_11 = vector.shape_cast %get3A_10 : vector<1x10000x128xf32> to vector<10000x128xf32>
    %add3A = arith.addf %get3A_6, %get3A_11 : vector<10000x128xf32>
    %get3A_12 = arith.constant 0 : index
    %get3A_13 = arith.constant 0 : index
    %get3A_14 = vector.load %arg1[%get3A_12, %get3A_13] : memref<10000x128xf32, #tpu.memory_space<vmem>>, vector<10000x128xf32>
    %add3A_15 = arith.addf %add3A, %get3A_14 : vector<10000x128xf32>
    %mul3A = vector.broadcast %get3A_1 : vector<10000x1xf32> to vector<10000x128xf32>
    %mul3A_16 = arith.mulf %add3A_15, %mul3A : vector<10000x128xf32>
    %get3A_17 = arith.constant 0 : index
    %get3A_18 = arith.constant 0 : index
    %get3A_19 = vector.load %arg3[%get3A_17, %get3A_18] : memref<1x128xf32, #tpu.memory_space<vmem>>, vector<1x128xf32>
    %add3A_20 = vector.broadcast %get3A_19 : vector<1x128xf32> to vector<10000x128xf32>
    %add3A_21 = arith.addf %mul3A_16, %add3A_20 : vector<10000x128xf32>
    %gt3A = arith.constant 0.000000e+00 : f32
    %gt3A_22 = vector.broadcast %gt3A : f32 to vector<10000x128xf32>
    %gt3A_23 = arith.cmpf ogt, %add3A_21, %gt3A_22 : vector<10000x128xf32>
    %mul3A_24 = arith.constant 0.00999999977 : f32
    %mul3A_25 = vector.broadcast %mul3A_24 : f32 to vector<10000x128xf32>
    %mul3A_26 = arith.mulf %mul3A_25, %add3A_21 : vector<10000x128xf32>
    %select_n3A = arith.select %gt3A_23, %add3A_21, %mul3A_26 : vector<10000x128xi1>, vector<10000x128xf32>
    %get3A_27 = arith.constant 0 : index
    %get3A_28 = arith.constant 0 : index
    %get3A_29 = vector.load %arg4[%get3A_27, %get3A_28] : memref<128x128xf32, #tpu.memory_space<vmem>>, vector<128x128xf32>
    %dot_general3A = arith.constant dense<0.000000e+00> : vector<10000x128xf32>
    %dot_general3A_30 = tpu.matmul %select_n3A, %get3A_29, %dot_general3A {dimension_numbers = #tpu.dot_dimension_numbers<[1], [0], [0], [1], [0, 0, 1, 1], [], []>, transpose_lhs_hint = false} : vector<10000x128xf32>, vector<128x128xf32>, vector<10000x128xf32> -> vector<10000x128xf32>
    %mul3A_31 = vector.broadcast %get3A_1 : vector<10000x1xf32> to vector<10000x128xf32>
    %mul3A_32 = arith.mulf %dot_general3A_30, %mul3A_31 : vector<10000x128xf32>
    %swap3A = arith.constant 0 : index
    %swap3A_33 = arith.constant 0 : index
    %swap3A_34 = vector.load %arg5[%swap3A, %swap3A_33] : memref<10000x128xf32, #tpu.memory_space<vmem>>, vector<10000x128xf32>
    tpu.vector_store %arg5[%swap3A, %swap3A_33], %mul3A_32 {strides = array<i32>} : memref<10000x128xf32, #tpu.memory_space<vmem>>, vector<10000x128xf32>,
    return
  }
}

module attributes {stable_mosaic.version = 14 : i64} {
  func.func @_mm0s_body(%arg0: memref<2x10240xf32, #tpu.memory_space<vmem>>, %arg1: memref<10000x128xf32, #tpu.memory_space<vmem>>, %arg2: memref<128x128xf32, #tpu.memory_space<vmem>>, %arg3: memref<10000x128xf32, #tpu.memory_space<vmem>>, %arg4: memref<10000x1xf32, #tpu.memory_space<vmem>>) attributes {dimension_semantics = [], scalar_prefetch = 0 : i64, scratch_operands = 0 : i64, tpu.core_type = #tpu.core_type<tc>} {
    %get3A = arith.constant 0 : index
    %get3A_0 = arith.constant 0 : index
    %get3A_1 = vector.load %arg0[%get3A, %get3A_0] : memref<2x10240xf32, #tpu.memory_space<vmem>>, vector<1x10000xf32>
    %get3A_2 = vector.shape_cast %get3A_1 : vector<1x10000xf32> to vector<10000xf32>
    %get3A_3 = arith.constant 1 : index
    %get3A_4 = arith.constant 0 : index
    %get3A_5 = vector.load %arg0[%get3A_3, %get3A_4] : memref<2x10240xf32, #tpu.memory_space<vmem>>, vector<1x10000xf32>
    %get3A_6 = vector.shape_cast %get3A_5 : vector<1x10000xf32> to vector<10000xf32>
    %add3A = arith.addf %get3A_2, %get3A_6 : vector<10000xf32>
    %add3A_7 = arith.constant 1.000000e+00 : f32
    %add3A_8 = vector.broadcast %add3A_7 : f32 to vector<10000xf32>
    %add3A_9 = arith.addf %add3A, %add3A_8 : vector<10000xf32>
    %gt3A = arith.constant 0.000000e+00 : f32
    %gt3A_10 = vector.broadcast %gt3A : f32 to vector<10000xf32>
    %gt3A_11 = arith.cmpf ogt, %add3A_9, %gt3A_10 : vector<10000xf32>
    %rsqrt3A = math.rsqrt %add3A_9 : vector<10000xf32>
    %jit3A = arith.constant 0.000000e+00 : f32
    %broadcast_in_dim3A = vector.broadcast %jit3A : f32 to vector<10000xf32>
    %select_n3A = arith.select %gt3A_11, %rsqrt3A, %broadcast_in_dim3A : vector<10000xi1>, vector<10000xf32>
    %reshape3A = vector.shape_cast %select_n3A : vector<10000xf32> to vector<10000x1xf32>
    %swap3A = arith.constant 0 : index
    %swap3A_12 = arith.constant 0 : index
    %swap3A_13 = vector.load %arg4[%swap3A, %swap3A_12] : memref<10000x1xf32, #tpu.memory_space<vmem>>, vector<10000x1xf32>
    tpu.vector_store %arg4[%swap3A, %swap3A_12], %reshape3A {strides = array<i32>} : memref<10000x1xf32, #tpu.memory_space<vmem>>, vector<10000x1xf32>,
    %get3A_14 = arith.constant 0 : index
    %get3A_15 = arith.constant 0 : index
    %get3A_16 = vector.load %arg1[%get3A_14, %get3A_15] : memref<10000x128xf32, #tpu.memory_space<vmem>>, vector<10000x128xf32>
    %get3A_17 = arith.constant 0 : index
    %get3A_18 = arith.constant 0 : index
    %get3A_19 = vector.load %arg2[%get3A_17, %get3A_18] : memref<128x128xf32, #tpu.memory_space<vmem>>, vector<128x128xf32>
    %dot_general3A = arith.constant dense<0.000000e+00> : vector<10000x128xf32>
    %dot_general3A_20 = tpu.matmul %get3A_16, %get3A_19, %dot_general3A {dimension_numbers = #tpu.dot_dimension_numbers<[1], [0], [0], [1], [0, 0, 1, 1], [], []>, transpose_lhs_hint = false} : vector<10000x128xf32>, vector<128x128xf32>, vector<10000x128xf32> -> vector<10000x128xf32>
    %mul3A = vector.broadcast %reshape3A : vector<10000x1xf32> to vector<10000x128xf32>
    %mul3A_21 = arith.mulf %dot_general3A_20, %mul3A : vector<10000x128xf32>
    %swap3A_22 = arith.constant 0 : index
    %swap3A_23 = arith.constant 0 : index
    %swap3A_24 = vector.load %arg3[%swap3A_22, %swap3A_23] : memref<10000x128xf32, #tpu.memory_space<vmem>>, vector<10000x128xf32>
    tpu.vector_store %arg3[%swap3A_22, %swap3A_23], %mul3A_21 {strides = array<i32>} : memref<10000x128xf32, #tpu.memory_space<vmem>>, vector<10000x128xf32>,
    return
  }
}

</mosaic_0001>

<sc_bundles>
// kernel: kernel.12.cloned.1.call-start
scs
__scs_entry_jumppad:
0x0: {  	(pc) =	sbr.rel $0x88, $3  }
0x1: {  	(tag) =	ssettag $0x0;
	lr =	simm.s32 $0x1  }
0x2: {  	[smem:$0x3F95] =	sst lr;
	_ =	strace $0xD0000000  }
0x3: {  	_ = 	snop  }
0x4: {  	_ = 	snop  }
0x5: {  	_ = 	snop  }
0x6: {  	_ = 	snop  }
0x7: {  	_ = 	snop  }
__scs_overlays_trampoline_lowered:
0x8: {  	[smem:$0x3FA4] =	sst s0  }
0x9: {  	[smem:$0x3FA5] =	sst s1  }
0xa: {  	[smem:$0x3FA6] =	sst s2  }
0xb: {  	[smem:$0x3FA7] =	sst s3  }
0xc: {  	[smem:$0x3FA8] =	sst s4  }
0xd: {  	[smem:$0x3FA9] =	sst s5  }
0xe: {  	[smem:$0x3FAA] =	sst s6  }
0xf: {  	[smem:$0x3FAB] =	sst s7  }
0x10: {  	[smem:$0x3FAC] =	sst s8  }
0x11: {  	[smem:$0x3FAD] =	sst s9;
	s0 =	simm.s32 @!p0 $0x0  }
0x12: {  	s1 =	sld [smem:$0x3F93];
	s0 =	simm.s32 @p0 $0x1  }
0x13: {  	[smem:$0x3FAE] =	sst s0;
	s0 =	simm.s32 @!p1 $0x0  }
0x14: {  	s2 =	sld [smem:$0x3F92];
	s0 =	simm.s32 @p1 $0x1  }
0x15: {  	[smem:$0x3FAF] =	sst s0;
	s0 =	simm.s32 @!p2 $0x0  }
0x16: {  	s3 =	sld [smem:$0x3FDB];
	s0 =	simm.s32 @p2 $0x1  }
0x17: {  	s4 =	simm.s32 $0x1BF5;
	[smem:$0x3FB1] =	sst s0  }
0x18: {  	s0 =	sld [smem:$0x3F94];
	_ =	swait.ge [sflag:s4], $0x0  }
0x19: {  	s7 =	sld [smem:$0x3F95]  }
0x1a: {  	s8 =	sadd.s32 $0xFFFFE003, lr  }
0x1b: {  	s9 =	sadd.s32 $0xFFFFFEF7, lr;
	s5 =	simm.s32 $0xFFFFFFFF;
	p2 =	slt.u32 s8, $0xFFFFF086  }
0x1c: {  	p1 =	slt.u32 s9, $0xF7A;
	s5 =	simm.s32 @!p2 $0x0  }
0x1d: {  	s5 =	simm.s32 @p1 $0x1;
	p0 =	seq.s32 s7, s2  }
0x1e: {  	s7 =	smul.u32 @!p0 $0xF7A, s2;
	p2 =	seq.s32 @!p0 s5, $0x0  }
0x1f: {  	s9 =	smul.u32 $0xF7A, s1;
	s8 =	simm.s32 @!p0 $0x1BF5;
	p2 =	por !p2, p0  }
0x20: {  	[sflag:s8] =	ssyncset.s32 @!p0 $0xFFFFF086;
	s6 =	sadd.s32 @!p0 s3, s7;
	s7 =	simm.s32 @!p0 $0x108  }
0x21: {  	s3 =	sadd.s32 s3, s9;
	s6 =	sadd.s32 @!p0 $0x88, s6;
	s7 =	simm.s32 @p2 $0x1082  }
0x22: {  	[simem:s7], [sflag:s8] =	dma.local @!p0 [hbm:s6], $0xF7A  }
0x23: {  	s9 =	sor.u32 $0xD0000000, s2;
	s6 =	simm.s32 $0x108;
	_ =	swait.ge @!p0 [sflag:s8], $0x0  }
0x24: {  	s3 =	sadd.s32 $0x88, s3;
	s6 =	simm.s32 @!p1 $0x1082;
	[sflag:s4] =	ssyncset.s32 $0xFFFFF086  }
0x25: {  	[simem:s6], [sflag:s4] =	dma.local [hbm:s3], $0xF7A  }
0x26: {  	[smem:$0x3F95] =	sst s1;
	(tag) =	ssettag s2;
	_ =	strace s9  }
0x27: {  	s1 =	sld [smem:$0x3FA5]  }
0x28: {  	s2 =	sld [smem:$0x3FA6]  }
0x29: {  	s4 =	sld [smem:$0x3FA8]  }
0x2a: {  	p0 =	seq.s32 s5, $0x0;
	s5 =	sld [smem:$0x3FA9]  }
0x2b: {  	s6 =	sld [smem:$0x3FAA]  }
0x2c: {  	s7 =	sld [smem:$0x3FAB]  }
0x2d: {  	s3 =	simm.s32 $0x108;
	s8 =	sld [smem:$0x3FAC]  }
0x2e: {  	s3 =	simm.s32 @!p0 $0x1082;
	s9 =	sld [smem:$0x3FAD]  }
0x2f: {  	lr =	sadd.s32 s0, s3;
	s0 =	sld [smem:$0x3FA4]  }
0x30: {  	s3 =	sld [smem:$0x3FA7]  }
0x31: {  	[smem:$0x3FB0] =	sst s10  }
0x32: {  	s10 =	sld [smem:$0x3FAE];
	_ =	sdelay $0x3  }
0x33: {  	p0 =	seq.s32 s10, $0x1;
	s10 =	sld [smem:$0x3FB0];
	_ =	sdelay $0x3  }
0x34: {  	[smem:$0x3FB0] =	sst s10  }
0x35: {  	s10 =	sld [smem:$0x3FAF];
	_ =	sdelay $0x3  }
0x36: {  	p1 =	seq.s32 s10, $0x1;
	s10 =	sld [smem:$0x3FB0];
	_ =	sdelay $0x3  }
0x37: {  	[smem:$0x3FB0] =	sst s10  }
0x38: {  	s10 =	sld [smem:$0x3FB1]  }
0x39: {  	_ = 	snop;
	(pc) =	sbr.ind lr, $3  }
0x3a: {  	_ = 	snop  }
0x3b: {  	_ = 	snop  }
0x3c: {  	p2 =	seq.s32 s10, $0x1;
	s10 =	sld [smem:$0x3FB0]  }
0x3d: {  	_ =	shalt  }
0x3e: {  	_ =	shalt  }
0x3f: {  	_ =	shalt  }
0x40: {  	_ =	shalt  }
0x41: {  	_ =	shalt  }
0x42: {  	_ =	shalt  }
0x43: {  	_ =	shalt  }
0x44: {  	_ =	shalt  }
0x45: {  	_ =	shalt  }
0x46: {  	_ =	shalt  }
0x47: {  	_ =	shalt  }
0x48: {  	_ =	shalt  }
0x49: {  	_ =	shalt  }
0x4a: {  	_ =	shalt  }
0x4b: {  	_ =	shalt  }
0x4c: {  	_ =	shalt  }
0x4d: {  	_ =	shalt  }
0x4e: {  	_ =	shalt  }
0x4f: {  	_ =	shalt  }
0x50: {  	_ =	shalt  }
0x51: {  	_ =	shalt  }
0x52: {  	_ =	shalt  }
0x53: {  	_ =	shalt  }
0x54: {  	_ =	shalt  }
0x55: {  	_ =	shalt  }
0x56: {  	_ =	shalt  }
0x57: {  	_ =	shalt  }
0x58: {  	_ =	shalt  }
0x59: {  	_ =	shalt  }
0x5a: {  	_ =	shalt  }
0x5b: {  	_ =	shalt  }
0x5c: {  	_ =	shalt  }
0x5d: {  	_ =	shalt  }
0x5e: {  	_ =	shalt  }
0x5f: {  	_ =	shalt  }
0x60: {  	_ =	shalt  }
0x61: {  	_ =	shalt  }
0x62: {  	_ =	shalt  }
0x63: {  	_ =	shalt  }
0x64: {  	_ =	shalt  }
0x65: {  	_ =	shalt  }
0x66: {  	_ =	shalt  }
0x67: {  	_ =	shalt  }
0x68: {  	_ =	shalt  }
0x69: {  	_ =	shalt  }
0x6a: {  	_ =	shalt  }
0x6b: {  	_ =	shalt  }
0x6c: {  	_ =	shalt  }
0x6d: {  	_ =	shalt  }
0x6e: {  	_ =	shalt  }
0x6f: {  	_ =	shalt  }
0x70: {  	_ =	shalt  }
0x71: {  	_ =	shalt  }
0x72: {  	_ =	shalt  }
0x73: {  	_ =	shalt  }
0x74: {  	_ =	shalt  }
0x75: {  	_ =	shalt  }
0x76: {  	_ =	shalt  }
0x77: {  	_ =	shalt  }
0x78: {  	_ =	shalt  }
0x79: {  	_ =	shalt  }
0x7a: {  	_ =	shalt  }
0x7b: {  	_ =	shalt  }
0x7c: {  	_ =	shalt  }
0x7d: {  	_ =	shalt  }
0x7e: {  	_ =	shalt  }
0x7f: {  	_ =	shalt  }
0x80: {  	_ =	shalt  }
0x81: {  	_ =	shalt  }
0x82: {  	_ =	shalt  }
0x83: {  	_ =	shalt  }
0x84: {  	_ =	shalt  }
0x85: {  	_ =	shalt  }
0x86: {  	_ =	shalt  }
0x87: {  	_ =	shalt  }
.Lfunc_end0:
.L_simem_size_0:
called_computation_lowered:
.L_overlay_start_0:
0x88: {  	s2 =	sld [smem:$0x3FD9]  }
0x89: {  	s3 =	sld [smem:$0x3FFE];
	_ =	sdelay $0x1  }
0x8a: {  	s1 =	srdreg.scid  }
0x8b: {  	s0 =	sand.u32 $0x1, s1  }
0x8c: {  	s14 =	sshll.u32 s0, $0xA;
	s2 =	sadd.s32 s3, s2  }
0x8d: {  	s2 =	sadd.s32 s2, s14  }
0x8e: {  	[smem:$0x3FBC] =	sst s2  }
0x8f: {  	_ = 	snop  }
0x90: {  	s2 =	sld [smem:$0x3FD0];
	_ =	sdelay $0x2  }
0x91: {  	s15 =	simm.s32 $0xA;
	s4 =	simm.s32 $0x10  }
0x92: {  	[smem:s4], [sflag:s15] =	dma.local [hbm:s2], $0x1  }
0x93: {  	_ =	swait.eq [sflag:s15], $0x1  }
0x94: {  	[sflag:s15] =	ssyncset.done $0x0  }
0x95: {  	[sflag:s15] =	ssyncadd.s32 $0xFFFFFFFF  }
0x96: {  	s16 =	sld [smem:$0x11];
	(tm) =	ssettm $0x1  }
0x97: {  	s17 =	sld [smem:$0x3FFB];
	_ =	sdelay $0x3  }
0x98: {  	_ =	strace s17  }
0x99: {  	s3 =	sld [smem:$0x3FFC];
	_ =	sdelay $0x3  }
0x9a: {  	_ =	strace s3  }
0x9b: {  	s3 =	sld [smem:$0x3FFD];
	_ =	sdelay $0x3  }
0x9c: {  	_ =	strace s3  }
0x9d: {  	_ =	strace $0x8FFFFFFF  }
0x9e: {  	s18 =	sld [smem:$0x3FDB];
	_ =	sdelay $0x1  }
0x9f: {  	s19 =	simm.s32 $_scs_section_size  }
0xa0: {  	s5 =	simm.s32 $_size__tile_overlayer_lowered;
	s6 =	simm.s32 $_tile_overlayer_lowered  }
0xa1: {  	s22 =	simm.s32 $0x1BFF;
	s21 =	sshll.u32 s6, $0x1;
	s3 =	sadd.s32 s19, s18  }
0xa2: {  	s7 =	simm.s32 $0x0;
	s20 =	sshll.u32 s5, $0x1;
	s5 =	sadd.s32 s21, s3  }
0xa3: {  	[timem:s7], [sflag:s22] =	dma.local [hbm:s5], s20  }
0xa4: {  	_ =	swait.ge [sflag:s22], s20  }
0xa5: {  	s4 =	ssub.s32 $0x0, s20;
	[sflag:s22] =	ssyncset.done $0x0  }
0xa6: {  	[sflag:s22] =	ssyncadd.s32 s4;
	_ =	sdelay $0x1  }
0xa7: {  	s23 =	simm.s32 $0x1B8B  }
0xa8: {  	_ =	swait.ge [sflag:s23], $0x1  }
0xa9: {  	[sflag:s23] =	ssyncset.done $0x0  }
0xaa: {  	s25 =	simm.s32 $0x1B8E;
	s24 =	sld [smem:$0x3FFE];
	[sflag:s23] =	ssyncadd.s32 $0xFFFFFFFF  }
0xab: {  	s26 =	simm.s32 $execute0_lowered;
	[smem:$0x3FD2] =	sst s25  }
0xac: {  	s5 =	sshll.u32 s26, $0x1;
	_ =	strace $0x80000046;
	[dreg:$0x1] =	wrdreg $0xFFFFFFFF  }
0xad: {  	s28 =	simm.s32 $_size_execute0_lowered;
	s3 =	sadd.s32 s3, s5;
	[dreg:$0x0] =	wrdreg $0x0  }
0xae: {  	s5 =	sshll.u32 s28, $0x1;
	[dreg:$0x2] =	wrdreg s3  }
0xaf: {  	[dreg:$0x3] =	wrdreg s5  }
0xb0: {  	[dreg:$0x4] =	wrdreg $0xC0  }
0xb1: {  	_ =	task [dreg:s7], $0x5FFFF  }
0xb2: {  	[dreg:$0x1] =	wrdreg $0xFFFFFFFF  }
0xb3: {  	[dreg:$0x0] =	wrdreg $0x60  }
0xb4: {  	[dreg:$0x2] =	wrdreg s24  }
0xb5: {  	[dreg:$0x3] =	wrdreg s16  }
0xb6: {  	[dreg:$0x4] =	wrdreg $0x6000  }
0xb7: {  	[dreg:$0x5] =	wrdreg $0x9  }
0xb8: {  	_ =	task.clear_ibuf [dreg:s7], $0x6FFFF;
	_ =	strace $0x90000046  }
0xb9: {  	s29 =	simm.s32 $0x9;
	_ =	strace $0x80000048  }
0xba: {  	_ =	swait.ge [sflag:s29], $0x1  }
0xbb: {  	[sflag:s29] =	ssyncadd.s32 $0xFFFFFFFF  }
0xbc: {  	_ =	strace $0x90000048  }
0xbd: {  	_ =	sfence  }
0xbe: {  	s30 =	sld [smem:$0x0];
	_ =	sdelay $0x2  }
0xbf: {  	s31 =	sshll.u32 s1, $0xD;
	s1 =	sshrl.u32 s1, $0x2  }
0xc0: {  	s3 =	sand.u32 $0x4000, s31;
	s1 =	sadd.s32 s1, s30  }
0xc1: {  	s0 =	sor.u32 s3, s0;
	s1 =	sshll.u32 s1, $0x11  }
0xc2: {  	s0 =	sor.u32 s1, s0  }
0xc3: {  	s0 =	sadd.s32 $0x8F2B, s0  }
0xc4: {  	[sflag:s0] =	ssyncadd.remote.s32 $0x1  }
0xc5: {  	_ =	sfence.sel $0xFFFF  }
0xc6: {  	[dreg:$0x0] =	wrdreg $0xFFFFFFFF;
	(pc) =	sbr.abs _section_cstart, $3  }
0xc7: {  	[dreg:$0x1] =	wrdreg $0xFFFFFFFF  }
0xc8: {  	_ =	task.clear_ibuf [dreg:s7], $0x2FFFF;
	_ =	strace $0x9FFFFFFF  }
0xc9: {  	(tm) =	ssettm $0x7FFFFFFF  }
tec
execute0_lowered:
.L_overlay_start_1:
0x0: {  	(tag) =	ssettag $0x1  }
0x1: {  	s0 =	rddreg [dreg:$0x0]  }
0x2: {  	s1 =	rddreg [dreg:$0x1]  }
0x3: {  	s2 =	rddreg [dreg:$0x2];
	s3 =	srdreg.scid  }
0x4: {  	s13 =	stileid.u32;
	s14 =	simm.s32 $0x3;
	s15 =	simm.s32 $0x80  }
0x5: {  	s16 =	simm.s32 $0x1;
	s17 =	simm.s32 $0x200;
	s20 =	simm.s32 $0x2  }
0x6: {  	s21 =	simm.s32 $0x280;
	s22 =	simm.s32 $0x10;
	s23 =	simm.s32 $0x300  }
0x7: {  	s6 =	sand.u32 $0x1, s3;
	s4 =	sshll.u32 s13, $0x1;
	s5 =	smul.u32 $0xA00, s13  }
0x8: {  	s3 =	simm.s32 $0x0;
	s9 =	smul.u32 $0x500, s13;
	s0 =	sadd.s32 $0xDC00, s0  }
0x9: {  	s25 =	smul.u32 $0x4E20, s13;
	s31 =	sshll.u32 s13, $0x6;
	s4 =	sor.u32 s6, s4  }
0xa: {  	[smem:$0x7FF] =	sst s3;
	s7 =	ssub.s32 $0x2, s6;
	s11 =	smul.u32 $0x2710, s6  }
0xb: {  	s28 =	sshll.u32 s6, $0x7;
	s24 =	sor.u32 $0x1C03, s31;
	s4 =	smul.u32 $0x2710, s4  }
0xc: {  	_ =	strace $0x80000047;
	s8 =	sshrl.u32 s7, $0x1;
	s5 =	sshrl.u32 s5, $0x2  }
0xd: {  	s10 =	ssub.s32 s7, s8;
	s8 =	sor.u32 s28, s9;
	s29 =	sadd.s32 s11, s25  }
0xe: {  	s25 =	simm.s32 $0x20;
	s26 =	sshrl.u32 s4, $0x3;
	s4 =	sadd.s32 s5, s2  }
0xf: {  	s8 =	sshrl.u32 s8, $0x3;
	s11 =	sadd.s32 $0x200, s29;
	s9 =	smax.u32 s10, $0x1  }
0x10: {  	s5 =	sadd.s32 s0, s26;
	s8 =	sadd.s32 s1, s8;
	s30 =	sshrl.u32 s11, $0x3  }
0x11: {  	s26 =	simm.s32 $0x0;
	s6 =	sadd.s32 $0x10, s5;
	s7 =	sadd.s32 $0x4E0, s5  }
0x12: {  	v0 =	vimm.f32 $0.0e+00;
	v1 =	vimm.f32 $1.000000000e+00;
	s10 =	sadd.s32 $0x20, s5;
	s11 =	sadd.s32 $0x30, s5;
	s12 =	sadd.s32 s30, s0  }
.LBB2_1:
0x13: {  	[tilespmem:$0x380] =	vst v0  }
0x14: {  	[tilespmem:$0x390] =	vst v0  }
0x15: {  	[tilespmem:$0x3A0] =	vst v0  }
0x16: {  	[tilespmem:$0x3B0] =	vst v0  }
0x17: {  	[tilespmem:$0x3C0] =	vst v0  }
0x18: {  	[tilespmem:$0x3D0] =	vst v0  }
0x19: {  	[tilespmem:$0x3E0] =	vst v0  }
0x1a: {  	[tilespmem:$0x3F0] =	vst v0  }
0x1b: {  	[tilespmem:$0x400] =	vst v0  }
0x1c: {  	[tilespmem:$0x410] =	vst v0  }
0x1d: {  	[tilespmem:$0x420] =	vst v0  }
0x1e: {  	[tilespmem:$0x430] =	vst v0  }
0x1f: {  	[tilespmem:$0x440] =	vst v0  }
0x20: {  	[tilespmem:$0x450] =	vst v0  }
0x21: {  	[tilespmem:$0x460] =	vst v0  }
0x22: {  	[tilespmem:$0x470] =	vst v0  }
0x23: {  	[tilespmem:$0x480] =	vst v0  }
0x24: {  	[tilespmem:$0x490] =	vst v0  }
0x25: {  	[tilespmem:$0x4A0] =	vst v0  }
0x26: {  	[tilespmem:$0x4B0] =	vst v0  }
0x27: {  	[tilespmem:$0x4C0] =	vst v0  }
0x28: {  	[tilespmem:$0x4D0] =	vst v0  }
0x29: {  	[tilespmem:$0x4E0] =	vst v0  }
0x2a: {  	[tilespmem:$0x4F0] =	vst v0  }
0x2b: {  	[tilespmem:$0x500] =	vst v0  }
0x2c: {  	[tilespmem:$0x510] =	vst v0  }
0x2d: {  	[tilespmem:$0x520] =	vst v0  }
0x2e: {  	[tilespmem:$0x530] =	vst v0  }
0x2f: {  	[tilespmem:$0x540] =	vst v0  }
0x30: {  	[tilespmem:$0x550] =	vst v0  }
0x31: {  	[tilespmem:$0x560] =	vst v0  }
0x32: {  	[tilespmem:$0x570] =	vst v0  }
0x33: {  	[tilespmem:$0x580] =	vst v0  }
0x34: {  	[tilespmem:$0x590] =	vst v0  }
0x35: {  	[tilespmem:$0x5A0] =	vst v0  }
0x36: {  	[tilespmem:$0x5B0] =	vst v0  }
0x37: {  	[tilespmem:$0x5C0] =	vst v0  }
0x38: {  	[tilespmem:$0x5D0] =	vst v0  }
0x39: {  	[tilespmem:$0x5E0] =	vst v0  }
0x3a: {  	[tilespmem:$0x5F0] =	vst v0  }
0x3b: {  	[tilespmem:$0x200] =	vst v1  }
0x3c: {  	[tilespmem:$0x210] =	vst v1  }
0x3d: {  	[tilespmem:$0x220] =	vst v1  }
0x3e: {  	[tilespmem:$0x230] =	vst v1  }
0x3f: {  	[tilespmem:$0x240] =	vst v1  }
0x40: {  	[tilespmem:$0x250] =	vst v1  }
0x41: {  	[tilespmem:$0x260] =	vst v1  }
0x42: {  	[tilespmem:$0x270] =	vst v1  }
0x43: {  	[tilespmem:$0x300] =	vst v1;
	s0 =	simm.s32 $0x380  }
0x44: {  	[spmem:s4] =	stream.linear.scatter [tilespmem:s0], [sflag:$0x3], $0x280, $0x38;
	[tilespmem:$0x880] =	vst v63  }
0x45: {  	_ =	swait.ge [sflag:s14], $0x280  }
0x46: {  	[sflag:s14] =	ssyncset.done $0x0  }
0x47: {  	[sflag:s14] =	ssyncadd.s32 $0xFFFFFD80  }
0x48: {  	[bflag:$0x0] =	sbarrier.arrive $0xFFFF  }
0x49: {  	[tilespmem:s3], [sflag:$0x1] =	stream.linear.gather [hbm4b:s5+s3], $0x80, $0x38;
	[tilespmem:$0x880] =	vst v63  }
0x4a: {  	_ = 	snop  }
0x4b: {  	[tilespmem:s15], [sflag:$0x1] =	stream.linear.gather [hbm4b:s6+s3], $0x80, $0x38;
	[tilespmem:$0x880] =	vst v63  }
0x4c: {  	_ =	swait.ge [sflag:s16], $0x80  }
0x4d: {  	[sflag:s16] =	ssyncset.done $0x0  }
0x4e: {  	[sflag:s16] =	ssyncadd.s32 $0xFFFFFF80  }
0x4f: {  	[spmem:s2] =	stream.indirect.scatter.add.f32 [tilespmem:s17], [sflag:$0x2], $0x1, s3, s15, $0xb8;
	[tilespmem:$0x880] =	vst v63  }
0x50: {  	s13 =	simm.s32 $0x100  }
0x51: {  	[tilespmem:s13], [sflag:$0x1] =	stream.linear.gather [hbm4b:s10+s3], $0x80, $0x38;
	[tilespmem:$0x880] =	vst v63  }
0x52: {  	_ =	swait.ge [sflag:s16], $0x80  }
0x53: {  	[sflag:s16] =	ssyncset.done $0x0  }
0x54: {  	[sflag:s16] =	ssyncadd.s32 $0xFFFFFF80  }
0x55: {  	[spmem:s2] =	stream.indirect.scatter.add.f32 [tilespmem:s17], [sflag:$0x2], $0x1, s15, s15, $0xb8;
	[tilespmem:$0x880] =	vst v63  }
0x56: {  	s18 =	simm.s32 $0x180  }
0x57: {  	[tilespmem:s18], [sflag:$0x1] =	stream.linear.gather [hbm4b:s11+s3], $0x80, $0x38;
	[tilespmem:$0x880] =	vst v63  }
0x58: {  	_ =	swait.ge [sflag:s16], $0x80  }
0x59: {  	[sflag:s16] =	ssyncset.done $0x0  }
0x5a: {  	[sflag:s16] =	ssyncadd.s32 $0xFFFFFF80  }
0x5b: {  	s19 =	simm.s32 $0x400;
	_ =	swait.ge [sflag:s20], $0x80  }
0x5c: {  	s28 =	simm.s32 $0x3;
	s0 =	sand.u32 $0x600, s19;
	[sflag:s20] =	ssyncset.done $0x0  }
0x5d: {  	p0 =	por $0x0, $0x0;
	s0 =	sshrl.u32 s0, $0x2;
	[sflag:s20] =	ssyncadd.s32 $0xFFFFFF80  }
0x5e: {  	[spmem:s2] =	stream.indirect.scatter.add.f32 [tilespmem:s17], [sflag:$0x2], $0x1, s0, s15, $0xb8;
	[tilespmem:$0x880] =	vst v63  }
0x5f: {  	s29 =	simm.s32 $0xA00;
	s30 =	smov.u32 s12;
	s0 =	simm.s32 $0x800  }
0x60: {  	s31 =	smov.u32 s12;
	s1 =	sand.u32 @!p0 $0x600, s0;
	s0 =	simm.s32 @!p0 $0x0  }
.LBB2_2:
0x61: {  	s1 =	sshrl.u32 @!p0 s1, $0x2;
	s30 =	sadd.s32 $0x10, s30  }
0x62: {  	s13 =	smov.u32 s28;
	s28 =	sadd.s32 $0x1, s28;
	s18 =	smov.u32 s29  }
0x63: {  	[tilespmem:s1], [sflag:$0x1] =	stream.linear.gather @!p0 [hbm4b:s31+s0], $0x80, $0x38;
	[tilespmem:$0x880] =	vst v63  }
0x64: {  	p1 =	sne.s32 s28, $0x4E;
	s31 =	smov.u32 s30;
	_ =	swait.ge [sflag:s16], $0x80  }
0x65: {  	[sflag:s16] =	ssyncset.done $0x0  }
.Ltmp0:
0x66: {  	s0 =	sadd.s32 $0xFFFFFC00, s29;
	[sflag:s16] =	ssyncadd.s32 $0xFFFFFF80;
	(pc) =	sbr.rel @p1 .LBB2_2-.Ltmp0, $4  }
0x67: {  	s29 =	sadd.s32 $0x200, s29;
	s0 =	sand.u32 $0x600, s0;
	_ =	swait.ge [sflag:s20], $0x80  }
0x68: {  	p0 =	sgt.u32 s13, $0x4B;
	s19 =	sshrl.u32 s0, $0x2;
	[sflag:s20] =	ssyncset.done $0x0  }
0x69: {  	s1 =	sand.u32 @!p0 $0x600, s18;
	s0 =	simm.s32 @!p0 $0x0;
	[sflag:s20] =	ssyncadd.s32 $0xFFFFFF80  }
0x6a: {  	[spmem:s2] =	stream.indirect.scatter.add.f32 [tilespmem:s17], [sflag:$0x2], $0x1, s19, s15, $0xb8;
	[tilespmem:$0x880] =	vst v63  }
0x6b: {  	s1 =	sshrl.u32 @!p0 s1, $0x2  }
0x6c: {  	[tilespmem:s1], [sflag:$0x1] =	stream.linear.gather @!p0 [hbm4b:s31+s0], $0x80, $0x38;
	[tilespmem:$0x880] =	vst v63  }
0x6d: {  	_ =	swait.ge [sflag:s20], $0x80  }
0x6e: {  	[sflag:s20] =	ssyncset.done $0x0  }
0x6f: {  	[sflag:s20] =	ssyncadd.s32 $0xFFFFFF80  }
0x70: {  	_ =	swait.ge [sflag:s20], $0x80  }
0x71: {  	[sflag:s20] =	ssyncset.done $0x0  }
0x72: {  	[sflag:s20] =	ssyncadd.s32 $0xFFFFFF80  }
0x73: {  	[tilespmem:s21], [sflag:$0x3] =	stream.linear.gather [hbm4b:s7+s3], $0x10, $0x38;
	[tilespmem:$0x880] =	vst v63  }
0x74: {  	_ =	swait.ge [sflag:s14], $0x10  }
0x75: {  	[sflag:s14] =	ssyncset.done $0x0  }
0x76: {  	[sflag:s14] =	ssyncadd.s32 $0xFFFFFFF0  }
0x77: {  	[spmem:s2] =	stream.indirect.scatter.add.f32 [tilespmem:s23], [sflag:$0x3], $0x1, s21, s22, $0xb8;
	[tilespmem:$0x880] =	vst v63  }
0x78: {  	_ =	swait.ge [sflag:s14], $0x10  }
0x79: {  	s26 =	sadd.s32 $0x1, s26;
	[sflag:s14] =	ssyncset.done $0x0  }
0x7a: {  	p0 =	sne.s32 s26, s9;
	[sflag:s14] =	ssyncadd.s32 $0xFFFFFFF0  }
.Ltmp1:
0x7b: {  	s31 =	sshrl.u32 s4, $0x3;
	[bflag:$0x0] =	sbarrier.arrive $0xFFFF;
	(pc) =	sbr.rel @p0 .LBB2_1-.Ltmp1, $4  }
0x7c: {  	[hbm:s8@s25], [sflag:s24] =	dma.strided [spmem:s31@s22], $0x50, s16, $0x10   }
0x7d: {  	_ =	swait.ge [sflag:s14], $0x50  }
0x7e: {  	[sflag:s14] =	ssyncset.done $0x0  }
0x7f: {  	[sflag:s14] =	ssyncadd.s32 $0xFFFFFFB0  }
0x80: {  	_ =	sfence.sel $0x180000  }
0x81: {  	[bflag:$0x0] =	sbarrier.arrive $0xFFFF  }
0x82: {  	_ =	strace $0x90000047  }
0x83: {  	s0 =	stileid.u32;
	[bflag:$0x2] =	sbarrier.arrive $0xFFFF  }
0x84: {  	p0 =	sne.s32 s0, $0x0;
	s0 =	rddreg [dreg:$0x3]  }
0x85: {  	s0 =	sadd.s32 @!p0 $0x100000, s0  }
0x86: {  	[sflag:s0] =	ssyncadd.tile.s32 @!p0 $0x1;
	_ =	shalt  }
.Lfunc_end2:
_tile_overlayer_lowered:
.L_overlay_start_2:
0x87: {  	(tag) =	ssettag $0x2  }
0x88: {  	s0 =	rddreg [dreg:$0x0];
	s2 =	stileid.u32  }
0x89: {  	s1 =	rddreg [dreg:$0x1];
	p0 =	sne.s32 s2, $0x0  }
0x8a: {  	s3 =	rddreg [dreg:$0x2];
	[bflag:$0x3] =	sbarrier.arrive $0xFFFF;
	s2 =	simm.s32 @!p0 $0x1C03  }
0x8b: {  	[timem:s3], [sflag:s2] =	dma.local @!p0 [hbm:s0], s1  }
0x8c: {  	s0 =	simm.s32 @!p0 $0x3  }
0x8d: {  	_ =	swait.ge @!p0 [sflag:s0], s1  }
0x8e: {  	s1 =	ssub.s32 @!p0 $0x0, s1;
	[sflag:s0] =	ssyncset.done @!p0 $0x0  }
0x8f: {  	[sflag:s0] =	ssyncadd.s32 @!p0 s1  }
0x90: {  	[bflag:$0x3] =	sbarrier.arrive $0xFFFF  }
0x91: {  	_ =	shalt  }

// kernel: kernel.15.cloned.1.call-start
scs
__scs_entry_jumppad:
0x0: {  	(pc) =	sbr.rel $0x88, $3  }
0x1: {  	(tag) =	ssettag $0x0;
	lr =	simm.s32 $0x1  }
0x2: {  	[smem:$0x3F95] =	sst lr;
	_ =	strace $0xD0000000  }
0x3: {  	_ = 	snop  }
0x4: {  	_ = 	snop  }
0x5: {  	_ = 	snop  }
0x6: {  	_ = 	snop  }
0x7: {  	_ = 	snop  }
__scs_overlays_trampoline_lowered:
0x8: {  	[smem:$0x3FA4] =	sst s0  }
0x9: {  	[smem:$0x3FA5] =	sst s1  }
0xa: {  	[smem:$0x3FA6] =	sst s2  }
0xb: {  	[smem:$0x3FA7] =	sst s3  }
0xc: {  	[smem:$0x3FA8] =	sst s4  }
0xd: {  	[smem:$0x3FA9] =	sst s5  }
0xe: {  	[smem:$0x3FAA] =	sst s6  }
0xf: {  	[smem:$0x3FAB] =	sst s7  }
0x10: {  	[smem:$0x3FAC] =	sst s8  }
0x11: {  	[smem:$0x3FAD] =	sst s9;
	s0 =	simm.s32 @!p0 $0x0  }
0x12: {  	s1 =	sld [smem:$0x3F93];
	s0 =	simm.s32 @p0 $0x1  }
0x13: {  	[smem:$0x3FAE] =	sst s0;
	s0 =	simm.s32 @!p1 $0x0  }
0x14: {  	s2 =	sld [smem:$0x3F92];
	s0 =	simm.s32 @p1 $0x1  }
0x15: {  	[smem:$0x3FAF] =	sst s0;
	s0 =	simm.s32 @!p2 $0x0  }
0x16: {  	s3 =	sld [smem:$0x3FDB];
	s0 =	simm.s32 @p2 $0x1  }
0x17: {  	s4 =	simm.s32 $0x1BF5;
	[smem:$0x3FB1] =	sst s0  }
0x18: {  	s0 =	sld [smem:$0x3F94];
	_ =	swait.ge [sflag:s4], $0x0  }
0x19: {  	s7 =	sld [smem:$0x3F95]  }
0x1a: {  	s8 =	sadd.s32 $0xFFFFE003, lr  }
0x1b: {  	s9 =	sadd.s32 $0xFFFFFEF7, lr;
	s5 =	simm.s32 $0xFFFFFFFF;
	p2 =	slt.u32 s8, $0xFFFFF086  }
0x1c: {  	p1 =	slt.u32 s9, $0xF7A;
	s5 =	simm.s32 @!p2 $0x0  }
0x1d: {  	s5 =	simm.s32 @p1 $0x1;
	p0 =	seq.s32 s7, s2  }
0x1e: {  	s7 =	smul.u32 @!p0 $0xF7A, s2;
	p2 =	seq.s32 @!p0 s5, $0x0  }
0x1f: {  	s9 =	smul.u32 $0xF7A, s1;
	s8 =	simm.s32 @!p0 $0x1BF5;
	p2 =	por !p2, p0  }
0x20: {  	[sflag:s8] =	ssyncset.s32 @!p0 $0xFFFFF086;
	s6 =	sadd.s32 @!p0 s3, s7;
	s7 =	simm.s32 @!p0 $0x108  }
0x21: {  	s3 =	sadd.s32 s3, s9;
	s6 =	sadd.s32 @!p0 $0x88, s6;
	s7 =	simm.s32 @p2 $0x1082  }
0x22: {  	[simem:s7], [sflag:s8] =	dma.local @!p0 [hbm:s6], $0xF7A  }
0x23: {  	s9 =	sor.u32 $0xD0000000, s2;
	s6 =	simm.s32 $0x108;
	_ =	swait.ge @!p0 [sflag:s8], $0x0  }
0x24: {  	s3 =	sadd.s32 $0x88, s3;
	s6 =	simm.s32 @!p1 $0x1082;
	[sflag:s4] =	ssyncset.s32 $0xFFFFF086  }
0x25: {  	[simem:s6], [sflag:s4] =	dma.local [hbm:s3], $0xF7A  }
0x26: {  	[smem:$0x3F95] =	sst s1;
	(tag) =	ssettag s2;
	_ =	strace s9  }
0x27: {  	s1 =	sld [smem:$0x3FA5]  }
0x28: {  	s2 =	sld [smem:$0x3FA6]  }
0x29: {  	s4 =	sld [smem:$0x3FA8]  }
0x2a: {  	p0 =	seq.s32 s5, $0x0;
	s5 =	sld [smem:$0x3FA9]  }
0x2b: {  	s6 =	sld [smem:$0x3FAA]  }
0x2c: {  	s7 =	sld [smem:$0x3FAB]  }
0x2d: {  	s3 =	simm.s32 $0x108;
	s8 =	sld [smem:$0x3FAC]  }
0x2e: {  	s3 =	simm.s32 @!p0 $0x1082;
	s9 =	sld [smem:$0x3FAD]  }
0x2f: {  	lr =	sadd.s32 s0, s3;
	s0 =	sld [smem:$0x3FA4]  }
0x30: {  	s3 =	sld [smem:$0x3FA7]  }
0x31: {  	[smem:$0x3FB0] =	sst s10  }
0x32: {  	s10 =	sld [smem:$0x3FAE];
	_ =	sdelay $0x3  }
0x33: {  	p0 =	seq.s32 s10, $0x1;
	s10 =	sld [smem:$0x3FB0];
	_ =	sdelay $0x3  }
0x34: {  	[smem:$0x3FB0] =	sst s10  }
0x35: {  	s10 =	sld [smem:$0x3FAF];
	_ =	sdelay $0x3  }
0x36: {  	p1 =	seq.s32 s10, $0x1;
	s10 =	sld [smem:$0x3FB0];
	_ =	sdelay $0x3  }
0x37: {  	[smem:$0x3FB0] =	sst s10  }
0x38: {  	s10 =	sld [smem:$0x3FB1]  }
0x39: {  	_ = 	snop;
	(pc) =	sbr.ind lr, $3  }
0x3a: {  	_ = 	snop  }
0x3b: {  	_ = 	snop  }
0x3c: {  	p2 =	seq.s32 s10, $0x1;
	s10 =	sld [smem:$0x3FB0]  }
0x3d: {  	_ =	shalt  }
0x3e: {  	_ =	shalt  }
0x3f: {  	_ =	shalt  }
0x40: {  	_ =	shalt  }
0x41: {  	_ =	shalt  }
0x42: {  	_ =	shalt  }
0x43: {  	_ =	shalt  }
0x44: {  	_ =	shalt  }
0x45: {  	_ =	shalt  }
0x46: {  	_ =	shalt  }
0x47: {  	_ =	shalt  }
0x48: {  	_ =	shalt  }
0x49: {  	_ =	shalt  }
0x4a: {  	_ =	shalt  }
0x4b: {  	_ =	shalt  }
0x4c: {  	_ =	shalt  }
0x4d: {  	_ =	shalt  }
0x4e: {  	_ =	shalt  }
0x4f: {  	_ =	shalt  }
0x50: {  	_ =	shalt  }
0x51: {  	_ =	shalt  }
0x52: {  	_ =	shalt  }
0x53: {  	_ =	shalt  }
0x54: {  	_ =	shalt  }
0x55: {  	_ =	shalt  }
0x56: {  	_ =	shalt  }
0x57: {  	_ =	shalt  }
0x58: {  	_ =	shalt  }
0x59: {  	_ =	shalt  }
0x5a: {  	_ =	shalt  }
0x5b: {  	_ =	shalt  }
0x5c: {  	_ =	shalt  }
0x5d: {  	_ =	shalt  }
0x5e: {  	_ =	shalt  }
0x5f: {  	_ =	shalt  }
0x60: {  	_ =	shalt  }
0x61: {  	_ =	shalt  }
0x62: {  	_ =	shalt  }
0x63: {  	_ =	shalt  }
0x64: {  	_ =	shalt  }
0x65: {  	_ =	shalt  }
0x66: {  	_ =	shalt  }
0x67: {  	_ =	shalt  }
0x68: {  	_ =	shalt  }
0x69: {  	_ =	shalt  }
0x6a: {  	_ =	shalt  }
0x6b: {  	_ =	shalt  }
0x6c: {  	_ =	shalt  }
0x6d: {  	_ =	shalt  }
0x6e: {  	_ =	shalt  }
0x6f: {  	_ =	shalt  }
0x70: {  	_ =	shalt  }
0x71: {  	_ =	shalt  }
0x72: {  	_ =	shalt  }
0x73: {  	_ =	shalt  }
0x74: {  	_ =	shalt  }
0x75: {  	_ =	shalt  }
0x76: {  	_ =	shalt  }
0x77: {  	_ =	shalt  }
0x78: {  	_ =	shalt  }
0x79: {  	_ =	shalt  }
0x7a: {  	_ =	shalt  }
0x7b: {  	_ =	shalt  }
0x7c: {  	_ =	shalt  }
0x7d: {  	_ =	shalt  }
0x7e: {  	_ =	shalt  }
0x7f: {  	_ =	shalt  }
0x80: {  	_ =	shalt  }
0x81: {  	_ =	shalt  }
0x82: {  	_ =	shalt  }
0x83: {  	_ =	shalt  }
0x84: {  	_ =	shalt  }
0x85: {  	_ =	shalt  }
0x86: {  	_ =	shalt  }
0x87: {  	_ =	shalt  }
.Lfunc_end0:
.L_simem_size_0:
called_computation.1_lowered:
.L_overlay_start_0:
0x88: {  	s2 =	sld [smem:$0x3FD9]  }
0x89: {  	s3 =	sld [smem:$0x3FFE];
	_ =	sdelay $0x1  }
0x8a: {  	s1 =	srdreg.scid  }
0x8b: {  	s0 =	sand.u32 $0x1, s1  }
0x8c: {  	s14 =	sshll.u32 s0, $0xA;
	s2 =	sadd.s32 s3, s2  }
0x8d: {  	s2 =	sadd.s32 s2, s14  }
0x8e: {  	[smem:$0x3FBC] =	sst s2  }
0x8f: {  	_ = 	snop  }
0x90: {  	s2 =	sld [smem:$0x3FD0];
	_ =	sdelay $0x2  }
0x91: {  	s15 =	simm.s32 $0xA;
	s4 =	simm.s32 $0x10  }
0x92: {  	[smem:s4], [sflag:s15] =	dma.local [hbm:s2], $0x1  }
0x93: {  	_ =	swait.eq [sflag:s15], $0x1  }
0x94: {  	[sflag:s15] =	ssyncset.done $0x0  }
0x95: {  	[sflag:s15] =	ssyncadd.s32 $0xFFFFFFFF  }
0x96: {  	s16 =	sld [smem:$0x10];
	(tm) =	ssettm $0x1  }
0x97: {  	s17 =	sld [smem:$0x3FFB];
	_ =	sdelay $0x3  }
0x98: {  	_ =	strace s17  }
0x99: {  	s3 =	sld [smem:$0x3FFC];
	_ =	sdelay $0x3  }
0x9a: {  	_ =	strace s3  }
0x9b: {  	s3 =	sld [smem:$0x3FFD];
	_ =	sdelay $0x3  }
0x9c: {  	_ =	strace s3  }
0x9d: {  	_ =	strace $0x8FFFFFFF  }
0x9e: {  	s18 =	sld [smem:$0x3FDB];
	_ =	sdelay $0x1  }
0x9f: {  	s19 =	simm.s32 $_scs_section_size  }
0xa0: {  	s5 =	simm.s32 $_size__tile_overlayer_lowered;
	s6 =	simm.s32 $_tile_overlayer_lowered  }
0xa1: {  	s22 =	simm.s32 $0x1BFF;
	s21 =	sshll.u32 s6, $0x1;
	s3 =	sadd.s32 s19, s18  }
0xa2: {  	s7 =	simm.s32 $0x0;
	s20 =	sshll.u32 s5, $0x1;
	s5 =	sadd.s32 s21, s3  }
0xa3: {  	[timem:s7], [sflag:s22] =	dma.local [hbm:s5], s20  }
0xa4: {  	_ =	swait.ge [sflag:s22], s20  }
0xa5: {  	s4 =	ssub.s32 $0x0, s20;
	[sflag:s22] =	ssyncset.done $0x0  }
0xa6: {  	[sflag:s22] =	ssyncadd.s32 s4;
	_ =	sdelay $0x1  }
0xa7: {  	s23 =	simm.s32 $0x1B8B  }
0xa8: {  	_ =	swait.ge [sflag:s23], $0x1  }
0xa9: {  	[sflag:s23] =	ssyncset.done $0x0  }
0xaa: {  	s25 =	simm.s32 $0x1B8E;
	s24 =	sld [smem:$0x3FFE];
	[sflag:s23] =	ssyncadd.s32 $0xFFFFFFFF  }
0xab: {  	s26 =	simm.s32 $execute0_lowered;
	[smem:$0x3FD2] =	sst s25  }
0xac: {  	s5 =	sshll.u32 s26, $0x1;
	_ =	strace $0x80000049;
	[dreg:$0x1] =	wrdreg $0xFFFFFFFF  }
0xad: {  	s28 =	simm.s32 $_size_execute0_lowered;
	s3 =	sadd.s32 s3, s5;
	[dreg:$0x0] =	wrdreg $0x0  }
0xae: {  	s5 =	sshll.u32 s28, $0x1;
	[dreg:$0x2] =	wrdreg s3  }
0xaf: {  	[dreg:$0x3] =	wrdreg s5  }
0xb0: {  	[dreg:$0x4] =	wrdreg $0xC0  }
0xb1: {  	_ =	task [dreg:s7], $0x5FFFF  }
0xb2: {  	[dreg:$0x1] =	wrdreg $0xFFFFFFFF  }
0xb3: {  	[dreg:$0x0] =	wrdreg $0x60  }
0xb4: {  	[dreg:$0x2] =	wrdreg s16  }
0xb5: {  	[dreg:$0x3] =	wrdreg s24  }
0xb6: {  	[dreg:$0x4] =	wrdreg $0x9C000  }
0xb7: {  	[dreg:$0x5] =	wrdreg $0x9  }
0xb8: {  	_ =	task.clear_ibuf [dreg:s7], $0x6FFFF;
	_ =	strace $0x90000049  }
0xb9: {  	s29 =	simm.s32 $0x9;
	_ =	strace $0x8000004B  }
0xba: {  	_ =	swait.ge [sflag:s29], $0x1  }
0xbb: {  	[sflag:s29] =	ssyncadd.s32 $0xFFFFFFFF  }
0xbc: {  	_ =	strace $0x9000004B  }
0xbd: {  	_ =	sfence  }
0xbe: {  	s30 =	sld [smem:$0x0];
	_ =	sdelay $0x2  }
0xbf: {  	s31 =	sshll.u32 s1, $0xD;
	s1 =	sshrl.u32 s1, $0x2  }
0xc0: {  	s3 =	sand.u32 $0x4000, s31;
	s1 =	sadd.s32 s1, s30  }
0xc1: {  	s0 =	sor.u32 s3, s0;
	s1 =	sshll.u32 s1, $0x11  }
0xc2: {  	s0 =	sor.u32 s1, s0  }
0xc3: {  	s0 =	sadd.s32 $0x8F2B, s0  }
0xc4: {  	[sflag:s0] =	ssyncadd.remote.s32 $0x1  }
0xc5: {  	_ =	sfence.sel $0xFFFF  }
0xc6: {  	[dreg:$0x0] =	wrdreg $0xFFFFFFFF;
	(pc) =	sbr.abs _section_cstart, $3  }
0xc7: {  	[dreg:$0x1] =	wrdreg $0xFFFFFFFF  }
0xc8: {  	_ =	task.clear_ibuf [dreg:s7], $0x2FFFF;
	_ =	strace $0x9FFFFFFF  }
0xc9: {  	(tm) =	ssettm $0x7FFFFFFF  }
tec
execute0_lowered:
.L_overlay_start_1:
0x0: {  	(tag) =	ssettag $0x1  }
0x1: {  	s1 =	rddreg [dreg:$0x0]  }
0x2: {  	s0 =	rddreg [dreg:$0x1]  }
0x3: {  	s2 =	rddreg [dreg:$0x2];
	s3 =	simm.s32 $0x0;
	s20 =	srdreg.scid  }
0x4: {  	s9 =	stileid.u32;
	[smem:$0x7FF] =	sst s3;
	s3 =	sand.u32 $0x1, s20  }
0x5: {  	s5 =	sadd.s32 $0x3E00, s0;
	s7 =	smul.u32 $0x50000, s9;
	s6 =	sadd.s32 $0xDC00, s0  }
0x6: {  	s14 =	smul.u32 $0x14000, s9;
	s0 =	sadd.s32 $0x17A00, s0;
	s4 =	ssub.s32 $0x2, s3  }
0x7: {  	s21 =	sshll.u32 s9, $0x1;
	_ =	strace $0x8000004A;
	s8 =	sshrl.u32 s4, $0x1  }
0x8: {  	s7 =	sshrl.u32 s7, $0x2;
	s15 =	sadd.s32 $0x4000, s14;
	s16 =	sadd.s32 $0x8000, s14  }
0x9: {  	s17 =	sadd.s32 $0xC000, s14;
	s23 =	sadd.s32 $0x10000, s14;
	s4 =	ssub.s32 s4, s8  }
0xa: {  	s7 =	sadd.s32 s7, s2;
	s8 =	sor.u32 s3, s21;
	s9 =	sadd.s32 s15, s2  }
0xb: {  	s11 =	sadd.s32 s16, s2;
	s12 =	sadd.s32 s17, s2;
	s3 =	smul.u32 $0x140000, s3  }
0xc: {  	s13 =	sadd.s32 s23, s2;
	s22 =	sadd.s32 $0x1000, s7;
	s10 =	smul.u32 $0x2710, s8  }
0xd: {  	[dreg:$0x4] =	wrdreg s22;
	s14 =	sadd.s32 s14, s3;
	s15 =	sadd.s32 s3, s15  }
0xe: {  	s18 =	sshrl.u32 s10, $0x3;
	s20 =	sshrl.u32 s14, $0x3;
	s14 =	smax.u32 s4, $0x1  }
0xf: {  	s21 =	sshrl.u32 s15, $0x3;
	s15 =	sadd.s32 $0x2000, s7;
	[dreg:$0x10] =	wrdreg s14  }
0x10: {  	s16 =	sadd.s32 s3, s16;
	s19 =	sadd.s32 s5, s18;
	[dreg:$0x11] =	wrdreg s15  }
0x11: {  	s17 =	sadd.s32 s3, s17;
	s24 =	sadd.s32 s6, s18;
	[dreg:$0x5] =	wrdreg s19  }
0x12: {  	s3 =	sadd.s32 s3, s23;
	s8 =	sadd.s32 s0, s20;
	[dreg:$0x6] =	wrdreg s24  }
0x13: {  	s25 =	sadd.s32 $0x10, s18;
	s23 =	sadd.s32 s0, s21;
	[dreg:$0x9] =	wrdreg s8  }
0x14: {  	s22 =	sadd.s32 $0x4E0, s18;
	s18 =	sadd.s32 $0x6000, s7;
	[dreg:$0xa] =	wrdreg s23  }
0x15: {  	s28 =	simm.s32 $0x6;
	s20 =	sadd.s32 $0x9000, s7;
	[dreg:$0x14] =	wrdreg s18  }
0x16: {  	s29 =	simm.s32 $0x8380;
	s21 =	sadd.s32 $0xA000, s7;
	[dreg:$0x16] =	wrdreg s20  }
0x17: {  	s30 =	simm.s32 $0x10;
	s26 =	sadd.s32 s5, s25;
	[dreg:$0x17] =	wrdreg s21  }
0x18: {  	s31 =	simm.s32 $0x8400;
	s19 =	sadd.s32 s6, s25;
	[dreg:$0x7] =	wrdreg s26  }
0x19: {  	s24 =	sshrl.u32 s16, $0x3;
	s16 =	sadd.s32 $0x3000, s7;
	[dreg:$0x8] =	wrdreg s19  }
0x1a: {  	s25 =	sshrl.u32 s17, $0x3;
	s17 =	sadd.s32 $0x5000, s7;
	[dreg:$0x12] =	wrdreg s16  }
0x1b: {  	s3 =	sshrl.u32 s3, $0x3;
	s23 =	sadd.s32 $0xD000, s7;
	[dreg:$0x13] =	wrdreg s17  }
0x1c: {  	s18 =	sadd.s32 $0x13000, s7;
	s8 =	sadd.s32 s0, s24;
	[dreg:$0x19] =	wrdreg s23  }
0x1d: {  	s20 =	simm.s32 $0x80;
	s26 =	sadd.s32 s0, s25;
	[dreg:$0xb] =	wrdreg s8  }
0x1e: {  	s21 =	simm.s32 $0x1;
	s0 =	sadd.s32 s0, s3;
	[dreg:$0xc] =	wrdreg s26  }
0x1f: {  	s3 =	sadd.s32 s5, s22;
	s19 =	sadd.s32 $0x7000, s7;
	[dreg:$0xd] =	wrdreg s0  }
0x20: {  	s24 =	sadd.s32 $0xE000, s7;
	s25 =	sadd.s32 $0xF000, s7;
	[dreg:$0xe] =	wrdreg s3  }
0x21: {  	s17 =	sadd.s32 $0x12000, s7;
	s23 =	simm.s32 $0x3;
	[dreg:$0x15] =	wrdreg s19  }
.Ltmp0:
0x22: {  	s8 =	sadd.s32 s6, s22;
	[dreg:$0x1a] =	wrdreg s24;
	(pc) =	sbr.rel .LBB2_1-.Ltmp0, $4  }
0x23: {  	s22 =	sadd.s32 $0xB000, s7;
	[dreg:$0x1b] =	wrdreg s25;
	s26 =	sadd.s32 $0x11000, s7  }
0x24: {  	s19 =	simm.s32 $0x8C00;
	s24 =	simm.s32 $0x2;
	[dreg:$0xf] =	wrdreg s8  }
0x25: {  	s25 =	simm.s32 $0x4;
	s0 =	simm.s32 $0x0;
	[dreg:$0x18] =	wrdreg s22  }
0x26: {  	v0 =	vimm.f32 $0.0e+00;
	[dreg:$0x1c] =	wrdreg s26;
	s22 =	simm.s32 $0x5;
	s26 =	simm.s32 $0x8300  }
.LBB2_7:
0x27: {  	_ =	swait.ge [sflag:s25], $0x4000  }
0x28: {  	[sflag:s25] =	ssyncset.done $0x0  }
0x29: {  	s3 =	simm.s32 $0x0;
	s4 =	rddreg [dreg:$0xe];
	[sflag:s25] =	ssyncadd.s32 $0xFFFFC000  }
0x2a: {  	[tilespmem:s26], [sflag:$0x6] =	stream.linear.gather [hbm4b:s4+s3], $0x10, $0x38;
	[tilespmem:$0x1DC00] =	vst v63  }
0x2b: {  	_ =	swait.ge [sflag:s28], $0x10  }
0x2c: {  	[sflag:s28] =	ssyncset.done $0x0  }
0x2d: {  	s16 =	rddreg [dreg:$0xf];
	[sflag:s28] =	ssyncadd.s32 $0xFFFFFFF0  }
0x2e: {  	[tilespmem:s29], [sflag:$0x6] =	stream.linear.gather [hbm4b:s16+s3], $0x10, $0x38;
	[tilespmem:$0x1DC00] =	vst v63  }
0x2f: {  	_ =	swait.ge [sflag:s28], $0x10  }
0x30: {  	[sflag:s28] =	ssyncset.done $0x0  }
0x31: {  	[sflag:s28] =	ssyncadd.s32 $0xFFFFFFF0  }
0x32: {  	[tilespmem:s31], [sflag:$0x3] =	stream.indirect.gather [hbm4b:s1+s30], $0x80, s26, s30, $0xb8;
	[tilespmem:$0x1DC00] =	vst v63  }
0x33: {  	_ =	swait.ge [sflag:s23], $0x800  }
0x34: {  	[sflag:s23] =	ssyncset.done $0x0  }
0x35: {  	[sflag:s23] =	ssyncadd.s32 $0xFFFFF800  }
0x36: {  	[spmem:s2] =	stream.indirect.scatter.add.f32 [tilespmem:s31], [sflag:$0x6], $0x80, s29, s30, $0xb8;
	[tilespmem:$0x1DC00] =	vst v63  }
0x37: {  	_ =	swait.ge [sflag:s28], $0x800  }
0x38: {  	[sflag:s28] =	ssyncset.done $0x0  }
0x39: {  	s8 =	stileid.u32;
	[sflag:s28] =	ssyncadd.s32 $0xFFFFF800  }
0x3a: {  	s3 =	sshll.u32 s8, $0x6;
	[bflag:$0x0] =	sbarrier.arrive $0xFFFF  }
0x3b: {  	s14 =	sshrl.u32 s7, $0x3;
	s3 =	sor.u32 $0x1C06, s3;
	s8 =	rddreg [dreg:$0x9]  }
0x3c: {  	[hbm:s8], [sflag:s3] =	dma.local [spmem:s14], $0x800  }
0x3d: {  	_ =	swait.ge [sflag:s28], $0x800  }
0x3e: {  	[sflag:s28] =	ssyncset.done $0x0  }
0x3f: {  	s15 =	sshrl.u32 s9, $0x3;
	s16 =	rddreg [dreg:$0xa];
	[sflag:s28] =	ssyncadd.s32 $0xFFFFF800  }
0x40: {  	[hbm:s16], [sflag:s3] =	dma.local [spmem:s15], $0x800  }
0x41: {  	_ =	swait.ge [sflag:s28], $0x800  }
0x42: {  	[sflag:s28] =	ssyncset.done $0x0  }
0x43: {  	s8 =	sshrl.u32 s11, $0x3;
	s14 =	rddreg [dreg:$0xb];
	[sflag:s28] =	ssyncadd.s32 $0xFFFFF800  }
0x44: {  	[hbm:s14], [sflag:s3] =	dma.local [spmem:s8], $0x800  }
0x45: {  	_ =	swait.ge [sflag:s28], $0x800  }
0x46: {  	[sflag:s28] =	ssyncset.done $0x0  }
0x47: {  	s15 =	sshrl.u32 s12, $0x3;
	s16 =	rddreg [dreg:$0xc];
	[sflag:s28] =	ssyncadd.s32 $0xFFFFF800  }
0x48: {  	[hbm:s16], [sflag:s3] =	dma.local [spmem:s15], $0x800  }
0x49: {  	_ =	swait.ge [sflag:s28], $0x800  }
0x4a: {  	[sflag:s28] =	ssyncset.done $0x0  }
0x4b: {  	s14 =	sshrl.u32 s13, $0x3;
	s15 =	rddreg [dreg:$0xd];
	[sflag:s28] =	ssyncadd.s32 $0xFFFFF800  }
0x4c: {  	[hbm:s15], [sflag:s3] =	dma.local [spmem:s14], $0x800  }
0x4d: {  	_ =	swait.ge [sflag:s28], $0x800  }
0x4e: {  	s0 =	sadd.s32 $0x1, s0;
	s16 =	rddreg [dreg:$0x10]  }
0x4f: {  	p0 =	sne.s32 s0, s16  }
.Ltmp1:
0x50: {  	_ = 	snop;
	(pc) =	sbr.rel @!p0 .LBB2_8-.Ltmp1, $3  }
0x51: {  	_ =	sdelay $0x1  }
0x52: {  	[sflag:s28] =	ssyncset.done $0x0  }
0x53: {  	[sflag:s28] =	ssyncadd.s32 $0xFFFFF800  }
.LBB2_1:
0x54: {  	s3 =	simm.s32 $0x0;
	s4 =	simm.s32 $0x200  }
.LBB2_2:
0x55: {  	p0 =	sne.s32 s4, $0x3E00;
	[tilespmem:s3+$0x8C70] =	vst v0  }
0x56: {  	[tilespmem:s3+$0x8C00] =	vst v0  }
0x57: {  	[tilespmem:s3+$0x8C10] =	vst v0  }
.Ltmp2:
0x58: {  	[tilespmem:s3+$0x8C20] =	vst v0;
	(pc) =	sbr.rel @p0 .LBB2_2-.Ltmp2, $4  }
0x59: {  	[tilespmem:s3+$0x8C30] =	vst v0  }
0x5a: {  	[tilespmem:s3+$0x8C40] =	vst v0  }
0x5b: {  	[tilespmem:s3+$0x8C50] =	vst v0  }
0x5c: {  	[tilespmem:s3+$0x8C60] =	vst v0;
	s3 =	sshra.s32 s4, $0x2;
	s4 =	sadd.s32 $0x200, s4  }
0x5d: {  	[tilespmem:s3+$0x8C70] =	vst v0  }
0x5e: {  	[tilespmem:s3+$0x8C00] =	vst v0  }
0x5f: {  	[tilespmem:s3+$0x8C10] =	vst v0  }
0x60: {  	[tilespmem:s3+$0x8C20] =	vst v0  }
0x61: {  	[tilespmem:s3+$0x8C30] =	vst v0  }
0x62: {  	[tilespmem:s3+$0x8C40] =	vst v0  }
0x63: {  	[tilespmem:s3+$0x8C50] =	vst v0  }
0x64: {  	[tilespmem:s3+$0x8C60] =	vst v0  }
0x65: {  	[spmem:s7] =	stream.linear.scatter [tilespmem:s19], [sflag:$0x5], $0x1000, $0x38;
	[tilespmem:$0x1DC00] =	vst v63  }
0x66: {  	s4 =	rddreg [dreg:$0x4]  }
0x67: {  	[spmem:s4] =	stream.linear.scatter [tilespmem:s19], [sflag:$0x5], $0x1000, $0x38;
	[tilespmem:$0x1DC00] =	vst v63  }
0x68: {  	s8 =	rddreg [dreg:$0x11]  }
0x69: {  	[spmem:s8] =	stream.linear.scatter [tilespmem:s19], [sflag:$0x5], $0x1000, $0x38;
	[tilespmem:$0x1DC00] =	vst v63  }
0x6a: {  	s14 =	rddreg [dreg:$0x12]  }
0x6b: {  	[spmem:s14] =	stream.linear.scatter [tilespmem:s19], [sflag:$0x5], $0x1000, $0x38;
	[tilespmem:$0x1DC00] =	vst v63  }
0x6c: {  	_ = 	snop  }
0x6d: {  	[spmem:s9] =	stream.linear.scatter [tilespmem:s19], [sflag:$0x5], $0x1000, $0x38;
	[tilespmem:$0x1DC00] =	vst v63  }
0x6e: {  	s15 =	rddreg [dreg:$0x13]  }
0x6f: {  	[spmem:s15] =	stream.linear.scatter [tilespmem:s19], [sflag:$0x5], $0x1000, $0x38;
	[tilespmem:$0x1DC00] =	vst v63  }
0x70: {  	s16 =	rddreg [dreg:$0x14]  }
0x71: {  	[spmem:s16] =	stream.linear.scatter [tilespmem:s19], [sflag:$0x5], $0x1000, $0x38;
	[tilespmem:$0x1DC00] =	vst v63  }
0x72: {  	s4 =	rddreg [dreg:$0x15]  }
0x73: {  	[spmem:s4] =	stream.linear.scatter [tilespmem:s19], [sflag:$0x5], $0x1000, $0x38;
	[tilespmem:$0x1DC00] =	vst v63  }
0x74: {  	_ = 	snop  }
0x75: {  	[spmem:s11] =	stream.linear.scatter [tilespmem:s19], [sflag:$0x5], $0x1000, $0x38;
	[tilespmem:$0x1DC00] =	vst v63  }
0x76: {  	s8 =	rddreg [dreg:$0x16]  }
0x77: {  	[spmem:s8] =	stream.linear.scatter [tilespmem:s19], [sflag:$0x5], $0x1000, $0x38;
	[tilespmem:$0x1DC00] =	vst v63  }
0x78: {  	s14 =	rddreg [dreg:$0x17]  }
0x79: {  	[spmem:s14] =	stream.linear.scatter [tilespmem:s19], [sflag:$0x5], $0x1000, $0x38;
	[tilespmem:$0x1DC00] =	vst v63  }
0x7a: {  	s15 =	rddreg [dreg:$0x18]  }
0x7b: {  	[spmem:s15] =	stream.linear.scatter [tilespmem:s19], [sflag:$0x5], $0x1000, $0x38;
	[tilespmem:$0x1DC00] =	vst v63  }
0x7c: {  	_ = 	snop  }
0x7d: {  	[spmem:s12] =	stream.linear.scatter [tilespmem:s19], [sflag:$0x5], $0x1000, $0x38;
	[tilespmem:$0x1DC00] =	vst v63  }
0x7e: {  	s16 =	rddreg [dreg:$0x19]  }
0x7f: {  	[spmem:s16] =	stream.linear.scatter [tilespmem:s19], [sflag:$0x5], $0x1000, $0x38;
	[tilespmem:$0x1DC00] =	vst v63  }
0x80: {  	s4 =	rddreg [dreg:$0x1a]  }
0x81: {  	[spmem:s4] =	stream.linear.scatter [tilespmem:s19], [sflag:$0x5], $0x1000, $0x38;
	[tilespmem:$0x1DC00] =	vst v63  }
0x82: {  	s8 =	rddreg [dreg:$0x1b]  }
0x83: {  	[spmem:s8] =	stream.linear.scatter [tilespmem:s19], [sflag:$0x5], $0x1000, $0x38;
	[tilespmem:$0x1DC00] =	vst v63  }
0x84: {  	_ = 	snop  }
0x85: {  	[spmem:s13] =	stream.linear.scatter [tilespmem:s19], [sflag:$0x5], $0x1000, $0x38;
	[tilespmem:$0x1DC00] =	vst v63  }
0x86: {  	s14 =	rddreg [dreg:$0x1c]  }
0x87: {  	[spmem:s14] =	stream.linear.scatter [tilespmem:s19], [sflag:$0x5], $0x1000, $0x38;
	[tilespmem:$0x1DC00] =	vst v63  }
0x88: {  	_ = 	snop  }
0x89: {  	[spmem:s17] =	stream.linear.scatter [tilespmem:s19], [sflag:$0x5], $0x1000, $0x38;
	[tilespmem:$0x1DC00] =	vst v63  }
0x8a: {  	_ = 	snop  }
0x8b: {  	[spmem:s18] =	stream.linear.scatter [tilespmem:s19], [sflag:$0x5], $0x1000, $0x38;
	[tilespmem:$0x1DC00] =	vst v63  }
0x8c: {  	s15 =	rddreg [dreg:$0x5];
	s8 =	simm.s32 $0x0  }
0x8d: {  	[tilespmem:s8], [sflag:$0x1] =	stream.linear.gather [hbm4b:s15+s8], $0x80, $0x38;
	[tilespmem:$0x1DC00] =	vst v63  }
0x8e: {  	s16 =	rddreg [dreg:$0x6];
	s4 =	simm.s32 $0x100  }
0x8f: {  	[tilespmem:s4], [sflag:$0x2] =	stream.linear.gather [hbm4b:s16+s8], $0x80, $0x38;
	[tilespmem:$0x1DC00] =	vst v63  }
0x90: {  	s4 =	rddreg [dreg:$0x7]  }
0x91: {  	[tilespmem:s20], [sflag:$0x1] =	stream.linear.gather [hbm4b:s4+s8], $0x80, $0x38;
	[tilespmem:$0x1DC00] =	vst v63  }
0x92: {  	s14 =	rddreg [dreg:$0x8];
	s15 =	simm.s32 $0x180  }
0x93: {  	[tilespmem:s15], [sflag:$0x2] =	stream.linear.gather [hbm4b:s14+s8], $0x80, $0x38;
	[tilespmem:$0x1DC00] =	vst v63  }
0x94: {  	_ =	swait.ge [sflag:s21], $0x80  }
0x95: {  	[sflag:s21] =	ssyncset.done $0x0  }
0x96: {  	s16 =	simm.s32 $0x300;
	[sflag:s21] =	ssyncadd.s32 $0xFFFFFF80  }
0x97: {  	[tilespmem:s16], [sflag:$0x3] =	stream.indirect.gather [hbm4b:s1+s20], $0x80, s8, s20, $0xb8;
	[tilespmem:$0x1DC00] =	vst v63  }
0x98: {  	_ =	swait.ge [sflag:s22], $0x1000  }
0x99: {  	[sflag:s22] =	ssyncset.done $0x0  }
0x9a: {  	[sflag:s22] =	ssyncadd.s32 $0xFFFFF000  }
0x9b: {  	_ =	swait.ge [sflag:s22], $0x1000  }
0x9c: {  	[sflag:s22] =	ssyncset.done $0x0  }
0x9d: {  	[sflag:s22] =	ssyncadd.s32 $0xFFFFF000  }
0x9e: {  	_ =	swait.ge [sflag:s22], $0x1000  }
0x9f: {  	[sflag:s22] =	ssyncset.done $0x0  }
0xa0: {  	[sflag:s22] =	ssyncadd.s32 $0xFFFFF000  }
0xa1: {  	_ =	swait.ge [sflag:s22], $0x1000  }
0xa2: {  	[sflag:s22] =	ssyncset.done $0x0  }
0xa3: {  	[sflag:s22] =	ssyncadd.s32 $0xFFFFF000  }
0xa4: {  	_ =	swait.ge [sflag:s22], $0x1000  }
0xa5: {  	[sflag:s22] =	ssyncset.done $0x0  }
0xa6: {  	[sflag:s22] =	ssyncadd.s32 $0xFFFFF000  }
0xa7: {  	_ =	swait.ge [sflag:s22], $0x1000  }
0xa8: {  	[sflag:s22] =	ssyncset.done $0x0  }
0xa9: {  	[sflag:s22] =	ssyncadd.s32 $0xFFFFF000  }
0xaa: {  	_ =	swait.ge [sflag:s22], $0x1000  }
0xab: {  	[sflag:s22] =	ssyncset.done $0x0  }
0xac: {  	[sflag:s22] =	ssyncadd.s32 $0xFFFFF000  }
0xad: {  	_ =	swait.ge [sflag:s22], $0x1000  }
0xae: {  	[sflag:s22] =	ssyncset.done $0x0  }
0xaf: {  	[sflag:s22] =	ssyncadd.s32 $0xFFFFF000  }
0xb0: {  	_ =	swait.ge [sflag:s22], $0x1000  }
0xb1: {  	[sflag:s22] =	ssyncset.done $0x0  }
0xb2: {  	[sflag:s22] =	ssyncadd.s32 $0xFFFFF000  }
0xb3: {  	_ =	swait.ge [sflag:s22], $0x1000  }
0xb4: {  	[sflag:s22] =	ssyncset.done $0x0  }
0xb5: {  	[sflag:s22] =	ssyncadd.s32 $0xFFFFF000  }
0xb6: {  	_ =	swait.ge [sflag:s22], $0x1000  }
0xb7: {  	[sflag:s22] =	ssyncset.done $0x0  }
0xb8: {  	[sflag:s22] =	ssyncadd.s32 $0xFFFFF000  }
0xb9: {  	_ =	swait.ge [sflag:s22], $0x1000  }
0xba: {  	[sflag:s22] =	ssyncset.done $0x0  }
0xbb: {  	[sflag:s22] =	ssyncadd.s32 $0xFFFFF000  }
0xbc: {  	_ =	swait.ge [sflag:s22], $0x1000  }
0xbd: {  	[sflag:s22] =	ssyncset.done $0x0  }
0xbe: {  	[sflag:s22] =	ssyncadd.s32 $0xFFFFF000  }
0xbf: {  	_ =	swait.ge [sflag:s22], $0x1000  }
0xc0: {  	[sflag:s22] =	ssyncset.done $0x0  }
0xc1: {  	[sflag:s22] =	ssyncadd.s32 $0xFFFFF000  }
0xc2: {  	_ =	swait.ge [sflag:s22], $0x1000  }
0xc3: {  	[sflag:s22] =	ssyncset.done $0x0  }
0xc4: {  	[sflag:s22] =	ssyncadd.s32 $0xFFFFF000  }
0xc5: {  	_ =	swait.ge [sflag:s22], $0x1000  }
0xc6: {  	[sflag:s22] =	ssyncset.done $0x0  }
0xc7: {  	[sflag:s22] =	ssyncadd.s32 $0xFFFFF000  }
0xc8: {  	_ =	swait.ge [sflag:s22], $0x1000  }
0xc9: {  	[sflag:s22] =	ssyncset.done $0x0  }
0xca: {  	[sflag:s22] =	ssyncadd.s32 $0xFFFFF000  }
0xcb: {  	_ =	swait.ge [sflag:s22], $0x1000  }
0xcc: {  	[sflag:s22] =	ssyncset.done $0x0  }
0xcd: {  	[sflag:s22] =	ssyncadd.s32 $0xFFFFF000  }
0xce: {  	_ =	swait.ge [sflag:s22], $0x1000  }
0xcf: {  	[sflag:s22] =	ssyncset.done $0x0  }
0xd0: {  	[sflag:s22] =	ssyncadd.s32 $0xFFFFF000  }
.Ltmp3:
0xd1: {  	_ =	swait.ge [sflag:s22], $0x1000;
	(pc) =	sbr.rel .LBB2_4-.Ltmp3, $3  }
0xd2: {  	[sflag:s22] =	ssyncset.done $0x0  }
0xd3: {  	[sflag:s22] =	ssyncadd.s32 $0xFFFFF000  }
0xd4: {  	[bflag:$0x0] =	sbarrier.arrive $0xFFFF;
	_ =	sdelay $0x1  }
.LBB2_6:
0xd5: {  	s14 =	sshll.u32 s8, $0x7;
	_ =	swait.ge [sflag:s24], $0x80  }
0xd6: {  	s15 =	sshll.u32 s4, $0xE;
	p0 =	sgt.u32 s8, $0x4B;
	s14 =	sand.u32 $0x180, s14  }
0xd7: {  	[sflag:s24] =	ssyncset.done $0x0;
	s15 =	sor.u32 $0x300, s15;
	s8 =	sshll.u32 @!p0 s8, $0x7  }
0xd8: {  	s14 =	sadd.s32 $0x100, s14;
	[sflag:s24] =	ssyncadd.s32 $0xFFFFFF80;
	s8 =	sadd.s32 @!p0 $0x100, s8  }
0xd9: {  	[spmem:s2] =	stream.indirect.scatter.add.f32 [tilespmem:s15], [sflag:$0x4], $0x80, s14, s20, $0xb8;
	[tilespmem:$0x1DC00] =	vst v63  }
0xda: {  	s14 =	sadd.s32 @!p0 s10, s8  }
0xdb: {  	s14 =	sshrl.u32 @!p0 s14, $0x3  }
0xdc: {  	s4 =	sshll.u32 @!p0 s4, $0x7;
	s16 =	simm.s32 @!p0 $0x0;
	s15 =	sadd.s32 @!p0 s5, s14  }
0xdd: {  	[tilespmem:s4], [sflag:$0x1] =	stream.linear.gather @!p0 [hbm4b:s15+s16], $0x80, $0x38;
	[tilespmem:$0x1DC00] =	vst v63  }
0xde: {  	s4 =	sand.u32 @!p0 $0x180, s8  }
0xdf: {  	s8 =	sadd.s32 @!p0 s6, s14;
	s4 =	sadd.s32 @!p0 $0x100, s4  }
0xe0: {  	[tilespmem:s4], [sflag:$0x2] =	stream.linear.gather @!p0 [hbm4b:s8+s16], $0x80, $0x38;
	[tilespmem:$0x1DC00] =	vst v63  }
0xe1: {  	p0 =	slt.u32 s3, $0x4E  }
.Ltmp4:
0xe2: {  	_ = 	snop;
	(pc) =	sbr.rel @!p0 .LBB2_7-.Ltmp4, $2  }
0xe3: {  	_ =	sdelay $0x2  }
0xe4: {  	s8 =	smov.u32 s3  }
.LBB2_4:
0xe5: {  	p0 =	seq.s32 s8, $0x0  }
0xe6: {  	p1 =	seq.s32 @!p0 s8, $0x4D  }
0xe7: {  	_ =	swait.ge [sflag:s23], $0x4000;
	p1 =	por p0, !p1  }
.Ltmp5:
0xe8: {  	[sflag:s23] =	ssyncset.done $0x0;
	(pc) =	sbr.rel @!p1 .LBB2_6-.Ltmp5, $4  }
0xe9: {  	s3 =	simm.s32 @!p0 $0x4;
	[sflag:s23] =	ssyncadd.s32 $0xFFFFC000  }
0xea: {  	_ =	swait.ge @!p0 [sflag:s3], $0x4000  }
0xeb: {  	[sflag:s3] =	ssyncset.done @!p0 $0x0  }
0xec: {  	s4 =	sand.u32 $0x1, s8;
	[sflag:s3] =	ssyncadd.s32 @!p0 $0xFFFFC000;
	s3 =	simm.s32 @!p0 $0x4E  }
0xed: {  	s3 =	sxor.u32 $0x1, s4;
	_ =	swait.ge [sflag:s21], $0x80  }
.Ltmp6:
0xee: {  	[sflag:s21] =	ssyncset.done $0x0;
	s14 =	sshll.u32 s3, $0xE;
	(pc) =	sbr.rel .LBB2_6-.Ltmp6, $4  }
0xef: {  	s3 =	sshll.u32 s3, $0x7;
	[sflag:s21] =	ssyncadd.s32 $0xFFFFFF80;
	s14 =	sor.u32 $0x300, s14  }
0xf0: {  	[tilespmem:s14], [sflag:$0x3] =	stream.indirect.gather [hbm4b:s1+s20], $0x80, s3, s20, $0xb8;
	[tilespmem:$0x1DC00] =	vst v63  }
0xf1: {  	s3 =	sadd.s32 @!p0 $0x1, s8  }
0xf2: {  	s3 =	simm.s32 @p0 $0x1  }
.LBB2_8:
0xf3: {  	_ =	sfence.sel $0x180000  }
0xf4: {  	[bflag:$0x0] =	sbarrier.arrive $0xFFFF  }
0xf5: {  	_ =	strace $0x9000004A  }
0xf6: {  	s0 =	stileid.u32;
	[bflag:$0x2] =	sbarrier.arrive $0xFFFF  }
0xf7: {  	p0 =	sne.s32 s0, $0x0;
	s0 =	rddreg [dreg:$0x3]  }
0xf8: {  	s0 =	sadd.s32 @!p0 $0x100000, s0  }
0xf9: {  	[sflag:s0] =	ssyncadd.tile.s32 @!p0 $0x1;
	_ =	shalt  }
.Lfunc_end2:
_tile_overlayer_lowered:
.L_overlay_start_2:
0xfa: {  	(tag) =	ssettag $0x2  }
0xfb: {  	s0 =	rddreg [dreg:$0x0];
	s2 =	stileid.u32  }
0xfc: {  	s1 =	rddreg [dreg:$0x1];
	p0 =	sne.s32 s2, $0x0  }
0xfd: {  	s3 =	rddreg [dreg:$0x2];
	[bflag:$0x3] =	sbarrier.arrive $0xFFFF;
	s2 =	simm.s32 @!p0 $0x1C06  }
0xfe: {  	[timem:s3], [sflag:s2] =	dma.local @!p0 [hbm:s0], s1  }
0xff: {  	s0 =	simm.s32 @!p0 $0x6  }
0x100: {  	_ =	swait.ge @!p0 [sflag:s0], s1  }
0x101: {  	s1 =	ssub.s32 @!p0 $0x0, s1;
	[sflag:s0] =	ssyncset.done @!p0 $0x0  }
0x102: {  	[sflag:s0] =	ssyncadd.s32 @!p0 s1  }
0x103: {  	[bflag:$0x3] =	sbarrier.arrive $0xFFFF  }
0x104: {  	_ =	shalt  }

// kernel: kernel.18.cloned.1.call-start
scs
__scs_entry_jumppad:
0x0: {  	(pc) =	sbr.rel $0x88, $3  }
0x1: {  	(tag) =	ssettag $0x0;
	lr =	simm.s32 $0x1  }
0x2: {  	[smem:$0x3F95] =	sst lr;
	_ =	strace $0xD0000000  }
0x3: {  	_ = 	snop  }
0x4: {  	_ = 	snop  }
0x5: {  	_ = 	snop  }
0x6: {  	_ = 	snop  }
0x7: {  	_ = 	snop  }
__scs_overlays_trampoline_lowered:
0x8: {  	[smem:$0x3FA4] =	sst s0  }
0x9: {  	[smem:$0x3FA5] =	sst s1  }
0xa: {  	[smem:$0x3FA6] =	sst s2  }
0xb: {  	[smem:$0x3FA7] =	sst s3  }
0xc: {  	[smem:$0x3FA8] =	sst s4  }
0xd: {  	[smem:$0x3FA9] =	sst s5  }
0xe: {  	[smem:$0x3FAA] =	sst s6  }
0xf: {  	[smem:$0x3FAB] =	sst s7  }
0x10: {  	[smem:$0x3FAC] =	sst s8  }
0x11: {  	[smem:$0x3FAD] =	sst s9;
	s0 =	simm.s32 @!p0 $0x0  }
0x12: {  	s1 =	sld [smem:$0x3F93];
	s0 =	simm.s32 @p0 $0x1  }
0x13: {  	[smem:$0x3FAE] =	sst s0;
	s0 =	simm.s32 @!p1 $0x0  }
0x14: {  	s2 =	sld [smem:$0x3F92];
	s0 =	simm.s32 @p1 $0x1  }
0x15: {  	[smem:$0x3FAF] =	sst s0;
	s0 =	simm.s32 @!p2 $0x0  }
0x16: {  	s3 =	sld [smem:$0x3FDB];
	s0 =	simm.s32 @p2 $0x1  }
0x17: {  	s4 =	simm.s32 $0x1BF5;
	[smem:$0x3FB1] =	sst s0  }
0x18: {  	s0 =	sld [smem:$0x3F94];
	_ =	swait.ge [sflag:s4], $0x0  }
0x19: {  	s7 =	sld [smem:$0x3F95]  }
0x1a: {  	s8 =	sadd.s32 $0xFFFFE003, lr  }
0x1b: {  	s9 =	sadd.s32 $0xFFFFFEF7, lr;
	s5 =	simm.s32 $0xFFFFFFFF;
	p2 =	slt.u32 s8, $0xFFFFF086  }
0x1c: {  	p1 =	slt.u32 s9, $0xF7A;
	s5 =	simm.s32 @!p2 $0x0  }
0x1d: {  	s5 =	simm.s32 @p1 $0x1;
	p0 =	seq.s32 s7, s2  }
0x1e: {  	s7 =	smul.u32 @!p0 $0xF7A, s2;
	p2 =	seq.s32 @!p0 s5, $0x0  }
0x1f: {  	s9 =	smul.u32 $0xF7A, s1;
	s8 =	simm.s32 @!p0 $0x1BF5;
	p2 =	por !p2, p0  }
0x20: {  	[sflag:s8] =	ssyncset.s32 @!p0 $0xFFFFF086;
	s6 =	sadd.s32 @!p0 s3, s7;
	s7 =	simm.s32 @!p0 $0x108  }
0x21: {  	s3 =	sadd.s32 s3, s9;
	s6 =	sadd.s32 @!p0 $0x88, s6;
	s7 =	simm.s32 @p2 $0x1082  }
0x22: {  	[simem:s7], [sflag:s8] =	dma.local @!p0 [hbm:s6], $0xF7A  }
0x23: {  	s9 =	sor.u32 $0xD0000000, s2;
	s6 =	simm.s32 $0x108;
	_ =	swait.ge @!p0 [sflag:s8], $0x0  }
0x24: {  	s3 =	sadd.s32 $0x88, s3;
	s6 =	simm.s32 @!p1 $0x1082;
	[sflag:s4] =	ssyncset.s32 $0xFFFFF086  }
0x25: {  	[simem:s6], [sflag:s4] =	dma.local [hbm:s3], $0xF7A  }
0x26: {  	[smem:$0x3F95] =	sst s1;
	(tag) =	ssettag s2;
	_ =	strace s9  }
0x27: {  	s1 =	sld [smem:$0x3FA5]  }
0x28: {  	s2 =	sld [smem:$0x3FA6]  }
0x29: {  	s4 =	sld [smem:$0x3FA8]  }
0x2a: {  	p0 =	seq.s32 s5, $0x0;
	s5 =	sld [smem:$0x3FA9]  }
0x2b: {  	s6 =	sld [smem:$0x3FAA]  }
0x2c: {  	s7 =	sld [smem:$0x3FAB]  }
0x2d: {  	s3 =	simm.s32 $0x108;
	s8 =	sld [smem:$0x3FAC]  }
0x2e: {  	s3 =	simm.s32 @!p0 $0x1082;
	s9 =	sld [smem:$0x3FAD]  }
0x2f: {  	lr =	sadd.s32 s0, s3;
	s0 =	sld [smem:$0x3FA4]  }
0x30: {  	s3 =	sld [smem:$0x3FA7]  }
0x31: {  	[smem:$0x3FB0] =	sst s10  }
0x32: {  	s10 =	sld [smem:$0x3FAE];
	_ =	sdelay $0x3  }
0x33: {  	p0 =	seq.s32 s10, $0x1;
	s10 =	sld [smem:$0x3FB0];
	_ =	sdelay $0x3  }
0x34: {  	[smem:$0x3FB0] =	sst s10  }
0x35: {  	s10 =	sld [smem:$0x3FAF];
	_ =	sdelay $0x3  }
0x36: {  	p1 =	seq.s32 s10, $0x1;
	s10 =	sld [smem:$0x3FB0];
	_ =	sdelay $0x3  }
0x37: {  	[smem:$0x3FB0] =	sst s10  }
0x38: {  	s10 =	sld [smem:$0x3FB1]  }
0x39: {  	_ = 	snop;
	(pc) =	sbr.ind lr, $3  }
0x3a: {  	_ = 	snop  }
0x3b: {  	_ = 	snop  }
0x3c: {  	p2 =	seq.s32 s10, $0x1;
	s10 =	sld [smem:$0x3FB0]  }
0x3d: {  	_ =	shalt  }
0x3e: {  	_ =	shalt  }
0x3f: {  	_ =	shalt  }
0x40: {  	_ =	shalt  }
0x41: {  	_ =	shalt  }
0x42: {  	_ =	shalt  }
0x43: {  	_ =	shalt  }
0x44: {  	_ =	shalt  }
0x45: {  	_ =	shalt  }
0x46: {  	_ =	shalt  }
0x47: {  	_ =	shalt  }
0x48: {  	_ =	shalt  }
0x49: {  	_ =	shalt  }
0x4a: {  	_ =	shalt  }
0x4b: {  	_ =	shalt  }
0x4c: {  	_ =	shalt  }
0x4d: {  	_ =	shalt  }
0x4e: {  	_ =	shalt  }
0x4f: {  	_ =	shalt  }
0x50: {  	_ =	shalt  }
0x51: {  	_ =	shalt  }
0x52: {  	_ =	shalt  }
0x53: {  	_ =	shalt  }
0x54: {  	_ =	shalt  }
0x55: {  	_ =	shalt  }
0x56: {  	_ =	shalt  }
0x57: {  	_ =	shalt  }
0x58: {  	_ =	shalt  }
0x59: {  	_ =	shalt  }
0x5a: {  	_ =	shalt  }
0x5b: {  	_ =	shalt  }
0x5c: {  	_ =	shalt  }
0x5d: {  	_ =	shalt  }
0x5e: {  	_ =	shalt  }
0x5f: {  	_ =	shalt  }
0x60: {  	_ =	shalt  }
0x61: {  	_ =	shalt  }
0x62: {  	_ =	shalt  }
0x63: {  	_ =	shalt  }
0x64: {  	_ =	shalt  }
0x65: {  	_ =	shalt  }
0x66: {  	_ =	shalt  }
0x67: {  	_ =	shalt  }
0x68: {  	_ =	shalt  }
0x69: {  	_ =	shalt  }
0x6a: {  	_ =	shalt  }
0x6b: {  	_ =	shalt  }
0x6c: {  	_ =	shalt  }
0x6d: {  	_ =	shalt  }
0x6e: {  	_ =	shalt  }
0x6f: {  	_ =	shalt  }
0x70: {  	_ =	shalt  }
0x71: {  	_ =	shalt  }
0x72: {  	_ =	shalt  }
0x73: {  	_ =	shalt  }
0x74: {  	_ =	shalt  }
0x75: {  	_ =	shalt  }
0x76: {  	_ =	shalt  }
0x77: {  	_ =	shalt  }
0x78: {  	_ =	shalt  }
0x79: {  	_ =	shalt  }
0x7a: {  	_ =	shalt  }
0x7b: {  	_ =	shalt  }
0x7c: {  	_ =	shalt  }
0x7d: {  	_ =	shalt  }
0x7e: {  	_ =	shalt  }
0x7f: {  	_ =	shalt  }
0x80: {  	_ =	shalt  }
0x81: {  	_ =	shalt  }
0x82: {  	_ =	shalt  }
0x83: {  	_ =	shalt  }
0x84: {  	_ =	shalt  }
0x85: {  	_ =	shalt  }
0x86: {  	_ =	shalt  }
0x87: {  	_ =	shalt  }
.Lfunc_end0:
.L_simem_size_0:
called_computation.2_lowered:
.L_overlay_start_0:
0x88: {  	s2 =	sld [smem:$0x3FD9]  }
0x89: {  	s3 =	sld [smem:$0x3FFE];
	_ =	sdelay $0x1  }
0x8a: {  	s1 =	srdreg.scid  }
0x8b: {  	s0 =	sand.u32 $0x1, s1  }
0x8c: {  	s14 =	sshll.u32 s0, $0xA;
	s2 =	sadd.s32 s3, s2  }
0x8d: {  	s2 =	sadd.s32 s2, s14  }
0x8e: {  	[smem:$0x3FBC] =	sst s2  }
0x8f: {  	_ = 	snop  }
0x90: {  	s2 =	sld [smem:$0x3FD0];
	_ =	sdelay $0x2  }
0x91: {  	s15 =	simm.s32 $0xA;
	s4 =	simm.s32 $0x10  }
0x92: {  	[smem:s4], [sflag:s15] =	dma.local [hbm:s2], $0x1  }
0x93: {  	_ =	swait.eq [sflag:s15], $0x1  }
0x94: {  	[sflag:s15] =	ssyncset.done $0x0  }
0x95: {  	[sflag:s15] =	ssyncadd.s32 $0xFFFFFFFF  }
0x96: {  	s16 =	sld [smem:$0x10];
	(tm) =	ssettm $0x1  }
0x97: {  	s17 =	sld [smem:$0x3FFB];
	_ =	sdelay $0x3  }
0x98: {  	_ =	strace s17  }
0x99: {  	s3 =	sld [smem:$0x3FFC];
	_ =	sdelay $0x3  }
0x9a: {  	_ =	strace s3  }
0x9b: {  	s3 =	sld [smem:$0x3FFD];
	_ =	sdelay $0x3  }
0x9c: {  	_ =	strace s3  }
0x9d: {  	_ =	strace $0x8FFFFFFF  }
0x9e: {  	s18 =	sld [smem:$0x3FDB];
	_ =	sdelay $0x1  }
0x9f: {  	s19 =	simm.s32 $_scs_section_size  }
0xa0: {  	s5 =	simm.s32 $_size__tile_overlayer_lowered;
	s6 =	simm.s32 $_tile_overlayer_lowered  }
0xa1: {  	s22 =	simm.s32 $0x1BFF;
	s21 =	sshll.u32 s6, $0x1;
	s3 =	sadd.s32 s19, s18  }
0xa2: {  	s7 =	simm.s32 $0x0;
	s20 =	sshll.u32 s5, $0x1;
	s5 =	sadd.s32 s21, s3  }
0xa3: {  	[timem:s7], [sflag:s22] =	dma.local [hbm:s5], s20  }
0xa4: {  	_ =	swait.ge [sflag:s22], s20  }
0xa5: {  	s4 =	ssub.s32 $0x0, s20;
	[sflag:s22] =	ssyncset.done $0x0  }
0xa6: {  	[sflag:s22] =	ssyncadd.s32 s4;
	_ =	sdelay $0x1  }
0xa7: {  	s23 =	simm.s32 $0x1B8B  }
0xa8: {  	_ =	swait.ge [sflag:s23], $0x1  }
0xa9: {  	[sflag:s23] =	ssyncset.done $0x0  }
0xaa: {  	s25 =	simm.s32 $0x1B8E;
	s24 =	sld [smem:$0x3FFE];
	[sflag:s23] =	ssyncadd.s32 $0xFFFFFFFF  }
0xab: {  	s26 =	simm.s32 $execute0_lowered;
	[smem:$0x3FD2] =	sst s25  }
0xac: {  	s5 =	sshll.u32 s26, $0x1;
	_ =	strace $0x8000004C;
	[dreg:$0x1] =	wrdreg $0xFFFFFFFF  }
0xad: {  	s28 =	simm.s32 $_size_execute0_lowered;
	s3 =	sadd.s32 s3, s5;
	[dreg:$0x0] =	wrdreg $0x0  }
0xae: {  	s5 =	sshll.u32 s28, $0x1;
	[dreg:$0x2] =	wrdreg s3  }
0xaf: {  	[dreg:$0x3] =	wrdreg s5  }
0xb0: {  	[dreg:$0x4] =	wrdreg $0xC0  }
0xb1: {  	_ =	task [dreg:s7], $0x5FFFF  }
0xb2: {  	[dreg:$0x1] =	wrdreg $0xFFFFFFFF  }
0xb3: {  	[dreg:$0x0] =	wrdreg $0x60  }
0xb4: {  	[dreg:$0x2] =	wrdreg s16  }
0xb5: {  	[dreg:$0x3] =	wrdreg s24  }
0xb6: {  	[dreg:$0x4] =	wrdreg $0x9C000  }
0xb7: {  	[dreg:$0x5] =	wrdreg $0x9  }
0xb8: {  	_ =	task.clear_ibuf [dreg:s7], $0x6FFFF;
	_ =	strace $0x9000004C  }
0xb9: {  	s29 =	simm.s32 $0x9;
	_ =	strace $0x8000004E  }
0xba: {  	_ =	swait.ge [sflag:s29], $0x1  }
0xbb: {  	[sflag:s29] =	ssyncadd.s32 $0xFFFFFFFF  }
0xbc: {  	_ =	strace $0x9000004E  }
0xbd: {  	_ =	sfence  }
0xbe: {  	s30 =	sld [smem:$0x0];
	_ =	sdelay $0x2  }
0xbf: {  	s31 =	sshll.u32 s1, $0xD;
	s1 =	sshrl.u32 s1, $0x2  }
0xc0: {  	s3 =	sand.u32 $0x4000, s31;
	s1 =	sadd.s32 s1, s30  }
0xc1: {  	s0 =	sor.u32 s3, s0;
	s1 =	sshll.u32 s1, $0x11  }
0xc2: {  	s0 =	sor.u32 s1, s0  }
0xc3: {  	s0 =	sadd.s32 $0x8F2B, s0  }
0xc4: {  	[sflag:s0] =	ssyncadd.remote.s32 $0x1  }
0xc5: {  	_ =	sfence.sel $0xFFFF  }
0xc6: {  	[dreg:$0x0] =	wrdreg $0xFFFFFFFF;
	(pc) =	sbr.abs _section_cstart, $3  }
0xc7: {  	[dreg:$0x1] =	wrdreg $0xFFFFFFFF  }
0xc8: {  	_ =	task.clear_ibuf [dreg:s7], $0x2FFFF;
	_ =	strace $0x9FFFFFFF  }
0xc9: {  	(tm) =	ssettm $0x7FFFFFFF  }
tec
execute0_lowered:
.L_overlay_start_1:
0x0: {  	(tag) =	ssettag $0x1  }
0x1: {  	s1 =	rddreg [dreg:$0x0]  }
0x2: {  	s0 =	rddreg [dreg:$0x1]  }
0x3: {  	s2 =	rddreg [dreg:$0x2];
	s3 =	simm.s32 $0x0;
	s20 =	srdreg.scid  }
0x4: {  	s9 =	stileid.u32;
	[smem:$0x7FF] =	sst s3;
	s3 =	sand.u32 $0x1, s20  }
0x5: {  	s5 =	sadd.s32 $0x3E00, s0;
	s7 =	smul.u32 $0x50000, s9;
	s6 =	sadd.s32 $0xDC00, s0  }
0x6: {  	s14 =	smul.u32 $0x14000, s9;
	s0 =	sadd.s32 $0x17A00, s0;
	s4 =	ssub.s32 $0x2, s3  }
0x7: {  	s21 =	sshll.u32 s9, $0x1;
	_ =	strace $0x8000004D;
	s8 =	sshrl.u32 s4, $0x1  }
0x8: {  	s7 =	sshrl.u32 s7, $0x2;
	s15 =	sadd.s32 $0x4000, s14;
	s16 =	sadd.s32 $0x8000, s14  }
0x9: {  	s17 =	sadd.s32 $0xC000, s14;
	s23 =	sadd.s32 $0x10000, s14;
	s4 =	ssub.s32 s4, s8  }
0xa: {  	s7 =	sadd.s32 s7, s2;
	s8 =	sor.u32 s3, s21;
	s9 =	sadd.s32 s15, s2  }
0xb: {  	s11 =	sadd.s32 s16, s2;
	s12 =	sadd.s32 s17, s2;
	s3 =	smul.u32 $0x140000, s3  }
0xc: {  	s13 =	sadd.s32 s23, s2;
	s22 =	sadd.s32 $0x1000, s7;
	s10 =	smul.u32 $0x2710, s8  }
0xd: {  	[dreg:$0x4] =	wrdreg s22;
	s14 =	sadd.s32 s14, s3;
	s15 =	sadd.s32 s3, s15  }
0xe: {  	s18 =	sshrl.u32 s10, $0x3;
	s20 =	sshrl.u32 s14, $0x3;
	s14 =	smax.u32 s4, $0x1  }
0xf: {  	s21 =	sshrl.u32 s15, $0x3;
	s15 =	sadd.s32 $0x2000, s7;
	[dreg:$0x10] =	wrdreg s14  }
0x10: {  	s16 =	sadd.s32 s3, s16;
	s19 =	sadd.s32 s5, s18;
	[dreg:$0x11] =	wrdreg s15  }
0x11: {  	s17 =	sadd.s32 s3, s17;
	s24 =	sadd.s32 s6, s18;
	[dreg:$0x5] =	wrdreg s19  }
0x12: {  	s3 =	sadd.s32 s3, s23;
	s8 =	sadd.s32 s0, s20;
	[dreg:$0x6] =	wrdreg s24  }
0x13: {  	s25 =	sadd.s32 $0x10, s18;
	s23 =	sadd.s32 s0, s21;
	[dreg:$0x9] =	wrdreg s8  }
0x14: {  	s22 =	sadd.s32 $0x4E0, s18;
	s18 =	sadd.s32 $0x6000, s7;
	[dreg:$0xa] =	wrdreg s23  }
0x15: {  	s28 =	simm.s32 $0x6;
	s20 =	sadd.s32 $0x9000, s7;
	[dreg:$0x14] =	wrdreg s18  }
0x16: {  	s29 =	simm.s32 $0x8380;
	s21 =	sadd.s32 $0xA000, s7;
	[dreg:$0x16] =	wrdreg s20  }
0x17: {  	s30 =	simm.s32 $0x10;
	s26 =	sadd.s32 s5, s25;
	[dreg:$0x17] =	wrdreg s21  }
0x18: {  	s31 =	simm.s32 $0x8400;
	s19 =	sadd.s32 s6, s25;
	[dreg:$0x7] =	wrdreg s26  }
0x19: {  	s24 =	sshrl.u32 s16, $0x3;
	s16 =	sadd.s32 $0x3000, s7;
	[dreg:$0x8] =	wrdreg s19  }
0x1a: {  	s25 =	sshrl.u32 s17, $0x3;
	s17 =	sadd.s32 $0x5000, s7;
	[dreg:$0x12] =	wrdreg s16  }
0x1b: {  	s3 =	sshrl.u32 s3, $0x3;
	s23 =	sadd.s32 $0xD000, s7;
	[dreg:$0x13] =	wrdreg s17  }
0x1c: {  	s18 =	sadd.s32 $0x13000, s7;
	s8 =	sadd.s32 s0, s24;
	[dreg:$0x19] =	wrdreg s23  }
0x1d: {  	s20 =	simm.s32 $0x80;
	s26 =	sadd.s32 s0, s25;
	[dreg:$0xb] =	wrdreg s8  }
0x1e: {  	s21 =	simm.s32 $0x1;
	s0 =	sadd.s32 s0, s3;
	[dreg:$0xc] =	wrdreg s26  }
0x1f: {  	s3 =	sadd.s32 s5, s22;
	s19 =	sadd.s32 $0x7000, s7;
	[dreg:$0xd] =	wrdreg s0  }
0x20: {  	s24 =	sadd.s32 $0xE000, s7;
	s25 =	sadd.s32 $0xF000, s7;
	[dreg:$0xe] =	wrdreg s3  }
0x21: {  	s17 =	sadd.s32 $0x12000, s7;
	s23 =	simm.s32 $0x3;
	[dreg:$0x15] =	wrdreg s19  }
.Ltmp0:
0x22: {  	s8 =	sadd.s32 s6, s22;
	[dreg:$0x1a] =	wrdreg s24;
	(pc) =	sbr.rel .LBB2_1-.Ltmp0, $4  }
0x23: {  	s22 =	sadd.s32 $0xB000, s7;
	[dreg:$0x1b] =	wrdreg s25;
	s26 =	sadd.s32 $0x11000, s7  }
0x24: {  	s19 =	simm.s32 $0x8C00;
	s24 =	simm.s32 $0x2;
	[dreg:$0xf] =	wrdreg s8  }
0x25: {  	s25 =	simm.s32 $0x4;
	s0 =	simm.s32 $0x0;
	[dreg:$0x18] =	wrdreg s22  }
0x26: {  	v0 =	vimm.f32 $0.0e+00;
	[dreg:$0x1c] =	wrdreg s26;
	s22 =	simm.s32 $0x5;
	s26 =	simm.s32 $0x8300  }
.LBB2_7:
0x27: {  	_ =	swait.ge [sflag:s25], $0x4000  }
0x28: {  	[sflag:s25] =	ssyncset.done $0x0  }
0x29: {  	s3 =	simm.s32 $0x0;
	s4 =	rddreg [dreg:$0xe];
	[sflag:s25] =	ssyncadd.s32 $0xFFFFC000  }
0x2a: {  	[tilespmem:s26], [sflag:$0x6] =	stream.linear.gather [hbm4b:s4+s3], $0x10, $0x38;
	[tilespmem:$0x1DC00] =	vst v63  }
0x2b: {  	_ =	swait.ge [sflag:s28], $0x10  }
0x2c: {  	[sflag:s28] =	ssyncset.done $0x0  }
0x2d: {  	s16 =	rddreg [dreg:$0xf];
	[sflag:s28] =	ssyncadd.s32 $0xFFFFFFF0  }
0x2e: {  	[tilespmem:s29], [sflag:$0x6] =	stream.linear.gather [hbm4b:s16+s3], $0x10, $0x38;
	[tilespmem:$0x1DC00] =	vst v63  }
0x2f: {  	_ =	swait.ge [sflag:s28], $0x10  }
0x30: {  	[sflag:s28] =	ssyncset.done $0x0  }
0x31: {  	[sflag:s28] =	ssyncadd.s32 $0xFFFFFFF0  }
0x32: {  	[tilespmem:s31], [sflag:$0x3] =	stream.indirect.gather [hbm4b:s1+s30], $0x80, s26, s30, $0xb8;
	[tilespmem:$0x1DC00] =	vst v63  }
0x33: {  	_ =	swait.ge [sflag:s23], $0x800  }
0x34: {  	[sflag:s23] =	ssyncset.done $0x0  }
0x35: {  	[sflag:s23] =	ssyncadd.s32 $0xFFFFF800  }
0x36: {  	[spmem:s2] =	stream.indirect.scatter.add.f32 [tilespmem:s31], [sflag:$0x6], $0x80, s29, s30, $0xb8;
	[tilespmem:$0x1DC00] =	vst v63  }
0x37: {  	_ =	swait.ge [sflag:s28], $0x800  }
0x38: {  	[sflag:s28] =	ssyncset.done $0x0  }
0x39: {  	s8 =	stileid.u32;
	[sflag:s28] =	ssyncadd.s32 $0xFFFFF800  }
0x3a: {  	s3 =	sshll.u32 s8, $0x6;
	[bflag:$0x0] =	sbarrier.arrive $0xFFFF  }
0x3b: {  	s14 =	sshrl.u32 s7, $0x3;
	s3 =	sor.u32 $0x1C06, s3;
	s8 =	rddreg [dreg:$0x9]  }
0x3c: {  	[hbm:s8], [sflag:s3] =	dma.local [spmem:s14], $0x800  }
0x3d: {  	_ =	swait.ge [sflag:s28], $0x800  }
0x3e: {  	[sflag:s28] =	ssyncset.done $0x0  }
0x3f: {  	s15 =	sshrl.u32 s9, $0x3;
	s16 =	rddreg [dreg:$0xa];
	[sflag:s28] =	ssyncadd.s32 $0xFFFFF800  }
0x40: {  	[hbm:s16], [sflag:s3] =	dma.local [spmem:s15], $0x800  }
0x41: {  	_ =	swait.ge [sflag:s28], $0x800  }
0x42: {  	[sflag:s28] =	ssyncset.done $0x0  }
0x43: {  	s8 =	sshrl.u32 s11, $0x3;
	s14 =	rddreg [dreg:$0xb];
	[sflag:s28] =	ssyncadd.s32 $0xFFFFF800  }
0x44: {  	[hbm:s14], [sflag:s3] =	dma.local [spmem:s8], $0x800  }
0x45: {  	_ =	swait.ge [sflag:s28], $0x800  }
0x46: {  	[sflag:s28] =	ssyncset.done $0x0  }
0x47: {  	s15 =	sshrl.u32 s12, $0x3;
	s16 =	rddreg [dreg:$0xc];
	[sflag:s28] =	ssyncadd.s32 $0xFFFFF800  }
0x48: {  	[hbm:s16], [sflag:s3] =	dma.local [spmem:s15], $0x800  }
0x49: {  	_ =	swait.ge [sflag:s28], $0x800  }
0x4a: {  	[sflag:s28] =	ssyncset.done $0x0  }
0x4b: {  	s14 =	sshrl.u32 s13, $0x3;
	s15 =	rddreg [dreg:$0xd];
	[sflag:s28] =	ssyncadd.s32 $0xFFFFF800  }
0x4c: {  	[hbm:s15], [sflag:s3] =	dma.local [spmem:s14], $0x800  }
0x4d: {  	_ =	swait.ge [sflag:s28], $0x800  }
0x4e: {  	s0 =	sadd.s32 $0x1, s0;
	s16 =	rddreg [dreg:$0x10]  }
0x4f: {  	p0 =	sne.s32 s0, s16  }
.Ltmp1:
0x50: {  	_ = 	snop;
	(pc) =	sbr.rel @!p0 .LBB2_8-.Ltmp1, $3  }
0x51: {  	_ =	sdelay $0x1  }
0x52: {  	[sflag:s28] =	ssyncset.done $0x0  }
0x53: {  	[sflag:s28] =	ssyncadd.s32 $0xFFFFF800  }
.LBB2_1:
0x54: {  	s3 =	simm.s32 $0x0;
	s4 =	simm.s32 $0x200  }
.LBB2_2:
0x55: {  	p0 =	sne.s32 s4, $0x3E00;
	[tilespmem:s3+$0x8C70] =	vst v0  }
0x56: {  	[tilespmem:s3+$0x8C00] =	vst v0  }
0x57: {  	[tilespmem:s3+$0x8C10] =	vst v0  }
.Ltmp2:
0x58: {  	[tilespmem:s3+$0x8C20] =	vst v0;
	(pc) =	sbr.rel @p0 .LBB2_2-.Ltmp2, $4  }
0x59: {  	[tilespmem:s3+$0x8C30] =	vst v0  }
0x5a: {  	[tilespmem:s3+$0x8C40] =	vst v0  }
0x5b: {  	[tilespmem:s3+$0x8C50] =	vst v0  }
0x5c: {  	[tilespmem:s3+$0x8C60] =	vst v0;
	s3 =	sshra.s32 s4, $0x2;
	s4 =	sadd.s32 $0x200, s4  }
0x5d: {  	[tilespmem:s3+$0x8C70] =	vst v0  }
0x5e: {  	[tilespmem:s3+$0x8C00] =	vst v0  }
0x5f: {  	[tilespmem:s3+$0x8C10] =	vst v0  }
0x60: {  	[tilespmem:s3+$0x8C20] =	vst v0  }
0x61: {  	[tilespmem:s3+$0x8C30] =	vst v0  }
0x62: {  	[tilespmem:s3+$0x8C40] =	vst v0  }
0x63: {  	[tilespmem:s3+$0x8C50] =	vst v0  }
0x64: {  	[tilespmem:s3+$0x8C60] =	vst v0  }
0x65: {  	[spmem:s7] =	stream.linear.scatter [tilespmem:s19], [sflag:$0x5], $0x1000, $0x38;
	[tilespmem:$0x1DC00] =	vst v63  }
0x66: {  	s4 =	rddreg [dreg:$0x4]  }
0x67: {  	[spmem:s4] =	stream.linear.scatter [tilespmem:s19], [sflag:$0x5], $0x1000, $0x38;
	[tilespmem:$0x1DC00] =	vst v63  }
0x68: {  	s8 =	rddreg [dreg:$0x11]  }
0x69: {  	[spmem:s8] =	stream.linear.scatter [tilespmem:s19], [sflag:$0x5], $0x1000, $0x38;
	[tilespmem:$0x1DC00] =	vst v63  }
0x6a: {  	s14 =	rddreg [dreg:$0x12]  }
0x6b: {  	[spmem:s14] =	stream.linear.scatter [tilespmem:s19], [sflag:$0x5], $0x1000, $0x38;
	[tilespmem:$0x1DC00] =	vst v63  }
0x6c: {  	_ = 	snop  }
0x6d: {  	[spmem:s9] =	stream.linear.scatter [tilespmem:s19], [sflag:$0x5], $0x1000, $0x38;
	[tilespmem:$0x1DC00] =	vst v63  }
0x6e: {  	s15 =	rddreg [dreg:$0x13]  }
0x6f: {  	[spmem:s15] =	stream.linear.scatter [tilespmem:s19], [sflag:$0x5], $0x1000, $0x38;
	[tilespmem:$0x1DC00] =	vst v63  }
0x70: {  	s16 =	rddreg [dreg:$0x14]  }
0x71: {  	[spmem:s16] =	stream.linear.scatter [tilespmem:s19], [sflag:$0x5], $0x1000, $0x38;
	[tilespmem:$0x1DC00] =	vst v63  }
0x72: {  	s4 =	rddreg [dreg:$0x15]  }
0x73: {  	[spmem:s4] =	stream.linear.scatter [tilespmem:s19], [sflag:$0x5], $0x1000, $0x38;
	[tilespmem:$0x1DC00] =	vst v63  }
0x74: {  	_ = 	snop  }
0x75: {  	[spmem:s11] =	stream.linear.scatter [tilespmem:s19], [sflag:$0x5], $0x1000, $0x38;
	[tilespmem:$0x1DC00] =	vst v63  }
0x76: {  	s8 =	rddreg [dreg:$0x16]  }
0x77: {  	[spmem:s8] =	stream.linear.scatter [tilespmem:s19], [sflag:$0x5], $0x1000, $0x38;
	[tilespmem:$0x1DC00] =	vst v63  }
0x78: {  	s14 =	rddreg [dreg:$0x17]  }
0x79: {  	[spmem:s14] =	stream.linear.scatter [tilespmem:s19], [sflag:$0x5], $0x1000, $0x38;
	[tilespmem:$0x1DC00] =	vst v63  }
0x7a: {  	s15 =	rddreg [dreg:$0x18]  }
0x7b: {  	[spmem:s15] =	stream.linear.scatter [tilespmem:s19], [sflag:$0x5], $0x1000, $0x38;
	[tilespmem:$0x1DC00] =	vst v63  }
0x7c: {  	_ = 	snop  }
0x7d: {  	[spmem:s12] =	stream.linear.scatter [tilespmem:s19], [sflag:$0x5], $0x1000, $0x38;
	[tilespmem:$0x1DC00] =	vst v63  }
0x7e: {  	s16 =	rddreg [dreg:$0x19]  }
0x7f: {  	[spmem:s16] =	stream.linear.scatter [tilespmem:s19], [sflag:$0x5], $0x1000, $0x38;
	[tilespmem:$0x1DC00] =	vst v63  }
0x80: {  	s4 =	rddreg [dreg:$0x1a]  }
0x81: {  	[spmem:s4] =	stream.linear.scatter [tilespmem:s19], [sflag:$0x5], $0x1000, $0x38;
	[tilespmem:$0x1DC00] =	vst v63  }
0x82: {  	s8 =	rddreg [dreg:$0x1b]  }
0x83: {  	[spmem:s8] =	stream.linear.scatter [tilespmem:s19], [sflag:$0x5], $0x1000, $0x38;
	[tilespmem:$0x1DC00] =	vst v63  }
0x84: {  	_ = 	snop  }
0x85: {  	[spmem:s13] =	stream.linear.scatter [tilespmem:s19], [sflag:$0x5], $0x1000, $0x38;
	[tilespmem:$0x1DC00] =	vst v63  }
0x86: {  	s14 =	rddreg [dreg:$0x1c]  }
0x87: {  	[spmem:s14] =	stream.linear.scatter [tilespmem:s19], [sflag:$0x5], $0x1000, $0x38;
	[tilespmem:$0x1DC00] =	vst v63  }
0x88: {  	_ = 	snop  }
0x89: {  	[spmem:s17] =	stream.linear.scatter [tilespmem:s19], [sflag:$0x5], $0x1000, $0x38;
	[tilespmem:$0x1DC00] =	vst v63  }
0x8a: {  	_ = 	snop  }
0x8b: {  	[spmem:s18] =	stream.linear.scatter [tilespmem:s19], [sflag:$0x5], $0x1000, $0x38;
	[tilespmem:$0x1DC00] =	vst v63  }
0x8c: {  	s15 =	rddreg [dreg:$0x5];
	s8 =	simm.s32 $0x0  }
0x8d: {  	[tilespmem:s8], [sflag:$0x1] =	stream.linear.gather [hbm4b:s15+s8], $0x80, $0x38;
	[tilespmem:$0x1DC00] =	vst v63  }
0x8e: {  	s16 =	rddreg [dreg:$0x6];
	s4 =	simm.s32 $0x100  }
0x8f: {  	[tilespmem:s4], [sflag:$0x2] =	stream.linear.gather [hbm4b:s16+s8], $0x80, $0x38;
	[tilespmem:$0x1DC00] =	vst v63  }
0x90: {  	s4 =	rddreg [dreg:$0x7]  }
0x91: {  	[tilespmem:s20], [sflag:$0x1] =	stream.linear.gather [hbm4b:s4+s8], $0x80, $0x38;
	[tilespmem:$0x1DC00] =	vst v63  }
0x92: {  	s14 =	rddreg [dreg:$0x8];
	s15 =	simm.s32 $0x180  }
0x93: {  	[tilespmem:s15], [sflag:$0x2] =	stream.linear.gather [hbm4b:s14+s8], $0x80, $0x38;
	[tilespmem:$0x1DC00] =	vst v63  }
0x94: {  	_ =	swait.ge [sflag:s21], $0x80  }
0x95: {  	[sflag:s21] =	ssyncset.done $0x0  }
0x96: {  	s16 =	simm.s32 $0x300;
	[sflag:s21] =	ssyncadd.s32 $0xFFFFFF80  }
0x97: {  	[tilespmem:s16], [sflag:$0x3] =	stream.indirect.gather [hbm4b:s1+s20], $0x80, s8, s20, $0xb8;
	[tilespmem:$0x1DC00] =	vst v63  }
0x98: {  	_ =	swait.ge [sflag:s22], $0x1000  }
0x99: {  	[sflag:s22] =	ssyncset.done $0x0  }
0x9a: {  	[sflag:s22] =	ssyncadd.s32 $0xFFFFF000  }
0x9b: {  	_ =	swait.ge [sflag:s22], $0x1000  }
0x9c: {  	[sflag:s22] =	ssyncset.done $0x0  }
0x9d: {  	[sflag:s22] =	ssyncadd.s32 $0xFFFFF000  }
0x9e: {  	_ =	swait.ge [sflag:s22], $0x1000  }
0x9f: {  	[sflag:s22] =	ssyncset.done $0x0  }
0xa0: {  	[sflag:s22] =	ssyncadd.s32 $0xFFFFF000  }
0xa1: {  	_ =	swait.ge [sflag:s22], $0x1000  }
0xa2: {  	[sflag:s22] =	ssyncset.done $0x0  }
0xa3: {  	[sflag:s22] =	ssyncadd.s32 $0xFFFFF000  }
0xa4: {  	_ =	swait.ge [sflag:s22], $0x1000  }
0xa5: {  	[sflag:s22] =	ssyncset.done $0x0  }
0xa6: {  	[sflag:s22] =	ssyncadd.s32 $0xFFFFF000  }
0xa7: {  	_ =	swait.ge [sflag:s22], $0x1000  }
0xa8: {  	[sflag:s22] =	ssyncset.done $0x0  }
0xa9: {  	[sflag:s22] =	ssyncadd.s32 $0xFFFFF000  }
0xaa: {  	_ =	swait.ge [sflag:s22], $0x1000  }
0xab: {  	[sflag:s22] =	ssyncset.done $0x0  }
0xac: {  	[sflag:s22] =	ssyncadd.s32 $0xFFFFF000  }
0xad: {  	_ =	swait.ge [sflag:s22], $0x1000  }
0xae: {  	[sflag:s22] =	ssyncset.done $0x0  }
0xaf: {  	[sflag:s22] =	ssyncadd.s32 $0xFFFFF000  }
0xb0: {  	_ =	swait.ge [sflag:s22], $0x1000  }
0xb1: {  	[sflag:s22] =	ssyncset.done $0x0  }
0xb2: {  	[sflag:s22] =	ssyncadd.s32 $0xFFFFF000  }
0xb3: {  	_ =	swait.ge [sflag:s22], $0x1000  }
0xb4: {  	[sflag:s22] =	ssyncset.done $0x0  }
0xb5: {  	[sflag:s22] =	ssyncadd.s32 $0xFFFFF000  }
0xb6: {  	_ =	swait.ge [sflag:s22], $0x1000  }
0xb7: {  	[sflag:s22] =	ssyncset.done $0x0  }
0xb8: {  	[sflag:s22] =	ssyncadd.s32 $0xFFFFF000  }
0xb9: {  	_ =	swait.ge [sflag:s22], $0x1000  }
0xba: {  	[sflag:s22] =	ssyncset.done $0x0  }
0xbb: {  	[sflag:s22] =	ssyncadd.s32 $0xFFFFF000  }
0xbc: {  	_ =	swait.ge [sflag:s22], $0x1000  }
0xbd: {  	[sflag:s22] =	ssyncset.done $0x0  }
0xbe: {  	[sflag:s22] =	ssyncadd.s32 $0xFFFFF000  }
0xbf: {  	_ =	swait.ge [sflag:s22], $0x1000  }
0xc0: {  	[sflag:s22] =	ssyncset.done $0x0  }
0xc1: {  	[sflag:s22] =	ssyncadd.s32 $0xFFFFF000  }
0xc2: {  	_ =	swait.ge [sflag:s22], $0x1000  }
0xc3: {  	[sflag:s22] =	ssyncset.done $0x0  }
0xc4: {  	[sflag:s22] =	ssyncadd.s32 $0xFFFFF000  }
0xc5: {  	_ =	swait.ge [sflag:s22], $0x1000  }
0xc6: {  	[sflag:s22] =	ssyncset.done $0x0  }
0xc7: {  	[sflag:s22] =	ssyncadd.s32 $0xFFFFF000  }
0xc8: {  	_ =	swait.ge [sflag:s22], $0x1000  }
0xc9: {  	[sflag:s22] =	ssyncset.done $0x0  }
0xca: {  	[sflag:s22] =	ssyncadd.s32 $0xFFFFF000  }
0xcb: {  	_ =	swait.ge [sflag:s22], $0x1000  }
0xcc: {  	[sflag:s22] =	ssyncset.done $0x0  }
0xcd: {  	[sflag:s22] =	ssyncadd.s32 $0xFFFFF000  }
0xce: {  	_ =	swait.ge [sflag:s22], $0x1000  }
0xcf: {  	[sflag:s22] =	ssyncset.done $0x0  }
0xd0: {  	[sflag:s22] =	ssyncadd.s32 $0xFFFFF000  }
.Ltmp3:
0xd1: {  	_ =	swait.ge [sflag:s22], $0x1000;
	(pc) =	sbr.rel .LBB2_4-.Ltmp3, $3  }
0xd2: {  	[sflag:s22] =	ssyncset.done $0x0  }
0xd3: {  	[sflag:s22] =	ssyncadd.s32 $0xFFFFF000  }
0xd4: {  	[bflag:$0x0] =	sbarrier.arrive $0xFFFF;
	_ =	sdelay $0x1  }
.LBB2_6:
0xd5: {  	s14 =	sshll.u32 s8, $0x7;
	_ =	swait.ge [sflag:s24], $0x80  }
0xd6: {  	s15 =	sshll.u32 s4, $0xE;
	p0 =	sgt.u32 s8, $0x4B;
	s14 =	sand.u32 $0x180, s14  }
0xd7: {  	[sflag:s24] =	ssyncset.done $0x0;
	s15 =	sor.u32 $0x300, s15;
	s8 =	sshll.u32 @!p0 s8, $0x7  }
0xd8: {  	s14 =	sadd.s32 $0x100, s14;
	[sflag:s24] =	ssyncadd.s32 $0xFFFFFF80;
	s8 =	sadd.s32 @!p0 $0x100, s8  }
0xd9: {  	[spmem:s2] =	stream.indirect.scatter.add.f32 [tilespmem:s15], [sflag:$0x4], $0x80, s14, s20, $0xb8;
	[tilespmem:$0x1DC00] =	vst v63  }
0xda: {  	s14 =	sadd.s32 @!p0 s10, s8  }
0xdb: {  	s14 =	sshrl.u32 @!p0 s14, $0x3  }
0xdc: {  	s4 =	sshll.u32 @!p0 s4, $0x7;
	s16 =	simm.s32 @!p0 $0x0;
	s15 =	sadd.s32 @!p0 s5, s14  }
0xdd: {  	[tilespmem:s4], [sflag:$0x1] =	stream.linear.gather @!p0 [hbm4b:s15+s16], $0x80, $0x38;
	[tilespmem:$0x1DC00] =	vst v63  }
0xde: {  	s4 =	sand.u32 @!p0 $0x180, s8  }
0xdf: {  	s8 =	sadd.s32 @!p0 s6, s14;
	s4 =	sadd.s32 @!p0 $0x100, s4  }
0xe0: {  	[tilespmem:s4], [sflag:$0x2] =	stream.linear.gather @!p0 [hbm4b:s8+s16], $0x80, $0x38;
	[tilespmem:$0x1DC00] =	vst v63  }
0xe1: {  	p0 =	slt.u32 s3, $0x4E  }
.Ltmp4:
0xe2: {  	_ = 	snop;
	(pc) =	sbr.rel @!p0 .LBB2_7-.Ltmp4, $2  }
0xe3: {  	_ =	sdelay $0x2  }
0xe4: {  	s8 =	smov.u32 s3  }
.LBB2_4:
0xe5: {  	p0 =	seq.s32 s8, $0x0  }
0xe6: {  	p1 =	seq.s32 @!p0 s8, $0x4D  }
0xe7: {  	_ =	swait.ge [sflag:s23], $0x4000;
	p1 =	por p0, !p1  }
.Ltmp5:
0xe8: {  	[sflag:s23] =	ssyncset.done $0x0;
	(pc) =	sbr.rel @!p1 .LBB2_6-.Ltmp5, $4  }
0xe9: {  	s3 =	simm.s32 @!p0 $0x4;
	[sflag:s23] =	ssyncadd.s32 $0xFFFFC000  }
0xea: {  	_ =	swait.ge @!p0 [sflag:s3], $0x4000  }
0xeb: {  	[sflag:s3] =	ssyncset.done @!p0 $0x0  }
0xec: {  	s4 =	sand.u32 $0x1, s8;
	[sflag:s3] =	ssyncadd.s32 @!p0 $0xFFFFC000;
	s3 =	simm.s32 @!p0 $0x4E  }
0xed: {  	s3 =	sxor.u32 $0x1, s4;
	_ =	swait.ge [sflag:s21], $0x80  }
.Ltmp6:
0xee: {  	[sflag:s21] =	ssyncset.done $0x0;
	s14 =	sshll.u32 s3, $0xE;
	(pc) =	sbr.rel .LBB2_6-.Ltmp6, $4  }
0xef: {  	s3 =	sshll.u32 s3, $0x7;
	[sflag:s21] =	ssyncadd.s32 $0xFFFFFF80;
	s14 =	sor.u32 $0x300, s14  }
0xf0: {  	[tilespmem:s14], [sflag:$0x3] =	stream.indirect.gather [hbm4b:s1+s20], $0x80, s3, s20, $0xb8;
	[tilespmem:$0x1DC00] =	vst v63  }
0xf1: {  	s3 =	sadd.s32 @!p0 $0x1, s8  }
0xf2: {  	s3 =	simm.s32 @p0 $0x1  }
.LBB2_8:
0xf3: {  	_ =	sfence.sel $0x180000  }
0xf4: {  	[bflag:$0x0] =	sbarrier.arrive $0xFFFF  }
0xf5: {  	_ =	strace $0x9000004D  }
0xf6: {  	s0 =	stileid.u32;
	[bflag:$0x2] =	sbarrier.arrive $0xFFFF  }
0xf7: {  	p0 =	sne.s32 s0, $0x0;
	s0 =	rddreg [dreg:$0x3]  }
0xf8: {  	s0 =	sadd.s32 @!p0 $0x100000, s0  }
0xf9: {  	[sflag:s0] =	ssyncadd.tile.s32 @!p0 $0x1;
	_ =	shalt  }
.Lfunc_end2:
_tile_overlayer_lowered:
.L_overlay_start_2:
0xfa: {  	(tag) =	ssettag $0x2  }
0xfb: {  	s0 =	rddreg [dreg:$0x0];
	s2 =	stileid.u32  }
0xfc: {  	s1 =	rddreg [dreg:$0x1];
	p0 =	sne.s32 s2, $0x0  }
0xfd: {  	s3 =	rddreg [dreg:$0x2];
	[bflag:$0x3] =	sbarrier.arrive $0xFFFF;
	s2 =	simm.s32 @!p0 $0x1C06  }
0xfe: {  	[timem:s3], [sflag:s2] =	dma.local @!p0 [hbm:s0], s1  }
0xff: {  	s0 =	simm.s32 @!p0 $0x6  }
0x100: {  	_ =	swait.ge @!p0 [sflag:s0], s1  }
0x101: {  	s1 =	ssub.s32 @!p0 $0x0, s1;
	[sflag:s0] =	ssyncset.done @!p0 $0x0  }
0x102: {  	[sflag:s0] =	ssyncadd.s32 @!p0 s1  }
0x103: {  	[bflag:$0x3] =	sbarrier.arrive $0xFFFF  }
0x104: {  	_ =	shalt  }

// kernel: kernel.21.cloned.1.call-start
scs
__scs_entry_jumppad:
0x0: {  	(pc) =	sbr.rel $0x88, $3  }
0x1: {  	(tag) =	ssettag $0x0;
	lr =	simm.s32 $0x1  }
0x2: {  	[smem:$0x3F95] =	sst lr;
	_ =	strace $0xD0000000  }
0x3: {  	_ = 	snop  }
0x4: {  	_ = 	snop  }
0x5: {  	_ = 	snop  }
0x6: {  	_ = 	snop  }
0x7: {  	_ = 	snop  }
__scs_overlays_trampoline_lowered:
0x8: {  	[smem:$0x3FA4] =	sst s0  }
0x9: {  	[smem:$0x3FA5] =	sst s1  }
0xa: {  	[smem:$0x3FA6] =	sst s2  }
0xb: {  	[smem:$0x3FA7] =	sst s3  }
0xc: {  	[smem:$0x3FA8] =	sst s4  }
0xd: {  	[smem:$0x3FA9] =	sst s5  }
0xe: {  	[smem:$0x3FAA] =	sst s6  }
0xf: {  	[smem:$0x3FAB] =	sst s7  }
0x10: {  	[smem:$0x3FAC] =	sst s8  }
0x11: {  	[smem:$0x3FAD] =	sst s9;
	s0 =	simm.s32 @!p0 $0x0  }
0x12: {  	s1 =	sld [smem:$0x3F93];
	s0 =	simm.s32 @p0 $0x1  }
0x13: {  	[smem:$0x3FAE] =	sst s0;
	s0 =	simm.s32 @!p1 $0x0  }
0x14: {  	s2 =	sld [smem:$0x3F92];
	s0 =	simm.s32 @p1 $0x1  }
0x15: {  	[smem:$0x3FAF] =	sst s0;
	s0 =	simm.s32 @!p2 $0x0  }
0x16: {  	s3 =	sld [smem:$0x3FDB];
	s0 =	simm.s32 @p2 $0x1  }
0x17: {  	s4 =	simm.s32 $0x1BF5;
	[smem:$0x3FB1] =	sst s0  }
0x18: {  	s0 =	sld [smem:$0x3F94];
	_ =	swait.ge [sflag:s4], $0x0  }
0x19: {  	s7 =	sld [smem:$0x3F95]  }
0x1a: {  	s8 =	sadd.s32 $0xFFFFE003, lr  }
0x1b: {  	s9 =	sadd.s32 $0xFFFFFEF7, lr;
	s5 =	simm.s32 $0xFFFFFFFF;
	p2 =	slt.u32 s8, $0xFFFFF086  }
0x1c: {  	p1 =	slt.u32 s9, $0xF7A;
	s5 =	simm.s32 @!p2 $0x0  }
0x1d: {  	s5 =	simm.s32 @p1 $0x1;
	p0 =	seq.s32 s7, s2  }
0x1e: {  	s7 =	smul.u32 @!p0 $0xF7A, s2;
	p2 =	seq.s32 @!p0 s5, $0x0  }
0x1f: {  	s9 =	smul.u32 $0xF7A, s1;
	s8 =	simm.s32 @!p0 $0x1BF5;
	p2 =	por !p2, p0  }
0x20: {  	[sflag:s8] =	ssyncset.s32 @!p0 $0xFFFFF086;
	s6 =	sadd.s32 @!p0 s3, s7;
	s7 =	simm.s32 @!p0 $0x108  }
0x21: {  	s3 =	sadd.s32 s3, s9;
	s6 =	sadd.s32 @!p0 $0x88, s6;
	s7 =	simm.s32 @p2 $0x1082  }
0x22: {  	[simem:s7], [sflag:s8] =	dma.local @!p0 [hbm:s6], $0xF7A  }
0x23: {  	s9 =	sor.u32 $0xD0000000, s2;
	s6 =	simm.s32 $0x108;
	_ =	swait.ge @!p0 [sflag:s8], $0x0  }
0x24: {  	s3 =	sadd.s32 $0x88, s3;
	s6 =	simm.s32 @!p1 $0x1082;
	[sflag:s4] =	ssyncset.s32 $0xFFFFF086  }
0x25: {  	[simem:s6], [sflag:s4] =	dma.local [hbm:s3], $0xF7A  }
0x26: {  	[smem:$0x3F95] =	sst s1;
	(tag) =	ssettag s2;
	_ =	strace s9  }
0x27: {  	s1 =	sld [smem:$0x3FA5]  }
0x28: {  	s2 =	sld [smem:$0x3FA6]  }
0x29: {  	s4 =	sld [smem:$0x3FA8]  }
0x2a: {  	p0 =	seq.s32 s5, $0x0;
	s5 =	sld [smem:$0x3FA9]  }
0x2b: {  	s6 =	sld [smem:$0x3FAA]  }
0x2c: {  	s7 =	sld [smem:$0x3FAB]  }
0x2d: {  	s3 =	simm.s32 $0x108;
	s8 =	sld [smem:$0x3FAC]  }
0x2e: {  	s3 =	simm.s32 @!p0 $0x1082;
	s9 =	sld [smem:$0x3FAD]  }
0x2f: {  	lr =	sadd.s32 s0, s3;
	s0 =	sld [smem:$0x3FA4]  }
0x30: {  	s3 =	sld [smem:$0x3FA7]  }
0x31: {  	[smem:$0x3FB0] =	sst s10  }
0x32: {  	s10 =	sld [smem:$0x3FAE];
	_ =	sdelay $0x3  }
0x33: {  	p0 =	seq.s32 s10, $0x1;
	s10 =	sld [smem:$0x3FB0];
	_ =	sdelay $0x3  }
0x34: {  	[smem:$0x3FB0] =	sst s10  }
0x35: {  	s10 =	sld [smem:$0x3FAF];
	_ =	sdelay $0x3  }
0x36: {  	p1 =	seq.s32 s10, $0x1;
	s10 =	sld [smem:$0x3FB0];
	_ =	sdelay $0x3  }
0x37: {  	[smem:$0x3FB0] =	sst s10  }
0x38: {  	s10 =	sld [smem:$0x3FB1]  }
0x39: {  	_ = 	snop;
	(pc) =	sbr.ind lr, $3  }
0x3a: {  	_ = 	snop  }
0x3b: {  	_ = 	snop  }
0x3c: {  	p2 =	seq.s32 s10, $0x1;
	s10 =	sld [smem:$0x3FB0]  }
0x3d: {  	_ =	shalt  }
0x3e: {  	_ =	shalt  }
0x3f: {  	_ =	shalt  }
0x40: {  	_ =	shalt  }
0x41: {  	_ =	shalt  }
0x42: {  	_ =	shalt  }
0x43: {  	_ =	shalt  }
0x44: {  	_ =	shalt  }
0x45: {  	_ =	shalt  }
0x46: {  	_ =	shalt  }
0x47: {  	_ =	shalt  }
0x48: {  	_ =	shalt  }
0x49: {  	_ =	shalt  }
0x4a: {  	_ =	shalt  }
0x4b: {  	_ =	shalt  }
0x4c: {  	_ =	shalt  }
0x4d: {  	_ =	shalt  }
0x4e: {  	_ =	shalt  }
0x4f: {  	_ =	shalt  }
0x50: {  	_ =	shalt  }
0x51: {  	_ =	shalt  }
0x52: {  	_ =	shalt  }
0x53: {  	_ =	shalt  }
0x54: {  	_ =	shalt  }
0x55: {  	_ =	shalt  }
0x56: {  	_ =	shalt  }
0x57: {  	_ =	shalt  }
0x58: {  	_ =	shalt  }
0x59: {  	_ =	shalt  }
0x5a: {  	_ =	shalt  }
0x5b: {  	_ =	shalt  }
0x5c: {  	_ =	shalt  }
0x5d: {  	_ =	shalt  }
0x5e: {  	_ =	shalt  }
0x5f: {  	_ =	shalt  }
0x60: {  	_ =	shalt  }
0x61: {  	_ =	shalt  }
0x62: {  	_ =	shalt  }
0x63: {  	_ =	shalt  }
0x64: {  	_ =	shalt  }
0x65: {  	_ =	shalt  }
0x66: {  	_ =	shalt  }
0x67: {  	_ =	shalt  }
0x68: {  	_ =	shalt  }
0x69: {  	_ =	shalt  }
0x6a: {  	_ =	shalt  }
0x6b: {  	_ =	shalt  }
0x6c: {  	_ =	shalt  }
0x6d: {  	_ =	shalt  }
0x6e: {  	_ =	shalt  }
0x6f: {  	_ =	shalt  }
0x70: {  	_ =	shalt  }
0x71: {  	_ =	shalt  }
0x72: {  	_ =	shalt  }
0x73: {  	_ =	shalt  }
0x74: {  	_ =	shalt  }
0x75: {  	_ =	shalt  }
0x76: {  	_ =	shalt  }
0x77: {  	_ =	shalt  }
0x78: {  	_ =	shalt  }
0x79: {  	_ =	shalt  }
0x7a: {  	_ =	shalt  }
0x7b: {  	_ =	shalt  }
0x7c: {  	_ =	shalt  }
0x7d: {  	_ =	shalt  }
0x7e: {  	_ =	shalt  }
0x7f: {  	_ =	shalt  }
0x80: {  	_ =	shalt  }
0x81: {  	_ =	shalt  }
0x82: {  	_ =	shalt  }
0x83: {  	_ =	shalt  }
0x84: {  	_ =	shalt  }
0x85: {  	_ =	shalt  }
0x86: {  	_ =	shalt  }
0x87: {  	_ =	shalt  }
.Lfunc_end0:
.L_simem_size_0:
called_computation.3_lowered:
.L_overlay_start_0:
0x88: {  	s2 =	sld [smem:$0x3FD9]  }
0x89: {  	s3 =	sld [smem:$0x3FFE];
	_ =	sdelay $0x1  }
0x8a: {  	s1 =	srdreg.scid  }
0x8b: {  	s0 =	sand.u32 $0x1, s1  }
0x8c: {  	s14 =	sshll.u32 s0, $0xA;
	s2 =	sadd.s32 s3, s2  }
0x8d: {  	s2 =	sadd.s32 s2, s14  }
0x8e: {  	[smem:$0x3FBC] =	sst s2  }
0x8f: {  	_ = 	snop  }
0x90: {  	s2 =	sld [smem:$0x3FD0];
	_ =	sdelay $0x2  }
0x91: {  	s15 =	simm.s32 $0xA;
	s4 =	simm.s32 $0x10  }
0x92: {  	[smem:s4], [sflag:s15] =	dma.local [hbm:s2], $0x1  }
0x93: {  	_ =	swait.eq [sflag:s15], $0x1  }
0x94: {  	[sflag:s15] =	ssyncset.done $0x0  }
0x95: {  	[sflag:s15] =	ssyncadd.s32 $0xFFFFFFFF  }
0x96: {  	s16 =	sld [smem:$0x10];
	(tm) =	ssettm $0x1  }
0x97: {  	s17 =	sld [smem:$0x3FFB];
	_ =	sdelay $0x3  }
0x98: {  	_ =	strace s17  }
0x99: {  	s3 =	sld [smem:$0x3FFC];
	_ =	sdelay $0x3  }
0x9a: {  	_ =	strace s3  }
0x9b: {  	s3 =	sld [smem:$0x3FFD];
	_ =	sdelay $0x3  }
0x9c: {  	_ =	strace s3  }
0x9d: {  	_ =	strace $0x8FFFFFFF  }
0x9e: {  	s18 =	sld [smem:$0x3FDB];
	_ =	sdelay $0x1  }
0x9f: {  	s19 =	simm.s32 $_scs_section_size  }
0xa0: {  	s5 =	simm.s32 $_size__tile_overlayer_lowered;
	s6 =	simm.s32 $_tile_overlayer_lowered  }
0xa1: {  	s22 =	simm.s32 $0x1BFF;
	s21 =	sshll.u32 s6, $0x1;
	s3 =	sadd.s32 s19, s18  }
0xa2: {  	s7 =	simm.s32 $0x0;
	s20 =	sshll.u32 s5, $0x1;
	s5 =	sadd.s32 s21, s3  }
0xa3: {  	[timem:s7], [sflag:s22] =	dma.local [hbm:s5], s20  }
0xa4: {  	_ =	swait.ge [sflag:s22], s20  }
0xa5: {  	s4 =	ssub.s32 $0x0, s20;
	[sflag:s22] =	ssyncset.done $0x0  }
0xa6: {  	[sflag:s22] =	ssyncadd.s32 s4;
	_ =	sdelay $0x1  }
0xa7: {  	s23 =	simm.s32 $0x1B8B  }
0xa8: {  	_ =	swait.ge [sflag:s23], $0x1  }
0xa9: {  	[sflag:s23] =	ssyncset.done $0x0  }
0xaa: {  	s25 =	simm.s32 $0x1B8E;
	s24 =	sld [smem:$0x3FFE];
	[sflag:s23] =	ssyncadd.s32 $0xFFFFFFFF  }
0xab: {  	s26 =	simm.s32 $execute0_lowered;
	[smem:$0x3FD2] =	sst s25  }
0xac: {  	s5 =	sshll.u32 s26, $0x1;
	_ =	strace $0x8000004F;
	[dreg:$0x1] =	wrdreg $0xFFFFFFFF  }
0xad: {  	s28 =	simm.s32 $_size_execute0_lowered;
	s3 =	sadd.s32 s3, s5;
	[dreg:$0x0] =	wrdreg $0x0  }
0xae: {  	s5 =	sshll.u32 s28, $0x1;
	[dreg:$0x2] =	wrdreg s3  }
0xaf: {  	[dreg:$0x3] =	wrdreg s5  }
0xb0: {  	[dreg:$0x4] =	wrdreg $0xC0  }
0xb1: {  	_ =	task [dreg:s7], $0x5FFFF  }
0xb2: {  	[dreg:$0x1] =	wrdreg $0xFFFFFFFF  }
0xb3: {  	[dreg:$0x0] =	wrdreg $0x60  }
0xb4: {  	[dreg:$0x2] =	wrdreg s16  }
0xb5: {  	[dreg:$0x3] =	wrdreg s24  }
0xb6: {  	[dreg:$0x4] =	wrdreg $0x9C000  }
0xb7: {  	[dreg:$0x5] =	wrdreg $0x9  }
0xb8: {  	_ =	task.clear_ibuf [dreg:s7], $0x6FFFF;
	_ =	strace $0x9000004F  }
0xb9: {  	s29 =	simm.s32 $0x9;
	_ =	strace $0x80000051  }
0xba: {  	_ =	swait.ge [sflag:s29], $0x1  }
0xbb: {  	[sflag:s29] =	ssyncadd.s32 $0xFFFFFFFF  }
0xbc: {  	_ =	strace $0x90000051  }
0xbd: {  	_ =	sfence  }
0xbe: {  	s30 =	sld [smem:$0x0];
	_ =	sdelay $0x2  }
0xbf: {  	s31 =	sshll.u32 s1, $0xD;
	s1 =	sshrl.u32 s1, $0x2  }
0xc0: {  	s3 =	sand.u32 $0x4000, s31;
	s1 =	sadd.s32 s1, s30  }
0xc1: {  	s0 =	sor.u32 s3, s0;
	s1 =	sshll.u32 s1, $0x11  }
0xc2: {  	s0 =	sor.u32 s1, s0  }
0xc3: {  	s0 =	sadd.s32 $0x8F2B, s0  }
0xc4: {  	[sflag:s0] =	ssyncadd.remote.s32 $0x1  }
0xc5: {  	_ =	sfence.sel $0xFFFF  }
0xc6: {  	[dreg:$0x0] =	wrdreg $0xFFFFFFFF;
	(pc) =	sbr.abs _section_cstart, $3  }
0xc7: {  	[dreg:$0x1] =	wrdreg $0xFFFFFFFF  }
0xc8: {  	_ =	task.clear_ibuf [dreg:s7], $0x2FFFF;
	_ =	strace $0x9FFFFFFF  }
0xc9: {  	(tm) =	ssettm $0x7FFFFFFF  }
tec
execute0_lowered:
.L_overlay_start_1:
0x0: {  	(tag) =	ssettag $0x1  }
0x1: {  	s1 =	rddreg [dreg:$0x0]  }
0x2: {  	s0 =	rddreg [dreg:$0x1]  }
0x3: {  	s2 =	rddreg [dreg:$0x2];
	s3 =	simm.s32 $0x0;
	s20 =	srdreg.scid  }
0x4: {  	s9 =	stileid.u32;
	[smem:$0x7FF] =	sst s3;
	s3 =	sand.u32 $0x1, s20  }
0x5: {  	s5 =	sadd.s32 $0x3E00, s0;
	s7 =	smul.u32 $0x50000, s9;
	s6 =	sadd.s32 $0xDC00, s0  }
0x6: {  	s14 =	smul.u32 $0x14000, s9;
	s0 =	sadd.s32 $0x17A00, s0;
	s4 =	ssub.s32 $0x2, s3  }
0x7: {  	s21 =	sshll.u32 s9, $0x1;
	_ =	strace $0x80000050;
	s8 =	sshrl.u32 s4, $0x1  }
0x8: {  	s7 =	sshrl.u32 s7, $0x2;
	s15 =	sadd.s32 $0x4000, s14;
	s16 =	sadd.s32 $0x8000, s14  }
0x9: {  	s17 =	sadd.s32 $0xC000, s14;
	s23 =	sadd.s32 $0x10000, s14;
	s4 =	ssub.s32 s4, s8  }
0xa: {  	s7 =	sadd.s32 s7, s2;
	s8 =	sor.u32 s3, s21;
	s9 =	sadd.s32 s15, s2  }
0xb: {  	s11 =	sadd.s32 s16, s2;
	s12 =	sadd.s32 s17, s2;
	s3 =	smul.u32 $0x140000, s3  }
0xc: {  	s13 =	sadd.s32 s23, s2;
	s22 =	sadd.s32 $0x1000, s7;
	s10 =	smul.u32 $0x2710, s8  }
0xd: {  	[dreg:$0x4] =	wrdreg s22;
	s14 =	sadd.s32 s14, s3;
	s15 =	sadd.s32 s3, s15  }
0xe: {  	s18 =	sshrl.u32 s10, $0x3;
	s20 =	sshrl.u32 s14, $0x3;
	s14 =	smax.u32 s4, $0x1  }
0xf: {  	s21 =	sshrl.u32 s15, $0x3;
	s15 =	sadd.s32 $0x2000, s7;
	[dreg:$0x10] =	wrdreg s14  }
0x10: {  	s16 =	sadd.s32 s3, s16;
	s19 =	sadd.s32 s5, s18;
	[dreg:$0x11] =	wrdreg s15  }
0x11: {  	s17 =	sadd.s32 s3, s17;
	s24 =	sadd.s32 s6, s18;
	[dreg:$0x5] =	wrdreg s19  }
0x12: {  	s3 =	sadd.s32 s3, s23;
	s8 =	sadd.s32 s0, s20;
	[dreg:$0x6] =	wrdreg s24  }
0x13: {  	s25 =	sadd.s32 $0x10, s18;
	s23 =	sadd.s32 s0, s21;
	[dreg:$0x9] =	wrdreg s8  }
0x14: {  	s22 =	sadd.s32 $0x4E0, s18;
	s18 =	sadd.s32 $0x6000, s7;
	[dreg:$0xa] =	wrdreg s23  }
0x15: {  	s28 =	simm.s32 $0x6;
	s20 =	sadd.s32 $0x9000, s7;
	[dreg:$0x14] =	wrdreg s18  }
0x16: {  	s29 =	simm.s32 $0x8380;
	s21 =	sadd.s32 $0xA000, s7;
	[dreg:$0x16] =	wrdreg s20  }
0x17: {  	s30 =	simm.s32 $0x10;
	s26 =	sadd.s32 s5, s25;
	[dreg:$0x17] =	wrdreg s21  }
0x18: {  	s31 =	simm.s32 $0x8400;
	s19 =	sadd.s32 s6, s25;
	[dreg:$0x7] =	wrdreg s26  }
0x19: {  	s24 =	sshrl.u32 s16, $0x3;
	s16 =	sadd.s32 $0x3000, s7;
	[dreg:$0x8] =	wrdreg s19  }
0x1a: {  	s25 =	sshrl.u32 s17, $0x3;
	s17 =	sadd.s32 $0x5000, s7;
	[dreg:$0x12] =	wrdreg s16  }
0x1b: {  	s3 =	sshrl.u32 s3, $0x3;
	s23 =	sadd.s32 $0xD000, s7;
	[dreg:$0x13] =	wrdreg s17  }
0x1c: {  	s18 =	sadd.s32 $0x13000, s7;
	s8 =	sadd.s32 s0, s24;
	[dreg:$0x19] =	wrdreg s23  }
0x1d: {  	s20 =	simm.s32 $0x80;
	s26 =	sadd.s32 s0, s25;
	[dreg:$0xb] =	wrdreg s8  }
0x1e: {  	s21 =	simm.s32 $0x1;
	s0 =	sadd.s32 s0, s3;
	[dreg:$0xc] =	wrdreg s26  }
0x1f: {  	s3 =	sadd.s32 s5, s22;
	s19 =	sadd.s32 $0x7000, s7;
	[dreg:$0xd] =	wrdreg s0  }
0x20: {  	s24 =	sadd.s32 $0xE000, s7;
	s25 =	sadd.s32 $0xF000, s7;
	[dreg:$0xe] =	wrdreg s3  }
0x21: {  	s17 =	sadd.s32 $0x12000, s7;
	s23 =	simm.s32 $0x3;
	[dreg:$0x15] =	wrdreg s19  }
.Ltmp0:
0x22: {  	s8 =	sadd.s32 s6, s22;
	[dreg:$0x1a] =	wrdreg s24;
	(pc) =	sbr.rel .LBB2_1-.Ltmp0, $4  }
0x23: {  	s22 =	sadd.s32 $0xB000, s7;
	[dreg:$0x1b] =	wrdreg s25;
	s26 =	sadd.s32 $0x11000, s7  }
0x24: {  	s19 =	simm.s32 $0x8C00;
	s24 =	simm.s32 $0x2;
	[dreg:$0xf] =	wrdreg s8  }
0x25: {  	s25 =	simm.s32 $0x4;
	s0 =	simm.s32 $0x0;
	[dreg:$0x18] =	wrdreg s22  }
0x26: {  	v0 =	vimm.f32 $0.0e+00;
	[dreg:$0x1c] =	wrdreg s26;
	s22 =	simm.s32 $0x5;
	s26 =	simm.s32 $0x8300  }
.LBB2_7:
0x27: {  	_ =	swait.ge [sflag:s25], $0x4000  }
0x28: {  	[sflag:s25] =	ssyncset.done $0x0  }
0x29: {  	s3 =	simm.s32 $0x0;
	s4 =	rddreg [dreg:$0xe];
	[sflag:s25] =	ssyncadd.s32 $0xFFFFC000  }
0x2a: {  	[tilespmem:s26], [sflag:$0x6] =	stream.linear.gather [hbm4b:s4+s3], $0x10, $0x38;
	[tilespmem:$0x1DC00] =	vst v63  }
0x2b: {  	_ =	swait.ge [sflag:s28], $0x10  }
0x2c: {  	[sflag:s28] =	ssyncset.done $0x0  }
0x2d: {  	s16 =	rddreg [dreg:$0xf];
	[sflag:s28] =	ssyncadd.s32 $0xFFFFFFF0  }
0x2e: {  	[tilespmem:s29], [sflag:$0x6] =	stream.linear.gather [hbm4b:s16+s3], $0x10, $0x38;
	[tilespmem:$0x1DC00] =	vst v63  }
0x2f: {  	_ =	swait.ge [sflag:s28], $0x10  }
0x30: {  	[sflag:s28] =	ssyncset.done $0x0  }
0x31: {  	[sflag:s28] =	ssyncadd.s32 $0xFFFFFFF0  }
0x32: {  	[tilespmem:s31], [sflag:$0x3] =	stream.indirect.gather [hbm4b:s1+s30], $0x80, s26, s30, $0xb8;
	[tilespmem:$0x1DC00] =	vst v63  }
0x33: {  	_ =	swait.ge [sflag:s23], $0x800  }
0x34: {  	[sflag:s23] =	ssyncset.done $0x0  }
0x35: {  	[sflag:s23] =	ssyncadd.s32 $0xFFFFF800  }
0x36: {  	[spmem:s2] =	stream.indirect.scatter.add.f32 [tilespmem:s31], [sflag:$0x6], $0x80, s29, s30, $0xb8;
	[tilespmem:$0x1DC00] =	vst v63  }
0x37: {  	_ =	swait.ge [sflag:s28], $0x800  }
0x38: {  	[sflag:s28] =	ssyncset.done $0x0  }
0x39: {  	s8 =	stileid.u32;
	[sflag:s28] =	ssyncadd.s32 $0xFFFFF800  }
0x3a: {  	s3 =	sshll.u32 s8, $0x6;
	[bflag:$0x0] =	sbarrier.arrive $0xFFFF  }
0x3b: {  	s14 =	sshrl.u32 s7, $0x3;
	s3 =	sor.u32 $0x1C06, s3;
	s8 =	rddreg [dreg:$0x9]  }
0x3c: {  	[hbm:s8], [sflag:s3] =	dma.local [spmem:s14], $0x800  }
0x3d: {  	_ =	swait.ge [sflag:s28], $0x800  }
0x3e: {  	[sflag:s28] =	ssyncset.done $0x0  }
0x3f: {  	s15 =	sshrl.u32 s9, $0x3;
	s16 =	rddreg [dreg:$0xa];
	[sflag:s28] =	ssyncadd.s32 $0xFFFFF800  }
0x40: {  	[hbm:s16], [sflag:s3] =	dma.local [spmem:s15], $0x800  }
0x41: {  	_ =	swait.ge [sflag:s28], $0x800  }
0x42: {  	[sflag:s28] =	ssyncset.done $0x0  }
0x43: {  	s8 =	sshrl.u32 s11, $0x3;
	s14 =	rddreg [dreg:$0xb];
	[sflag:s28] =	ssyncadd.s32 $0xFFFFF800  }
0x44: {  	[hbm:s14], [sflag:s3] =	dma.local [spmem:s8], $0x800  }
0x45: {  	_ =	swait.ge [sflag:s28], $0x800  }
0x46: {  	[sflag:s28] =	ssyncset.done $0x0  }
0x47: {  	s15 =	sshrl.u32 s12, $0x3;
	s16 =	rddreg [dreg:$0xc];
	[sflag:s28] =	ssyncadd.s32 $0xFFFFF800  }
0x48: {  	[hbm:s16], [sflag:s3] =	dma.local [spmem:s15], $0x800  }
0x49: {  	_ =	swait.ge [sflag:s28], $0x800  }
0x4a: {  	[sflag:s28] =	ssyncset.done $0x0  }
0x4b: {  	s14 =	sshrl.u32 s13, $0x3;
	s15 =	rddreg [dreg:$0xd];
	[sflag:s28] =	ssyncadd.s32 $0xFFFFF800  }
0x4c: {  	[hbm:s15], [sflag:s3] =	dma.local [spmem:s14], $0x800  }
0x4d: {  	_ =	swait.ge [sflag:s28], $0x800  }
0x4e: {  	s0 =	sadd.s32 $0x1, s0;
	s16 =	rddreg [dreg:$0x10]  }
0x4f: {  	p0 =	sne.s32 s0, s16  }
.Ltmp1:
0x50: {  	_ = 	snop;
	(pc) =	sbr.rel @!p0 .LBB2_8-.Ltmp1, $3  }
0x51: {  	_ =	sdelay $0x1  }
0x52: {  	[sflag:s28] =	ssyncset.done $0x0  }
0x53: {  	[sflag:s28] =	ssyncadd.s32 $0xFFFFF800  }
.LBB2_1:
0x54: {  	s3 =	simm.s32 $0x0;
	s4 =	simm.s32 $0x200  }
.LBB2_2:
0x55: {  	p0 =	sne.s32 s4, $0x3E00;
	[tilespmem:s3+$0x8C70] =	vst v0  }
0x56: {  	[tilespmem:s3+$0x8C00] =	vst v0  }
0x57: {  	[tilespmem:s3+$0x8C10] =	vst v0  }
.Ltmp2:
0x58: {  	[tilespmem:s3+$0x8C20] =	vst v0;
	(pc) =	sbr.rel @p0 .LBB2_2-.Ltmp2, $4  }
0x59: {  	[tilespmem:s3+$0x8C30] =	vst v0  }
0x5a: {  	[tilespmem:s3+$0x8C40] =	vst v0  }
0x5b: {  	[tilespmem:s3+$0x8C50] =	vst v0  }
0x5c: {  	[tilespmem:s3+$0x8C60] =	vst v0;
	s3 =	sshra.s32 s4, $0x2;
	s4 =	sadd.s32 $0x200, s4  }
0x5d: {  	[tilespmem:s3+$0x8C70] =	vst v0  }
0x5e: {  	[tilespmem:s3+$0x8C00] =	vst v0  }
0x5f: {  	[tilespmem:s3+$0x8C10] =	vst v0  }
0x60: {  	[tilespmem:s3+$0x8C20] =	vst v0  }
0x61: {  	[tilespmem:s3+$0x8C30] =	vst v0  }
0x62: {  	[tilespmem:s3+$0x8C40] =	vst v0  }
0x63: {  	[tilespmem:s3+$0x8C50] =	vst v0  }
0x64: {  	[tilespmem:s3+$0x8C60] =	vst v0  }
0x65: {  	[spmem:s7] =	stream.linear.scatter [tilespmem:s19], [sflag:$0x5], $0x1000, $0x38;
	[tilespmem:$0x1DC00] =	vst v63  }
0x66: {  	s4 =	rddreg [dreg:$0x4]  }
0x67: {  	[spmem:s4] =	stream.linear.scatter [tilespmem:s19], [sflag:$0x5], $0x1000, $0x38;
	[tilespmem:$0x1DC00] =	vst v63  }
0x68: {  	s8 =	rddreg [dreg:$0x11]  }
0x69: {  	[spmem:s8] =	stream.linear.scatter [tilespmem:s19], [sflag:$0x5], $0x1000, $0x38;
	[tilespmem:$0x1DC00] =	vst v63  }
0x6a: {  	s14 =	rddreg [dreg:$0x12]  }
0x6b: {  	[spmem:s14] =	stream.linear.scatter [tilespmem:s19], [sflag:$0x5], $0x1000, $0x38;
	[tilespmem:$0x1DC00] =	vst v63  }
0x6c: {  	_ = 	snop  }
0x6d: {  	[spmem:s9] =	stream.linear.scatter [tilespmem:s19], [sflag:$0x5], $0x1000, $0x38;
	[tilespmem:$0x1DC00] =	vst v63  }
0x6e: {  	s15 =	rddreg [dreg:$0x13]  }
0x6f: {  	[spmem:s15] =	stream.linear.scatter [tilespmem:s19], [sflag:$0x5], $0x1000, $0x38;
	[tilespmem:$0x1DC00] =	vst v63  }
0x70: {  	s16 =	rddreg [dreg:$0x14]  }
0x71: {  	[spmem:s16] =	stream.linear.scatter [tilespmem:s19], [sflag:$0x5], $0x1000, $0x38;
	[tilespmem:$0x1DC00] =	vst v63  }
0x72: {  	s4 =	rddreg [dreg:$0x15]  }
0x73: {  	[spmem:s4] =	stream.linear.scatter [tilespmem:s19], [sflag:$0x5], $0x1000, $0x38;
	[tilespmem:$0x1DC00] =	vst v63  }
0x74: {  	_ = 	snop  }
0x75: {  	[spmem:s11] =	stream.linear.scatter [tilespmem:s19], [sflag:$0x5], $0x1000, $0x38;
	[tilespmem:$0x1DC00] =	vst v63  }
0x76: {  	s8 =	rddreg [dreg:$0x16]  }
0x77: {  	[spmem:s8] =	stream.linear.scatter [tilespmem:s19], [sflag:$0x5], $0x1000, $0x38;
	[tilespmem:$0x1DC00] =	vst v63  }
0x78: {  	s14 =	rddreg [dreg:$0x17]  }
0x79: {  	[spmem:s14] =	stream.linear.scatter [tilespmem:s19], [sflag:$0x5], $0x1000, $0x38;
	[tilespmem:$0x1DC00] =	vst v63  }
0x7a: {  	s15 =	rddreg [dreg:$0x18]  }
0x7b: {  	[spmem:s15] =	stream.linear.scatter [tilespmem:s19], [sflag:$0x5], $0x1000, $0x38;
	[tilespmem:$0x1DC00] =	vst v63  }
0x7c: {  	_ = 	snop  }
0x7d: {  	[spmem:s12] =	stream.linear.scatter [tilespmem:s19], [sflag:$0x5], $0x1000, $0x38;
	[tilespmem:$0x1DC00] =	vst v63  }
0x7e: {  	s16 =	rddreg [dreg:$0x19]  }
0x7f: {  	[spmem:s16] =	stream.linear.scatter [tilespmem:s19], [sflag:$0x5], $0x1000, $0x38;
	[tilespmem:$0x1DC00] =	vst v63  }
0x80: {  	s4 =	rddreg [dreg:$0x1a]  }
0x81: {  	[spmem:s4] =	stream.linear.scatter [tilespmem:s19], [sflag:$0x5], $0x1000, $0x38;
	[tilespmem:$0x1DC00] =	vst v63  }
0x82: {  	s8 =	rddreg [dreg:$0x1b]  }
0x83: {  	[spmem:s8] =	stream.linear.scatter [tilespmem:s19], [sflag:$0x5], $0x1000, $0x38;
	[tilespmem:$0x1DC00] =	vst v63  }
0x84: {  	_ = 	snop  }
0x85: {  	[spmem:s13] =	stream.linear.scatter [tilespmem:s19], [sflag:$0x5], $0x1000, $0x38;
	[tilespmem:$0x1DC00] =	vst v63  }
0x86: {  	s14 =	rddreg [dreg:$0x1c]  }
0x87: {  	[spmem:s14] =	stream.linear.scatter [tilespmem:s19], [sflag:$0x5], $0x1000, $0x38;
	[tilespmem:$0x1DC00] =	vst v63  }
0x88: {  	_ = 	snop  }
0x89: {  	[spmem:s17] =	stream.linear.scatter [tilespmem:s19], [sflag:$0x5], $0x1000, $0x38;
	[tilespmem:$0x1DC00] =	vst v63  }
0x8a: {  	_ = 	snop  }
0x8b: {  	[spmem:s18] =	stream.linear.scatter [tilespmem:s19], [sflag:$0x5], $0x1000, $0x38;
	[tilespmem:$0x1DC00] =	vst v63  }
0x8c: {  	s15 =	rddreg [dreg:$0x5];
	s8 =	simm.s32 $0x0  }
0x8d: {  	[tilespmem:s8], [sflag:$0x1] =	stream.linear.gather [hbm4b:s15+s8], $0x80, $0x38;
	[tilespmem:$0x1DC00] =	vst v63  }
0x8e: {  	s16 =	rddreg [dreg:$0x6];
	s4 =	simm.s32 $0x100  }
0x8f: {  	[tilespmem:s4], [sflag:$0x2] =	stream.linear.gather [hbm4b:s16+s8], $0x80, $0x38;
	[tilespmem:$0x1DC00] =	vst v63  }
0x90: {  	s4 =	rddreg [dreg:$0x7]  }
0x91: {  	[tilespmem:s20], [sflag:$0x1] =	stream.linear.gather [hbm4b:s4+s8], $0x80, $0x38;
	[tilespmem:$0x1DC00] =	vst v63  }
0x92: {  	s14 =	rddreg [dreg:$0x8];
	s15 =	simm.s32 $0x180  }
0x93: {  	[tilespmem:s15], [sflag:$0x2] =	stream.linear.gather [hbm4b:s14+s8], $0x80, $0x38;
	[tilespmem:$0x1DC00] =	vst v63  }
0x94: {  	_ =	swait.ge [sflag:s21], $0x80  }
0x95: {  	[sflag:s21] =	ssyncset.done $0x0  }
0x96: {  	s16 =	simm.s32 $0x300;
	[sflag:s21] =	ssyncadd.s32 $0xFFFFFF80  }
0x97: {  	[tilespmem:s16], [sflag:$0x3] =	stream.indirect.gather [hbm4b:s1+s20], $0x80, s8, s20, $0xb8;
	[tilespmem:$0x1DC00] =	vst v63  }
0x98: {  	_ =	swait.ge [sflag:s22], $0x1000  }
0x99: {  	[sflag:s22] =	ssyncset.done $0x0  }
0x9a: {  	[sflag:s22] =	ssyncadd.s32 $0xFFFFF000  }
0x9b: {  	_ =	swait.ge [sflag:s22], $0x1000  }
0x9c: {  	[sflag:s22] =	ssyncset.done $0x0  }
0x9d: {  	[sflag:s22] =	ssyncadd.s32 $0xFFFFF000  }
0x9e: {  	_ =	swait.ge [sflag:s22], $0x1000  }
0x9f: {  	[sflag:s22] =	ssyncset.done $0x0  }
0xa0: {  	[sflag:s22] =	ssyncadd.s32 $0xFFFFF000  }
0xa1: {  	_ =	swait.ge [sflag:s22], $0x1000  }
0xa2: {  	[sflag:s22] =	ssyncset.done $0x0  }
0xa3: {  	[sflag:s22] =	ssyncadd.s32 $0xFFFFF000  }
0xa4: {  	_ =	swait.ge [sflag:s22], $0x1000  }
0xa5: {  	[sflag:s22] =	ssyncset.done $0x0  }
0xa6: {  	[sflag:s22] =	ssyncadd.s32 $0xFFFFF000  }
0xa7: {  	_ =	swait.ge [sflag:s22], $0x1000  }
0xa8: {  	[sflag:s22] =	ssyncset.done $0x0  }
0xa9: {  	[sflag:s22] =	ssyncadd.s32 $0xFFFFF000  }
0xaa: {  	_ =	swait.ge [sflag:s22], $0x1000  }
0xab: {  	[sflag:s22] =	ssyncset.done $0x0  }
0xac: {  	[sflag:s22] =	ssyncadd.s32 $0xFFFFF000  }
0xad: {  	_ =	swait.ge [sflag:s22], $0x1000  }
0xae: {  	[sflag:s22] =	ssyncset.done $0x0  }
0xaf: {  	[sflag:s22] =	ssyncadd.s32 $0xFFFFF000  }
0xb0: {  	_ =	swait.ge [sflag:s22], $0x1000  }
0xb1: {  	[sflag:s22] =	ssyncset.done $0x0  }
0xb2: {  	[sflag:s22] =	ssyncadd.s32 $0xFFFFF000  }
0xb3: {  	_ =	swait.ge [sflag:s22], $0x1000  }
0xb4: {  	[sflag:s22] =	ssyncset.done $0x0  }
0xb5: {  	[sflag:s22] =	ssyncadd.s32 $0xFFFFF000  }
0xb6: {  	_ =	swait.ge [sflag:s22], $0x1000  }
0xb7: {  	[sflag:s22] =	ssyncset.done $0x0  }
0xb8: {  	[sflag:s22] =	ssyncadd.s32 $0xFFFFF000  }
0xb9: {  	_ =	swait.ge [sflag:s22], $0x1000  }
0xba: {  	[sflag:s22] =	ssyncset.done $0x0  }
0xbb: {  	[sflag:s22] =	ssyncadd.s32 $0xFFFFF000  }
0xbc: {  	_ =	swait.ge [sflag:s22], $0x1000  }
0xbd: {  	[sflag:s22] =	ssyncset.done $0x0  }
0xbe: {  	[sflag:s22] =	ssyncadd.s32 $0xFFFFF000  }
0xbf: {  	_ =	swait.ge [sflag:s22], $0x1000  }
0xc0: {  	[sflag:s22] =	ssyncset.done $0x0  }
0xc1: {  	[sflag:s22] =	ssyncadd.s32 $0xFFFFF000  }
0xc2: {  	_ =	swait.ge [sflag:s22], $0x1000  }
0xc3: {  	[sflag:s22] =	ssyncset.done $0x0  }
0xc4: {  	[sflag:s22] =	ssyncadd.s32 $0xFFFFF000  }
0xc5: {  	_ =	swait.ge [sflag:s22], $0x1000  }
0xc6: {  	[sflag:s22] =	ssyncset.done $0x0  }
0xc7: {  	[sflag:s22] =	ssyncadd.s32 $0xFFFFF000  }
0xc8: {  	_ =	swait.ge [sflag:s22], $0x1000  }
0xc9: {  	[sflag:s22] =	ssyncset.done $0x0  }
0xca: {  	[sflag:s22] =	ssyncadd.s32 $0xFFFFF000  }
0xcb: {  	_ =	swait.ge [sflag:s22], $0x1000  }
0xcc: {  	[sflag:s22] =	ssyncset.done $0x0  }
0xcd: {  	[sflag:s22] =	ssyncadd.s32 $0xFFFFF000  }
0xce: {  	_ =	swait.ge [sflag:s22], $0x1000  }
0xcf: {  	[sflag:s22] =	ssyncset.done $0x0  }
0xd0: {  	[sflag:s22] =	ssyncadd.s32 $0xFFFFF000  }
.Ltmp3:
0xd1: {  	_ =	swait.ge [sflag:s22], $0x1000;
	(pc) =	sbr.rel .LBB2_4-.Ltmp3, $3  }
0xd2: {  	[sflag:s22] =	ssyncset.done $0x0  }
0xd3: {  	[sflag:s22] =	ssyncadd.s32 $0xFFFFF000  }
0xd4: {  	[bflag:$0x0] =	sbarrier.arrive $0xFFFF;
	_ =	sdelay $0x1  }
.LBB2_6:
0xd5: {  	s14 =	sshll.u32 s8, $0x7;
	_ =	swait.ge [sflag:s24], $0x80  }
0xd6: {  	s15 =	sshll.u32 s4, $0xE;
	p0 =	sgt.u32 s8, $0x4B;
	s14 =	sand.u32 $0x180, s14  }
0xd7: {  	[sflag:s24] =	ssyncset.done $0x0;
	s15 =	sor.u32 $0x300, s15;
	s8 =	sshll.u32 @!p0 s8, $0x7  }
0xd8: {  	s14 =	sadd.s32 $0x100, s14;
	[sflag:s24] =	ssyncadd.s32 $0xFFFFFF80;
	s8 =	sadd.s32 @!p0 $0x100, s8  }
0xd9: {  	[spmem:s2] =	stream.indirect.scatter.add.f32 [tilespmem:s15], [sflag:$0x4], $0x80, s14, s20, $0xb8;
	[tilespmem:$0x1DC00] =	vst v63  }
0xda: {  	s14 =	sadd.s32 @!p0 s10, s8  }
0xdb: {  	s14 =	sshrl.u32 @!p0 s14, $0x3  }
0xdc: {  	s4 =	sshll.u32 @!p0 s4, $0x7;
	s16 =	simm.s32 @!p0 $0x0;
	s15 =	sadd.s32 @!p0 s5, s14  }
0xdd: {  	[tilespmem:s4], [sflag:$0x1] =	stream.linear.gather @!p0 [hbm4b:s15+s16], $0x80, $0x38;
	[tilespmem:$0x1DC00] =	vst v63  }
0xde: {  	s4 =	sand.u32 @!p0 $0x180, s8  }
0xdf: {  	s8 =	sadd.s32 @!p0 s6, s14;
	s4 =	sadd.s32 @!p0 $0x100, s4  }
0xe0: {  	[tilespmem:s4], [sflag:$0x2] =	stream.linear.gather @!p0 [hbm4b:s8+s16], $0x80, $0x38;
	[tilespmem:$0x1DC00] =	vst v63  }
0xe1: {  	p0 =	slt.u32 s3, $0x4E  }
.Ltmp4:
0xe2: {  	_ = 	snop;
	(pc) =	sbr.rel @!p0 .LBB2_7-.Ltmp4, $2  }
0xe3: {  	_ =	sdelay $0x2  }
0xe4: {  	s8 =	smov.u32 s3  }
.LBB2_4:
0xe5: {  	p0 =	seq.s32 s8, $0x0  }
0xe6: {  	p1 =	seq.s32 @!p0 s8, $0x4D  }
0xe7: {  	_ =	swait.ge [sflag:s23], $0x4000;
	p1 =	por p0, !p1  }
.Ltmp5:
0xe8: {  	[sflag:s23] =	ssyncset.done $0x0;
	(pc) =	sbr.rel @!p1 .LBB2_6-.Ltmp5, $4  }
0xe9: {  	s3 =	simm.s32 @!p0 $0x4;
	[sflag:s23] =	ssyncadd.s32 $0xFFFFC000  }
0xea: {  	_ =	swait.ge @!p0 [sflag:s3], $0x4000  }
0xeb: {  	[sflag:s3] =	ssyncset.done @!p0 $0x0  }
0xec: {  	s4 =	sand.u32 $0x1, s8;
	[sflag:s3] =	ssyncadd.s32 @!p0 $0xFFFFC000;
	s3 =	simm.s32 @!p0 $0x4E  }
0xed: {  	s3 =	sxor.u32 $0x1, s4;
	_ =	swait.ge [sflag:s21], $0x80  }
.Ltmp6:
0xee: {  	[sflag:s21] =	ssyncset.done $0x0;
	s14 =	sshll.u32 s3, $0xE;
	(pc) =	sbr.rel .LBB2_6-.Ltmp6, $4  }
0xef: {  	s3 =	sshll.u32 s3, $0x7;
	[sflag:s21] =	ssyncadd.s32 $0xFFFFFF80;
	s14 =	sor.u32 $0x300, s14  }
0xf0: {  	[tilespmem:s14], [sflag:$0x3] =	stream.indirect.gather [hbm4b:s1+s20], $0x80, s3, s20, $0xb8;
	[tilespmem:$0x1DC00] =	vst v63  }
0xf1: {  	s3 =	sadd.s32 @!p0 $0x1, s8  }
0xf2: {  	s3 =	simm.s32 @p0 $0x1  }
.LBB2_8:
0xf3: {  	_ =	sfence.sel $0x180000  }
0xf4: {  	[bflag:$0x0] =	sbarrier.arrive $0xFFFF  }
0xf5: {  	_ =	strace $0x90000050  }
0xf6: {  	s0 =	stileid.u32;
	[bflag:$0x2] =	sbarrier.arrive $0xFFFF  }
0xf7: {  	p0 =	sne.s32 s0, $0x0;
	s0 =	rddreg [dreg:$0x3]  }
0xf8: {  	s0 =	sadd.s32 @!p0 $0x100000, s0  }
0xf9: {  	[sflag:s0] =	ssyncadd.tile.s32 @!p0 $0x1;
	_ =	shalt  }
.Lfunc_end2:
_tile_overlayer_lowered:
.L_overlay_start_2:
0xfa: {  	(tag) =	ssettag $0x2  }
0xfb: {  	s0 =	rddreg [dreg:$0x0];
	s2 =	stileid.u32  }
0xfc: {  	s1 =	rddreg [dreg:$0x1];
	p0 =	sne.s32 s2, $0x0  }
0xfd: {  	s3 =	rddreg [dreg:$0x2];
	[bflag:$0x3] =	sbarrier.arrive $0xFFFF;
	s2 =	simm.s32 @!p0 $0x1C06  }
0xfe: {  	[timem:s3], [sflag:s2] =	dma.local @!p0 [hbm:s0], s1  }
0xff: {  	s0 =	simm.s32 @!p0 $0x6  }
0x100: {  	_ =	swait.ge @!p0 [sflag:s0], s1  }
0x101: {  	s1 =	ssub.s32 @!p0 $0x0, s1;
	[sflag:s0] =	ssyncset.done @!p0 $0x0  }
0x102: {  	[sflag:s0] =	ssyncadd.s32 @!p0 s1  }
0x103: {  	[bflag:$0x3] =	sbarrier.arrive $0xFFFF  }
0x104: {  	_ =	shalt  }

// kernel: kernel.24.cloned.1.call-start
scs
__scs_entry_jumppad:
0x0: {  	(pc) =	sbr.rel $0x88, $3  }
0x1: {  	(tag) =	ssettag $0x0;
	lr =	simm.s32 $0x1  }
0x2: {  	[smem:$0x3F95] =	sst lr;
	_ =	strace $0xD0000000  }
0x3: {  	_ = 	snop  }
0x4: {  	_ = 	snop  }
0x5: {  	_ = 	snop  }
0x6: {  	_ = 	snop  }
0x7: {  	_ = 	snop  }
__scs_overlays_trampoline_lowered:
0x8: {  	[smem:$0x3FA4] =	sst s0  }
0x9: {  	[smem:$0x3FA5] =	sst s1  }
0xa: {  	[smem:$0x3FA6] =	sst s2  }
0xb: {  	[smem:$0x3FA7] =	sst s3  }
0xc: {  	[smem:$0x3FA8] =	sst s4  }
0xd: {  	[smem:$0x3FA9] =	sst s5  }
0xe: {  	[smem:$0x3FAA] =	sst s6  }
0xf: {  	[smem:$0x3FAB] =	sst s7  }
0x10: {  	[smem:$0x3FAC] =	sst s8  }
0x11: {  	[smem:$0x3FAD] =	sst s9;
	s0 =	simm.s32 @!p0 $0x0  }
0x12: {  	s1 =	sld [smem:$0x3F93];
	s0 =	simm.s32 @p0 $0x1  }
0x13: {  	[smem:$0x3FAE] =	sst s0;
	s0 =	simm.s32 @!p1 $0x0  }
0x14: {  	s2 =	sld [smem:$0x3F92];
	s0 =	simm.s32 @p1 $0x1  }
0x15: {  	[smem:$0x3FAF] =	sst s0;
	s0 =	simm.s32 @!p2 $0x0  }
0x16: {  	s3 =	sld [smem:$0x3FDB];
	s0 =	simm.s32 @p2 $0x1  }
0x17: {  	s4 =	simm.s32 $0x1BF5;
	[smem:$0x3FB1] =	sst s0  }
0x18: {  	s0 =	sld [smem:$0x3F94];
	_ =	swait.ge [sflag:s4], $0x0  }
0x19: {  	s7 =	sld [smem:$0x3F95]  }
0x1a: {  	s8 =	sadd.s32 $0xFFFFE003, lr  }
0x1b: {  	s9 =	sadd.s32 $0xFFFFFEF7, lr;
	s5 =	simm.s32 $0xFFFFFFFF;
	p2 =	slt.u32 s8, $0xFFFFF086  }
0x1c: {  	p1 =	slt.u32 s9, $0xF7A;
	s5 =	simm.s32 @!p2 $0x0  }
0x1d: {  	s5 =	simm.s32 @p1 $0x1;
	p0 =	seq.s32 s7, s2  }
0x1e: {  	s7 =	smul.u32 @!p0 $0xF7A, s2;
	p2 =	seq.s32 @!p0 s5, $0x0  }
0x1f: {  	s9 =	smul.u32 $0xF7A, s1;
	s8 =	simm.s32 @!p0 $0x1BF5;
	p2 =	por !p2, p0  }
0x20: {  	[sflag:s8] =	ssyncset.s32 @!p0 $0xFFFFF086;
	s6 =	sadd.s32 @!p0 s3, s7;
	s7 =	simm.s32 @!p0 $0x108  }
0x21: {  	s3 =	sadd.s32 s3, s9;
	s6 =	sadd.s32 @!p0 $0x88, s6;
	s7 =	simm.s32 @p2 $0x1082  }
0x22: {  	[simem:s7], [sflag:s8] =	dma.local @!p0 [hbm:s6], $0xF7A  }
0x23: {  	s9 =	sor.u32 $0xD0000000, s2;
	s6 =	simm.s32 $0x108;
	_ =	swait.ge @!p0 [sflag:s8], $0x0  }
0x24: {  	s3 =	sadd.s32 $0x88, s3;
	s6 =	simm.s32 @!p1 $0x1082;
	[sflag:s4] =	ssyncset.s32 $0xFFFFF086  }
0x25: {  	[simem:s6], [sflag:s4] =	dma.local [hbm:s3], $0xF7A  }
0x26: {  	[smem:$0x3F95] =	sst s1;
	(tag) =	ssettag s2;
	_ =	strace s9  }
0x27: {  	s1 =	sld [smem:$0x3FA5]  }
0x28: {  	s2 =	sld [smem:$0x3FA6]  }
0x29: {  	s4 =	sld [smem:$0x3FA8]  }
0x2a: {  	p0 =	seq.s32 s5, $0x0;
	s5 =	sld [smem:$0x3FA9]  }
0x2b: {  	s6 =	sld [smem:$0x3FAA]  }
0x2c: {  	s7 =	sld [smem:$0x3FAB]  }
0x2d: {  	s3 =	simm.s32 $0x108;
	s8 =	sld [smem:$0x3FAC]  }
0x2e: {  	s3 =	simm.s32 @!p0 $0x1082;
	s9 =	sld [smem:$0x3FAD]  }
0x2f: {  	lr =	sadd.s32 s0, s3;
	s0 =	sld [smem:$0x3FA4]  }
0x30: {  	s3 =	sld [smem:$0x3FA7]  }
0x31: {  	[smem:$0x3FB0] =	sst s10  }
0x32: {  	s10 =	sld [smem:$0x3FAE];
	_ =	sdelay $0x3  }
0x33: {  	p0 =	seq.s32 s10, $0x1;
	s10 =	sld [smem:$0x3FB0];
	_ =	sdelay $0x3  }
0x34: {  	[smem:$0x3FB0] =	sst s10  }
0x35: {  	s10 =	sld [smem:$0x3FAF];
	_ =	sdelay $0x3  }
0x36: {  	p1 =	seq.s32 s10, $0x1;
	s10 =	sld [smem:$0x3FB0];
	_ =	sdelay $0x3  }
0x37: {  	[smem:$0x3FB0] =	sst s10  }
0x38: {  	s10 =	sld [smem:$0x3FB1]  }
0x39: {  	_ = 	snop;
	(pc) =	sbr.ind lr, $3  }
0x3a: {  	_ = 	snop  }
0x3b: {  	_ = 	snop  }
0x3c: {  	p2 =	seq.s32 s10, $0x1;
	s10 =	sld [smem:$0x3FB0]  }
0x3d: {  	_ =	shalt  }
0x3e: {  	_ =	shalt  }
0x3f: {  	_ =	shalt  }
0x40: {  	_ =	shalt  }
0x41: {  	_ =	shalt  }
0x42: {  	_ =	shalt  }
0x43: {  	_ =	shalt  }
0x44: {  	_ =	shalt  }
0x45: {  	_ =	shalt  }
0x46: {  	_ =	shalt  }
0x47: {  	_ =	shalt  }
0x48: {  	_ =	shalt  }
0x49: {  	_ =	shalt  }
0x4a: {  	_ =	shalt  }
0x4b: {  	_ =	shalt  }
0x4c: {  	_ =	shalt  }
0x4d: {  	_ =	shalt  }
0x4e: {  	_ =	shalt  }
0x4f: {  	_ =	shalt  }
0x50: {  	_ =	shalt  }
0x51: {  	_ =	shalt  }
0x52: {  	_ =	shalt  }
0x53: {  	_ =	shalt  }
0x54: {  	_ =	shalt  }
0x55: {  	_ =	shalt  }
0x56: {  	_ =	shalt  }
0x57: {  	_ =	shalt  }
0x58: {  	_ =	shalt  }
0x59: {  	_ =	shalt  }
0x5a: {  	_ =	shalt  }
0x5b: {  	_ =	shalt  }
0x5c: {  	_ =	shalt  }
0x5d: {  	_ =	shalt  }
0x5e: {  	_ =	shalt  }
0x5f: {  	_ =	shalt  }
0x60: {  	_ =	shalt  }
0x61: {  	_ =	shalt  }
0x62: {  	_ =	shalt  }
0x63: {  	_ =	shalt  }
0x64: {  	_ =	shalt  }
0x65: {  	_ =	shalt  }
0x66: {  	_ =	shalt  }
0x67: {  	_ =	shalt  }
0x68: {  	_ =	shalt  }
0x69: {  	_ =	shalt  }
0x6a: {  	_ =	shalt  }
0x6b: {  	_ =	shalt  }
0x6c: {  	_ =	shalt  }
0x6d: {  	_ =	shalt  }
0x6e: {  	_ =	shalt  }
0x6f: {  	_ =	shalt  }
0x70: {  	_ =	shalt  }
0x71: {  	_ =	shalt  }
0x72: {  	_ =	shalt  }
0x73: {  	_ =	shalt  }
0x74: {  	_ =	shalt  }
0x75: {  	_ =	shalt  }
0x76: {  	_ =	shalt  }
0x77: {  	_ =	shalt  }
0x78: {  	_ =	shalt  }
0x79: {  	_ =	shalt  }
0x7a: {  	_ =	shalt  }
0x7b: {  	_ =	shalt  }
0x7c: {  	_ =	shalt  }
0x7d: {  	_ =	shalt  }
0x7e: {  	_ =	shalt  }
0x7f: {  	_ =	shalt  }
0x80: {  	_ =	shalt  }
0x81: {  	_ =	shalt  }
0x82: {  	_ =	shalt  }
0x83: {  	_ =	shalt  }
0x84: {  	_ =	shalt  }
0x85: {  	_ =	shalt  }
0x86: {  	_ =	shalt  }
0x87: {  	_ =	shalt  }
.Lfunc_end0:
.L_simem_size_0:
called_computation.4_lowered:
.L_overlay_start_0:
0x88: {  	s2 =	sld [smem:$0x3FD9]  }
0x89: {  	s3 =	sld [smem:$0x3FFE];
	_ =	sdelay $0x1  }
0x8a: {  	s1 =	srdreg.scid  }
0x8b: {  	s0 =	sand.u32 $0x1, s1  }
0x8c: {  	s14 =	sshll.u32 s0, $0xA;
	s2 =	sadd.s32 s3, s2  }
0x8d: {  	s2 =	sadd.s32 s2, s14  }
0x8e: {  	[smem:$0x3FBC] =	sst s2  }
0x8f: {  	_ = 	snop  }
0x90: {  	s2 =	sld [smem:$0x3FD0];
	_ =	sdelay $0x2  }
0x91: {  	s15 =	simm.s32 $0xA;
	s4 =	simm.s32 $0x10  }
0x92: {  	[smem:s4], [sflag:s15] =	dma.local [hbm:s2], $0x1  }
0x93: {  	_ =	swait.eq [sflag:s15], $0x1  }
0x94: {  	[sflag:s15] =	ssyncset.done $0x0  }
0x95: {  	[sflag:s15] =	ssyncadd.s32 $0xFFFFFFFF  }
0x96: {  	s16 =	sld [smem:$0x10];
	(tm) =	ssettm $0x1  }
0x97: {  	s17 =	sld [smem:$0x3FFB];
	_ =	sdelay $0x3  }
0x98: {  	_ =	strace s17  }
0x99: {  	s3 =	sld [smem:$0x3FFC];
	_ =	sdelay $0x3  }
0x9a: {  	_ =	strace s3  }
0x9b: {  	s3 =	sld [smem:$0x3FFD];
	_ =	sdelay $0x3  }
0x9c: {  	_ =	strace s3  }
0x9d: {  	_ =	strace $0x8FFFFFFF  }
0x9e: {  	s18 =	sld [smem:$0x3FDB];
	_ =	sdelay $0x1  }
0x9f: {  	s19 =	simm.s32 $_scs_section_size  }
0xa0: {  	s5 =	simm.s32 $_size__tile_overlayer_lowered;
	s6 =	simm.s32 $_tile_overlayer_lowered  }
0xa1: {  	s22 =	simm.s32 $0x1BFF;
	s21 =	sshll.u32 s6, $0x1;
	s3 =	sadd.s32 s19, s18  }
0xa2: {  	s7 =	simm.s32 $0x0;
	s20 =	sshll.u32 s5, $0x1;
	s5 =	sadd.s32 s21, s3  }
0xa3: {  	[timem:s7], [sflag:s22] =	dma.local [hbm:s5], s20  }
0xa4: {  	_ =	swait.ge [sflag:s22], s20  }
0xa5: {  	s4 =	ssub.s32 $0x0, s20;
	[sflag:s22] =	ssyncset.done $0x0  }
0xa6: {  	[sflag:s22] =	ssyncadd.s32 s4;
	_ =	sdelay $0x1  }
0xa7: {  	s23 =	simm.s32 $0x1B8B  }
0xa8: {  	_ =	swait.ge [sflag:s23], $0x1  }
0xa9: {  	[sflag:s23] =	ssyncset.done $0x0  }
0xaa: {  	s25 =	simm.s32 $0x1B8E;
	s24 =	sld [smem:$0x3FFE];
	[sflag:s23] =	ssyncadd.s32 $0xFFFFFFFF  }
0xab: {  	s26 =	simm.s32 $execute0_lowered;
	[smem:$0x3FD2] =	sst s25  }
0xac: {  	s5 =	sshll.u32 s26, $0x1;
	_ =	strace $0x80000052;
	[dreg:$0x1] =	wrdreg $0xFFFFFFFF  }
0xad: {  	s28 =	simm.s32 $_size_execute0_lowered;
	s3 =	sadd.s32 s3, s5;
	[dreg:$0x0] =	wrdreg $0x0  }
0xae: {  	s5 =	sshll.u32 s28, $0x1;
	[dreg:$0x2] =	wrdreg s3  }
0xaf: {  	[dreg:$0x3] =	wrdreg s5  }
0xb0: {  	[dreg:$0x4] =	wrdreg $0xC0  }
0xb1: {  	_ =	task [dreg:s7], $0x5FFFF  }
0xb2: {  	[dreg:$0x1] =	wrdreg $0xFFFFFFFF  }
0xb3: {  	[dreg:$0x0] =	wrdreg $0x60  }
0xb4: {  	[dreg:$0x2] =	wrdreg s16  }
0xb5: {  	[dreg:$0x3] =	wrdreg s24  }
0xb6: {  	[dreg:$0x4] =	wrdreg $0x9C000  }
0xb7: {  	[dreg:$0x5] =	wrdreg $0x9  }
0xb8: {  	_ =	task.clear_ibuf [dreg:s7], $0x6FFFF;
	_ =	strace $0x90000052  }
0xb9: {  	s29 =	simm.s32 $0x9;
	_ =	strace $0x80000054  }
0xba: {  	_ =	swait.ge [sflag:s29], $0x1  }
0xbb: {  	[sflag:s29] =	ssyncadd.s32 $0xFFFFFFFF  }
0xbc: {  	_ =	strace $0x90000054  }
0xbd: {  	_ =	sfence  }
0xbe: {  	s30 =	sld [smem:$0x0];
	_ =	sdelay $0x2  }
0xbf: {  	s31 =	sshll.u32 s1, $0xD;
	s1 =	sshrl.u32 s1, $0x2  }
0xc0: {  	s3 =	sand.u32 $0x4000, s31;
	s1 =	sadd.s32 s1, s30  }
0xc1: {  	s0 =	sor.u32 s3, s0;
	s1 =	sshll.u32 s1, $0x11  }
0xc2: {  	s0 =	sor.u32 s1, s0  }
0xc3: {  	s0 =	sadd.s32 $0x8F2B, s0  }
0xc4: {  	[sflag:s0] =	ssyncadd.remote.s32 $0x1  }
0xc5: {  	_ =	sfence.sel $0xFFFF  }
0xc6: {  	[dreg:$0x0] =	wrdreg $0xFFFFFFFF;
	(pc) =	sbr.abs _section_cstart, $3  }
0xc7: {  	[dreg:$0x1] =	wrdreg $0xFFFFFFFF  }
0xc8: {  	_ =	task.clear_ibuf [dreg:s7], $0x2FFFF;
	_ =	strace $0x9FFFFFFF  }
0xc9: {  	(tm) =	ssettm $0x7FFFFFFF  }
tec
execute0_lowered:
.L_overlay_start_1:
0x0: {  	(tag) =	ssettag $0x1  }
0x1: {  	s1 =	rddreg [dreg:$0x0]  }
0x2: {  	s0 =	rddreg [dreg:$0x1]  }
0x3: {  	s2 =	rddreg [dreg:$0x2];
	s3 =	simm.s32 $0x0;
	s20 =	srdreg.scid  }
0x4: {  	s9 =	stileid.u32;
	[smem:$0x7FF] =	sst s3;
	s3 =	sand.u32 $0x1, s20  }
0x5: {  	s5 =	sadd.s32 $0x3E00, s0;
	s7 =	smul.u32 $0x50000, s9;
	s6 =	sadd.s32 $0xDC00, s0  }
0x6: {  	s14 =	smul.u32 $0x14000, s9;
	s0 =	sadd.s32 $0x17A00, s0;
	s4 =	ssub.s32 $0x2, s3  }
0x7: {  	s21 =	sshll.u32 s9, $0x1;
	_ =	strace $0x80000053;
	s8 =	sshrl.u32 s4, $0x1  }
0x8: {  	s7 =	sshrl.u32 s7, $0x2;
	s15 =	sadd.s32 $0x4000, s14;
	s16 =	sadd.s32 $0x8000, s14  }
0x9: {  	s17 =	sadd.s32 $0xC000, s14;
	s23 =	sadd.s32 $0x10000, s14;
	s4 =	ssub.s32 s4, s8  }
0xa: {  	s7 =	sadd.s32 s7, s2;
	s8 =	sor.u32 s3, s21;
	s9 =	sadd.s32 s15, s2  }
0xb: {  	s11 =	sadd.s32 s16, s2;
	s12 =	sadd.s32 s17, s2;
	s3 =	smul.u32 $0x140000, s3  }
0xc: {  	s13 =	sadd.s32 s23, s2;
	s22 =	sadd.s32 $0x1000, s7;
	s10 =	smul.u32 $0x2710, s8  }
0xd: {  	[dreg:$0x4] =	wrdreg s22;
	s14 =	sadd.s32 s14, s3;
	s15 =	sadd.s32 s3, s15  }
0xe: {  	s18 =	sshrl.u32 s10, $0x3;
	s20 =	sshrl.u32 s14, $0x3;
	s14 =	smax.u32 s4, $0x1  }
0xf: {  	s21 =	sshrl.u32 s15, $0x3;
	s15 =	sadd.s32 $0x2000, s7;
	[dreg:$0x10] =	wrdreg s14  }
0x10: {  	s16 =	sadd.s32 s3, s16;
	s19 =	sadd.s32 s5, s18;
	[dreg:$0x11] =	wrdreg s15  }
0x11: {  	s17 =	sadd.s32 s3, s17;
	s24 =	sadd.s32 s6, s18;
	[dreg:$0x5] =	wrdreg s19  }
0x12: {  	s3 =	sadd.s32 s3, s23;
	s8 =	sadd.s32 s0, s20;
	[dreg:$0x6] =	wrdreg s24  }
0x13: {  	s25 =	sadd.s32 $0x10, s18;
	s23 =	sadd.s32 s0, s21;
	[dreg:$0x9] =	wrdreg s8  }
0x14: {  	s22 =	sadd.s32 $0x4E0, s18;
	s18 =	sadd.s32 $0x6000, s7;
	[dreg:$0xa] =	wrdreg s23  }
0x15: {  	s28 =	simm.s32 $0x6;
	s20 =	sadd.s32 $0x9000, s7;
	[dreg:$0x14] =	wrdreg s18  }
0x16: {  	s29 =	simm.s32 $0x8380;
	s21 =	sadd.s32 $0xA000, s7;
	[dreg:$0x16] =	wrdreg s20  }
0x17: {  	s30 =	simm.s32 $0x10;
	s26 =	sadd.s32 s5, s25;
	[dreg:$0x17] =	wrdreg s21  }
0x18: {  	s31 =	simm.s32 $0x8400;
	s19 =	sadd.s32 s6, s25;
	[dreg:$0x7] =	wrdreg s26  }
0x19: {  	s24 =	sshrl.u32 s16, $0x3;
	s16 =	sadd.s32 $0x3000, s7;
	[dreg:$0x8] =	wrdreg s19  }
0x1a: {  	s25 =	sshrl.u32 s17, $0x3;
	s17 =	sadd.s32 $0x5000, s7;
	[dreg:$0x12] =	wrdreg s16  }
0x1b: {  	s3 =	sshrl.u32 s3, $0x3;
	s23 =	sadd.s32 $0xD000, s7;
	[dreg:$0x13] =	wrdreg s17  }
0x1c: {  	s18 =	sadd.s32 $0x13000, s7;
	s8 =	sadd.s32 s0, s24;
	[dreg:$0x19] =	wrdreg s23  }
0x1d: {  	s20 =	simm.s32 $0x80;
	s26 =	sadd.s32 s0, s25;
	[dreg:$0xb] =	wrdreg s8  }
0x1e: {  	s21 =	simm.s32 $0x1;
	s0 =	sadd.s32 s0, s3;
	[dreg:$0xc] =	wrdreg s26  }
0x1f: {  	s3 =	sadd.s32 s5, s22;
	s19 =	sadd.s32 $0x7000, s7;
	[dreg:$0xd] =	wrdreg s0  }
0x20: {  	s24 =	sadd.s32 $0xE000, s7;
	s25 =	sadd.s32 $0xF000, s7;
	[dreg:$0xe] =	wrdreg s3  }
0x21: {  	s17 =	sadd.s32 $0x12000, s7;
	s23 =	simm.s32 $0x3;
	[dreg:$0x15] =	wrdreg s19  }
.Ltmp0:
0x22: {  	s8 =	sadd.s32 s6, s22;
	[dreg:$0x1a] =	wrdreg s24;
	(pc) =	sbr.rel .LBB2_1-.Ltmp0, $4  }
0x23: {  	s22 =	sadd.s32 $0xB000, s7;
	[dreg:$0x1b] =	wrdreg s25;
	s26 =	sadd.s32 $0x11000, s7  }
0x24: {  	s19 =	simm.s32 $0x8C00;
	s24 =	simm.s32 $0x2;
	[dreg:$0xf] =	wrdreg s8  }
0x25: {  	s25 =	simm.s32 $0x4;
	s0 =	simm.s32 $0x0;
	[dreg:$0x18] =	wrdreg s22  }
0x26: {  	v0 =	vimm.f32 $0.0e+00;
	[dreg:$0x1c] =	wrdreg s26;
	s22 =	simm.s32 $0x5;
	s26 =	simm.s32 $0x8300  }
.LBB2_7:
0x27: {  	_ =	swait.ge [sflag:s25], $0x4000  }
0x28: {  	[sflag:s25] =	ssyncset.done $0x0  }
0x29: {  	s3 =	simm.s32 $0x0;
	s4 =	rddreg [dreg:$0xe];
	[sflag:s25] =	ssyncadd.s32 $0xFFFFC000  }
0x2a: {  	[tilespmem:s26], [sflag:$0x6] =	stream.linear.gather [hbm4b:s4+s3], $0x10, $0x38;
	[tilespmem:$0x1DC00] =	vst v63  }
0x2b: {  	_ =	swait.ge [sflag:s28], $0x10  }
0x2c: {  	[sflag:s28] =	ssyncset.done $0x0  }
0x2d: {  	s16 =	rddreg [dreg:$0xf];
	[sflag:s28] =	ssyncadd.s32 $0xFFFFFFF0  }
0x2e: {  	[tilespmem:s29], [sflag:$0x6] =	stream.linear.gather [hbm4b:s16+s3], $0x10, $0x38;
	[tilespmem:$0x1DC00] =	vst v63  }
0x2f: {  	_ =	swait.ge [sflag:s28], $0x10  }
0x30: {  	[sflag:s28] =	ssyncset.done $0x0  }
0x31: {  	[sflag:s28] =	ssyncadd.s32 $0xFFFFFFF0  }
0x32: {  	[tilespmem:s31], [sflag:$0x3] =	stream.indirect.gather [hbm4b:s1+s30], $0x80, s26, s30, $0xb8;
	[tilespmem:$0x1DC00] =	vst v63  }
0x33: {  	_ =	swait.ge [sflag:s23], $0x800  }
0x34: {  	[sflag:s23] =	ssyncset.done $0x0  }
0x35: {  	[sflag:s23] =	ssyncadd.s32 $0xFFFFF800  }
0x36: {  	[spmem:s2] =	stream.indirect.scatter.add.f32 [tilespmem:s31], [sflag:$0x6], $0x80, s29, s30, $0xb8;
	[tilespmem:$0x1DC00] =	vst v63  }
0x37: {  	_ =	swait.ge [sflag:s28], $0x800  }
0x38: {  	[sflag:s28] =	ssyncset.done $0x0  }
0x39: {  	s8 =	stileid.u32;
	[sflag:s28] =	ssyncadd.s32 $0xFFFFF800  }
0x3a: {  	s3 =	sshll.u32 s8, $0x6;
	[bflag:$0x0] =	sbarrier.arrive $0xFFFF  }
0x3b: {  	s14 =	sshrl.u32 s7, $0x3;
	s3 =	sor.u32 $0x1C06, s3;
	s8 =	rddreg [dreg:$0x9]  }
0x3c: {  	[hbm:s8], [sflag:s3] =	dma.local [spmem:s14], $0x800  }
0x3d: {  	_ =	swait.ge [sflag:s28], $0x800  }
0x3e: {  	[sflag:s28] =	ssyncset.done $0x0  }
0x3f: {  	s15 =	sshrl.u32 s9, $0x3;
	s16 =	rddreg [dreg:$0xa];
	[sflag:s28] =	ssyncadd.s32 $0xFFFFF800  }
0x40: {  	[hbm:s16], [sflag:s3] =	dma.local [spmem:s15], $0x800  }
0x41: {  	_ =	swait.ge [sflag:s28], $0x800  }
0x42: {  	[sflag:s28] =	ssyncset.done $0x0  }
0x43: {  	s8 =	sshrl.u32 s11, $0x3;
	s14 =	rddreg [dreg:$0xb];
	[sflag:s28] =	ssyncadd.s32 $0xFFFFF800  }
0x44: {  	[hbm:s14], [sflag:s3] =	dma.local [spmem:s8], $0x800  }
0x45: {  	_ =	swait.ge [sflag:s28], $0x800  }
0x46: {  	[sflag:s28] =	ssyncset.done $0x0  }
0x47: {  	s15 =	sshrl.u32 s12, $0x3;
	s16 =	rddreg [dreg:$0xc];
	[sflag:s28] =	ssyncadd.s32 $0xFFFFF800  }
0x48: {  	[hbm:s16], [sflag:s3] =	dma.local [spmem:s15], $0x800  }
0x49: {  	_ =	swait.ge [sflag:s28], $0x800  }
0x4a: {  	[sflag:s28] =	ssyncset.done $0x0  }
0x4b: {  	s14 =	sshrl.u32 s13, $0x3;
	s15 =	rddreg [dreg:$0xd];
	[sflag:s28] =	ssyncadd.s32 $0xFFFFF800  }
0x4c: {  	[hbm:s15], [sflag:s3] =	dma.local [spmem:s14], $0x800  }
0x4d: {  	_ =	swait.ge [sflag:s28], $0x800  }
0x4e: {  	s0 =	sadd.s32 $0x1, s0;
	s16 =	rddreg [dreg:$0x10]  }
0x4f: {  	p0 =	sne.s32 s0, s16  }
.Ltmp1:
0x50: {  	_ = 	snop;
	(pc) =	sbr.rel @!p0 .LBB2_8-.Ltmp1, $3  }
0x51: {  	_ =	sdelay $0x1  }
0x52: {  	[sflag:s28] =	ssyncset.done $0x0  }
0x53: {  	[sflag:s28] =	ssyncadd.s32 $0xFFFFF800  }
.LBB2_1:
0x54: {  	s3 =	simm.s32 $0x0;
	s4 =	simm.s32 $0x200  }
.LBB2_2:
0x55: {  	p0 =	sne.s32 s4, $0x3E00;
	[tilespmem:s3+$0x8C70] =	vst v0  }
0x56: {  	[tilespmem:s3+$0x8C00] =	vst v0  }
0x57: {  	[tilespmem:s3+$0x8C10] =	vst v0  }
.Ltmp2:
0x58: {  	[tilespmem:s3+$0x8C20] =	vst v0;
	(pc) =	sbr.rel @p0 .LBB2_2-.Ltmp2, $4  }
0x59: {  	[tilespmem:s3+$0x8C30] =	vst v0  }
0x5a: {  	[tilespmem:s3+$0x8C40] =	vst v0  }
0x5b: {  	[tilespmem:s3+$0x8C50] =	vst v0  }
0x5c: {  	[tilespmem:s3+$0x8C60] =	vst v0;
	s3 =	sshra.s32 s4, $0x2;
	s4 =	sadd.s32 $0x200, s4  }
0x5d: {  	[tilespmem:s3+$0x8C70] =	vst v0  }
0x5e: {  	[tilespmem:s3+$0x8C00] =	vst v0  }
0x5f: {  	[tilespmem:s3+$0x8C10] =	vst v0  }
0x60: {  	[tilespmem:s3+$0x8C20] =	vst v0  }
0x61: {  	[tilespmem:s3+$0x8C30] =	vst v0  }
0x62: {  	[tilespmem:s3+$0x8C40] =	vst v0  }
0x63: {  	[tilespmem:s3+$0x8C50] =	vst v0  }
0x64: {  	[tilespmem:s3+$0x8C60] =	vst v0  }
0x65: {  	[spmem:s7] =	stream.linear.scatter [tilespmem:s19], [sflag:$0x5], $0x1000, $0x38;
	[tilespmem:$0x1DC00] =	vst v63  }
0x66: {  	s4 =	rddreg [dreg:$0x4]  }
0x67: {  	[spmem:s4] =	stream.linear.scatter [tilespmem:s19], [sflag:$0x5], $0x1000, $0x38;
	[tilespmem:$0x1DC00] =	vst v63  }
0x68: {  	s8 =	rddreg [dreg:$0x11]  }
0x69: {  	[spmem:s8] =	stream.linear.scatter [tilespmem:s19], [sflag:$0x5], $0x1000, $0x38;
	[tilespmem:$0x1DC00] =	vst v63  }
0x6a: {  	s14 =	rddreg [dreg:$0x12]  }
0x6b: {  	[spmem:s14] =	stream.linear.scatter [tilespmem:s19], [sflag:$0x5], $0x1000, $0x38;
	[tilespmem:$0x1DC00] =	vst v63  }
0x6c: {  	_ = 	snop  }
0x6d: {  	[spmem:s9] =	stream.linear.scatter [tilespmem:s19], [sflag:$0x5], $0x1000, $0x38;
	[tilespmem:$0x1DC00] =	vst v63  }
0x6e: {  	s15 =	rddreg [dreg:$0x13]  }
0x6f: {  	[spmem:s15] =	stream.linear.scatter [tilespmem:s19], [sflag:$0x5], $0x1000, $0x38;
	[tilespmem:$0x1DC00] =	vst v63  }
0x70: {  	s16 =	rddreg [dreg:$0x14]  }
0x71: {  	[spmem:s16] =	stream.linear.scatter [tilespmem:s19], [sflag:$0x5], $0x1000, $0x38;
	[tilespmem:$0x1DC00] =	vst v63  }
0x72: {  	s4 =	rddreg [dreg:$0x15]  }
0x73: {  	[spmem:s4] =	stream.linear.scatter [tilespmem:s19], [sflag:$0x5], $0x1000, $0x38;
	[tilespmem:$0x1DC00] =	vst v63  }
0x74: {  	_ = 	snop  }
0x75: {  	[spmem:s11] =	stream.linear.scatter [tilespmem:s19], [sflag:$0x5], $0x1000, $0x38;
	[tilespmem:$0x1DC00] =	vst v63  }
0x76: {  	s8 =	rddreg [dreg:$0x16]  }
0x77: {  	[spmem:s8] =	stream.linear.scatter [tilespmem:s19], [sflag:$0x5], $0x1000, $0x38;
	[tilespmem:$0x1DC00] =	vst v63  }
0x78: {  	s14 =	rddreg [dreg:$0x17]  }
0x79: {  	[spmem:s14] =	stream.linear.scatter [tilespmem:s19], [sflag:$0x5], $0x1000, $0x38;
	[tilespmem:$0x1DC00] =	vst v63  }
0x7a: {  	s15 =	rddreg [dreg:$0x18]  }
0x7b: {  	[spmem:s15] =	stream.linear.scatter [tilespmem:s19], [sflag:$0x5], $0x1000, $0x38;
	[tilespmem:$0x1DC00] =	vst v63  }
0x7c: {  	_ = 	snop  }
0x7d: {  	[spmem:s12] =	stream.linear.scatter [tilespmem:s19], [sflag:$0x5], $0x1000, $0x38;
	[tilespmem:$0x1DC00] =	vst v63  }
0x7e: {  	s16 =	rddreg [dreg:$0x19]  }
0x7f: {  	[spmem:s16] =	stream.linear.scatter [tilespmem:s19], [sflag:$0x5], $0x1000, $0x38;
	[tilespmem:$0x1DC00] =	vst v63  }
0x80: {  	s4 =	rddreg [dreg:$0x1a]  }
0x81: {  	[spmem:s4] =	stream.linear.scatter [tilespmem:s19], [sflag:$0x5], $0x1000, $0x38;
	[tilespmem:$0x1DC00] =	vst v63  }
0x82: {  	s8 =	rddreg [dreg:$0x1b]  }
0x83: {  	[spmem:s8] =	stream.linear.scatter [tilespmem:s19], [sflag:$0x5], $0x1000, $0x38;
	[tilespmem:$0x1DC00] =	vst v63  }
0x84: {  	_ = 	snop  }
0x85: {  	[spmem:s13] =	stream.linear.scatter [tilespmem:s19], [sflag:$0x5], $0x1000, $0x38;
	[tilespmem:$0x1DC00] =	vst v63  }
0x86: {  	s14 =	rddreg [dreg:$0x1c]  }
0x87: {  	[spmem:s14] =	stream.linear.scatter [tilespmem:s19], [sflag:$0x5], $0x1000, $0x38;
	[tilespmem:$0x1DC00] =	vst v63  }
0x88: {  	_ = 	snop  }
0x89: {  	[spmem:s17] =	stream.linear.scatter [tilespmem:s19], [sflag:$0x5], $0x1000, $0x38;
	[tilespmem:$0x1DC00] =	vst v63  }
0x8a: {  	_ = 	snop  }
0x8b: {  	[spmem:s18] =	stream.linear.scatter [tilespmem:s19], [sflag:$0x5], $0x1000, $0x38;
	[tilespmem:$0x1DC00] =	vst v63  }
0x8c: {  	s15 =	rddreg [dreg:$0x5];
	s8 =	simm.s32 $0x0  }
0x8d: {  	[tilespmem:s8], [sflag:$0x1] =	stream.linear.gather [hbm4b:s15+s8], $0x80, $0x38;
	[tilespmem:$0x1DC00] =	vst v63  }
0x8e: {  	s16 =	rddreg [dreg:$0x6];
	s4 =	simm.s32 $0x100  }
0x8f: {  	[tilespmem:s4], [sflag:$0x2] =	stream.linear.gather [hbm4b:s16+s8], $0x80, $0x38;
	[tilespmem:$0x1DC00] =	vst v63  }
0x90: {  	s4 =	rddreg [dreg:$0x7]  }
0x91: {  	[tilespmem:s20], [sflag:$0x1] =	stream.linear.gather [hbm4b:s4+s8], $0x80, $0x38;
	[tilespmem:$0x1DC00] =	vst v63  }
0x92: {  	s14 =	rddreg [dreg:$0x8];
	s15 =	simm.s32 $0x180  }
0x93: {  	[tilespmem:s15], [sflag:$0x2] =	stream.linear.gather [hbm4b:s14+s8], $0x80, $0x38;
	[tilespmem:$0x1DC00] =	vst v63  }
0x94: {  	_ =	swait.ge [sflag:s21], $0x80  }
0x95: {  	[sflag:s21] =	ssyncset.done $0x0  }
0x96: {  	s16 =	simm.s32 $0x300;
	[sflag:s21] =	ssyncadd.s32 $0xFFFFFF80  }
0x97: {  	[tilespmem:s16], [sflag:$0x3] =	stream.indirect.gather [hbm4b:s1+s20], $0x80, s8, s20, $0xb8;
	[tilespmem:$0x1DC00] =	vst v63  }
0x98: {  	_ =	swait.ge [sflag:s22], $0x1000  }
0x99: {  	[sflag:s22] =	ssyncset.done $0x0  }
0x9a: {  	[sflag:s22] =	ssyncadd.s32 $0xFFFFF000  }
0x9b: {  	_ =	swait.ge [sflag:s22], $0x1000  }
0x9c: {  	[sflag:s22] =	ssyncset.done $0x0  }
0x9d: {  	[sflag:s22] =	ssyncadd.s32 $0xFFFFF000  }
0x9e: {  	_ =	swait.ge [sflag:s22], $0x1000  }
0x9f: {  	[sflag:s22] =	ssyncset.done $0x0  }
0xa0: {  	[sflag:s22] =	ssyncadd.s32 $0xFFFFF000  }
0xa1: {  	_ =	swait.ge [sflag:s22], $0x1000  }
0xa2: {  	[sflag:s22] =	ssyncset.done $0x0  }
0xa3: {  	[sflag:s22] =	ssyncadd.s32 $0xFFFFF000  }
0xa4: {  	_ =	swait.ge [sflag:s22], $0x1000  }
0xa5: {  	[sflag:s22] =	ssyncset.done $0x0  }
0xa6: {  	[sflag:s22] =	ssyncadd.s32 $0xFFFFF000  }
0xa7: {  	_ =	swait.ge [sflag:s22], $0x1000  }
0xa8: {  	[sflag:s22] =	ssyncset.done $0x0  }
0xa9: {  	[sflag:s22] =	ssyncadd.s32 $0xFFFFF000  }
0xaa: {  	_ =	swait.ge [sflag:s22], $0x1000  }
0xab: {  	[sflag:s22] =	ssyncset.done $0x0  }
0xac: {  	[sflag:s22] =	ssyncadd.s32 $0xFFFFF000  }
0xad: {  	_ =	swait.ge [sflag:s22], $0x1000  }
0xae: {  	[sflag:s22] =	ssyncset.done $0x0  }
0xaf: {  	[sflag:s22] =	ssyncadd.s32 $0xFFFFF000  }
0xb0: {  	_ =	swait.ge [sflag:s22], $0x1000  }
0xb1: {  	[sflag:s22] =	ssyncset.done $0x0  }
0xb2: {  	[sflag:s22] =	ssyncadd.s32 $0xFFFFF000  }
0xb3: {  	_ =	swait.ge [sflag:s22], $0x1000  }
0xb4: {  	[sflag:s22] =	ssyncset.done $0x0  }
0xb5: {  	[sflag:s22] =	ssyncadd.s32 $0xFFFFF000  }
0xb6: {  	_ =	swait.ge [sflag:s22], $0x1000  }
0xb7: {  	[sflag:s22] =	ssyncset.done $0x0  }
0xb8: {  	[sflag:s22] =	ssyncadd.s32 $0xFFFFF000  }
0xb9: {  	_ =	swait.ge [sflag:s22], $0x1000  }
0xba: {  	[sflag:s22] =	ssyncset.done $0x0  }
0xbb: {  	[sflag:s22] =	ssyncadd.s32 $0xFFFFF000  }
0xbc: {  	_ =	swait.ge [sflag:s22], $0x1000  }
0xbd: {  	[sflag:s22] =	ssyncset.done $0x0  }
0xbe: {  	[sflag:s22] =	ssyncadd.s32 $0xFFFFF000  }
0xbf: {  	_ =	swait.ge [sflag:s22], $0x1000  }
0xc0: {  	[sflag:s22] =	ssyncset.done $0x0  }
0xc1: {  	[sflag:s22] =	ssyncadd.s32 $0xFFFFF000  }
0xc2: {  	_ =	swait.ge [sflag:s22], $0x1000  }
0xc3: {  	[sflag:s22] =	ssyncset.done $0x0  }
0xc4: {  	[sflag:s22] =	ssyncadd.s32 $0xFFFFF000  }
0xc5: {  	_ =	swait.ge [sflag:s22], $0x1000  }
0xc6: {  	[sflag:s22] =	ssyncset.done $0x0  }
0xc7: {  	[sflag:s22] =	ssyncadd.s32 $0xFFFFF000  }
0xc8: {  	_ =	swait.ge [sflag:s22], $0x1000  }
0xc9: {  	[sflag:s22] =	ssyncset.done $0x0  }
0xca: {  	[sflag:s22] =	ssyncadd.s32 $0xFFFFF000  }
0xcb: {  	_ =	swait.ge [sflag:s22], $0x1000  }
0xcc: {  	[sflag:s22] =	ssyncset.done $0x0  }
0xcd: {  	[sflag:s22] =	ssyncadd.s32 $0xFFFFF000  }
0xce: {  	_ =	swait.ge [sflag:s22], $0x1000  }
0xcf: {  	[sflag:s22] =	ssyncset.done $0x0  }
0xd0: {  	[sflag:s22] =	ssyncadd.s32 $0xFFFFF000  }
.Ltmp3:
0xd1: {  	_ =	swait.ge [sflag:s22], $0x1000;
	(pc) =	sbr.rel .LBB2_4-.Ltmp3, $3  }
0xd2: {  	[sflag:s22] =	ssyncset.done $0x0  }
0xd3: {  	[sflag:s22] =	ssyncadd.s32 $0xFFFFF000  }
0xd4: {  	[bflag:$0x0] =	sbarrier.arrive $0xFFFF;
	_ =	sdelay $0x1  }
.LBB2_6:
0xd5: {  	s14 =	sshll.u32 s8, $0x7;
	_ =	swait.ge [sflag:s24], $0x80  }
0xd6: {  	s15 =	sshll.u32 s4, $0xE;
	p0 =	sgt.u32 s8, $0x4B;
	s14 =	sand.u32 $0x180, s14  }
0xd7: {  	[sflag:s24] =	ssyncset.done $0x0;
	s15 =	sor.u32 $0x300, s15;
	s8 =	sshll.u32 @!p0 s8, $0x7  }
0xd8: {  	s14 =	sadd.s32 $0x100, s14;
	[sflag:s24] =	ssyncadd.s32 $0xFFFFFF80;
	s8 =	sadd.s32 @!p0 $0x100, s8  }
0xd9: {  	[spmem:s2] =	stream.indirect.scatter.add.f32 [tilespmem:s15], [sflag:$0x4], $0x80, s14, s20, $0xb8;
	[tilespmem:$0x1DC00] =	vst v63  }
0xda: {  	s14 =	sadd.s32 @!p0 s10, s8  }
0xdb: {  	s14 =	sshrl.u32 @!p0 s14, $0x3  }
0xdc: {  	s4 =	sshll.u32 @!p0 s4, $0x7;
	s16 =	simm.s32 @!p0 $0x0;
	s15 =	sadd.s32 @!p0 s5, s14  }
0xdd: {  	[tilespmem:s4], [sflag:$0x1] =	stream.linear.gather @!p0 [hbm4b:s15+s16], $0x80, $0x38;
	[tilespmem:$0x1DC00] =	vst v63  }
0xde: {  	s4 =	sand.u32 @!p0 $0x180, s8  }
0xdf: {  	s8 =	sadd.s32 @!p0 s6, s14;
	s4 =	sadd.s32 @!p0 $0x100, s4  }
0xe0: {  	[tilespmem:s4], [sflag:$0x2] =	stream.linear.gather @!p0 [hbm4b:s8+s16], $0x80, $0x38;
	[tilespmem:$0x1DC00] =	vst v63  }
0xe1: {  	p0 =	slt.u32 s3, $0x4E  }
.Ltmp4:
0xe2: {  	_ = 	snop;
	(pc) =	sbr.rel @!p0 .LBB2_7-.Ltmp4, $2  }
0xe3: {  	_ =	sdelay $0x2  }
0xe4: {  	s8 =	smov.u32 s3  }
.LBB2_4:
0xe5: {  	p0 =	seq.s32 s8, $0x0  }
0xe6: {  	p1 =	seq.s32 @!p0 s8, $0x4D  }
0xe7: {  	_ =	swait.ge [sflag:s23], $0x4000;
	p1 =	por p0, !p1  }
.Ltmp5:
0xe8: {  	[sflag:s23] =	ssyncset.done $0x0;
	(pc) =	sbr.rel @!p1 .LBB2_6-.Ltmp5, $4  }
0xe9: {  	s3 =	simm.s32 @!p0 $0x4;
	[sflag:s23] =	ssyncadd.s32 $0xFFFFC000  }
0xea: {  	_ =	swait.ge @!p0 [sflag:s3], $0x4000  }
0xeb: {  	[sflag:s3] =	ssyncset.done @!p0 $0x0  }
0xec: {  	s4 =	sand.u32 $0x1, s8;
	[sflag:s3] =	ssyncadd.s32 @!p0 $0xFFFFC000;
	s3 =	simm.s32 @!p0 $0x4E  }
0xed: {  	s3 =	sxor.u32 $0x1, s4;
	_ =	swait.ge [sflag:s21], $0x80  }
.Ltmp6:
0xee: {  	[sflag:s21] =	ssyncset.done $0x0;
	s14 =	sshll.u32 s3, $0xE;
	(pc) =	sbr.rel .LBB2_6-.Ltmp6, $4  }
0xef: {  	s3 =	sshll.u32 s3, $0x7;
	[sflag:s21] =	ssyncadd.s32 $0xFFFFFF80;
	s14 =	sor.u32 $0x300, s14  }
0xf0: {  	[tilespmem:s14], [sflag:$0x3] =	stream.indirect.gather [hbm4b:s1+s20], $0x80, s3, s20, $0xb8;
	[tilespmem:$0x1DC00] =	vst v63  }
0xf1: {  	s3 =	sadd.s32 @!p0 $0x1, s8  }
0xf2: {  	s3 =	simm.s32 @p0 $0x1  }
.LBB2_8:
0xf3: {  	_ =	sfence.sel $0x180000  }
0xf4: {  	[bflag:$0x0] =	sbarrier.arrive $0xFFFF  }
0xf5: {  	_ =	strace $0x90000053  }
0xf6: {  	s0 =	stileid.u32;
	[bflag:$0x2] =	sbarrier.arrive $0xFFFF  }
0xf7: {  	p0 =	sne.s32 s0, $0x0;
	s0 =	rddreg [dreg:$0x3]  }
0xf8: {  	s0 =	sadd.s32 @!p0 $0x100000, s0  }
0xf9: {  	[sflag:s0] =	ssyncadd.tile.s32 @!p0 $0x1;
	_ =	shalt  }
.Lfunc_end2:
_tile_overlayer_lowered:
.L_overlay_start_2:
0xfa: {  	(tag) =	ssettag $0x2  }
0xfb: {  	s0 =	rddreg [dreg:$0x0];
	s2 =	stileid.u32  }
0xfc: {  	s1 =	rddreg [dreg:$0x1];
	p0 =	sne.s32 s2, $0x0  }
0xfd: {  	s3 =	rddreg [dreg:$0x2];
	[bflag:$0x3] =	sbarrier.arrive $0xFFFF;
	s2 =	simm.s32 @!p0 $0x1C06  }
0xfe: {  	[timem:s3], [sflag:s2] =	dma.local @!p0 [hbm:s0], s1  }
0xff: {  	s0 =	simm.s32 @!p0 $0x6  }
0x100: {  	_ =	swait.ge @!p0 [sflag:s0], s1  }
0x101: {  	s1 =	ssub.s32 @!p0 $0x0, s1;
	[sflag:s0] =	ssyncset.done @!p0 $0x0  }
0x102: {  	[sflag:s0] =	ssyncadd.s32 @!p0 s1  }
0x103: {  	[bflag:$0x3] =	sbarrier.arrive $0xFFFF  }
0x104: {  	_ =	shalt  }

</sc_bundles>
